<compile_context>
chip_gen: v7x
topology: tpu7x:2x2x1
jax: 0.10.2.dev20260603
libtpu: 0.0.44.dev20260713+nightly
codegen_flags: <defaults>
</compile_context>

<pallas_src>
import functools

import jax
import jax.numpy as jnp
from jax import lax
from jax.experimental import pallas as pl
from jax.experimental.pallas import tpu as pltpu
from jax.experimental.pallas import tpu_sc as plsc

_B = 128
_DIN = 512
_H1 = 512
_H2 = 1024
_E = 256
_N = 128
_F = 18
_EN = _E * _N
_EHA = 24576
_EHB = _EN - _EHA
_FD = _E * (_F - 2)

_CBLK = 2048
_HBLKA = _EHA // _CBLK
_HBLKB = _EHB // _CBLK
_FBLKB = _FD // _HBLKB

_NW = 32
_CHUNK = 128
_GRP = _CHUNK // 16
_U = 4
_SEG = _N // _U
_UNROLL = 4


def _tc_first_body(x_ref, ew0_ref, eb0_ref, ew1_ref, eb1_ref, ew2_ref,
                   eb2_ref, fw0_ref, fb0_ref, fw1_ref, fb1_ref,
                   logits_ref, h2e_out_ref, h2f_out_ref, h2e_ref):
    i = pl.program_id(0)

    @pl.when(i == 0)
    def _():
        xv = x_ref[...]
        h1e = jnp.maximum(
            jnp.dot(xv, ew0_ref[...], preferred_element_type=jnp.float32)
            + eb0_ref[...], 0.0)
        h2e = jnp.maximum(
            jnp.dot(h1e, ew1_ref[...], preferred_element_type=jnp.float32)
            + eb1_ref[...], 0.0)
        h2e_ref[...] = h2e
        h2e_out_ref[...] = h2e
        h1f = jnp.maximum(
            jnp.dot(xv, fw0_ref[...], preferred_element_type=jnp.float32)
            + fb0_ref[...], 0.0)
        h2f_out_ref[...] = jnp.maximum(
            jnp.dot(h1f, fw1_ref[...], preferred_element_type=jnp.float32)
            + fb1_ref[...], 0.0)

    logits_ref[...] = (
        jnp.dot(h2e_ref[...], ew2_ref[...], preferred_element_type=jnp.float32)
        + eb2_ref[...])


def _tc_first(x, ew0, eb0, ew1, eb1, ew2, eb2, fw0, fb0, fw1, fb1):
    full = lambda shape: pl.BlockSpec(shape, lambda i: (0, 0))
    return pl.pallas_call(
        _tc_first_body,
        grid=(_HBLKA,),
        in_specs=[
            full((_B, _DIN)),
            full((_DIN, _H1)), full((1, _H1)),
            full((_H1, _H2)), full((1, _H2)),
            pl.BlockSpec((_H2, _CBLK), lambda i: (0, i)),
            pl.BlockSpec((1, _CBLK), lambda i: (0, i)),
            full((_DIN, _H1)), full((1, _H1)),
            full((_H1, _H2)), full((1, _H2)),
        ],
        out_specs=[
            pl.BlockSpec((_B, _CBLK), lambda i: (0, i)),
            full((_B, _H2)),
            full((_B, _H2)),
        ],
        out_shape=[
            jax.ShapeDtypeStruct((_B, _EHA), jnp.float32),
            jax.ShapeDtypeStruct((_B, _H2), jnp.float32),
            jax.ShapeDtypeStruct((_B, _H2), jnp.float32),
        ],
        scratch_shapes=[
            pltpu.VMEM((_B, _H2), jnp.float32),
        ],
        compiler_params=pltpu.CompilerParams(
            dimension_semantics=("arbitrary",)),
    )(x, ew0, eb0, ew1, eb1, ew2, eb2, fw0, fb0, fw1, fb1)


def _tc_second_body(h2e_ref, ew2_ref, eb2_ref, h2f_ref, fw2_ref, fb2_ref,
                    logits_ref, feat_ref):
    logits_ref[...] = (
        jnp.dot(h2e_ref[...], ew2_ref[...], preferred_element_type=jnp.float32)
        + eb2_ref[...])
    feat_ref[...] = (
        jnp.dot(h2f_ref[...], fw2_ref[...], preferred_element_type=jnp.float32)
        + fb2_ref[...])


def _tc_second(h2e, ew2, eb2, h2f, fw2, fb2):
    return pl.pallas_call(
        _tc_second_body,
        grid=(_HBLKB,),
        in_specs=[
            pl.BlockSpec((_B, _H2), lambda i: (0, 0)),
            pl.BlockSpec((_H2, _CBLK), lambda i: (0, i + _HBLKA)),
            pl.BlockSpec((1, _CBLK), lambda i: (0, i + _HBLKA)),
            pl.BlockSpec((_B, _H2), lambda i: (0, 0)),
            pl.BlockSpec((_H2, _FBLKB), lambda i: (0, i)),
            pl.BlockSpec((1, _FBLKB), lambda i: (0, i)),
        ],
        out_specs=[
            pl.BlockSpec((_B, _CBLK), lambda i: (0, i)),
            pl.BlockSpec((_B, _FBLKB), lambda i: (0, i)),
        ],
        out_shape=[
            jax.ShapeDtypeStruct((_B, _EHB), jnp.float32),
            jax.ShapeDtypeStruct((_B, _FD), jnp.float32),
        ],
        compiler_params=pltpu.CompilerParams(
            dimension_semantics=("arbitrary",)),
    )(h2e, ew2, eb2, h2f, fw2, fb2)


def _sc_topk(logits2d, nrows, rpb):
    rpw = nrows // _NW
    nchunk = rpw // _CHUNK
    mesh = plsc.VectorSubcoreMesh(core_axis_name="c", subcore_axis_name="s")

    @functools.partial(
        pl.kernel,
        mesh=mesh,
        out_type=[
            jax.ShapeDtypeStruct((nrows,), jnp.int32),
            jax.ShapeDtypeStruct((nrows,), jnp.int32),
            jax.ShapeDtypeStruct((nrows,), jnp.float32),
            jax.ShapeDtypeStruct((nrows,), jnp.float32),
        ],
        scratch_types=[
            pltpu.VMEM((_CHUNK, _N), jnp.float32),
            pltpu.VMEM((_CHUNK, _N), jnp.float32),
            pltpu.VMEM((rpw,), jnp.int32),
            pltpu.VMEM((rpw,), jnp.int32),
            pltpu.VMEM((rpw,), jnp.float32),
            pltpu.VMEM((rpw,), jnp.float32),
            pltpu.SemaphoreType.DMA,
            pltpu.SemaphoreType.DMA,
        ],
        compiler_params=pltpu.CompilerParams(needs_layout_passes=False),
    )
    def k(lg_hbm, snd_hbm, rcv_hbm, p1_hbm, p2_hbm,
          buf0, buf1, snd_v, rcv_v, p1_v, p2_v, sem0, sem1):
        wid = lax.axis_index("s") * 2 + lax.axis_index("c")
        row0 = wid * rpw
        iota = lax.iota(jnp.int32, 16)
        neg = jnp.full((16,), -3.0e38, jnp.float32)
        zi = jnp.zeros((16,), jnp.int32)
        zf = jnp.zeros((16,), jnp.float32)

        def in_copy(cc, buf, sem):
            return pltpu.make_async_copy(
                lg_hbm.at[pl.ds(row0 + cc * _CHUNK, _CHUNK), :], buf, sem)

        def merge(a, b):
            abv, abi, asv, asi = a
            bbv, bbi, bsv, bsi = b
            gt = bbv > abv
            bv = jnp.where(gt, bbv, abv)
            bi = jnp.where(gt, bbi, abi)
            lv = jnp.where(gt, abv, bbv)
            li = jnp.where(gt, abi, bbi)
            wv = jnp.where(gt, bsv, asv)
            wi = jnp.where(gt, bsi, asi)
            gt2 = wv > lv
            sv = jnp.where(gt2, wv, lv)
            si = jnp.where(gt2, wi, li)
            return bv, bi, sv, si

        def process(cc, buf):
            base = row0 + cc * _CHUNK

            def grp_body(g, carry1):
                rows = g * 16 + iota

                def scan1(kk, carry):
                    carry = list(carry)
                    for u in range(_UNROLL):
                        rot = (iota + (kk * _UNROLL + u)) & (_SEG - 1)
                        for j in range(_U):
                            bv, bi, sv, si = carry[4 * j: 4 * j + 4]
                            kv = rot + (_SEG * j)
                            v = plsc.load_gather(buf, [rows, kv])
                            gt1 = v > bv
                            gt2 = v > sv
                            nsv = jnp.where(gt1, bv,
                                            jnp.where(gt2, v, sv))
                            nsi = jnp.where(gt1, bi,
                                            jnp.where(gt2, kv, si))
                            carry[4 * j] = jnp.maximum(v, bv)
                            carry[4 * j + 1] = jnp.where(gt1, kv, bi)
                            carry[4 * j + 2] = nsv
                            carry[4 * j + 3] = nsi
                    return tuple(carry)

                st = lax.fori_loop(0, _SEG // _UNROLL, scan1,
                                   (neg, zi, neg, zi) * _U)
                m01 = merge(st[0:4], st[4:8])
                m23 = merge(st[8:12], st[12:16])
                bv, bi, sv, si = merge(m01, m23)

                def scan2(kk, acc):
                    acc = list(acc)
                    for u in range(_UNROLL):
                        rot = (iota + (kk * _UNROLL + u)) & (_SEG - 1)
                        for j in range(_U):
                            v = plsc.load_gather(buf, [rows, rot + _SEG * j])
                            acc[j] = acc[j] + jnp.exp(v - bv)
                    return tuple(acc)

                s0, s1, s2, s3 = lax.fori_loop(0, _SEG // _UNROLL, scan2,
                                               (zf,) * _U)
                s = (s0 + s1) + (s2 + s3)
                off = cc * _CHUNK + g * 16
                p1 = 1.0 / s
                p2 = jnp.exp(sv - bv) / s
                boff = ((base + g * 16) // rpb) * _N
                snd_v[pl.ds(off, 16)] = bi + boff
                rcv_v[pl.ds(off, 16)] = si + boff
                p1_v[pl.ds(off, 16)] = p1
                p2_v[pl.ds(off, 16)] = p2
                return carry1

            lax.fori_loop(0, _GRP, grp_body, 0)

        in_copy(0, buf0, sem0).start()

        if nchunk >= 2:
            def pair_body(t, carry0):
                c0 = 2 * t
                in_copy(c0, buf0, sem0).wait()
                in_copy(c0 + 1, buf1, sem1).start()
                process(c0, buf0)
                in_copy(c0 + 1, buf1, sem1).wait()

                @pl.when(c0 + 2 < nchunk)
                def _():
                    in_copy(c0 + 2, buf0, sem0).start()

                process(c0 + 1, buf1)
                return carry0

            lax.fori_loop(0, nchunk // 2, pair_body, 0)
        if nchunk % 2:
            in_copy(nchunk - 1, buf0, sem0).wait()
            process(nchunk - 1, buf0)
        pltpu.sync_copy(snd_v, snd_hbm.at[pl.ds(row0, rpw)])
        pltpu.sync_copy(rcv_v, rcv_hbm.at[pl.ds(row0, rpw)])
        pltpu.sync_copy(p1_v, p1_hbm.at[pl.ds(row0, rpw)])
        pltpu.sync_copy(p2_v, p2_hbm.at[pl.ds(row0, rpw)])

    return k(logits2d)


def kernel(x, ew0, eb0, ew1, eb1, ew2, eb2, fw0, fb0, fw1, fb1, fw2, fb2):
    eb2r = eb2.reshape(1, _EN)
    logits_a, h2e, h2f = _tc_first(
        x,
        ew0, eb0.reshape(1, _H1), ew1, eb1.reshape(1, _H2),
        ew2, eb2r,
        fw0, fb0.reshape(1, _H1), fw1, fb1.reshape(1, _H2))
    rpb_a = _EHA // _N
    rpb_b = _EHB // _N
    snd_a, rcv_a, p1_a, p2_a = _sc_topk(
        logits_a.reshape(_B * rpb_a, _N), _B * rpb_a, rpb_a)
    logits_b, feat = _tc_second(h2e, ew2, eb2r, h2f, fw2,
                                fb2.reshape(1, _FD))
    snd_b, rcv_b, p1_b, p2_b = _sc_topk(
        logits_b.reshape(_B * rpb_b, _N), _B * rpb_b, rpb_b)

    def halves(va, vb):
        return jnp.concatenate(
            [va.reshape(_B, rpb_a), vb.reshape(_B, rpb_b)], axis=1)

    senders = halves(snd_a, snd_b)
    receivers = halves(rcv_a, rcv_b)
    probs = jnp.stack([halves(p1_a, p1_b), halves(p2_a, p2_b)], axis=-1)
    features = jnp.concatenate([probs, feat.reshape(_B, _E, _F - 2)], axis=-1)
    return senders, receivers, features

# --- scband reference (transcript-rebuilt; emitter-appended) ---
"""Pipeline reference for scband-initial-edge-decoder-14620068675786 (READ-ONLY COPY).

The authoritative reference and input builder live on the scoring server;
editing this copy changes nothing except your own understanding.
"""

import jax, jax.numpy as jnp
import numpy as np

B = 128
D_IN = 512
HIDDEN = (512, 1024)
E = 256
N = 128
F = 18


def _init_mlp(key, dims):
    params = []
    for i in range(len(dims) - 1):
        key, k1 = jax.random.split(key)
        W = jax.random.normal(k1, (dims[i], dims[i + 1]), dtype=jnp.float32) / np.sqrt(dims[i])
        b = jnp.zeros((dims[i + 1],), dtype=jnp.float32)
        params += [W, b]
    return params


def setup_inputs(seed: int = 0):
    key = jax.random.key(seed)
    kx, ke, kf = jax.random.split(key, 3)
    x = jax.random.normal(kx, (B, D_IN), dtype=jnp.float32)
    edge_dims = (D_IN,) + HIDDEN + (E * N,)
    feat_dims = (D_IN,) + HIDDEN + (E * (F - 2),)
    ep = _init_mlp(ke, edge_dims)
    fp = _init_mlp(kf, feat_dims)
    d = {"x": x}
    for name, p in zip(["ew0", "eb0", "ew1", "eb1", "ew2", "eb2"], ep):
        d[name] = p
    for name, p in zip(["fw0", "fb0", "fw1", "fb1", "fw2", "fb2"], fp):
        d[name] = p
    return d


def _mlp(h, params):
    n = len(params) // 2
    for i in range(n):
        W = params[2 * i]
        b = params[2 * i + 1]
        h = h @ W + b
        if i < n - 1:
            h = jax.nn.relu(h)
    return h


def reference(x, ew0, eb0, ew1, eb1, ew2, eb2, fw0, fb0, fw1, fb1, fw2, fb2):
    # edge MLP -> [B, E, N] logits over candidate nodes per edge slot
    edge_sparse = _mlp(x, [ew0, eb0, ew1, eb1, ew2, eb2]).reshape(B, E, N)
    edge_sparse_soft = jax.nn.softmax(edge_sparse, axis=2)
    edge_ids = jnp.argsort(-edge_sparse_soft, axis=2)
    edge_sort = jnp.sort(-edge_sparse_soft, axis=2)
    senders = edge_ids[:, :, 0]
    receivers = edge_ids[:, :, 1]
    senders = senders + jnp.arange(B)[:, None] * N
    receivers = receivers + jnp.arange(B)[:, None] * N
    edge_prob = -edge_sort[:, :, :2]
    features = _mlp(x, [fw0, fb0, fw1, fb1, fw2, fb2]).reshape(B, E, F - 2)
    features = jnp.concatenate((edge_prob, features), axis=2)
    return (senders, receivers, features)

if __name__ == "__main__":
    import jax
    _d = setup_inputs()
    print(jax.jit(kernel)(*tuple(_d.values())))

</pallas_src>

<mosaic_0001>
#map = affine_map<(d0, d1) -> (0, 0)>
#map1 = affine_map<(d0, d1) -> (0)>
module attributes {stable_mosaic.version = 14 : i64} {
  func.func @k(%arg0: i32, %arg1: i32, %arg2: memref<8192x128xf32, #tpu.memory_space<hbm>>, %arg3: memref<8192xi32, #tpu.memory_space<hbm>>, %arg4: memref<8192xi32, #tpu.memory_space<hbm>>, %arg5: memref<8192xf32, #tpu.memory_space<hbm>>, %arg6: memref<8192xf32, #tpu.memory_space<hbm>>, %arg7: memref<128x128xf32, #tpu.memory_space<vmem>>, %arg8: memref<128x128xf32, #tpu.memory_space<vmem>>, %arg9: memref<256xi32, #tpu.memory_space<vmem>>, %arg10: memref<256xi32, #tpu.memory_space<vmem>>, %arg11: memref<256xf32, #tpu.memory_space<vmem>>, %arg12: memref<256xf32, #tpu.memory_space<vmem>>, %arg13: memref<!tpu.dma_semaphore, #tpu.memory_space<semaphore_mem>>, %arg14: memref<!tpu.dma_semaphore, #tpu.memory_space<semaphore_mem>>) attributes {dimension_semantics = [#tpu.dimension_semantics<core_parallel>, #tpu.dimension_semantics<subcore_parallel>], iteration_bounds = array<i64: 2, 16>, scalar_prefetch = 0 : i64, scratch_operands = 8 : i64, tpu.core_type = #tpu.core_type<sc_vector_subcore>, window_params = [{transform_indices = #map}, {transform_indices = #map1}, {transform_indices = #map1}, {transform_indices = #map1}, {transform_indices = #map1}]} {
    %mul3A = arith.constant 2 : i32
    %mul3A_0 = arith.muli %arg1, %mul3A : i32
    %add3A = arith.addi %mul3A_0, %arg0 : i32
    %mul3A_1 = arith.constant 256 : i32
    %mul3A_2 = arith.muli %add3A, %mul3A_1 : i32
    %iota3A = tpu.iota {dimensions = array<i32: 0>} : vector<16xi32>
    %broadcast_in_dim3A = arith.constant -3.000000e+38 : f32
    %broadcast_in_dim3A_3 = vector.broadcast %broadcast_in_dim3A : f32 to vector<16xf32>
    %broadcast_in_dim3A_4 = arith.constant 0 : i32
    %broadcast_in_dim3A_5 = vector.broadcast %broadcast_in_dim3A_4 : i32 to vector<16xi32>
    %broadcast_in_dim3A_6 = arith.constant 0.000000e+00 : f32
    %broadcast_in_dim3A_7 = vector.broadcast %broadcast_in_dim3A_6 : f32 to vector<16xf32>
    %add3A_8 = arith.constant 0 : i32
    %add3A_9 = arith.addi %mul3A_2, %add3A_8 : i32
    %dma_start3A = arith.constant 0 : i32
    %dma_start3A_10 = tpu.memref_slice %arg2[%add3A_9, %dma_start3A] : memref<8192x128xf32, #tpu.memory_space<hbm>> -> memref<128x128xf32, #tpu.memory_space<hbm>>
    %dma_start3A_11 = arith.constant 0 : i32
    %dma_start3A_12 = tpu.memref_slice %arg2[%add3A_9, %dma_start3A_11] : memref<8192x128xf32, #tpu.memory_space<hbm>> -> memref<128x128xf32, #tpu.memory_space<hbm>>
    tpu.enqueue_dma source(%dma_start3A_12 : memref<128x128xf32, #tpu.memory_space<hbm>>) target(%arg7 : memref<128x128xf32, #tpu.memory_space<vmem>>) target_semaphore(%arg13 : memref<!tpu.dma_semaphore, #tpu.memory_space<semaphore_mem>>)
    %scan3A = arith.constant 0 : i32
    %scan3A_13 = arith.constant 0 : i32
    %mul3A_14 = arith.constant 2 : i32
    %mul3A_15 = arith.muli %mul3A_14, %scan3A_13 : i32
    %mul3A_16 = arith.constant 128 : i32
    %mul3A_17 = arith.muli %mul3A_15, %mul3A_16 : i32
    %add3A_18 = arith.addi %mul3A_2, %mul3A_17 : i32
    %dma_wait3A = arith.constant 0 : i32
    %dma_wait3A_19 = tpu.memref_slice %arg2[%add3A_18, %dma_wait3A] : memref<8192x128xf32, #tpu.memory_space<hbm>> -> memref<128x128xf32, #tpu.memory_space<hbm>>
    %dma_wait3A_20 = arith.constant 0 : i32
    %dma_wait3A_21 = tpu.memref_slice %arg2[%add3A_18, %dma_wait3A_20] : memref<8192x128xf32, #tpu.memory_space<hbm>> -> memref<128x128xf32, #tpu.memory_space<hbm>>
    tpu.wait_dma2 semaphore(%arg13 : memref<!tpu.dma_semaphore, #tpu.memory_space<semaphore_mem>>) src(%dma_wait3A_21 : memref<128x128xf32, #tpu.memory_space<hbm>>) dst(%arg7 : memref<128x128xf32, #tpu.memory_space<vmem>>)
    %add3A_22 = arith.constant 1 : i32
    %add3A_23 = arith.addi %mul3A_15, %add3A_22 : i32
    %mul3A_24 = arith.constant 128 : i32
    %mul3A_25 = arith.muli %add3A_23, %mul3A_24 : i32
    %add3A_26 = arith.addi %mul3A_2, %mul3A_25 : i32
    %dma_start3A_27 = arith.constant 0 : i32
    %dma_start3A_28 = tpu.memref_slice %arg2[%add3A_26, %dma_start3A_27] : memref<8192x128xf32, #tpu.memory_space<hbm>> -> memref<128x128xf32, #tpu.memory_space<hbm>>
    %dma_start3A_29 = arith.constant 0 : i32
    %dma_start3A_30 = tpu.memref_slice %arg2[%add3A_26, %dma_start3A_29] : memref<8192x128xf32, #tpu.memory_space<hbm>> -> memref<128x128xf32, #tpu.memory_space<hbm>>
    tpu.enqueue_dma source(%dma_start3A_30 : memref<128x128xf32, #tpu.memory_space<hbm>>) target(%arg8 : memref<128x128xf32, #tpu.memory_space<vmem>>) target_semaphore(%arg14 : memref<!tpu.dma_semaphore, #tpu.memory_space<semaphore_mem>>)
    %mul3A_31 = arith.constant 128 : i32
    %mul3A_32 = arith.muli %mul3A_15, %mul3A_31 : i32
    %add3A_33 = arith.addi %mul3A_2, %mul3A_32 : i32
    %scan3A_34 = arith.constant 0 : i32
    %scan3A_35 = arith.constant 0 : i32
    %scan3A_36 = arith.constant 8 : i32
    %scan3A_37 = arith.addi %scan3A_35, %scan3A_36 : i32
    %scan3A_38 = arith.constant 1 : i32
    scf.for %scan3A_65 = %scan3A_35 to %scan3A_37 step %scan3A_38  : i32 {
      %mul3A_66 = arith.constant 16 : i32
      %mul3A_67 = arith.muli %scan3A_65, %mul3A_66 : i32
      %add3A_68 = vector.broadcast %mul3A_67 : i32 to vector<16xi32>
      %add3A_69 = arith.addi %add3A_68, %iota3A : vector<16xi32>
      %scan3A_70 = arith.constant 0 : i32
      %scan3A_71 = arith.constant 8 : i32
      %scan3A_72 = arith.addi %scan3A_70, %scan3A_71 : i32
      %scan3A_73 = arith.constant 1 : i32
      %scan3A_74:16 = scf.for %scan3A_156 = %scan3A_70 to %scan3A_72 step %scan3A_73 iter_args(%scan3A_157 = %broadcast_in_dim3A_3, %scan3A_158 = %broadcast_in_dim3A_5, %scan3A_159 = %broadcast_in_dim3A_3, %scan3A_160 = %broadcast_in_dim3A_5, %scan3A_161 = %broadcast_in_dim3A_3, %scan3A_162 = %broadcast_in_dim3A_5, %scan3A_163 = %broadcast_in_dim3A_3, %scan3A_164 = %broadcast_in_dim3A_5, %scan3A_165 = %broadcast_in_dim3A_3, %scan3A_166 = %broadcast_in_dim3A_5, %scan3A_167 = %broadcast_in_dim3A_3, %scan3A_168 = %broadcast_in_dim3A_5, %scan3A_169 = %broadcast_in_dim3A_3, %scan3A_170 = %broadcast_in_dim3A_5, %scan3A_171 = %broadcast_in_dim3A_3, %scan3A_172 = %broadcast_in_dim3A_5) -> (vector<16xf32>, vector<16xi32>, vector<16xf32>, vector<16xi32>, vector<16xf32>, vector<16xi32>, vector<16xf32>, vector<16xi32>, vector<16xf32>, vector<16xi32>, vector<16xf32>, vector<16xi32>, vector<16xf32>, vector<16xi32>, vector<16xf32>, vector<16xi32>)  : i32 {
        %mul3A_173 = arith.constant 4 : i32
        %mul3A_174 = arith.muli %scan3A_156, %mul3A_173 : i32
        %add3A_175 = arith.constant 0 : i32
        %add3A_176 = arith.addi %mul3A_174, %add3A_175 : i32
        %add3A_177 = vector.broadcast %add3A_176 : i32 to vector<16xi32>
        %add3A_178 = arith.addi %iota3A, %add3A_177 : vector<16xi32>
        %and3A_179 = arith.constant 31 : i32
        %and3A_180 = vector.broadcast %and3A_179 : i32 to vector<16xi32>
        %and3A_181 = arith.andi %add3A_178, %and3A_180 : vector<16xi32>
        %add3A_182 = arith.constant 0 : i32
        %add3A_183 = vector.broadcast %add3A_182 : i32 to vector<16xi32>
        %add3A_184 = arith.addi %and3A_181, %add3A_183 : vector<16xi32>
        %gather3A = tpu.vector_load_idx %arg7[%add3A_69, %add3A_184] : memref<128x128xf32, #tpu.memory_space<vmem>>[vector<16xi32>, vector<16xi32>], vector<16xf32>,
        %gt3A_185 = arith.cmpf ogt, %gather3A, %scan3A_157 : vector<16xf32>
        %gt3A_186 = arith.cmpf ogt, %gather3A, %scan3A_159 : vector<16xf32>
        %select_n3A_187 = arith.select %gt3A_186, %gather3A, %scan3A_159 : vector<16xi1>, vector<16xf32>
        %select_n3A_188 = arith.select %gt3A_185, %scan3A_157, %select_n3A_187 : vector<16xi1>, vector<16xf32>
        %select_n3A_189 = arith.select %gt3A_186, %add3A_184, %scan3A_160 : vector<16xi1>, vector<16xi32>
        %select_n3A_190 = arith.select %gt3A_185, %scan3A_158, %select_n3A_189 : vector<16xi1>, vector<16xi32>
        %max3A = arith.maximumf %gather3A, %scan3A_157 : vector<16xf32>
        %select_n3A_191 = arith.select %gt3A_185, %add3A_184, %scan3A_158 : vector<16xi1>, vector<16xi32>
        %add3A_192 = arith.constant 32 : i32
        %add3A_193 = vector.broadcast %add3A_192 : i32 to vector<16xi32>
        %add3A_194 = arith.addi %and3A_181, %add3A_193 : vector<16xi32>
        %gather3A_195 = tpu.vector_load_idx %arg7[%add3A_69, %add3A_194] : memref<128x128xf32, #tpu.memory_space<vmem>>[vector<16xi32>, vector<16xi32>], vector<16xf32>,
        %gt3A_196 = arith.cmpf ogt, %gather3A_195, %scan3A_161 : vector<16xf32>
        %gt3A_197 = arith.cmpf ogt, %gather3A_195, %scan3A_163 : vector<16xf32>
        %select_n3A_198 = arith.select %gt3A_197, %gather3A_195, %scan3A_163 : vector<16xi1>, vector<16xf32>
        %select_n3A_199 = arith.select %gt3A_196, %scan3A_161, %select_n3A_198 : vector<16xi1>, vector<16xf32>
        %select_n3A_200 = arith.select %gt3A_197, %add3A_194, %scan3A_164 : vector<16xi1>, vector<16xi32>
        %select_n3A_201 = arith.select %gt3A_196, %scan3A_162, %select_n3A_200 : vector<16xi1>, vector<16xi32>
        %max3A_202 = arith.maximumf %gather3A_195, %scan3A_161 : vector<16xf32>
        %select_n3A_203 = arith.select %gt3A_196, %add3A_194, %scan3A_162 : vector<16xi1>, vector<16xi32>
        %add3A_204 = arith.constant 64 : i32
        %add3A_205 = vector.broadcast %add3A_204 : i32 to vector<16xi32>
        %add3A_206 = arith.addi %and3A_181, %add3A_205 : vector<16xi32>
        %gather3A_207 = tpu.vector_load_idx %arg7[%add3A_69, %add3A_206] : memref<128x128xf32, #tpu.memory_space<vmem>>[vector<16xi32>, vector<16xi32>], vector<16xf32>,
        %gt3A_208 = arith.cmpf ogt, %gather3A_207, %scan3A_165 : vector<16xf32>
        %gt3A_209 = arith.cmpf ogt, %gather3A_207, %scan3A_167 : vector<16xf32>
        %select_n3A_210 = arith.select %gt3A_209, %gather3A_207, %scan3A_167 : vector<16xi1>, vector<16xf32>
        %select_n3A_211 = arith.select %gt3A_208, %scan3A_165, %select_n3A_210 : vector<16xi1>, vector<16xf32>
        %select_n3A_212 = arith.select %gt3A_209, %add3A_206, %scan3A_168 : vector<16xi1>, vector<16xi32>
        %select_n3A_213 = arith.select %gt3A_208, %scan3A_166, %select_n3A_212 : vector<16xi1>, vector<16xi32>
        %max3A_214 = arith.maximumf %gather3A_207, %scan3A_165 : vector<16xf32>
        %select_n3A_215 = arith.select %gt3A_208, %add3A_206, %scan3A_166 : vector<16xi1>, vector<16xi32>
        %add3A_216 = arith.constant 96 : i32
        %add3A_217 = vector.broadcast %add3A_216 : i32 to vector<16xi32>
        %add3A_218 = arith.addi %and3A_181, %add3A_217 : vector<16xi32>
        %gather3A_219 = tpu.vector_load_idx %arg7[%add3A_69, %add3A_218] : memref<128x128xf32, #tpu.memory_space<vmem>>[vector<16xi32>, vector<16xi32>], vector<16xf32>,
        %gt3A_220 = arith.cmpf ogt, %gather3A_219, %scan3A_169 : vector<16xf32>
        %gt3A_221 = arith.cmpf ogt, %gather3A_219, %scan3A_171 : vector<16xf32>
        %select_n3A_222 = arith.select %gt3A_221, %gather3A_219, %scan3A_171 : vector<16xi1>, vector<16xf32>
        %select_n3A_223 = arith.select %gt3A_220, %scan3A_169, %select_n3A_222 : vector<16xi1>, vector<16xf32>
        %select_n3A_224 = arith.select %gt3A_221, %add3A_218, %scan3A_172 : vector<16xi1>, vector<16xi32>
        %select_n3A_225 = arith.select %gt3A_220, %scan3A_170, %select_n3A_224 : vector<16xi1>, vector<16xi32>
        %max3A_226 = arith.maximumf %gather3A_219, %scan3A_169 : vector<16xf32>
        %select_n3A_227 = arith.select %gt3A_220, %add3A_218, %scan3A_170 : vector<16xi1>, vector<16xi32>
        %mul3A_228 = arith.constant 4 : i32
        %mul3A_229 = arith.muli %scan3A_156, %mul3A_228 : i32
        %add3A_230 = arith.constant 1 : i32
        %add3A_231 = arith.addi %mul3A_229, %add3A_230 : i32
        %add3A_232 = vector.broadcast %add3A_231 : i32 to vector<16xi32>
        %add3A_233 = arith.addi %iota3A, %add3A_232 : vector<16xi32>
        %and3A_234 = arith.constant 31 : i32
        %and3A_235 = vector.broadcast %and3A_234 : i32 to vector<16xi32>
        %and3A_236 = arith.andi %add3A_233, %and3A_235 : vector<16xi32>
        %add3A_237 = arith.constant 0 : i32
        %add3A_238 = vector.broadcast %add3A_237 : i32 to vector<16xi32>
        %add3A_239 = arith.addi %and3A_236, %add3A_238 : vector<16xi32>
        %gather3A_240 = tpu.vector_load_idx %arg7[%add3A_69, %add3A_239] : memref<128x128xf32, #tpu.memory_space<vmem>>[vector<16xi32>, vector<16xi32>], vector<16xf32>,
        %gt3A_241 = arith.cmpf ogt, %gather3A_240, %max3A : vector<16xf32>
        %gt3A_242 = arith.cmpf ogt, %gather3A_240, %select_n3A_188 : vector<16xf32>
        %select_n3A_243 = arith.select %gt3A_242, %gather3A_240, %select_n3A_188 : vector<16xi1>, vector<16xf32>
        %select_n3A_244 = arith.select %gt3A_241, %max3A, %select_n3A_243 : vector<16xi1>, vector<16xf32>
        %select_n3A_245 = arith.select %gt3A_242, %add3A_239, %select_n3A_190 : vector<16xi1>, vector<16xi32>
        %select_n3A_246 = arith.select %gt3A_241, %select_n3A_191, %select_n3A_245 : vector<16xi1>, vector<16xi32>
        %max3A_247 = arith.maximumf %gather3A_240, %max3A : vector<16xf32>
        %select_n3A_248 = arith.select %gt3A_241, %add3A_239, %select_n3A_191 : vector<16xi1>, vector<16xi32>
        %add3A_249 = arith.constant 32 : i32
        %add3A_250 = vector.broadcast %add3A_249 : i32 to vector<16xi32>
        %add3A_251 = arith.addi %and3A_236, %add3A_250 : vector<16xi32>
        %gather3A_252 = tpu.vector_load_idx %arg7[%add3A_69, %add3A_251] : memref<128x128xf32, #tpu.memory_space<vmem>>[vector<16xi32>, vector<16xi32>], vector<16xf32>,
        %gt3A_253 = arith.cmpf ogt, %gather3A_252, %max3A_202 : vector<16xf32>
        %gt3A_254 = arith.cmpf ogt, %gather3A_252, %select_n3A_199 : vector<16xf32>
        %select_n3A_255 = arith.select %gt3A_254, %gather3A_252, %select_n3A_199 : vector<16xi1>, vector<16xf32>
        %select_n3A_256 = arith.select %gt3A_253, %max3A_202, %select_n3A_255 : vector<16xi1>, vector<16xf32>
        %select_n3A_257 = arith.select %gt3A_254, %add3A_251, %select_n3A_201 : vector<16xi1>, vector<16xi32>
        %select_n3A_258 = arith.select %gt3A_253, %select_n3A_203, %select_n3A_257 : vector<16xi1>, vector<16xi32>
        %max3A_259 = arith.maximumf %gather3A_252, %max3A_202 : vector<16xf32>
        %select_n3A_260 = arith.select %gt3A_253, %add3A_251, %select_n3A_203 : vector<16xi1>, vector<16xi32>
        %add3A_261 = arith.constant 64 : i32
        %add3A_262 = vector.broadcast %add3A_261 : i32 to vector<16xi32>
        %add3A_263 = arith.addi %and3A_236, %add3A_262 : vector<16xi32>
        %gather3A_264 = tpu.vector_load_idx %arg7[%add3A_69, %add3A_263] : memref<128x128xf32, #tpu.memory_space<vmem>>[vector<16xi32>, vector<16xi32>], vector<16xf32>,
        %gt3A_265 = arith.cmpf ogt, %gather3A_264, %max3A_214 : vector<16xf32>
        %gt3A_266 = arith.cmpf ogt, %gather3A_264, %select_n3A_211 : vector<16xf32>
        %select_n3A_267 = arith.select %gt3A_266, %gather3A_264, %select_n3A_211 : vector<16xi1>, vector<16xf32>
        %select_n3A_268 = arith.select %gt3A_265, %max3A_214, %select_n3A_267 : vector<16xi1>, vector<16xf32>
        %select_n3A_269 = arith.select %gt3A_266, %add3A_263, %select_n3A_213 : vector<16xi1>, vector<16xi32>
        %select_n3A_270 = arith.select %gt3A_265, %select_n3A_215, %select_n3A_269 : vector<16xi1>, vector<16xi32>
        %max3A_271 = arith.maximumf %gather3A_264, %max3A_214 : vector<16xf32>
        %select_n3A_272 = arith.select %gt3A_265, %add3A_263, %select_n3A_215 : vector<16xi1>, vector<16xi32>
        %add3A_273 = arith.constant 96 : i32
        %add3A_274 = vector.broadcast %add3A_273 : i32 to vector<16xi32>
        %add3A_275 = arith.addi %and3A_236, %add3A_274 : vector<16xi32>
        %gather3A_276 = tpu.vector_load_idx %arg7[%add3A_69, %add3A_275] : memref<128x128xf32, #tpu.memory_space<vmem>>[vector<16xi32>, vector<16xi32>], vector<16xf32>,
        %gt3A_277 = arith.cmpf ogt, %gather3A_276, %max3A_226 : vector<16xf32>
        %gt3A_278 = arith.cmpf ogt, %gather3A_276, %select_n3A_223 : vector<16xf32>
        %select_n3A_279 = arith.select %gt3A_278, %gather3A_276, %select_n3A_223 : vector<16xi1>, vector<16xf32>
        %select_n3A_280 = arith.select %gt3A_277, %max3A_226, %select_n3A_279 : vector<16xi1>, vector<16xf32>
        %select_n3A_281 = arith.select %gt3A_278, %add3A_275, %select_n3A_225 : vector<16xi1>, vector<16xi32>
        %select_n3A_282 = arith.select %gt3A_277, %select_n3A_227, %select_n3A_281 : vector<16xi1>, vector<16xi32>
        %max3A_283 = arith.maximumf %gather3A_276, %max3A_226 : vector<16xf32>
        %select_n3A_284 = arith.select %gt3A_277, %add3A_275, %select_n3A_227 : vector<16xi1>, vector<16xi32>
        %mul3A_285 = arith.constant 4 : i32
        %mul3A_286 = arith.muli %scan3A_156, %mul3A_285 : i32
        %add3A_287 = arith.constant 2 : i32
        %add3A_288 = arith.addi %mul3A_286, %add3A_287 : i32
        %add3A_289 = vector.broadcast %add3A_288 : i32 to vector<16xi32>
        %add3A_290 = arith.addi %iota3A, %add3A_289 : vector<16xi32>
        %and3A_291 = arith.constant 31 : i32
        %and3A_292 = vector.broadcast %and3A_291 : i32 to vector<16xi32>
        %and3A_293 = arith.andi %add3A_290, %and3A_292 : vector<16xi32>
        %add3A_294 = arith.constant 0 : i32
        %add3A_295 = vector.broadcast %add3A_294 : i32 to vector<16xi32>
        %add3A_296 = arith.addi %and3A_293, %add3A_295 : vector<16xi32>
        %gather3A_297 = tpu.vector_load_idx %arg7[%add3A_69, %add3A_296] : memref<128x128xf32, #tpu.memory_space<vmem>>[vector<16xi32>, vector<16xi32>], vector<16xf32>,
        %gt3A_298 = arith.cmpf ogt, %gather3A_297, %max3A_247 : vector<16xf32>
        %gt3A_299 = arith.cmpf ogt, %gather3A_297, %select_n3A_244 : vector<16xf32>
        %select_n3A_300 = arith.select %gt3A_299, %gather3A_297, %select_n3A_244 : vector<16xi1>, vector<16xf32>
        %select_n3A_301 = arith.select %gt3A_298, %max3A_247, %select_n3A_300 : vector<16xi1>, vector<16xf32>
        %select_n3A_302 = arith.select %gt3A_299, %add3A_296, %select_n3A_246 : vector<16xi1>, vector<16xi32>
        %select_n3A_303 = arith.select %gt3A_298, %select_n3A_248, %select_n3A_302 : vector<16xi1>, vector<16xi32>
        %max3A_304 = arith.maximumf %gather3A_297, %max3A_247 : vector<16xf32>
        %select_n3A_305 = arith.select %gt3A_298, %add3A_296, %select_n3A_248 : vector<16xi1>, vector<16xi32>
        %add3A_306 = arith.constant 32 : i32
        %add3A_307 = vector.broadcast %add3A_306 : i32 to vector<16xi32>
        %add3A_308 = arith.addi %and3A_293, %add3A_307 : vector<16xi32>
        %gather3A_309 = tpu.vector_load_idx %arg7[%add3A_69, %add3A_308] : memref<128x128xf32, #tpu.memory_space<vmem>>[vector<16xi32>, vector<16xi32>], vector<16xf32>,
        %gt3A_310 = arith.cmpf ogt, %gather3A_309, %max3A_259 : vector<16xf32>
        %gt3A_311 = arith.cmpf ogt, %gather3A_309, %select_n3A_256 : vector<16xf32>
        %select_n3A_312 = arith.select %gt3A_311, %gather3A_309, %select_n3A_256 : vector<16xi1>, vector<16xf32>
        %select_n3A_313 = arith.select %gt3A_310, %max3A_259, %select_n3A_312 : vector<16xi1>, vector<16xf32>
        %select_n3A_314 = arith.select %gt3A_311, %add3A_308, %select_n3A_258 : vector<16xi1>, vector<16xi32>
        %select_n3A_315 = arith.select %gt3A_310, %select_n3A_260, %select_n3A_314 : vector<16xi1>, vector<16xi32>
        %max3A_316 = arith.maximumf %gather3A_309, %max3A_259 : vector<16xf32>
        %select_n3A_317 = arith.select %gt3A_310, %add3A_308, %select_n3A_260 : vector<16xi1>, vector<16xi32>
        %add3A_318 = arith.constant 64 : i32
        %add3A_319 = vector.broadcast %add3A_318 : i32 to vector<16xi32>
        %add3A_320 = arith.addi %and3A_293, %add3A_319 : vector<16xi32>
        %gather3A_321 = tpu.vector_load_idx %arg7[%add3A_69, %add3A_320] : memref<128x128xf32, #tpu.memory_space<vmem>>[vector<16xi32>, vector<16xi32>], vector<16xf32>,
        %gt3A_322 = arith.cmpf ogt, %gather3A_321, %max3A_271 : vector<16xf32>
        %gt3A_323 = arith.cmpf ogt, %gather3A_321, %select_n3A_268 : vector<16xf32>
        %select_n3A_324 = arith.select %gt3A_323, %gather3A_321, %select_n3A_268 : vector<16xi1>, vector<16xf32>
        %select_n3A_325 = arith.select %gt3A_322, %max3A_271, %select_n3A_324 : vector<16xi1>, vector<16xf32>
        %select_n3A_326 = arith.select %gt3A_323, %add3A_320, %select_n3A_270 : vector<16xi1>, vector<16xi32>
        %select_n3A_327 = arith.select %gt3A_322, %select_n3A_272, %select_n3A_326 : vector<16xi1>, vector<16xi32>
        %max3A_328 = arith.maximumf %gather3A_321, %max3A_271 : vector<16xf32>
        %select_n3A_329 = arith.select %gt3A_322, %add3A_320, %select_n3A_272 : vector<16xi1>, vector<16xi32>
        %add3A_330 = arith.constant 96 : i32
        %add3A_331 = vector.broadcast %add3A_330 : i32 to vector<16xi32>
        %add3A_332 = arith.addi %and3A_293, %add3A_331 : vector<16xi32>
        %gather3A_333 = tpu.vector_load_idx %arg7[%add3A_69, %add3A_332] : memref<128x128xf32, #tpu.memory_space<vmem>>[vector<16xi32>, vector<16xi32>], vector<16xf32>,
        %gt3A_334 = arith.cmpf ogt, %gather3A_333, %max3A_283 : vector<16xf32>
        %gt3A_335 = arith.cmpf ogt, %gather3A_333, %select_n3A_280 : vector<16xf32>
        %select_n3A_336 = arith.select %gt3A_335, %gather3A_333, %select_n3A_280 : vector<16xi1>, vector<16xf32>
        %select_n3A_337 = arith.select %gt3A_334, %max3A_283, %select_n3A_336 : vector<16xi1>, vector<16xf32>
        %select_n3A_338 = arith.select %gt3A_335, %add3A_332, %select_n3A_282 : vector<16xi1>, vector<16xi32>
        %select_n3A_339 = arith.select %gt3A_334, %select_n3A_284, %select_n3A_338 : vector<16xi1>, vector<16xi32>
        %max3A_340 = arith.maximumf %gather3A_333, %max3A_283 : vector<16xf32>
        %select_n3A_341 = arith.select %gt3A_334, %add3A_332, %select_n3A_284 : vector<16xi1>, vector<16xi32>
        %mul3A_342 = arith.constant 4 : i32
        %mul3A_343 = arith.muli %scan3A_156, %mul3A_342 : i32
        %add3A_344 = arith.constant 3 : i32
        %add3A_345 = arith.addi %mul3A_343, %add3A_344 : i32
        %add3A_346 = vector.broadcast %add3A_345 : i32 to vector<16xi32>
        %add3A_347 = arith.addi %iota3A, %add3A_346 : vector<16xi32>
        %and3A_348 = arith.constant 31 : i32
        %and3A_349 = vector.broadcast %and3A_348 : i32 to vector<16xi32>
        %and3A_350 = arith.andi %add3A_347, %and3A_349 : vector<16xi32>
        %add3A_351 = arith.constant 0 : i32
        %add3A_352 = vector.broadcast %add3A_351 : i32 to vector<16xi32>
        %add3A_353 = arith.addi %and3A_350, %add3A_352 : vector<16xi32>
        %gather3A_354 = tpu.vector_load_idx %arg7[%add3A_69, %add3A_353] : memref<128x128xf32, #tpu.memory_space<vmem>>[vector<16xi32>, vector<16xi32>], vector<16xf32>,
        %gt3A_355 = arith.cmpf ogt, %gather3A_354, %max3A_304 : vector<16xf32>
        %gt3A_356 = arith.cmpf ogt, %gather3A_354, %select_n3A_301 : vector<16xf32>
        %select_n3A_357 = arith.select %gt3A_356, %gather3A_354, %select_n3A_301 : vector<16xi1>, vector<16xf32>
        %select_n3A_358 = arith.select %gt3A_355, %max3A_304, %select_n3A_357 : vector<16xi1>, vector<16xf32>
        %select_n3A_359 = arith.select %gt3A_356, %add3A_353, %select_n3A_303 : vector<16xi1>, vector<16xi32>
        %select_n3A_360 = arith.select %gt3A_355, %select_n3A_305, %select_n3A_359 : vector<16xi1>, vector<16xi32>
        %max3A_361 = arith.maximumf %gather3A_354, %max3A_304 : vector<16xf32>
        %select_n3A_362 = arith.select %gt3A_355, %add3A_353, %select_n3A_305 : vector<16xi1>, vector<16xi32>
        %add3A_363 = arith.constant 32 : i32
        %add3A_364 = vector.broadcast %add3A_363 : i32 to vector<16xi32>
        %add3A_365 = arith.addi %and3A_350, %add3A_364 : vector<16xi32>
        %gather3A_366 = tpu.vector_load_idx %arg7[%add3A_69, %add3A_365] : memref<128x128xf32, #tpu.memory_space<vmem>>[vector<16xi32>, vector<16xi32>], vector<16xf32>,
        %gt3A_367 = arith.cmpf ogt, %gather3A_366, %max3A_316 : vector<16xf32>
        %gt3A_368 = arith.cmpf ogt, %gather3A_366, %select_n3A_313 : vector<16xf32>
        %select_n3A_369 = arith.select %gt3A_368, %gather3A_366, %select_n3A_313 : vector<16xi1>, vector<16xf32>
        %select_n3A_370 = arith.select %gt3A_367, %max3A_316, %select_n3A_369 : vector<16xi1>, vector<16xf32>
        %select_n3A_371 = arith.select %gt3A_368, %add3A_365, %select_n3A_315 : vector<16xi1>, vector<16xi32>
        %select_n3A_372 = arith.select %gt3A_367, %select_n3A_317, %select_n3A_371 : vector<16xi1>, vector<16xi32>
        %max3A_373 = arith.maximumf %gather3A_366, %max3A_316 : vector<16xf32>
        %select_n3A_374 = arith.select %gt3A_367, %add3A_365, %select_n3A_317 : vector<16xi1>, vector<16xi32>
        %add3A_375 = arith.constant 64 : i32
        %add3A_376 = vector.broadcast %add3A_375 : i32 to vector<16xi32>
        %add3A_377 = arith.addi %and3A_350, %add3A_376 : vector<16xi32>
        %gather3A_378 = tpu.vector_load_idx %arg7[%add3A_69, %add3A_377] : memref<128x128xf32, #tpu.memory_space<vmem>>[vector<16xi32>, vector<16xi32>], vector<16xf32>,
        %gt3A_379 = arith.cmpf ogt, %gather3A_378, %max3A_328 : vector<16xf32>
        %gt3A_380 = arith.cmpf ogt, %gather3A_378, %select_n3A_325 : vector<16xf32>
        %select_n3A_381 = arith.select %gt3A_380, %gather3A_378, %select_n3A_325 : vector<16xi1>, vector<16xf32>
        %select_n3A_382 = arith.select %gt3A_379, %max3A_328, %select_n3A_381 : vector<16xi1>, vector<16xf32>
        %select_n3A_383 = arith.select %gt3A_380, %add3A_377, %select_n3A_327 : vector<16xi1>, vector<16xi32>
        %select_n3A_384 = arith.select %gt3A_379, %select_n3A_329, %select_n3A_383 : vector<16xi1>, vector<16xi32>
        %max3A_385 = arith.maximumf %gather3A_378, %max3A_328 : vector<16xf32>
        %select_n3A_386 = arith.select %gt3A_379, %add3A_377, %select_n3A_329 : vector<16xi1>, vector<16xi32>
        %add3A_387 = arith.constant 96 : i32
        %add3A_388 = vector.broadcast %add3A_387 : i32 to vector<16xi32>
        %add3A_389 = arith.addi %and3A_350, %add3A_388 : vector<16xi32>
        %gather3A_390 = tpu.vector_load_idx %arg7[%add3A_69, %add3A_389] : memref<128x128xf32, #tpu.memory_space<vmem>>[vector<16xi32>, vector<16xi32>], vector<16xf32>,
        %gt3A_391 = arith.cmpf ogt, %gather3A_390, %max3A_340 : vector<16xf32>
        %gt3A_392 = arith.cmpf ogt, %gather3A_390, %select_n3A_337 : vector<16xf32>
        %select_n3A_393 = arith.select %gt3A_392, %gather3A_390, %select_n3A_337 : vector<16xi1>, vector<16xf32>
        %select_n3A_394 = arith.select %gt3A_391, %max3A_340, %select_n3A_393 : vector<16xi1>, vector<16xf32>
        %select_n3A_395 = arith.select %gt3A_392, %add3A_389, %select_n3A_339 : vector<16xi1>, vector<16xi32>
        %select_n3A_396 = arith.select %gt3A_391, %select_n3A_341, %select_n3A_395 : vector<16xi1>, vector<16xi32>
        %max3A_397 = arith.maximumf %gather3A_390, %max3A_340 : vector<16xf32>
        %select_n3A_398 = arith.select %gt3A_391, %add3A_389, %select_n3A_341 : vector<16xi1>, vector<16xi32>
        scf.yield %max3A_361, %select_n3A_362, %select_n3A_358, %select_n3A_360, %max3A_373, %select_n3A_374, %select_n3A_370, %select_n3A_372, %max3A_385, %select_n3A_386, %select_n3A_382, %select_n3A_384, %max3A_397, %select_n3A_398, %select_n3A_394, %select_n3A_396 : vector<16xf32>, vector<16xi32>, vector<16xf32>, vector<16xi32>, vector<16xf32>, vector<16xi32>, vector<16xf32>, vector<16xi32>, vector<16xf32>, vector<16xi32>, vector<16xf32>, vector<16xi32>, vector<16xf32>, vector<16xi32>, vector<16xf32>, vector<16xi32>
      }
      %scan3A_75 = arith.constant 8 : i32
      %gt3A = arith.cmpf ogt, %scan3A_74#4, %scan3A_74#0 : vector<16xf32>
      %select_n3A = arith.select %gt3A, %scan3A_74#4, %scan3A_74#0 : vector<16xi1>, vector<16xf32>
      %select_n3A_76 = arith.select %gt3A, %scan3A_74#5, %scan3A_74#1 : vector<16xi1>, vector<16xi32>
      %select_n3A_77 = arith.select %gt3A, %scan3A_74#0, %scan3A_74#4 : vector<16xi1>, vector<16xf32>
      %select_n3A_78 = arith.select %gt3A, %scan3A_74#1, %scan3A_74#5 : vector<16xi1>, vector<16xi32>
      %select_n3A_79 = arith.select %gt3A, %scan3A_74#6, %scan3A_74#2 : vector<16xi1>, vector<16xf32>
      %select_n3A_80 = arith.select %gt3A, %scan3A_74#7, %scan3A_74#3 : vector<16xi1>, vector<16xi32>
      %gt3A_81 = arith.cmpf ogt, %select_n3A_79, %select_n3A_77 : vector<16xf32>
      %select_n3A_82 = arith.select %gt3A_81, %select_n3A_79, %select_n3A_77 : vector<16xi1>, vector<16xf32>
      %select_n3A_83 = arith.select %gt3A_81, %select_n3A_80, %select_n3A_78 : vector<16xi1>, vector<16xi32>
      %gt3A_84 = arith.cmpf ogt, %scan3A_74#12, %scan3A_74#8 : vector<16xf32>
      %select_n3A_85 = arith.select %gt3A_84, %scan3A_74#12, %scan3A_74#8 : vector<16xi1>, vector<16xf32>
      %select_n3A_86 = arith.select %gt3A_84, %scan3A_74#13, %scan3A_74#9 : vector<16xi1>, vector<16xi32>
      %select_n3A_87 = arith.select %gt3A_84, %scan3A_74#8, %scan3A_74#12 : vector<16xi1>, vector<16xf32>
      %select_n3A_88 = arith.select %gt3A_84, %scan3A_74#9, %scan3A_74#13 : vector<16xi1>, vector<16xi32>
      %select_n3A_89 = arith.select %gt3A_84, %scan3A_74#14, %scan3A_74#10 : vector<16xi1>, vector<16xf32>
      %select_n3A_90 = arith.select %gt3A_84, %scan3A_74#15, %scan3A_74#11 : vector<16xi1>, vector<16xi32>
      %gt3A_91 = arith.cmpf ogt, %select_n3A_89, %select_n3A_87 : vector<16xf32>
      %select_n3A_92 = arith.select %gt3A_91, %select_n3A_89, %select_n3A_87 : vector<16xi1>, vector<16xf32>
      %select_n3A_93 = arith.select %gt3A_91, %select_n3A_90, %select_n3A_88 : vector<16xi1>, vector<16xi32>
      %gt3A_94 = arith.cmpf ogt, %select_n3A_85, %select_n3A : vector<16xf32>
      %select_n3A_95 = arith.select %gt3A_94, %select_n3A_85, %select_n3A : vector<16xi1>, vector<16xf32>
      %select_n3A_96 = arith.select %gt3A_94, %select_n3A_86, %select_n3A_76 : vector<16xi1>, vector<16xi32>
      %select_n3A_97 = arith.select %gt3A_94, %select_n3A, %select_n3A_85 : vector<16xi1>, vector<16xf32>
      %select_n3A_98 = arith.select %gt3A_94, %select_n3A_76, %select_n3A_86 : vector<16xi1>, vector<16xi32>
      %select_n3A_99 = arith.select %gt3A_94, %select_n3A_92, %select_n3A_82 : vector<16xi1>, vector<16xf32>
      %select_n3A_100 = arith.select %gt3A_94, %select_n3A_93, %select_n3A_83 : vector<16xi1>, vector<16xi32>
      %gt3A_101 = arith.cmpf ogt, %select_n3A_99, %select_n3A_97 : vector<16xf32>
      %select_n3A_102 = arith.select %gt3A_101, %select_n3A_99, %select_n3A_97 : vector<16xi1>, vector<16xf32>
      %select_n3A_103 = arith.select %gt3A_101, %select_n3A_100, %select_n3A_98 : vector<16xi1>, vector<16xi32>
      %scan3A_104 = arith.constant 0 : i32
      %scan3A_105 = arith.constant 8 : i32
      %scan3A_106 = arith.addi %scan3A_104, %scan3A_105 : i32
      %scan3A_107 = arith.constant 1 : i32
      %scan3A_108:4 = scf.for %scan3A_156 = %scan3A_104 to %scan3A_106 step %scan3A_107 iter_args(%scan3A_157 = %broadcast_in_dim3A_7, %scan3A_158 = %broadcast_in_dim3A_7, %scan3A_159 = %broadcast_in_dim3A_7, %scan3A_160 = %broadcast_in_dim3A_7) -> (vector<16xf32>, vector<16xf32>, vector<16xf32>, vector<16xf32>)  : i32 {
        %mul3A_161 = arith.constant 4 : i32
        %mul3A_162 = arith.muli %scan3A_156, %mul3A_161 : i32
        %add3A_163 = arith.constant 0 : i32
        %add3A_164 = arith.addi %mul3A_162, %add3A_163 : i32
        %add3A_165 = vector.broadcast %add3A_164 : i32 to vector<16xi32>
        %add3A_166 = arith.addi %iota3A, %add3A_165 : vector<16xi32>
        %and3A_167 = arith.constant 31 : i32
        %and3A_168 = vector.broadcast %and3A_167 : i32 to vector<16xi32>
        %and3A_169 = arith.andi %add3A_166, %and3A_168 : vector<16xi32>
        %add3A_170 = arith.constant 0 : i32
        %add3A_171 = vector.broadcast %add3A_170 : i32 to vector<16xi32>
        %add3A_172 = arith.addi %and3A_169, %add3A_171 : vector<16xi32>
        %gather3A = tpu.vector_load_idx %arg7[%add3A_69, %add3A_172] : memref<128x128xf32, #tpu.memory_space<vmem>>[vector<16xi32>, vector<16xi32>], vector<16xf32>,
        %sub3A_173 = arith.subf %gather3A, %select_n3A_95 : vector<16xf32>
        %exp3A_174 = math.exp %sub3A_173 : vector<16xf32>
        %add3A_175 = arith.addf %scan3A_157, %exp3A_174 : vector<16xf32>
        %add3A_176 = arith.constant 32 : i32
        %add3A_177 = vector.broadcast %add3A_176 : i32 to vector<16xi32>
        %add3A_178 = arith.addi %and3A_169, %add3A_177 : vector<16xi32>
        %gather3A_179 = tpu.vector_load_idx %arg7[%add3A_69, %add3A_178] : memref<128x128xf32, #tpu.memory_space<vmem>>[vector<16xi32>, vector<16xi32>], vector<16xf32>,
        %sub3A_180 = arith.subf %gather3A_179, %select_n3A_95 : vector<16xf32>
        %exp3A_181 = math.exp %sub3A_180 : vector<16xf32>
        %add3A_182 = arith.addf %scan3A_158, %exp3A_181 : vector<16xf32>
        %add3A_183 = arith.constant 64 : i32
        %add3A_184 = vector.broadcast %add3A_183 : i32 to vector<16xi32>
        %add3A_185 = arith.addi %and3A_169, %add3A_184 : vector<16xi32>
        %gather3A_186 = tpu.vector_load_idx %arg7[%add3A_69, %add3A_185] : memref<128x128xf32, #tpu.memory_space<vmem>>[vector<16xi32>, vector<16xi32>], vector<16xf32>,
        %sub3A_187 = arith.subf %gather3A_186, %select_n3A_95 : vector<16xf32>
        %exp3A_188 = math.exp %sub3A_187 : vector<16xf32>
        %add3A_189 = arith.addf %scan3A_159, %exp3A_188 : vector<16xf32>
        %add3A_190 = arith.constant 96 : i32
        %add3A_191 = vector.broadcast %add3A_190 : i32 to vector<16xi32>
        %add3A_192 = arith.addi %and3A_169, %add3A_191 : vector<16xi32>
        %gather3A_193 = tpu.vector_load_idx %arg7[%add3A_69, %add3A_192] : memref<128x128xf32, #tpu.memory_space<vmem>>[vector<16xi32>, vector<16xi32>], vector<16xf32>,
        %sub3A_194 = arith.subf %gather3A_193, %select_n3A_95 : vector<16xf32>
        %exp3A_195 = math.exp %sub3A_194 : vector<16xf32>
        %add3A_196 = arith.addf %scan3A_160, %exp3A_195 : vector<16xf32>
        %mul3A_197 = arith.constant 4 : i32
        %mul3A_198 = arith.muli %scan3A_156, %mul3A_197 : i32
        %add3A_199 = arith.constant 1 : i32
        %add3A_200 = arith.addi %mul3A_198, %add3A_199 : i32
        %add3A_201 = vector.broadcast %add3A_200 : i32 to vector<16xi32>
        %add3A_202 = arith.addi %iota3A, %add3A_201 : vector<16xi32>
        %and3A_203 = arith.constant 31 : i32
        %and3A_204 = vector.broadcast %and3A_203 : i32 to vector<16xi32>
        %and3A_205 = arith.andi %add3A_202, %and3A_204 : vector<16xi32>
        %add3A_206 = arith.constant 0 : i32
        %add3A_207 = vector.broadcast %add3A_206 : i32 to vector<16xi32>
        %add3A_208 = arith.addi %and3A_205, %add3A_207 : vector<16xi32>
        %gather3A_209 = tpu.vector_load_idx %arg7[%add3A_69, %add3A_208] : memref<128x128xf32, #tpu.memory_space<vmem>>[vector<16xi32>, vector<16xi32>], vector<16xf32>,
        %sub3A_210 = arith.subf %gather3A_209, %select_n3A_95 : vector<16xf32>
        %exp3A_211 = math.exp %sub3A_210 : vector<16xf32>
        %add3A_212 = arith.addf %add3A_175, %exp3A_211 : vector<16xf32>
        %add3A_213 = arith.constant 32 : i32
        %add3A_214 = vector.broadcast %add3A_213 : i32 to vector<16xi32>
        %add3A_215 = arith.addi %and3A_205, %add3A_214 : vector<16xi32>
        %gather3A_216 = tpu.vector_load_idx %arg7[%add3A_69, %add3A_215] : memref<128x128xf32, #tpu.memory_space<vmem>>[vector<16xi32>, vector<16xi32>], vector<16xf32>,
        %sub3A_217 = arith.subf %gather3A_216, %select_n3A_95 : vector<16xf32>
        %exp3A_218 = math.exp %sub3A_217 : vector<16xf32>
        %add3A_219 = arith.addf %add3A_182, %exp3A_218 : vector<16xf32>
        %add3A_220 = arith.constant 64 : i32
        %add3A_221 = vector.broadcast %add3A_220 : i32 to vector<16xi32>
        %add3A_222 = arith.addi %and3A_205, %add3A_221 : vector<16xi32>
        %gather3A_223 = tpu.vector_load_idx %arg7[%add3A_69, %add3A_222] : memref<128x128xf32, #tpu.memory_space<vmem>>[vector<16xi32>, vector<16xi32>], vector<16xf32>,
        %sub3A_224 = arith.subf %gather3A_223, %select_n3A_95 : vector<16xf32>
        %exp3A_225 = math.exp %sub3A_224 : vector<16xf32>
        %add3A_226 = arith.addf %add3A_189, %exp3A_225 : vector<16xf32>
        %add3A_227 = arith.constant 96 : i32
        %add3A_228 = vector.broadcast %add3A_227 : i32 to vector<16xi32>
        %add3A_229 = arith.addi %and3A_205, %add3A_228 : vector<16xi32>
        %gather3A_230 = tpu.vector_load_idx %arg7[%add3A_69, %add3A_229] : memref<128x128xf32, #tpu.memory_space<vmem>>[vector<16xi32>, vector<16xi32>], vector<16xf32>,
        %sub3A_231 = arith.subf %gather3A_230, %select_n3A_95 : vector<16xf32>
        %exp3A_232 = math.exp %sub3A_231 : vector<16xf32>
        %add3A_233 = arith.addf %add3A_196, %exp3A_232 : vector<16xf32>
        %mul3A_234 = arith.constant 4 : i32
        %mul3A_235 = arith.muli %scan3A_156, %mul3A_234 : i32
        %add3A_236 = arith.constant 2 : i32
        %add3A_237 = arith.addi %mul3A_235, %add3A_236 : i32
        %add3A_238 = vector.broadcast %add3A_237 : i32 to vector<16xi32>
        %add3A_239 = arith.addi %iota3A, %add3A_238 : vector<16xi32>
        %and3A_240 = arith.constant 31 : i32
        %and3A_241 = vector.broadcast %and3A_240 : i32 to vector<16xi32>
        %and3A_242 = arith.andi %add3A_239, %and3A_241 : vector<16xi32>
        %add3A_243 = arith.constant 0 : i32
        %add3A_244 = vector.broadcast %add3A_243 : i32 to vector<16xi32>
        %add3A_245 = arith.addi %and3A_242, %add3A_244 : vector<16xi32>
        %gather3A_246 = tpu.vector_load_idx %arg7[%add3A_69, %add3A_245] : memref<128x128xf32, #tpu.memory_space<vmem>>[vector<16xi32>, vector<16xi32>], vector<16xf32>,
        %sub3A_247 = arith.subf %gather3A_246, %select_n3A_95 : vector<16xf32>
        %exp3A_248 = math.exp %sub3A_247 : vector<16xf32>
        %add3A_249 = arith.addf %add3A_212, %exp3A_248 : vector<16xf32>
        %add3A_250 = arith.constant 32 : i32
        %add3A_251 = vector.broadcast %add3A_250 : i32 to vector<16xi32>
        %add3A_252 = arith.addi %and3A_242, %add3A_251 : vector<16xi32>
        %gather3A_253 = tpu.vector_load_idx %arg7[%add3A_69, %add3A_252] : memref<128x128xf32, #tpu.memory_space<vmem>>[vector<16xi32>, vector<16xi32>], vector<16xf32>,
        %sub3A_254 = arith.subf %gather3A_253, %select_n3A_95 : vector<16xf32>
        %exp3A_255 = math.exp %sub3A_254 : vector<16xf32>
        %add3A_256 = arith.addf %add3A_219, %exp3A_255 : vector<16xf32>
        %add3A_257 = arith.constant 64 : i32
        %add3A_258 = vector.broadcast %add3A_257 : i32 to vector<16xi32>
        %add3A_259 = arith.addi %and3A_242, %add3A_258 : vector<16xi32>
        %gather3A_260 = tpu.vector_load_idx %arg7[%add3A_69, %add3A_259] : memref<128x128xf32, #tpu.memory_space<vmem>>[vector<16xi32>, vector<16xi32>], vector<16xf32>,
        %sub3A_261 = arith.subf %gather3A_260, %select_n3A_95 : vector<16xf32>
        %exp3A_262 = math.exp %sub3A_261 : vector<16xf32>
        %add3A_263 = arith.addf %add3A_226, %exp3A_262 : vector<16xf32>
        %add3A_264 = arith.constant 96 : i32
        %add3A_265 = vector.broadcast %add3A_264 : i32 to vector<16xi32>
        %add3A_266 = arith.addi %and3A_242, %add3A_265 : vector<16xi32>
        %gather3A_267 = tpu.vector_load_idx %arg7[%add3A_69, %add3A_266] : memref<128x128xf32, #tpu.memory_space<vmem>>[vector<16xi32>, vector<16xi32>], vector<16xf32>,
        %sub3A_268 = arith.subf %gather3A_267, %select_n3A_95 : vector<16xf32>
        %exp3A_269 = math.exp %sub3A_268 : vector<16xf32>
        %add3A_270 = arith.addf %add3A_233, %exp3A_269 : vector<16xf32>
        %mul3A_271 = arith.constant 4 : i32
        %mul3A_272 = arith.muli %scan3A_156, %mul3A_271 : i32
        %add3A_273 = arith.constant 3 : i32
        %add3A_274 = arith.addi %mul3A_272, %add3A_273 : i32
        %add3A_275 = vector.broadcast %add3A_274 : i32 to vector<16xi32>
        %add3A_276 = arith.addi %iota3A, %add3A_275 : vector<16xi32>
        %and3A_277 = arith.constant 31 : i32
        %and3A_278 = vector.broadcast %and3A_277 : i32 to vector<16xi32>
        %and3A_279 = arith.andi %add3A_276, %and3A_278 : vector<16xi32>
        %add3A_280 = arith.constant 0 : i32
        %add3A_281 = vector.broadcast %add3A_280 : i32 to vector<16xi32>
        %add3A_282 = arith.addi %and3A_279, %add3A_281 : vector<16xi32>
        %gather3A_283 = tpu.vector_load_idx %arg7[%add3A_69, %add3A_282] : memref<128x128xf32, #tpu.memory_space<vmem>>[vector<16xi32>, vector<16xi32>], vector<16xf32>,
        %sub3A_284 = arith.subf %gather3A_283, %select_n3A_95 : vector<16xf32>
        %exp3A_285 = math.exp %sub3A_284 : vector<16xf32>
        %add3A_286 = arith.addf %add3A_249, %exp3A_285 : vector<16xf32>
        %add3A_287 = arith.constant 32 : i32
        %add3A_288 = vector.broadcast %add3A_287 : i32 to vector<16xi32>
        %add3A_289 = arith.addi %and3A_279, %add3A_288 : vector<16xi32>
        %gather3A_290 = tpu.vector_load_idx %arg7[%add3A_69, %add3A_289] : memref<128x128xf32, #tpu.memory_space<vmem>>[vector<16xi32>, vector<16xi32>], vector<16xf32>,
        %sub3A_291 = arith.subf %gather3A_290, %select_n3A_95 : vector<16xf32>
        %exp3A_292 = math.exp %sub3A_291 : vector<16xf32>
        %add3A_293 = arith.addf %add3A_256, %exp3A_292 : vector<16xf32>
        %add3A_294 = arith.constant 64 : i32
        %add3A_295 = vector.broadcast %add3A_294 : i32 to vector<16xi32>
        %add3A_296 = arith.addi %and3A_279, %add3A_295 : vector<16xi32>
        %gather3A_297 = tpu.vector_load_idx %arg7[%add3A_69, %add3A_296] : memref<128x128xf32, #tpu.memory_space<vmem>>[vector<16xi32>, vector<16xi32>], vector<16xf32>,
        %sub3A_298 = arith.subf %gather3A_297, %select_n3A_95 : vector<16xf32>
        %exp3A_299 = math.exp %sub3A_298 : vector<16xf32>
        %add3A_300 = arith.addf %add3A_263, %exp3A_299 : vector<16xf32>
        %add3A_301 = arith.constant 96 : i32
        %add3A_302 = vector.broadcast %add3A_301 : i32 to vector<16xi32>
        %add3A_303 = arith.addi %and3A_279, %add3A_302 : vector<16xi32>
        %gather3A_304 = tpu.vector_load_idx %arg7[%add3A_69, %add3A_303] : memref<128x128xf32, #tpu.memory_space<vmem>>[vector<16xi32>, vector<16xi32>], vector<16xf32>,
        %sub3A_305 = arith.subf %gather3A_304, %select_n3A_95 : vector<16xf32>
        %exp3A_306 = math.exp %sub3A_305 : vector<16xf32>
        %add3A_307 = arith.addf %add3A_270, %exp3A_306 : vector<16xf32>
        scf.yield %add3A_286, %add3A_293, %add3A_300, %add3A_307 : vector<16xf32>, vector<16xf32>, vector<16xf32>, vector<16xf32>
      }
      %scan3A_109 = arith.constant 8 : i32
      %add3A_110 = arith.addf %scan3A_108#0, %scan3A_108#1 : vector<16xf32>
      %add3A_111 = arith.addf %scan3A_108#2, %scan3A_108#3 : vector<16xf32>
      %add3A_112 = arith.addf %add3A_110, %add3A_111 : vector<16xf32>
      %mul3A_113 = arith.constant 128 : i32
      %mul3A_114 = arith.muli %mul3A_15, %mul3A_113 : i32
      %mul3A_115 = arith.constant 16 : i32
      %mul3A_116 = arith.muli %scan3A_65, %mul3A_115 : i32
      %add3A_117 = arith.addi %mul3A_114, %mul3A_116 : i32
      %div3A = arith.constant 1.000000e+00 : f32
      %div3A_118 = vector.broadcast %div3A : f32 to vector<16xf32>
      %div3A_119 = arith.divf %div3A_118, %add3A_112 : vector<16xf32>
      %sub3A = arith.subf %select_n3A_102, %select_n3A_95 : vector<16xf32>
      %exp3A = math.exp %sub3A : vector<16xf32>
      %div3A_120 = arith.divf %exp3A, %add3A_112 : vector<16xf32>
      %mul3A_121 = arith.constant 16 : i32
      %mul3A_122 = arith.muli %scan3A_65, %mul3A_121 : i32
      %add3A_123 = arith.addi %add3A_33, %mul3A_122 : i32
      %jit3A = arith.constant 64 : i32
      %div3A_124 = arith.divsi %add3A_123, %jit3A : i32
      %sign3A = arith.constant 0 : i32
      %sign3A_125 = arith.cmpi sgt, %add3A_123, %sign3A : i32
      %sign3A_126 = arith.extui %sign3A_125 : i1 to i32
      %sign3A_127 = arith.constant 0 : i32
      %sign3A_128 = arith.cmpi slt, %add3A_123, %sign3A_127 : i32
      %sign3A_129 = arith.extui %sign3A_128 : i1 to i32
      %sign3A_130 = arith.subi %sign3A_126, %sign3A_129 : i32
      %sign3A_131 = arith.constant 0 : i32
      %sign3A_132 = arith.cmpi sgt, %jit3A, %sign3A_131 : i32
      %sign3A_133 = arith.extui %sign3A_132 : i1 to i32
      %sign3A_134 = arith.constant 0 : i32
      %sign3A_135 = arith.cmpi slt, %jit3A, %sign3A_134 : i32
      %sign3A_136 = arith.extui %sign3A_135 : i1 to i32
      %sign3A_137 = arith.subi %sign3A_133, %sign3A_136 : i32
      %ne3A = arith.cmpi ne, %sign3A_130, %sign3A_137 : i32
      %rem3A = arith.remsi %add3A_123, %jit3A : i32
      %ne3A_138 = arith.constant 0 : i32
      %ne3A_139 = arith.cmpi ne, %rem3A, %ne3A_138 : i32
      %and3A = arith.andi %ne3A, %ne3A_139 : i1
      %sub3A_140 = arith.constant 1 : i32
      %sub3A_141 = arith.subi %div3A_124, %sub3A_140 : i32
      %select_n3A_142 = arith.select %and3A, %sub3A_141, %div3A_124 : i32
      %mul3A_143 = arith.constant 128 : i32
      %mul3A_144 = arith.muli %select_n3A_142, %mul3A_143 : i32
      %add3A_145 = vector.broadcast %mul3A_144 : i32 to vector<16xi32>
      %add3A_146 = arith.addi %select_n3A_96, %add3A_145 : vector<16xi32>
      %swap3A = arith.index_cast %add3A_117 : i32 to index
      %swap3A_147 = tpu.vector_load %arg9[%swap3A] {strides = array<i32>} : memref<256xi32, #tpu.memory_space<vmem>>, vector<16xi32>,
      tpu.vector_store %arg9[%swap3A], %add3A_146 {strides = array<i32>} : memref<256xi32, #tpu.memory_space<vmem>>, vector<16xi32>,
      %add3A_148 = vector.broadcast %mul3A_144 : i32 to vector<16xi32>
      %add3A_149 = arith.addi %select_n3A_103, %add3A_148 : vector<16xi32>
      %swap3A_150 = arith.index_cast %add3A_117 : i32 to index
      %swap3A_151 = tpu.vector_load %arg10[%swap3A_150] {strides = array<i32>} : memref<256xi32, #tpu.memory_space<vmem>>, vector<16xi32>,
      tpu.vector_store %arg10[%swap3A_150], %add3A_149 {strides = array<i32>} : memref<256xi32, #tpu.memory_space<vmem>>, vector<16xi32>,
      %swap3A_152 = arith.index_cast %add3A_117 : i32 to index
      %swap3A_153 = tpu.vector_load %arg11[%swap3A_152] {strides = array<i32>} : memref<256xf32, #tpu.memory_space<vmem>>, vector<16xf32>,
      tpu.vector_store %arg11[%swap3A_152], %div3A_119 {strides = array<i32>} : memref<256xf32, #tpu.memory_space<vmem>>, vector<16xf32>,
      %swap3A_154 = arith.index_cast %add3A_117 : i32 to index
      %swap3A_155 = tpu.vector_load %arg12[%swap3A_154] {strides = array<i32>} : memref<256xf32, #tpu.memory_space<vmem>>, vector<16xf32>,
      tpu.vector_store %arg12[%swap3A_154], %div3A_120 {strides = array<i32>} : memref<256xf32, #tpu.memory_space<vmem>>, vector<16xf32>,
    }
    %scan3A_39 = arith.constant 8 : i32
    %add3A_40 = arith.constant 1 : i32
    %add3A_41 = arith.addi %mul3A_15, %add3A_40 : i32
    %mul3A_42 = arith.constant 128 : i32
    %mul3A_43 = arith.muli %add3A_41, %mul3A_42 : i32
    %add3A_44 = arith.addi %mul3A_2, %mul3A_43 : i32
    %dma_wait3A_45 = arith.constant 0 : i32
    %dma_wait3A_46 = tpu.memref_slice %arg2[%add3A_44, %dma_wait3A_45] : memref<8192x128xf32, #tpu.memory_space<hbm>> -> memref<128x128xf32, #tpu.memory_space<hbm>>
    %dma_wait3A_47 = arith.constant 0 : i32
    %dma_wait3A_48 = tpu.memref_slice %arg2[%add3A_44, %dma_wait3A_47] : memref<8192x128xf32, #tpu.memory_space<hbm>> -> memref<128x128xf32, #tpu.memory_space<hbm>>
    tpu.wait_dma2 semaphore(%arg14 : memref<!tpu.dma_semaphore, #tpu.memory_space<semaphore_mem>>) src(%dma_wait3A_48 : memref<128x128xf32, #tpu.memory_space<hbm>>) dst(%arg8 : memref<128x128xf32, #tpu.memory_space<vmem>>)
    %add3A_49 = arith.constant 2 : i32
    %add3A_50 = arith.addi %mul3A_15, %add3A_49 : i32
    %lt3A = arith.constant 2 : i32
    %lt3A_51 = arith.cmpi slt, %add3A_50, %lt3A : i32
    %convert_element_type3A = arith.extui %lt3A_51 : i1 to i32
    %cond3A = arith.constant 0 : i32
    %cond3A_52 = arith.cmpi ne, %convert_element_type3A, %cond3A : i32
    scf.if %cond3A_52 {
      %add3A_65 = arith.constant 2 : i32
      %add3A_66 = arith.addi %mul3A_15, %add3A_65 : i32
      %mul3A_67 = arith.constant 128 : i32
      %mul3A_68 = arith.muli %add3A_66, %mul3A_67 : i32
      %add3A_69 = arith.addi %mul3A_2, %mul3A_68 : i32
      %dma_start3A_70 = arith.constant 0 : i32
      %dma_start3A_71 = tpu.memref_slice %arg2[%add3A_69, %dma_start3A_70] : memref<8192x128xf32, #tpu.memory_space<hbm>> -> memref<128x128xf32, #tpu.memory_space<hbm>>
      %dma_start3A_72 = arith.constant 0 : i32
      %dma_start3A_73 = tpu.memref_slice %arg2[%add3A_69, %dma_start3A_72] : memref<8192x128xf32, #tpu.memory_space<hbm>> -> memref<128x128xf32, #tpu.memory_space<hbm>>
      tpu.enqueue_dma source(%dma_start3A_73 : memref<128x128xf32, #tpu.memory_space<hbm>>) target(%arg7 : memref<128x128xf32, #tpu.memory_space<vmem>>) target_semaphore(%arg13 : memref<!tpu.dma_semaphore, #tpu.memory_space<semaphore_mem>>)
    } else {
    }
    %add3A_53 = arith.constant 1 : i32
    %add3A_54 = arith.addi %mul3A_15, %add3A_53 : i32
    %mul3A_55 = arith.constant 128 : i32
    %mul3A_56 = arith.muli %add3A_54, %mul3A_55 : i32
    %add3A_57 = arith.addi %mul3A_2, %mul3A_56 : i32
    %scan3A_58 = arith.constant 0 : i32
    %scan3A_59 = arith.constant 0 : i32
    %scan3A_60 = arith.constant 8 : i32
    %scan3A_61 = arith.addi %scan3A_59, %scan3A_60 : i32
    %scan3A_62 = arith.constant 1 : i32
    scf.for %scan3A_65 = %scan3A_59 to %scan3A_61 step %scan3A_62  : i32 {
      %mul3A_66 = arith.constant 16 : i32
      %mul3A_67 = arith.muli %scan3A_65, %mul3A_66 : i32
      %add3A_68 = vector.broadcast %mul3A_67 : i32 to vector<16xi32>
      %add3A_69 = arith.addi %add3A_68, %iota3A : vector<16xi32>
      %scan3A_70 = arith.constant 0 : i32
      %scan3A_71 = arith.constant 8 : i32
      %scan3A_72 = arith.addi %scan3A_70, %scan3A_71 : i32
      %scan3A_73 = arith.constant 1 : i32
      %scan3A_74:16 = scf.for %scan3A_156 = %scan3A_70 to %scan3A_72 step %scan3A_73 iter_args(%scan3A_157 = %broadcast_in_dim3A_3, %scan3A_158 = %broadcast_in_dim3A_5, %scan3A_159 = %broadcast_in_dim3A_3, %scan3A_160 = %broadcast_in_dim3A_5, %scan3A_161 = %broadcast_in_dim3A_3, %scan3A_162 = %broadcast_in_dim3A_5, %scan3A_163 = %broadcast_in_dim3A_3, %scan3A_164 = %broadcast_in_dim3A_5, %scan3A_165 = %broadcast_in_dim3A_3, %scan3A_166 = %broadcast_in_dim3A_5, %scan3A_167 = %broadcast_in_dim3A_3, %scan3A_168 = %broadcast_in_dim3A_5, %scan3A_169 = %broadcast_in_dim3A_3, %scan3A_170 = %broadcast_in_dim3A_5, %scan3A_171 = %broadcast_in_dim3A_3, %scan3A_172 = %broadcast_in_dim3A_5) -> (vector<16xf32>, vector<16xi32>, vector<16xf32>, vector<16xi32>, vector<16xf32>, vector<16xi32>, vector<16xf32>, vector<16xi32>, vector<16xf32>, vector<16xi32>, vector<16xf32>, vector<16xi32>, vector<16xf32>, vector<16xi32>, vector<16xf32>, vector<16xi32>)  : i32 {
        %mul3A_173 = arith.constant 4 : i32
        %mul3A_174 = arith.muli %scan3A_156, %mul3A_173 : i32
        %add3A_175 = arith.constant 0 : i32
        %add3A_176 = arith.addi %mul3A_174, %add3A_175 : i32
        %add3A_177 = vector.broadcast %add3A_176 : i32 to vector<16xi32>
        %add3A_178 = arith.addi %iota3A, %add3A_177 : vector<16xi32>
        %and3A_179 = arith.constant 31 : i32
        %and3A_180 = vector.broadcast %and3A_179 : i32 to vector<16xi32>
        %and3A_181 = arith.andi %add3A_178, %and3A_180 : vector<16xi32>
        %add3A_182 = arith.constant 0 : i32
        %add3A_183 = vector.broadcast %add3A_182 : i32 to vector<16xi32>
        %add3A_184 = arith.addi %and3A_181, %add3A_183 : vector<16xi32>
        %gather3A = tpu.vector_load_idx %arg8[%add3A_69, %add3A_184] : memref<128x128xf32, #tpu.memory_space<vmem>>[vector<16xi32>, vector<16xi32>], vector<16xf32>,
        %gt3A_185 = arith.cmpf ogt, %gather3A, %scan3A_157 : vector<16xf32>
        %gt3A_186 = arith.cmpf ogt, %gather3A, %scan3A_159 : vector<16xf32>
        %select_n3A_187 = arith.select %gt3A_186, %gather3A, %scan3A_159 : vector<16xi1>, vector<16xf32>
        %select_n3A_188 = arith.select %gt3A_185, %scan3A_157, %select_n3A_187 : vector<16xi1>, vector<16xf32>
        %select_n3A_189 = arith.select %gt3A_186, %add3A_184, %scan3A_160 : vector<16xi1>, vector<16xi32>
        %select_n3A_190 = arith.select %gt3A_185, %scan3A_158, %select_n3A_189 : vector<16xi1>, vector<16xi32>
        %max3A = arith.maximumf %gather3A, %scan3A_157 : vector<16xf32>
        %select_n3A_191 = arith.select %gt3A_185, %add3A_184, %scan3A_158 : vector<16xi1>, vector<16xi32>
        %add3A_192 = arith.constant 32 : i32
        %add3A_193 = vector.broadcast %add3A_192 : i32 to vector<16xi32>
        %add3A_194 = arith.addi %and3A_181, %add3A_193 : vector<16xi32>
        %gather3A_195 = tpu.vector_load_idx %arg8[%add3A_69, %add3A_194] : memref<128x128xf32, #tpu.memory_space<vmem>>[vector<16xi32>, vector<16xi32>], vector<16xf32>,
        %gt3A_196 = arith.cmpf ogt, %gather3A_195, %scan3A_161 : vector<16xf32>
        %gt3A_197 = arith.cmpf ogt, %gather3A_195, %scan3A_163 : vector<16xf32>
        %select_n3A_198 = arith.select %gt3A_197, %gather3A_195, %scan3A_163 : vector<16xi1>, vector<16xf32>
        %select_n3A_199 = arith.select %gt3A_196, %scan3A_161, %select_n3A_198 : vector<16xi1>, vector<16xf32>
        %select_n3A_200 = arith.select %gt3A_197, %add3A_194, %scan3A_164 : vector<16xi1>, vector<16xi32>
        %select_n3A_201 = arith.select %gt3A_196, %scan3A_162, %select_n3A_200 : vector<16xi1>, vector<16xi32>
        %max3A_202 = arith.maximumf %gather3A_195, %scan3A_161 : vector<16xf32>
        %select_n3A_203 = arith.select %gt3A_196, %add3A_194, %scan3A_162 : vector<16xi1>, vector<16xi32>
        %add3A_204 = arith.constant 64 : i32
        %add3A_205 = vector.broadcast %add3A_204 : i32 to vector<16xi32>
        %add3A_206 = arith.addi %and3A_181, %add3A_205 : vector<16xi32>
        %gather3A_207 = tpu.vector_load_idx %arg8[%add3A_69, %add3A_206] : memref<128x128xf32, #tpu.memory_space<vmem>>[vector<16xi32>, vector<16xi32>], vector<16xf32>,
        %gt3A_208 = arith.cmpf ogt, %gather3A_207, %scan3A_165 : vector<16xf32>
        %gt3A_209 = arith.cmpf ogt, %gather3A_207, %scan3A_167 : vector<16xf32>
        %select_n3A_210 = arith.select %gt3A_209, %gather3A_207, %scan3A_167 : vector<16xi1>, vector<16xf32>
        %select_n3A_211 = arith.select %gt3A_208, %scan3A_165, %select_n3A_210 : vector<16xi1>, vector<16xf32>
        %select_n3A_212 = arith.select %gt3A_209, %add3A_206, %scan3A_168 : vector<16xi1>, vector<16xi32>
        %select_n3A_213 = arith.select %gt3A_208, %scan3A_166, %select_n3A_212 : vector<16xi1>, vector<16xi32>
        %max3A_214 = arith.maximumf %gather3A_207, %scan3A_165 : vector<16xf32>
        %select_n3A_215 = arith.select %gt3A_208, %add3A_206, %scan3A_166 : vector<16xi1>, vector<16xi32>
        %add3A_216 = arith.constant 96 : i32
        %add3A_217 = vector.broadcast %add3A_216 : i32 to vector<16xi32>
        %add3A_218 = arith.addi %and3A_181, %add3A_217 : vector<16xi32>
        %gather3A_219 = tpu.vector_load_idx %arg8[%add3A_69, %add3A_218] : memref<128x128xf32, #tpu.memory_space<vmem>>[vector<16xi32>, vector<16xi32>], vector<16xf32>,
        %gt3A_220 = arith.cmpf ogt, %gather3A_219, %scan3A_169 : vector<16xf32>
        %gt3A_221 = arith.cmpf ogt, %gather3A_219, %scan3A_171 : vector<16xf32>
        %select_n3A_222 = arith.select %gt3A_221, %gather3A_219, %scan3A_171 : vector<16xi1>, vector<16xf32>
        %select_n3A_223 = arith.select %gt3A_220, %scan3A_169, %select_n3A_222 : vector<16xi1>, vector<16xf32>
        %select_n3A_224 = arith.select %gt3A_221, %add3A_218, %scan3A_172 : vector<16xi1>, vector<16xi32>
        %select_n3A_225 = arith.select %gt3A_220, %scan3A_170, %select_n3A_224 : vector<16xi1>, vector<16xi32>
        %max3A_226 = arith.maximumf %gather3A_219, %scan3A_169 : vector<16xf32>
        %select_n3A_227 = arith.select %gt3A_220, %add3A_218, %scan3A_170 : vector<16xi1>, vector<16xi32>
        %mul3A_228 = arith.constant 4 : i32
        %mul3A_229 = arith.muli %scan3A_156, %mul3A_228 : i32
        %add3A_230 = arith.constant 1 : i32
        %add3A_231 = arith.addi %mul3A_229, %add3A_230 : i32
        %add3A_232 = vector.broadcast %add3A_231 : i32 to vector<16xi32>
        %add3A_233 = arith.addi %iota3A, %add3A_232 : vector<16xi32>
        %and3A_234 = arith.constant 31 : i32
        %and3A_235 = vector.broadcast %and3A_234 : i32 to vector<16xi32>
        %and3A_236 = arith.andi %add3A_233, %and3A_235 : vector<16xi32>
        %add3A_237 = arith.constant 0 : i32
        %add3A_238 = vector.broadcast %add3A_237 : i32 to vector<16xi32>
        %add3A_239 = arith.addi %and3A_236, %add3A_238 : vector<16xi32>
        %gather3A_240 = tpu.vector_load_idx %arg8[%add3A_69, %add3A_239] : memref<128x128xf32, #tpu.memory_space<vmem>>[vector<16xi32>, vector<16xi32>], vector<16xf32>,
        %gt3A_241 = arith.cmpf ogt, %gather3A_240, %max3A : vector<16xf32>
        %gt3A_242 = arith.cmpf ogt, %gather3A_240, %select_n3A_188 : vector<16xf32>
        %select_n3A_243 = arith.select %gt3A_242, %gather3A_240, %select_n3A_188 : vector<16xi1>, vector<16xf32>
        %select_n3A_244 = arith.select %gt3A_241, %max3A, %select_n3A_243 : vector<16xi1>, vector<16xf32>
        %select_n3A_245 = arith.select %gt3A_242, %add3A_239, %select_n3A_190 : vector<16xi1>, vector<16xi32>
        %select_n3A_246 = arith.select %gt3A_241, %select_n3A_191, %select_n3A_245 : vector<16xi1>, vector<16xi32>
        %max3A_247 = arith.maximumf %gather3A_240, %max3A : vector<16xf32>
        %select_n3A_248 = arith.select %gt3A_241, %add3A_239, %select_n3A_191 : vector<16xi1>, vector<16xi32>
        %add3A_249 = arith.constant 32 : i32
        %add3A_250 = vector.broadcast %add3A_249 : i32 to vector<16xi32>
        %add3A_251 = arith.addi %and3A_236, %add3A_250 : vector<16xi32>
        %gather3A_252 = tpu.vector_load_idx %arg8[%add3A_69, %add3A_251] : memref<128x128xf32, #tpu.memory_space<vmem>>[vector<16xi32>, vector<16xi32>], vector<16xf32>,
        %gt3A_253 = arith.cmpf ogt, %gather3A_252, %max3A_202 : vector<16xf32>
        %gt3A_254 = arith.cmpf ogt, %gather3A_252, %select_n3A_199 : vector<16xf32>
        %select_n3A_255 = arith.select %gt3A_254, %gather3A_252, %select_n3A_199 : vector<16xi1>, vector<16xf32>
        %select_n3A_256 = arith.select %gt3A_253, %max3A_202, %select_n3A_255 : vector<16xi1>, vector<16xf32>
        %select_n3A_257 = arith.select %gt3A_254, %add3A_251, %select_n3A_201 : vector<16xi1>, vector<16xi32>
        %select_n3A_258 = arith.select %gt3A_253, %select_n3A_203, %select_n3A_257 : vector<16xi1>, vector<16xi32>
        %max3A_259 = arith.maximumf %gather3A_252, %max3A_202 : vector<16xf32>
        %select_n3A_260 = arith.select %gt3A_253, %add3A_251, %select_n3A_203 : vector<16xi1>, vector<16xi32>
        %add3A_261 = arith.constant 64 : i32
        %add3A_262 = vector.broadcast %add3A_261 : i32 to vector<16xi32>
        %add3A_263 = arith.addi %and3A_236, %add3A_262 : vector<16xi32>
        %gather3A_264 = tpu.vector_load_idx %arg8[%add3A_69, %add3A_263] : memref<128x128xf32, #tpu.memory_space<vmem>>[vector<16xi32>, vector<16xi32>], vector<16xf32>,
        %gt3A_265 = arith.cmpf ogt, %gather3A_264, %max3A_214 : vector<16xf32>
        %gt3A_266 = arith.cmpf ogt, %gather3A_264, %select_n3A_211 : vector<16xf32>
        %select_n3A_267 = arith.select %gt3A_266, %gather3A_264, %select_n3A_211 : vector<16xi1>, vector<16xf32>
        %select_n3A_268 = arith.select %gt3A_265, %max3A_214, %select_n3A_267 : vector<16xi1>, vector<16xf32>
        %select_n3A_269 = arith.select %gt3A_266, %add3A_263, %select_n3A_213 : vector<16xi1>, vector<16xi32>
        %select_n3A_270 = arith.select %gt3A_265, %select_n3A_215, %select_n3A_269 : vector<16xi1>, vector<16xi32>
        %max3A_271 = arith.maximumf %gather3A_264, %max3A_214 : vector<16xf32>
        %select_n3A_272 = arith.select %gt3A_265, %add3A_263, %select_n3A_215 : vector<16xi1>, vector<16xi32>
        %add3A_273 = arith.constant 96 : i32
        %add3A_274 = vector.broadcast %add3A_273 : i32 to vector<16xi32>
        %add3A_275 = arith.addi %and3A_236, %add3A_274 : vector<16xi32>
        %gather3A_276 = tpu.vector_load_idx %arg8[%add3A_69, %add3A_275] : memref<128x128xf32, #tpu.memory_space<vmem>>[vector<16xi32>, vector<16xi32>], vector<16xf32>,
        %gt3A_277 = arith.cmpf ogt, %gather3A_276, %max3A_226 : vector<16xf32>
        %gt3A_278 = arith.cmpf ogt, %gather3A_276, %select_n3A_223 : vector<16xf32>
        %select_n3A_279 = arith.select %gt3A_278, %gather3A_276, %select_n3A_223 : vector<16xi1>, vector<16xf32>
        %select_n3A_280 = arith.select %gt3A_277, %max3A_226, %select_n3A_279 : vector<16xi1>, vector<16xf32>
        %select_n3A_281 = arith.select %gt3A_278, %add3A_275, %select_n3A_225 : vector<16xi1>, vector<16xi32>
        %select_n3A_282 = arith.select %gt3A_277, %select_n3A_227, %select_n3A_281 : vector<16xi1>, vector<16xi32>
        %max3A_283 = arith.maximumf %gather3A_276, %max3A_226 : vector<16xf32>
        %select_n3A_284 = arith.select %gt3A_277, %add3A_275, %select_n3A_227 : vector<16xi1>, vector<16xi32>
        %mul3A_285 = arith.constant 4 : i32
        %mul3A_286 = arith.muli %scan3A_156, %mul3A_285 : i32
        %add3A_287 = arith.constant 2 : i32
        %add3A_288 = arith.addi %mul3A_286, %add3A_287 : i32
        %add3A_289 = vector.broadcast %add3A_288 : i32 to vector<16xi32>
        %add3A_290 = arith.addi %iota3A, %add3A_289 : vector<16xi32>
        %and3A_291 = arith.constant 31 : i32
        %and3A_292 = vector.broadcast %and3A_291 : i32 to vector<16xi32>
        %and3A_293 = arith.andi %add3A_290, %and3A_292 : vector<16xi32>
        %add3A_294 = arith.constant 0 : i32
        %add3A_295 = vector.broadcast %add3A_294 : i32 to vector<16xi32>
        %add3A_296 = arith.addi %and3A_293, %add3A_295 : vector<16xi32>
        %gather3A_297 = tpu.vector_load_idx %arg8[%add3A_69, %add3A_296] : memref<128x128xf32, #tpu.memory_space<vmem>>[vector<16xi32>, vector<16xi32>], vector<16xf32>,
        %gt3A_298 = arith.cmpf ogt, %gather3A_297, %max3A_247 : vector<16xf32>
        %gt3A_299 = arith.cmpf ogt, %gather3A_297, %select_n3A_244 : vector<16xf32>
        %select_n3A_300 = arith.select %gt3A_299, %gather3A_297, %select_n3A_244 : vector<16xi1>, vector<16xf32>
        %select_n3A_301 = arith.select %gt3A_298, %max3A_247, %select_n3A_300 : vector<16xi1>, vector<16xf32>
        %select_n3A_302 = arith.select %gt3A_299, %add3A_296, %select_n3A_246 : vector<16xi1>, vector<16xi32>
        %select_n3A_303 = arith.select %gt3A_298, %select_n3A_248, %select_n3A_302 : vector<16xi1>, vector<16xi32>
        %max3A_304 = arith.maximumf %gather3A_297, %max3A_247 : vector<16xf32>
        %select_n3A_305 = arith.select %gt3A_298, %add3A_296, %select_n3A_248 : vector<16xi1>, vector<16xi32>
        %add3A_306 = arith.constant 32 : i32
        %add3A_307 = vector.broadcast %add3A_306 : i32 to vector<16xi32>
        %add3A_308 = arith.addi %and3A_293, %add3A_307 : vector<16xi32>
        %gather3A_309 = tpu.vector_load_idx %arg8[%add3A_69, %add3A_308] : memref<128x128xf32, #tpu.memory_space<vmem>>[vector<16xi32>, vector<16xi32>], vector<16xf32>,
        %gt3A_310 = arith.cmpf ogt, %gather3A_309, %max3A_259 : vector<16xf32>
        %gt3A_311 = arith.cmpf ogt, %gather3A_309, %select_n3A_256 : vector<16xf32>
        %select_n3A_312 = arith.select %gt3A_311, %gather3A_309, %select_n3A_256 : vector<16xi1>, vector<16xf32>
        %select_n3A_313 = arith.select %gt3A_310, %max3A_259, %select_n3A_312 : vector<16xi1>, vector<16xf32>
        %select_n3A_314 = arith.select %gt3A_311, %add3A_308, %select_n3A_258 : vector<16xi1>, vector<16xi32>
        %select_n3A_315 = arith.select %gt3A_310, %select_n3A_260, %select_n3A_314 : vector<16xi1>, vector<16xi32>
        %max3A_316 = arith.maximumf %gather3A_309, %max3A_259 : vector<16xf32>
        %select_n3A_317 = arith.select %gt3A_310, %add3A_308, %select_n3A_260 : vector<16xi1>, vector<16xi32>
        %add3A_318 = arith.constant 64 : i32
        %add3A_319 = vector.broadcast %add3A_318 : i32 to vector<16xi32>
        %add3A_320 = arith.addi %and3A_293, %add3A_319 : vector<16xi32>
        %gather3A_321 = tpu.vector_load_idx %arg8[%add3A_69, %add3A_320] : memref<128x128xf32, #tpu.memory_space<vmem>>[vector<16xi32>, vector<16xi32>], vector<16xf32>,
        %gt3A_322 = arith.cmpf ogt, %gather3A_321, %max3A_271 : vector<16xf32>
        %gt3A_323 = arith.cmpf ogt, %gather3A_321, %select_n3A_268 : vector<16xf32>
        %select_n3A_324 = arith.select %gt3A_323, %gather3A_321, %select_n3A_268 : vector<16xi1>, vector<16xf32>
        %select_n3A_325 = arith.select %gt3A_322, %max3A_271, %select_n3A_324 : vector<16xi1>, vector<16xf32>
        %select_n3A_326 = arith.select %gt3A_323, %add3A_320, %select_n3A_270 : vector<16xi1>, vector<16xi32>
        %select_n3A_327 = arith.select %gt3A_322, %select_n3A_272, %select_n3A_326 : vector<16xi1>, vector<16xi32>
        %max3A_328 = arith.maximumf %gather3A_321, %max3A_271 : vector<16xf32>
        %select_n3A_329 = arith.select %gt3A_322, %add3A_320, %select_n3A_272 : vector<16xi1>, vector<16xi32>
        %add3A_330 = arith.constant 96 : i32
        %add3A_331 = vector.broadcast %add3A_330 : i32 to vector<16xi32>
        %add3A_332 = arith.addi %and3A_293, %add3A_331 : vector<16xi32>
        %gather3A_333 = tpu.vector_load_idx %arg8[%add3A_69, %add3A_332] : memref<128x128xf32, #tpu.memory_space<vmem>>[vector<16xi32>, vector<16xi32>], vector<16xf32>,
        %gt3A_334 = arith.cmpf ogt, %gather3A_333, %max3A_283 : vector<16xf32>
        %gt3A_335 = arith.cmpf ogt, %gather3A_333, %select_n3A_280 : vector<16xf32>
        %select_n3A_336 = arith.select %gt3A_335, %gather3A_333, %select_n3A_280 : vector<16xi1>, vector<16xf32>
        %select_n3A_337 = arith.select %gt3A_334, %max3A_283, %select_n3A_336 : vector<16xi1>, vector<16xf32>
        %select_n3A_338 = arith.select %gt3A_335, %add3A_332, %select_n3A_282 : vector<16xi1>, vector<16xi32>
        %select_n3A_339 = arith.select %gt3A_334, %select_n3A_284, %select_n3A_338 : vector<16xi1>, vector<16xi32>
        %max3A_340 = arith.maximumf %gather3A_333, %max3A_283 : vector<16xf32>
        %select_n3A_341 = arith.select %gt3A_334, %add3A_332, %select_n3A_284 : vector<16xi1>, vector<16xi32>
        %mul3A_342 = arith.constant 4 : i32
        %mul3A_343 = arith.muli %scan3A_156, %mul3A_342 : i32
        %add3A_344 = arith.constant 3 : i32
        %add3A_345 = arith.addi %mul3A_343, %add3A_344 : i32
        %add3A_346 = vector.broadcast %add3A_345 : i32 to vector<16xi32>
        %add3A_347 = arith.addi %iota3A, %add3A_346 : vector<16xi32>
        %and3A_348 = arith.constant 31 : i32
        %and3A_349 = vector.broadcast %and3A_348 : i32 to vector<16xi32>
        %and3A_350 = arith.andi %add3A_347, %and3A_349 : vector<16xi32>
        %add3A_351 = arith.constant 0 : i32
        %add3A_352 = vector.broadcast %add3A_351 : i32 to vector<16xi32>
        %add3A_353 = arith.addi %and3A_350, %add3A_352 : vector<16xi32>
        %gather3A_354 = tpu.vector_load_idx %arg8[%add3A_69, %add3A_353] : memref<128x128xf32, #tpu.memory_space<vmem>>[vector<16xi32>, vector<16xi32>], vector<16xf32>,
        %gt3A_355 = arith.cmpf ogt, %gather3A_354, %max3A_304 : vector<16xf32>
        %gt3A_356 = arith.cmpf ogt, %gather3A_354, %select_n3A_301 : vector<16xf32>
        %select_n3A_357 = arith.select %gt3A_356, %gather3A_354, %select_n3A_301 : vector<16xi1>, vector<16xf32>
        %select_n3A_358 = arith.select %gt3A_355, %max3A_304, %select_n3A_357 : vector<16xi1>, vector<16xf32>
        %select_n3A_359 = arith.select %gt3A_356, %add3A_353, %select_n3A_303 : vector<16xi1>, vector<16xi32>
        %select_n3A_360 = arith.select %gt3A_355, %select_n3A_305, %select_n3A_359 : vector<16xi1>, vector<16xi32>
        %max3A_361 = arith.maximumf %gather3A_354, %max3A_304 : vector<16xf32>
        %select_n3A_362 = arith.select %gt3A_355, %add3A_353, %select_n3A_305 : vector<16xi1>, vector<16xi32>
        %add3A_363 = arith.constant 32 : i32
        %add3A_364 = vector.broadcast %add3A_363 : i32 to vector<16xi32>
        %add3A_365 = arith.addi %and3A_350, %add3A_364 : vector<16xi32>
        %gather3A_366 = tpu.vector_load_idx %arg8[%add3A_69, %add3A_365] : memref<128x128xf32, #tpu.memory_space<vmem>>[vector<16xi32>, vector<16xi32>], vector<16xf32>,
        %gt3A_367 = arith.cmpf ogt, %gather3A_366, %max3A_316 : vector<16xf32>
        %gt3A_368 = arith.cmpf ogt, %gather3A_366, %select_n3A_313 : vector<16xf32>
        %select_n3A_369 = arith.select %gt3A_368, %gather3A_366, %select_n3A_313 : vector<16xi1>, vector<16xf32>
        %select_n3A_370 = arith.select %gt3A_367, %max3A_316, %select_n3A_369 : vector<16xi1>, vector<16xf32>
        %select_n3A_371 = arith.select %gt3A_368, %add3A_365, %select_n3A_315 : vector<16xi1>, vector<16xi32>
        %select_n3A_372 = arith.select %gt3A_367, %select_n3A_317, %select_n3A_371 : vector<16xi1>, vector<16xi32>
        %max3A_373 = arith.maximumf %gather3A_366, %max3A_316 : vector<16xf32>
        %select_n3A_374 = arith.select %gt3A_367, %add3A_365, %select_n3A_317 : vector<16xi1>, vector<16xi32>
        %add3A_375 = arith.constant 64 : i32
        %add3A_376 = vector.broadcast %add3A_375 : i32 to vector<16xi32>
        %add3A_377 = arith.addi %and3A_350, %add3A_376 : vector<16xi32>
        %gather3A_378 = tpu.vector_load_idx %arg8[%add3A_69, %add3A_377] : memref<128x128xf32, #tpu.memory_space<vmem>>[vector<16xi32>, vector<16xi32>], vector<16xf32>,
        %gt3A_379 = arith.cmpf ogt, %gather3A_378, %max3A_328 : vector<16xf32>
        %gt3A_380 = arith.cmpf ogt, %gather3A_378, %select_n3A_325 : vector<16xf32>
        %select_n3A_381 = arith.select %gt3A_380, %gather3A_378, %select_n3A_325 : vector<16xi1>, vector<16xf32>
        %select_n3A_382 = arith.select %gt3A_379, %max3A_328, %select_n3A_381 : vector<16xi1>, vector<16xf32>
        %select_n3A_383 = arith.select %gt3A_380, %add3A_377, %select_n3A_327 : vector<16xi1>, vector<16xi32>
        %select_n3A_384 = arith.select %gt3A_379, %select_n3A_329, %select_n3A_383 : vector<16xi1>, vector<16xi32>
        %max3A_385 = arith.maximumf %gather3A_378, %max3A_328 : vector<16xf32>
        %select_n3A_386 = arith.select %gt3A_379, %add3A_377, %select_n3A_329 : vector<16xi1>, vector<16xi32>
        %add3A_387 = arith.constant 96 : i32
        %add3A_388 = vector.broadcast %add3A_387 : i32 to vector<16xi32>
        %add3A_389 = arith.addi %and3A_350, %add3A_388 : vector<16xi32>
        %gather3A_390 = tpu.vector_load_idx %arg8[%add3A_69, %add3A_389] : memref<128x128xf32, #tpu.memory_space<vmem>>[vector<16xi32>, vector<16xi32>], vector<16xf32>,
        %gt3A_391 = arith.cmpf ogt, %gather3A_390, %max3A_340 : vector<16xf32>
        %gt3A_392 = arith.cmpf ogt, %gather3A_390, %select_n3A_337 : vector<16xf32>
        %select_n3A_393 = arith.select %gt3A_392, %gather3A_390, %select_n3A_337 : vector<16xi1>, vector<16xf32>
        %select_n3A_394 = arith.select %gt3A_391, %max3A_340, %select_n3A_393 : vector<16xi1>, vector<16xf32>
        %select_n3A_395 = arith.select %gt3A_392, %add3A_389, %select_n3A_339 : vector<16xi1>, vector<16xi32>
        %select_n3A_396 = arith.select %gt3A_391, %select_n3A_341, %select_n3A_395 : vector<16xi1>, vector<16xi32>
        %max3A_397 = arith.maximumf %gather3A_390, %max3A_340 : vector<16xf32>
        %select_n3A_398 = arith.select %gt3A_391, %add3A_389, %select_n3A_341 : vector<16xi1>, vector<16xi32>
        scf.yield %max3A_361, %select_n3A_362, %select_n3A_358, %select_n3A_360, %max3A_373, %select_n3A_374, %select_n3A_370, %select_n3A_372, %max3A_385, %select_n3A_386, %select_n3A_382, %select_n3A_384, %max3A_397, %select_n3A_398, %select_n3A_394, %select_n3A_396 : vector<16xf32>, vector<16xi32>, vector<16xf32>, vector<16xi32>, vector<16xf32>, vector<16xi32>, vector<16xf32>, vector<16xi32>, vector<16xf32>, vector<16xi32>, vector<16xf32>, vector<16xi32>, vector<16xf32>, vector<16xi32>, vector<16xf32>, vector<16xi32>
      }
      %scan3A_75 = arith.constant 8 : i32
      %gt3A = arith.cmpf ogt, %scan3A_74#4, %scan3A_74#0 : vector<16xf32>
      %select_n3A = arith.select %gt3A, %scan3A_74#4, %scan3A_74#0 : vector<16xi1>, vector<16xf32>
      %select_n3A_76 = arith.select %gt3A, %scan3A_74#5, %scan3A_74#1 : vector<16xi1>, vector<16xi32>
      %select_n3A_77 = arith.select %gt3A, %scan3A_74#0, %scan3A_74#4 : vector<16xi1>, vector<16xf32>
      %select_n3A_78 = arith.select %gt3A, %scan3A_74#1, %scan3A_74#5 : vector<16xi1>, vector<16xi32>
      %select_n3A_79 = arith.select %gt3A, %scan3A_74#6, %scan3A_74#2 : vector<16xi1>, vector<16xf32>
      %select_n3A_80 = arith.select %gt3A, %scan3A_74#7, %scan3A_74#3 : vector<16xi1>, vector<16xi32>
      %gt3A_81 = arith.cmpf ogt, %select_n3A_79, %select_n3A_77 : vector<16xf32>
      %select_n3A_82 = arith.select %gt3A_81, %select_n3A_79, %select_n3A_77 : vector<16xi1>, vector<16xf32>
      %select_n3A_83 = arith.select %gt3A_81, %select_n3A_80, %select_n3A_78 : vector<16xi1>, vector<16xi32>
      %gt3A_84 = arith.cmpf ogt, %scan3A_74#12, %scan3A_74#8 : vector<16xf32>
      %select_n3A_85 = arith.select %gt3A_84, %scan3A_74#12, %scan3A_74#8 : vector<16xi1>, vector<16xf32>
      %select_n3A_86 = arith.select %gt3A_84, %scan3A_74#13, %scan3A_74#9 : vector<16xi1>, vector<16xi32>
      %select_n3A_87 = arith.select %gt3A_84, %scan3A_74#8, %scan3A_74#12 : vector<16xi1>, vector<16xf32>
      %select_n3A_88 = arith.select %gt3A_84, %scan3A_74#9, %scan3A_74#13 : vector<16xi1>, vector<16xi32>
      %select_n3A_89 = arith.select %gt3A_84, %scan3A_74#14, %scan3A_74#10 : vector<16xi1>, vector<16xf32>
      %select_n3A_90 = arith.select %gt3A_84, %scan3A_74#15, %scan3A_74#11 : vector<16xi1>, vector<16xi32>
      %gt3A_91 = arith.cmpf ogt, %select_n3A_89, %select_n3A_87 : vector<16xf32>
      %select_n3A_92 = arith.select %gt3A_91, %select_n3A_89, %select_n3A_87 : vector<16xi1>, vector<16xf32>
      %select_n3A_93 = arith.select %gt3A_91, %select_n3A_90, %select_n3A_88 : vector<16xi1>, vector<16xi32>
      %gt3A_94 = arith.cmpf ogt, %select_n3A_85, %select_n3A : vector<16xf32>
      %select_n3A_95 = arith.select %gt3A_94, %select_n3A_85, %select_n3A : vector<16xi1>, vector<16xf32>
      %select_n3A_96 = arith.select %gt3A_94, %select_n3A_86, %select_n3A_76 : vector<16xi1>, vector<16xi32>
      %select_n3A_97 = arith.select %gt3A_94, %select_n3A, %select_n3A_85 : vector<16xi1>, vector<16xf32>
      %select_n3A_98 = arith.select %gt3A_94, %select_n3A_76, %select_n3A_86 : vector<16xi1>, vector<16xi32>
      %select_n3A_99 = arith.select %gt3A_94, %select_n3A_92, %select_n3A_82 : vector<16xi1>, vector<16xf32>
      %select_n3A_100 = arith.select %gt3A_94, %select_n3A_93, %select_n3A_83 : vector<16xi1>, vector<16xi32>
      %gt3A_101 = arith.cmpf ogt, %select_n3A_99, %select_n3A_97 : vector<16xf32>
      %select_n3A_102 = arith.select %gt3A_101, %select_n3A_99, %select_n3A_97 : vector<16xi1>, vector<16xf32>
      %select_n3A_103 = arith.select %gt3A_101, %select_n3A_100, %select_n3A_98 : vector<16xi1>, vector<16xi32>
      %scan3A_104 = arith.constant 0 : i32
      %scan3A_105 = arith.constant 8 : i32
      %scan3A_106 = arith.addi %scan3A_104, %scan3A_105 : i32
      %scan3A_107 = arith.constant 1 : i32
      %scan3A_108:4 = scf.for %scan3A_156 = %scan3A_104 to %scan3A_106 step %scan3A_107 iter_args(%scan3A_157 = %broadcast_in_dim3A_7, %scan3A_158 = %broadcast_in_dim3A_7, %scan3A_159 = %broadcast_in_dim3A_7, %scan3A_160 = %broadcast_in_dim3A_7) -> (vector<16xf32>, vector<16xf32>, vector<16xf32>, vector<16xf32>)  : i32 {
        %mul3A_161 = arith.constant 4 : i32
        %mul3A_162 = arith.muli %scan3A_156, %mul3A_161 : i32
        %add3A_163 = arith.constant 0 : i32
        %add3A_164 = arith.addi %mul3A_162, %add3A_163 : i32
        %add3A_165 = vector.broadcast %add3A_164 : i32 to vector<16xi32>
        %add3A_166 = arith.addi %iota3A, %add3A_165 : vector<16xi32>
        %and3A_167 = arith.constant 31 : i32
        %and3A_168 = vector.broadcast %and3A_167 : i32 to vector<16xi32>
        %and3A_169 = arith.andi %add3A_166, %and3A_168 : vector<16xi32>
        %add3A_170 = arith.constant 0 : i32
        %add3A_171 = vector.broadcast %add3A_170 : i32 to vector<16xi32>
        %add3A_172 = arith.addi %and3A_169, %add3A_171 : vector<16xi32>
        %gather3A = tpu.vector_load_idx %arg8[%add3A_69, %add3A_172] : memref<128x128xf32, #tpu.memory_space<vmem>>[vector<16xi32>, vector<16xi32>], vector<16xf32>,
        %sub3A_173 = arith.subf %gather3A, %select_n3A_95 : vector<16xf32>
        %exp3A_174 = math.exp %sub3A_173 : vector<16xf32>
        %add3A_175 = arith.addf %scan3A_157, %exp3A_174 : vector<16xf32>
        %add3A_176 = arith.constant 32 : i32
        %add3A_177 = vector.broadcast %add3A_176 : i32 to vector<16xi32>
        %add3A_178 = arith.addi %and3A_169, %add3A_177 : vector<16xi32>
        %gather3A_179 = tpu.vector_load_idx %arg8[%add3A_69, %add3A_178] : memref<128x128xf32, #tpu.memory_space<vmem>>[vector<16xi32>, vector<16xi32>], vector<16xf32>,
        %sub3A_180 = arith.subf %gather3A_179, %select_n3A_95 : vector<16xf32>
        %exp3A_181 = math.exp %sub3A_180 : vector<16xf32>
        %add3A_182 = arith.addf %scan3A_158, %exp3A_181 : vector<16xf32>
        %add3A_183 = arith.constant 64 : i32
        %add3A_184 = vector.broadcast %add3A_183 : i32 to vector<16xi32>
        %add3A_185 = arith.addi %and3A_169, %add3A_184 : vector<16xi32>
        %gather3A_186 = tpu.vector_load_idx %arg8[%add3A_69, %add3A_185] : memref<128x128xf32, #tpu.memory_space<vmem>>[vector<16xi32>, vector<16xi32>], vector<16xf32>,
        %sub3A_187 = arith.subf %gather3A_186, %select_n3A_95 : vector<16xf32>
        %exp3A_188 = math.exp %sub3A_187 : vector<16xf32>
        %add3A_189 = arith.addf %scan3A_159, %exp3A_188 : vector<16xf32>
        %add3A_190 = arith.constant 96 : i32
        %add3A_191 = vector.broadcast %add3A_190 : i32 to vector<16xi32>
        %add3A_192 = arith.addi %and3A_169, %add3A_191 : vector<16xi32>
        %gather3A_193 = tpu.vector_load_idx %arg8[%add3A_69, %add3A_192] : memref<128x128xf32, #tpu.memory_space<vmem>>[vector<16xi32>, vector<16xi32>], vector<16xf32>,
        %sub3A_194 = arith.subf %gather3A_193, %select_n3A_95 : vector<16xf32>
        %exp3A_195 = math.exp %sub3A_194 : vector<16xf32>
        %add3A_196 = arith.addf %scan3A_160, %exp3A_195 : vector<16xf32>
        %mul3A_197 = arith.constant 4 : i32
        %mul3A_198 = arith.muli %scan3A_156, %mul3A_197 : i32
        %add3A_199 = arith.constant 1 : i32
        %add3A_200 = arith.addi %mul3A_198, %add3A_199 : i32
        %add3A_201 = vector.broadcast %add3A_200 : i32 to vector<16xi32>
        %add3A_202 = arith.addi %iota3A, %add3A_201 : vector<16xi32>
        %and3A_203 = arith.constant 31 : i32
        %and3A_204 = vector.broadcast %and3A_203 : i32 to vector<16xi32>
        %and3A_205 = arith.andi %add3A_202, %and3A_204 : vector<16xi32>
        %add3A_206 = arith.constant 0 : i32
        %add3A_207 = vector.broadcast %add3A_206 : i32 to vector<16xi32>
        %add3A_208 = arith.addi %and3A_205, %add3A_207 : vector<16xi32>
        %gather3A_209 = tpu.vector_load_idx %arg8[%add3A_69, %add3A_208] : memref<128x128xf32, #tpu.memory_space<vmem>>[vector<16xi32>, vector<16xi32>], vector<16xf32>,
        %sub3A_210 = arith.subf %gather3A_209, %select_n3A_95 : vector<16xf32>
        %exp3A_211 = math.exp %sub3A_210 : vector<16xf32>
        %add3A_212 = arith.addf %add3A_175, %exp3A_211 : vector<16xf32>
        %add3A_213 = arith.constant 32 : i32
        %add3A_214 = vector.broadcast %add3A_213 : i32 to vector<16xi32>
        %add3A_215 = arith.addi %and3A_205, %add3A_214 : vector<16xi32>
        %gather3A_216 = tpu.vector_load_idx %arg8[%add3A_69, %add3A_215] : memref<128x128xf32, #tpu.memory_space<vmem>>[vector<16xi32>, vector<16xi32>], vector<16xf32>,
        %sub3A_217 = arith.subf %gather3A_216, %select_n3A_95 : vector<16xf32>
        %exp3A_218 = math.exp %sub3A_217 : vector<16xf32>
        %add3A_219 = arith.addf %add3A_182, %exp3A_218 : vector<16xf32>
        %add3A_220 = arith.constant 64 : i32
        %add3A_221 = vector.broadcast %add3A_220 : i32 to vector<16xi32>
        %add3A_222 = arith.addi %and3A_205, %add3A_221 : vector<16xi32>
        %gather3A_223 = tpu.vector_load_idx %arg8[%add3A_69, %add3A_222] : memref<128x128xf32, #tpu.memory_space<vmem>>[vector<16xi32>, vector<16xi32>], vector<16xf32>,
        %sub3A_224 = arith.subf %gather3A_223, %select_n3A_95 : vector<16xf32>
        %exp3A_225 = math.exp %sub3A_224 : vector<16xf32>
        %add3A_226 = arith.addf %add3A_189, %exp3A_225 : vector<16xf32>
        %add3A_227 = arith.constant 96 : i32
        %add3A_228 = vector.broadcast %add3A_227 : i32 to vector<16xi32>
        %add3A_229 = arith.addi %and3A_205, %add3A_228 : vector<16xi32>
        %gather3A_230 = tpu.vector_load_idx %arg8[%add3A_69, %add3A_229] : memref<128x128xf32, #tpu.memory_space<vmem>>[vector<16xi32>, vector<16xi32>], vector<16xf32>,
        %sub3A_231 = arith.subf %gather3A_230, %select_n3A_95 : vector<16xf32>
        %exp3A_232 = math.exp %sub3A_231 : vector<16xf32>
        %add3A_233 = arith.addf %add3A_196, %exp3A_232 : vector<16xf32>
        %mul3A_234 = arith.constant 4 : i32
        %mul3A_235 = arith.muli %scan3A_156, %mul3A_234 : i32
        %add3A_236 = arith.constant 2 : i32
        %add3A_237 = arith.addi %mul3A_235, %add3A_236 : i32
        %add3A_238 = vector.broadcast %add3A_237 : i32 to vector<16xi32>
        %add3A_239 = arith.addi %iota3A, %add3A_238 : vector<16xi32>
        %and3A_240 = arith.constant 31 : i32
        %and3A_241 = vector.broadcast %and3A_240 : i32 to vector<16xi32>
        %and3A_242 = arith.andi %add3A_239, %and3A_241 : vector<16xi32>
        %add3A_243 = arith.constant 0 : i32
        %add3A_244 = vector.broadcast %add3A_243 : i32 to vector<16xi32>
        %add3A_245 = arith.addi %and3A_242, %add3A_244 : vector<16xi32>
        %gather3A_246 = tpu.vector_load_idx %arg8[%add3A_69, %add3A_245] : memref<128x128xf32, #tpu.memory_space<vmem>>[vector<16xi32>, vector<16xi32>], vector<16xf32>,
        %sub3A_247 = arith.subf %gather3A_246, %select_n3A_95 : vector<16xf32>
        %exp3A_248 = math.exp %sub3A_247 : vector<16xf32>
        %add3A_249 = arith.addf %add3A_212, %exp3A_248 : vector<16xf32>
        %add3A_250 = arith.constant 32 : i32
        %add3A_251 = vector.broadcast %add3A_250 : i32 to vector<16xi32>
        %add3A_252 = arith.addi %and3A_242, %add3A_251 : vector<16xi32>
        %gather3A_253 = tpu.vector_load_idx %arg8[%add3A_69, %add3A_252] : memref<128x128xf32, #tpu.memory_space<vmem>>[vector<16xi32>, vector<16xi32>], vector<16xf32>,
        %sub3A_254 = arith.subf %gather3A_253, %select_n3A_95 : vector<16xf32>
        %exp3A_255 = math.exp %sub3A_254 : vector<16xf32>
        %add3A_256 = arith.addf %add3A_219, %exp3A_255 : vector<16xf32>
        %add3A_257 = arith.constant 64 : i32
        %add3A_258 = vector.broadcast %add3A_257 : i32 to vector<16xi32>
        %add3A_259 = arith.addi %and3A_242, %add3A_258 : vector<16xi32>
        %gather3A_260 = tpu.vector_load_idx %arg8[%add3A_69, %add3A_259] : memref<128x128xf32, #tpu.memory_space<vmem>>[vector<16xi32>, vector<16xi32>], vector<16xf32>,
        %sub3A_261 = arith.subf %gather3A_260, %select_n3A_95 : vector<16xf32>
        %exp3A_262 = math.exp %sub3A_261 : vector<16xf32>
        %add3A_263 = arith.addf %add3A_226, %exp3A_262 : vector<16xf32>
        %add3A_264 = arith.constant 96 : i32
        %add3A_265 = vector.broadcast %add3A_264 : i32 to vector<16xi32>
        %add3A_266 = arith.addi %and3A_242, %add3A_265 : vector<16xi32>
        %gather3A_267 = tpu.vector_load_idx %arg8[%add3A_69, %add3A_266] : memref<128x128xf32, #tpu.memory_space<vmem>>[vector<16xi32>, vector<16xi32>], vector<16xf32>,
        %sub3A_268 = arith.subf %gather3A_267, %select_n3A_95 : vector<16xf32>
        %exp3A_269 = math.exp %sub3A_268 : vector<16xf32>
        %add3A_270 = arith.addf %add3A_233, %exp3A_269 : vector<16xf32>
        %mul3A_271 = arith.constant 4 : i32
        %mul3A_272 = arith.muli %scan3A_156, %mul3A_271 : i32
        %add3A_273 = arith.constant 3 : i32
        %add3A_274 = arith.addi %mul3A_272, %add3A_273 : i32
        %add3A_275 = vector.broadcast %add3A_274 : i32 to vector<16xi32>
        %add3A_276 = arith.addi %iota3A, %add3A_275 : vector<16xi32>
        %and3A_277 = arith.constant 31 : i32
        %and3A_278 = vector.broadcast %and3A_277 : i32 to vector<16xi32>
        %and3A_279 = arith.andi %add3A_276, %and3A_278 : vector<16xi32>
        %add3A_280 = arith.constant 0 : i32
        %add3A_281 = vector.broadcast %add3A_280 : i32 to vector<16xi32>
        %add3A_282 = arith.addi %and3A_279, %add3A_281 : vector<16xi32>
        %gather3A_283 = tpu.vector_load_idx %arg8[%add3A_69, %add3A_282] : memref<128x128xf32, #tpu.memory_space<vmem>>[vector<16xi32>, vector<16xi32>], vector<16xf32>,
        %sub3A_284 = arith.subf %gather3A_283, %select_n3A_95 : vector<16xf32>
        %exp3A_285 = math.exp %sub3A_284 : vector<16xf32>
        %add3A_286 = arith.addf %add3A_249, %exp3A_285 : vector<16xf32>
        %add3A_287 = arith.constant 32 : i32
        %add3A_288 = vector.broadcast %add3A_287 : i32 to vector<16xi32>
        %add3A_289 = arith.addi %and3A_279, %add3A_288 : vector<16xi32>
        %gather3A_290 = tpu.vector_load_idx %arg8[%add3A_69, %add3A_289] : memref<128x128xf32, #tpu.memory_space<vmem>>[vector<16xi32>, vector<16xi32>], vector<16xf32>,
        %sub3A_291 = arith.subf %gather3A_290, %select_n3A_95 : vector<16xf32>
        %exp3A_292 = math.exp %sub3A_291 : vector<16xf32>
        %add3A_293 = arith.addf %add3A_256, %exp3A_292 : vector<16xf32>
        %add3A_294 = arith.constant 64 : i32
        %add3A_295 = vector.broadcast %add3A_294 : i32 to vector<16xi32>
        %add3A_296 = arith.addi %and3A_279, %add3A_295 : vector<16xi32>
        %gather3A_297 = tpu.vector_load_idx %arg8[%add3A_69, %add3A_296] : memref<128x128xf32, #tpu.memory_space<vmem>>[vector<16xi32>, vector<16xi32>], vector<16xf32>,
        %sub3A_298 = arith.subf %gather3A_297, %select_n3A_95 : vector<16xf32>
        %exp3A_299 = math.exp %sub3A_298 : vector<16xf32>
        %add3A_300 = arith.addf %add3A_263, %exp3A_299 : vector<16xf32>
        %add3A_301 = arith.constant 96 : i32
        %add3A_302 = vector.broadcast %add3A_301 : i32 to vector<16xi32>
        %add3A_303 = arith.addi %and3A_279, %add3A_302 : vector<16xi32>
        %gather3A_304 = tpu.vector_load_idx %arg8[%add3A_69, %add3A_303] : memref<128x128xf32, #tpu.memory_space<vmem>>[vector<16xi32>, vector<16xi32>], vector<16xf32>,
        %sub3A_305 = arith.subf %gather3A_304, %select_n3A_95 : vector<16xf32>
        %exp3A_306 = math.exp %sub3A_305 : vector<16xf32>
        %add3A_307 = arith.addf %add3A_270, %exp3A_306 : vector<16xf32>
        scf.yield %add3A_286, %add3A_293, %add3A_300, %add3A_307 : vector<16xf32>, vector<16xf32>, vector<16xf32>, vector<16xf32>
      }
      %scan3A_109 = arith.constant 8 : i32
      %add3A_110 = arith.addf %scan3A_108#0, %scan3A_108#1 : vector<16xf32>
      %add3A_111 = arith.addf %scan3A_108#2, %scan3A_108#3 : vector<16xf32>
      %add3A_112 = arith.addf %add3A_110, %add3A_111 : vector<16xf32>
      %mul3A_113 = arith.constant 128 : i32
      %mul3A_114 = arith.muli %add3A_54, %mul3A_113 : i32
      %mul3A_115 = arith.constant 16 : i32
      %mul3A_116 = arith.muli %scan3A_65, %mul3A_115 : i32
      %add3A_117 = arith.addi %mul3A_114, %mul3A_116 : i32
      %div3A = arith.constant 1.000000e+00 : f32
      %div3A_118 = vector.broadcast %div3A : f32 to vector<16xf32>
      %div3A_119 = arith.divf %div3A_118, %add3A_112 : vector<16xf32>
      %sub3A = arith.subf %select_n3A_102, %select_n3A_95 : vector<16xf32>
      %exp3A = math.exp %sub3A : vector<16xf32>
      %div3A_120 = arith.divf %exp3A, %add3A_112 : vector<16xf32>
      %mul3A_121 = arith.constant 16 : i32
      %mul3A_122 = arith.muli %scan3A_65, %mul3A_121 : i32
      %add3A_123 = arith.addi %add3A_57, %mul3A_122 : i32
      %jit3A = arith.constant 64 : i32
      %div3A_124 = arith.divsi %add3A_123, %jit3A : i32
      %sign3A = arith.constant 0 : i32
      %sign3A_125 = arith.cmpi sgt, %add3A_123, %sign3A : i32
      %sign3A_126 = arith.extui %sign3A_125 : i1 to i32
      %sign3A_127 = arith.constant 0 : i32
      %sign3A_128 = arith.cmpi slt, %add3A_123, %sign3A_127 : i32
      %sign3A_129 = arith.extui %sign3A_128 : i1 to i32
      %sign3A_130 = arith.subi %sign3A_126, %sign3A_129 : i32
      %sign3A_131 = arith.constant 0 : i32
      %sign3A_132 = arith.cmpi sgt, %jit3A, %sign3A_131 : i32
      %sign3A_133 = arith.extui %sign3A_132 : i1 to i32
      %sign3A_134 = arith.constant 0 : i32
      %sign3A_135 = arith.cmpi slt, %jit3A, %sign3A_134 : i32
      %sign3A_136 = arith.extui %sign3A_135 : i1 to i32
      %sign3A_137 = arith.subi %sign3A_133, %sign3A_136 : i32
      %ne3A = arith.cmpi ne, %sign3A_130, %sign3A_137 : i32
      %rem3A = arith.remsi %add3A_123, %jit3A : i32
      %ne3A_138 = arith.constant 0 : i32
      %ne3A_139 = arith.cmpi ne, %rem3A, %ne3A_138 : i32
      %and3A = arith.andi %ne3A, %ne3A_139 : i1
      %sub3A_140 = arith.constant 1 : i32
      %sub3A_141 = arith.subi %div3A_124, %sub3A_140 : i32
      %select_n3A_142 = arith.select %and3A, %sub3A_141, %div3A_124 : i32
      %mul3A_143 = arith.constant 128 : i32
      %mul3A_144 = arith.muli %select_n3A_142, %mul3A_143 : i32
      %add3A_145 = vector.broadcast %mul3A_144 : i32 to vector<16xi32>
      %add3A_146 = arith.addi %select_n3A_96, %add3A_145 : vector<16xi32>
      %swap3A = arith.index_cast %add3A_117 : i32 to index
      %swap3A_147 = tpu.vector_load %arg9[%swap3A] {strides = array<i32>} : memref<256xi32, #tpu.memory_space<vmem>>, vector<16xi32>,
      tpu.vector_store %arg9[%swap3A], %add3A_146 {strides = array<i32>} : memref<256xi32, #tpu.memory_space<vmem>>, vector<16xi32>,
      %add3A_148 = vector.broadcast %mul3A_144 : i32 to vector<16xi32>
      %add3A_149 = arith.addi %select_n3A_103, %add3A_148 : vector<16xi32>
      %swap3A_150 = arith.index_cast %add3A_117 : i32 to index
      %swap3A_151 = tpu.vector_load %arg10[%swap3A_150] {strides = array<i32>} : memref<256xi32, #tpu.memory_space<vmem>>, vector<16xi32>,
      tpu.vector_store %arg10[%swap3A_150], %add3A_149 {strides = array<i32>} : memref<256xi32, #tpu.memory_space<vmem>>, vector<16xi32>,
      %swap3A_152 = arith.index_cast %add3A_117 : i32 to index
      %swap3A_153 = tpu.vector_load %arg11[%swap3A_152] {strides = array<i32>} : memref<256xf32, #tpu.memory_space<vmem>>, vector<16xf32>,
      tpu.vector_store %arg11[%swap3A_152], %div3A_119 {strides = array<i32>} : memref<256xf32, #tpu.memory_space<vmem>>, vector<16xf32>,
      %swap3A_154 = arith.index_cast %add3A_117 : i32 to index
      %swap3A_155 = tpu.vector_load %arg12[%swap3A_154] {strides = array<i32>} : memref<256xf32, #tpu.memory_space<vmem>>, vector<16xf32>,
      tpu.vector_store %arg12[%swap3A_154], %div3A_120 {strides = array<i32>} : memref<256xf32, #tpu.memory_space<vmem>>, vector<16xf32>,
    }
    %scan3A_63 = arith.constant 8 : i32
    %scan3A_64 = arith.constant 1 : i32
    "tpu.region"() ({
      %run_scoped3A = tpu.sem_alloc : memref<!tpu.dma_semaphore, #tpu.memory_space<semaphore_mem>>
      %dma_start3A_65 = tpu.memref_slice %arg3[%mul3A_2] : memref<8192xi32, #tpu.memory_space<hbm>> -> memref<256xi32, #tpu.memory_space<hbm>>
      %dma_start3A_66 = tpu.memref_slice %arg3[%mul3A_2] : memref<8192xi32, #tpu.memory_space<hbm>> -> memref<256xi32, #tpu.memory_space<hbm>>
      tpu.enqueue_dma source(%arg9 : memref<256xi32, #tpu.memory_space<vmem>>) target(%dma_start3A_66 : memref<256xi32, #tpu.memory_space<hbm>>) target_semaphore(%run_scoped3A : memref<!tpu.dma_semaphore, #tpu.memory_space<semaphore_mem>>)
      %dma_wait3A_67 = tpu.memref_slice %arg3[%mul3A_2] : memref<8192xi32, #tpu.memory_space<hbm>> -> memref<256xi32, #tpu.memory_space<hbm>>
      %dma_wait3A_68 = tpu.memref_slice %arg3[%mul3A_2] : memref<8192xi32, #tpu.memory_space<hbm>> -> memref<256xi32, #tpu.memory_space<hbm>>
      tpu.wait_dma2 semaphore(%run_scoped3A : memref<!tpu.dma_semaphore, #tpu.memory_space<semaphore_mem>>) src(%arg9 : memref<256xi32, #tpu.memory_space<vmem>>) dst(%dma_wait3A_68 : memref<256xi32, #tpu.memory_space<hbm>>)
      tpu.yield
    }) : () -> ()
    "tpu.region"() ({
      %run_scoped3A = tpu.sem_alloc : memref<!tpu.dma_semaphore, #tpu.memory_space<semaphore_mem>>
      %dma_start3A_65 = tpu.memref_slice %arg4[%mul3A_2] : memref<8192xi32, #tpu.memory_space<hbm>> -> memref<256xi32, #tpu.memory_space<hbm>>
      %dma_start3A_66 = tpu.memref_slice %arg4[%mul3A_2] : memref<8192xi32, #tpu.memory_space<hbm>> -> memref<256xi32, #tpu.memory_space<hbm>>
      tpu.enqueue_dma source(%arg10 : memref<256xi32, #tpu.memory_space<vmem>>) target(%dma_start3A_66 : memref<256xi32, #tpu.memory_space<hbm>>) target_semaphore(%run_scoped3A : memref<!tpu.dma_semaphore, #tpu.memory_space<semaphore_mem>>)
      %dma_wait3A_67 = tpu.memref_slice %arg4[%mul3A_2] : memref<8192xi32, #tpu.memory_space<hbm>> -> memref<256xi32, #tpu.memory_space<hbm>>
      %dma_wait3A_68 = tpu.memref_slice %arg4[%mul3A_2] : memref<8192xi32, #tpu.memory_space<hbm>> -> memref<256xi32, #tpu.memory_space<hbm>>
      tpu.wait_dma2 semaphore(%run_scoped3A : memref<!tpu.dma_semaphore, #tpu.memory_space<semaphore_mem>>) src(%arg10 : memref<256xi32, #tpu.memory_space<vmem>>) dst(%dma_wait3A_68 : memref<256xi32, #tpu.memory_space<hbm>>)
      tpu.yield
    }) : () -> ()
    "tpu.region"() ({
      %run_scoped3A = tpu.sem_alloc : memref<!tpu.dma_semaphore, #tpu.memory_space<semaphore_mem>>
      %dma_start3A_65 = tpu.memref_slice %arg5[%mul3A_2] : memref<8192xf32, #tpu.memory_space<hbm>> -> memref<256xf32, #tpu.memory_space<hbm>>
      %dma_start3A_66 = tpu.memref_slice %arg5[%mul3A_2] : memref<8192xf32, #tpu.memory_space<hbm>> -> memref<256xf32, #tpu.memory_space<hbm>>
      tpu.enqueue_dma source(%arg11 : memref<256xf32, #tpu.memory_space<vmem>>) target(%dma_start3A_66 : memref<256xf32, #tpu.memory_space<hbm>>) target_semaphore(%run_scoped3A : memref<!tpu.dma_semaphore, #tpu.memory_space<semaphore_mem>>)
      %dma_wait3A_67 = tpu.memref_slice %arg5[%mul3A_2] : memref<8192xf32, #tpu.memory_space<hbm>> -> memref<256xf32, #tpu.memory_space<hbm>>
      %dma_wait3A_68 = tpu.memref_slice %arg5[%mul3A_2] : memref<8192xf32, #tpu.memory_space<hbm>> -> memref<256xf32, #tpu.memory_space<hbm>>
      tpu.wait_dma2 semaphore(%run_scoped3A : memref<!tpu.dma_semaphore, #tpu.memory_space<semaphore_mem>>) src(%arg11 : memref<256xf32, #tpu.memory_space<vmem>>) dst(%dma_wait3A_68 : memref<256xf32, #tpu.memory_space<hbm>>)
      tpu.yield
    }) : () -> ()
    "tpu.region"() ({
      %run_scoped3A = tpu.sem_alloc : memref<!tpu.dma_semaphore, #tpu.memory_space<semaphore_mem>>
      %dma_start3A_65 = tpu.memref_slice %arg6[%mul3A_2] : memref<8192xf32, #tpu.memory_space<hbm>> -> memref<256xf32, #tpu.memory_space<hbm>>
      %dma_start3A_66 = tpu.memref_slice %arg6[%mul3A_2] : memref<8192xf32, #tpu.memory_space<hbm>> -> memref<256xf32, #tpu.memory_space<hbm>>
      tpu.enqueue_dma source(%arg12 : memref<256xf32, #tpu.memory_space<vmem>>) target(%dma_start3A_66 : memref<256xf32, #tpu.memory_space<hbm>>) target_semaphore(%run_scoped3A : memref<!tpu.dma_semaphore, #tpu.memory_space<semaphore_mem>>)
      %dma_wait3A_67 = tpu.memref_slice %arg6[%mul3A_2] : memref<8192xf32, #tpu.memory_space<hbm>> -> memref<256xf32, #tpu.memory_space<hbm>>
      %dma_wait3A_68 = tpu.memref_slice %arg6[%mul3A_2] : memref<8192xf32, #tpu.memory_space<hbm>> -> memref<256xf32, #tpu.memory_space<hbm>>
      tpu.wait_dma2 semaphore(%run_scoped3A : memref<!tpu.dma_semaphore, #tpu.memory_space<semaphore_mem>>) src(%arg12 : memref<256xf32, #tpu.memory_space<vmem>>) dst(%dma_wait3A_68 : memref<256xf32, #tpu.memory_space<hbm>>)
      tpu.yield
    }) : () -> ()
    return
  }
}

#map = affine_map<(d0, d1) -> (0, 0)>
#map1 = affine_map<(d0, d1) -> (0)>
module attributes {stable_mosaic.version = 14 : i64} {
  func.func @k(%arg0: i32, %arg1: i32, %arg2: memref<24576x128xf32, #tpu.memory_space<hbm>>, %arg3: memref<24576xi32, #tpu.memory_space<hbm>>, %arg4: memref<24576xi32, #tpu.memory_space<hbm>>, %arg5: memref<24576xf32, #tpu.memory_space<hbm>>, %arg6: memref<24576xf32, #tpu.memory_space<hbm>>, %arg7: memref<128x128xf32, #tpu.memory_space<vmem>>, %arg8: memref<128x128xf32, #tpu.memory_space<vmem>>, %arg9: memref<768xi32, #tpu.memory_space<vmem>>, %arg10: memref<768xi32, #tpu.memory_space<vmem>>, %arg11: memref<768xf32, #tpu.memory_space<vmem>>, %arg12: memref<768xf32, #tpu.memory_space<vmem>>, %arg13: memref<!tpu.dma_semaphore, #tpu.memory_space<semaphore_mem>>, %arg14: memref<!tpu.dma_semaphore, #tpu.memory_space<semaphore_mem>>) attributes {dimension_semantics = [#tpu.dimension_semantics<core_parallel>, #tpu.dimension_semantics<subcore_parallel>], iteration_bounds = array<i64: 2, 16>, scalar_prefetch = 0 : i64, scratch_operands = 8 : i64, tpu.core_type = #tpu.core_type<sc_vector_subcore>, window_params = [{transform_indices = #map}, {transform_indices = #map1}, {transform_indices = #map1}, {transform_indices = #map1}, {transform_indices = #map1}]} {
    %mul3A = arith.constant 2 : i32
    %mul3A_0 = arith.muli %arg1, %mul3A : i32
    %add3A = arith.addi %mul3A_0, %arg0 : i32
    %mul3A_1 = arith.constant 768 : i32
    %mul3A_2 = arith.muli %add3A, %mul3A_1 : i32
    %iota3A = tpu.iota {dimensions = array<i32: 0>} : vector<16xi32>
    %broadcast_in_dim3A = arith.constant -3.000000e+38 : f32
    %broadcast_in_dim3A_3 = vector.broadcast %broadcast_in_dim3A : f32 to vector<16xf32>
    %broadcast_in_dim3A_4 = arith.constant 0 : i32
    %broadcast_in_dim3A_5 = vector.broadcast %broadcast_in_dim3A_4 : i32 to vector<16xi32>
    %broadcast_in_dim3A_6 = arith.constant 0.000000e+00 : f32
    %broadcast_in_dim3A_7 = vector.broadcast %broadcast_in_dim3A_6 : f32 to vector<16xf32>
    %add3A_8 = arith.constant 0 : i32
    %add3A_9 = arith.addi %mul3A_2, %add3A_8 : i32
    %dma_start3A = arith.constant 0 : i32
    %dma_start3A_10 = tpu.memref_slice %arg2[%add3A_9, %dma_start3A] : memref<24576x128xf32, #tpu.memory_space<hbm>> -> memref<128x128xf32, #tpu.memory_space<hbm>>
    %dma_start3A_11 = arith.constant 0 : i32
    %dma_start3A_12 = tpu.memref_slice %arg2[%add3A_9, %dma_start3A_11] : memref<24576x128xf32, #tpu.memory_space<hbm>> -> memref<128x128xf32, #tpu.memory_space<hbm>>
    tpu.enqueue_dma source(%dma_start3A_12 : memref<128x128xf32, #tpu.memory_space<hbm>>) target(%arg7 : memref<128x128xf32, #tpu.memory_space<vmem>>) target_semaphore(%arg13 : memref<!tpu.dma_semaphore, #tpu.memory_space<semaphore_mem>>)
    %scan3A = arith.constant 0 : i32
    %scan3A_13 = arith.constant 0 : i32
    %scan3A_14 = arith.constant 3 : i32
    %scan3A_15 = arith.addi %scan3A_13, %scan3A_14 : i32
    %scan3A_16 = arith.constant 1 : i32
    scf.for %scan3A_18 = %scan3A_13 to %scan3A_15 step %scan3A_16  : i32 {
      %mul3A_19 = arith.constant 2 : i32
      %mul3A_20 = arith.muli %mul3A_19, %scan3A_18 : i32
      %mul3A_21 = arith.constant 128 : i32
      %mul3A_22 = arith.muli %mul3A_20, %mul3A_21 : i32
      %add3A_23 = arith.addi %mul3A_2, %mul3A_22 : i32
      %dma_wait3A = arith.constant 0 : i32
      %dma_wait3A_24 = tpu.memref_slice %arg2[%add3A_23, %dma_wait3A] : memref<24576x128xf32, #tpu.memory_space<hbm>> -> memref<128x128xf32, #tpu.memory_space<hbm>>
      %dma_wait3A_25 = arith.constant 0 : i32
      %dma_wait3A_26 = tpu.memref_slice %arg2[%add3A_23, %dma_wait3A_25] : memref<24576x128xf32, #tpu.memory_space<hbm>> -> memref<128x128xf32, #tpu.memory_space<hbm>>
      tpu.wait_dma2 semaphore(%arg13 : memref<!tpu.dma_semaphore, #tpu.memory_space<semaphore_mem>>) src(%dma_wait3A_26 : memref<128x128xf32, #tpu.memory_space<hbm>>) dst(%arg7 : memref<128x128xf32, #tpu.memory_space<vmem>>)
      %add3A_27 = arith.constant 1 : i32
      %add3A_28 = arith.addi %mul3A_20, %add3A_27 : i32
      %mul3A_29 = arith.constant 128 : i32
      %mul3A_30 = arith.muli %add3A_28, %mul3A_29 : i32
      %add3A_31 = arith.addi %mul3A_2, %mul3A_30 : i32
      %dma_start3A_32 = arith.constant 0 : i32
      %dma_start3A_33 = tpu.memref_slice %arg2[%add3A_31, %dma_start3A_32] : memref<24576x128xf32, #tpu.memory_space<hbm>> -> memref<128x128xf32, #tpu.memory_space<hbm>>
      %dma_start3A_34 = arith.constant 0 : i32
      %dma_start3A_35 = tpu.memref_slice %arg2[%add3A_31, %dma_start3A_34] : memref<24576x128xf32, #tpu.memory_space<hbm>> -> memref<128x128xf32, #tpu.memory_space<hbm>>
      tpu.enqueue_dma source(%dma_start3A_35 : memref<128x128xf32, #tpu.memory_space<hbm>>) target(%arg8 : memref<128x128xf32, #tpu.memory_space<vmem>>) target_semaphore(%arg14 : memref<!tpu.dma_semaphore, #tpu.memory_space<semaphore_mem>>)
      %mul3A_36 = arith.constant 128 : i32
      %mul3A_37 = arith.muli %mul3A_20, %mul3A_36 : i32
      %add3A_38 = arith.addi %mul3A_2, %mul3A_37 : i32
      %scan3A_39 = arith.constant 0 : i32
      %scan3A_40 = arith.constant 0 : i32
      %scan3A_41 = arith.constant 8 : i32
      %scan3A_42 = arith.addi %scan3A_40, %scan3A_41 : i32
      %scan3A_43 = arith.constant 1 : i32
      scf.for %scan3A_69 = %scan3A_40 to %scan3A_42 step %scan3A_43  : i32 {
        %mul3A_70 = arith.constant 16 : i32
        %mul3A_71 = arith.muli %scan3A_69, %mul3A_70 : i32
        %add3A_72 = vector.broadcast %mul3A_71 : i32 to vector<16xi32>
        %add3A_73 = arith.addi %add3A_72, %iota3A : vector<16xi32>
        %scan3A_74 = arith.constant 0 : i32
        %scan3A_75 = arith.constant 8 : i32
        %scan3A_76 = arith.addi %scan3A_74, %scan3A_75 : i32
        %scan3A_77 = arith.constant 1 : i32
        %scan3A_78:16 = scf.for %scan3A_160 = %scan3A_74 to %scan3A_76 step %scan3A_77 iter_args(%scan3A_161 = %broadcast_in_dim3A_3, %scan3A_162 = %broadcast_in_dim3A_5, %scan3A_163 = %broadcast_in_dim3A_3, %scan3A_164 = %broadcast_in_dim3A_5, %scan3A_165 = %broadcast_in_dim3A_3, %scan3A_166 = %broadcast_in_dim3A_5, %scan3A_167 = %broadcast_in_dim3A_3, %scan3A_168 = %broadcast_in_dim3A_5, %scan3A_169 = %broadcast_in_dim3A_3, %scan3A_170 = %broadcast_in_dim3A_5, %scan3A_171 = %broadcast_in_dim3A_3, %scan3A_172 = %broadcast_in_dim3A_5, %scan3A_173 = %broadcast_in_dim3A_3, %scan3A_174 = %broadcast_in_dim3A_5, %scan3A_175 = %broadcast_in_dim3A_3, %scan3A_176 = %broadcast_in_dim3A_5) -> (vector<16xf32>, vector<16xi32>, vector<16xf32>, vector<16xi32>, vector<16xf32>, vector<16xi32>, vector<16xf32>, vector<16xi32>, vector<16xf32>, vector<16xi32>, vector<16xf32>, vector<16xi32>, vector<16xf32>, vector<16xi32>, vector<16xf32>, vector<16xi32>)  : i32 {
          %mul3A_177 = arith.constant 4 : i32
          %mul3A_178 = arith.muli %scan3A_160, %mul3A_177 : i32
          %add3A_179 = arith.constant 0 : i32
          %add3A_180 = arith.addi %mul3A_178, %add3A_179 : i32
          %add3A_181 = vector.broadcast %add3A_180 : i32 to vector<16xi32>
          %add3A_182 = arith.addi %iota3A, %add3A_181 : vector<16xi32>
          %and3A_183 = arith.constant 31 : i32
          %and3A_184 = vector.broadcast %and3A_183 : i32 to vector<16xi32>
          %and3A_185 = arith.andi %add3A_182, %and3A_184 : vector<16xi32>
          %add3A_186 = arith.constant 0 : i32
          %add3A_187 = vector.broadcast %add3A_186 : i32 to vector<16xi32>
          %add3A_188 = arith.addi %and3A_185, %add3A_187 : vector<16xi32>
          %gather3A = tpu.vector_load_idx %arg7[%add3A_73, %add3A_188] : memref<128x128xf32, #tpu.memory_space<vmem>>[vector<16xi32>, vector<16xi32>], vector<16xf32>,
          %gt3A_189 = arith.cmpf ogt, %gather3A, %scan3A_161 : vector<16xf32>
          %gt3A_190 = arith.cmpf ogt, %gather3A, %scan3A_163 : vector<16xf32>
          %select_n3A_191 = arith.select %gt3A_190, %gather3A, %scan3A_163 : vector<16xi1>, vector<16xf32>
          %select_n3A_192 = arith.select %gt3A_189, %scan3A_161, %select_n3A_191 : vector<16xi1>, vector<16xf32>
          %select_n3A_193 = arith.select %gt3A_190, %add3A_188, %scan3A_164 : vector<16xi1>, vector<16xi32>
          %select_n3A_194 = arith.select %gt3A_189, %scan3A_162, %select_n3A_193 : vector<16xi1>, vector<16xi32>
          %max3A = arith.maximumf %gather3A, %scan3A_161 : vector<16xf32>
          %select_n3A_195 = arith.select %gt3A_189, %add3A_188, %scan3A_162 : vector<16xi1>, vector<16xi32>
          %add3A_196 = arith.constant 32 : i32
          %add3A_197 = vector.broadcast %add3A_196 : i32 to vector<16xi32>
          %add3A_198 = arith.addi %and3A_185, %add3A_197 : vector<16xi32>
          %gather3A_199 = tpu.vector_load_idx %arg7[%add3A_73, %add3A_198] : memref<128x128xf32, #tpu.memory_space<vmem>>[vector<16xi32>, vector<16xi32>], vector<16xf32>,
          %gt3A_200 = arith.cmpf ogt, %gather3A_199, %scan3A_165 : vector<16xf32>
          %gt3A_201 = arith.cmpf ogt, %gather3A_199, %scan3A_167 : vector<16xf32>
          %select_n3A_202 = arith.select %gt3A_201, %gather3A_199, %scan3A_167 : vector<16xi1>, vector<16xf32>
          %select_n3A_203 = arith.select %gt3A_200, %scan3A_165, %select_n3A_202 : vector<16xi1>, vector<16xf32>
          %select_n3A_204 = arith.select %gt3A_201, %add3A_198, %scan3A_168 : vector<16xi1>, vector<16xi32>
          %select_n3A_205 = arith.select %gt3A_200, %scan3A_166, %select_n3A_204 : vector<16xi1>, vector<16xi32>
          %max3A_206 = arith.maximumf %gather3A_199, %scan3A_165 : vector<16xf32>
          %select_n3A_207 = arith.select %gt3A_200, %add3A_198, %scan3A_166 : vector<16xi1>, vector<16xi32>
          %add3A_208 = arith.constant 64 : i32
          %add3A_209 = vector.broadcast %add3A_208 : i32 to vector<16xi32>
          %add3A_210 = arith.addi %and3A_185, %add3A_209 : vector<16xi32>
          %gather3A_211 = tpu.vector_load_idx %arg7[%add3A_73, %add3A_210] : memref<128x128xf32, #tpu.memory_space<vmem>>[vector<16xi32>, vector<16xi32>], vector<16xf32>,
          %gt3A_212 = arith.cmpf ogt, %gather3A_211, %scan3A_169 : vector<16xf32>
          %gt3A_213 = arith.cmpf ogt, %gather3A_211, %scan3A_171 : vector<16xf32>
          %select_n3A_214 = arith.select %gt3A_213, %gather3A_211, %scan3A_171 : vector<16xi1>, vector<16xf32>
          %select_n3A_215 = arith.select %gt3A_212, %scan3A_169, %select_n3A_214 : vector<16xi1>, vector<16xf32>
          %select_n3A_216 = arith.select %gt3A_213, %add3A_210, %scan3A_172 : vector<16xi1>, vector<16xi32>
          %select_n3A_217 = arith.select %gt3A_212, %scan3A_170, %select_n3A_216 : vector<16xi1>, vector<16xi32>
          %max3A_218 = arith.maximumf %gather3A_211, %scan3A_169 : vector<16xf32>
          %select_n3A_219 = arith.select %gt3A_212, %add3A_210, %scan3A_170 : vector<16xi1>, vector<16xi32>
          %add3A_220 = arith.constant 96 : i32
          %add3A_221 = vector.broadcast %add3A_220 : i32 to vector<16xi32>
          %add3A_222 = arith.addi %and3A_185, %add3A_221 : vector<16xi32>
          %gather3A_223 = tpu.vector_load_idx %arg7[%add3A_73, %add3A_222] : memref<128x128xf32, #tpu.memory_space<vmem>>[vector<16xi32>, vector<16xi32>], vector<16xf32>,
          %gt3A_224 = arith.cmpf ogt, %gather3A_223, %scan3A_173 : vector<16xf32>
          %gt3A_225 = arith.cmpf ogt, %gather3A_223, %scan3A_175 : vector<16xf32>
          %select_n3A_226 = arith.select %gt3A_225, %gather3A_223, %scan3A_175 : vector<16xi1>, vector<16xf32>
          %select_n3A_227 = arith.select %gt3A_224, %scan3A_173, %select_n3A_226 : vector<16xi1>, vector<16xf32>
          %select_n3A_228 = arith.select %gt3A_225, %add3A_222, %scan3A_176 : vector<16xi1>, vector<16xi32>
          %select_n3A_229 = arith.select %gt3A_224, %scan3A_174, %select_n3A_228 : vector<16xi1>, vector<16xi32>
          %max3A_230 = arith.maximumf %gather3A_223, %scan3A_173 : vector<16xf32>
          %select_n3A_231 = arith.select %gt3A_224, %add3A_222, %scan3A_174 : vector<16xi1>, vector<16xi32>
          %mul3A_232 = arith.constant 4 : i32
          %mul3A_233 = arith.muli %scan3A_160, %mul3A_232 : i32
          %add3A_234 = arith.constant 1 : i32
          %add3A_235 = arith.addi %mul3A_233, %add3A_234 : i32
          %add3A_236 = vector.broadcast %add3A_235 : i32 to vector<16xi32>
          %add3A_237 = arith.addi %iota3A, %add3A_236 : vector<16xi32>
          %and3A_238 = arith.constant 31 : i32
          %and3A_239 = vector.broadcast %and3A_238 : i32 to vector<16xi32>
          %and3A_240 = arith.andi %add3A_237, %and3A_239 : vector<16xi32>
          %add3A_241 = arith.constant 0 : i32
          %add3A_242 = vector.broadcast %add3A_241 : i32 to vector<16xi32>
          %add3A_243 = arith.addi %and3A_240, %add3A_242 : vector<16xi32>
          %gather3A_244 = tpu.vector_load_idx %arg7[%add3A_73, %add3A_243] : memref<128x128xf32, #tpu.memory_space<vmem>>[vector<16xi32>, vector<16xi32>], vector<16xf32>,
          %gt3A_245 = arith.cmpf ogt, %gather3A_244, %max3A : vector<16xf32>
          %gt3A_246 = arith.cmpf ogt, %gather3A_244, %select_n3A_192 : vector<16xf32>
          %select_n3A_247 = arith.select %gt3A_246, %gather3A_244, %select_n3A_192 : vector<16xi1>, vector<16xf32>
          %select_n3A_248 = arith.select %gt3A_245, %max3A, %select_n3A_247 : vector<16xi1>, vector<16xf32>
          %select_n3A_249 = arith.select %gt3A_246, %add3A_243, %select_n3A_194 : vector<16xi1>, vector<16xi32>
          %select_n3A_250 = arith.select %gt3A_245, %select_n3A_195, %select_n3A_249 : vector<16xi1>, vector<16xi32>
          %max3A_251 = arith.maximumf %gather3A_244, %max3A : vector<16xf32>
          %select_n3A_252 = arith.select %gt3A_245, %add3A_243, %select_n3A_195 : vector<16xi1>, vector<16xi32>
          %add3A_253 = arith.constant 32 : i32
          %add3A_254 = vector.broadcast %add3A_253 : i32 to vector<16xi32>
          %add3A_255 = arith.addi %and3A_240, %add3A_254 : vector<16xi32>
          %gather3A_256 = tpu.vector_load_idx %arg7[%add3A_73, %add3A_255] : memref<128x128xf32, #tpu.memory_space<vmem>>[vector<16xi32>, vector<16xi32>], vector<16xf32>,
          %gt3A_257 = arith.cmpf ogt, %gather3A_256, %max3A_206 : vector<16xf32>
          %gt3A_258 = arith.cmpf ogt, %gather3A_256, %select_n3A_203 : vector<16xf32>
          %select_n3A_259 = arith.select %gt3A_258, %gather3A_256, %select_n3A_203 : vector<16xi1>, vector<16xf32>
          %select_n3A_260 = arith.select %gt3A_257, %max3A_206, %select_n3A_259 : vector<16xi1>, vector<16xf32>
          %select_n3A_261 = arith.select %gt3A_258, %add3A_255, %select_n3A_205 : vector<16xi1>, vector<16xi32>
          %select_n3A_262 = arith.select %gt3A_257, %select_n3A_207, %select_n3A_261 : vector<16xi1>, vector<16xi32>
          %max3A_263 = arith.maximumf %gather3A_256, %max3A_206 : vector<16xf32>
          %select_n3A_264 = arith.select %gt3A_257, %add3A_255, %select_n3A_207 : vector<16xi1>, vector<16xi32>
          %add3A_265 = arith.constant 64 : i32
          %add3A_266 = vector.broadcast %add3A_265 : i32 to vector<16xi32>
          %add3A_267 = arith.addi %and3A_240, %add3A_266 : vector<16xi32>
          %gather3A_268 = tpu.vector_load_idx %arg7[%add3A_73, %add3A_267] : memref<128x128xf32, #tpu.memory_space<vmem>>[vector<16xi32>, vector<16xi32>], vector<16xf32>,
          %gt3A_269 = arith.cmpf ogt, %gather3A_268, %max3A_218 : vector<16xf32>
          %gt3A_270 = arith.cmpf ogt, %gather3A_268, %select_n3A_215 : vector<16xf32>
          %select_n3A_271 = arith.select %gt3A_270, %gather3A_268, %select_n3A_215 : vector<16xi1>, vector<16xf32>
          %select_n3A_272 = arith.select %gt3A_269, %max3A_218, %select_n3A_271 : vector<16xi1>, vector<16xf32>
          %select_n3A_273 = arith.select %gt3A_270, %add3A_267, %select_n3A_217 : vector<16xi1>, vector<16xi32>
          %select_n3A_274 = arith.select %gt3A_269, %select_n3A_219, %select_n3A_273 : vector<16xi1>, vector<16xi32>
          %max3A_275 = arith.maximumf %gather3A_268, %max3A_218 : vector<16xf32>
          %select_n3A_276 = arith.select %gt3A_269, %add3A_267, %select_n3A_219 : vector<16xi1>, vector<16xi32>
          %add3A_277 = arith.constant 96 : i32
          %add3A_278 = vector.broadcast %add3A_277 : i32 to vector<16xi32>
          %add3A_279 = arith.addi %and3A_240, %add3A_278 : vector<16xi32>
          %gather3A_280 = tpu.vector_load_idx %arg7[%add3A_73, %add3A_279] : memref<128x128xf32, #tpu.memory_space<vmem>>[vector<16xi32>, vector<16xi32>], vector<16xf32>,
          %gt3A_281 = arith.cmpf ogt, %gather3A_280, %max3A_230 : vector<16xf32>
          %gt3A_282 = arith.cmpf ogt, %gather3A_280, %select_n3A_227 : vector<16xf32>
          %select_n3A_283 = arith.select %gt3A_282, %gather3A_280, %select_n3A_227 : vector<16xi1>, vector<16xf32>
          %select_n3A_284 = arith.select %gt3A_281, %max3A_230, %select_n3A_283 : vector<16xi1>, vector<16xf32>
          %select_n3A_285 = arith.select %gt3A_282, %add3A_279, %select_n3A_229 : vector<16xi1>, vector<16xi32>
          %select_n3A_286 = arith.select %gt3A_281, %select_n3A_231, %select_n3A_285 : vector<16xi1>, vector<16xi32>
          %max3A_287 = arith.maximumf %gather3A_280, %max3A_230 : vector<16xf32>
          %select_n3A_288 = arith.select %gt3A_281, %add3A_279, %select_n3A_231 : vector<16xi1>, vector<16xi32>
          %mul3A_289 = arith.constant 4 : i32
          %mul3A_290 = arith.muli %scan3A_160, %mul3A_289 : i32
          %add3A_291 = arith.constant 2 : i32
          %add3A_292 = arith.addi %mul3A_290, %add3A_291 : i32
          %add3A_293 = vector.broadcast %add3A_292 : i32 to vector<16xi32>
          %add3A_294 = arith.addi %iota3A, %add3A_293 : vector<16xi32>
          %and3A_295 = arith.constant 31 : i32
          %and3A_296 = vector.broadcast %and3A_295 : i32 to vector<16xi32>
          %and3A_297 = arith.andi %add3A_294, %and3A_296 : vector<16xi32>
          %add3A_298 = arith.constant 0 : i32
          %add3A_299 = vector.broadcast %add3A_298 : i32 to vector<16xi32>
          %add3A_300 = arith.addi %and3A_297, %add3A_299 : vector<16xi32>
          %gather3A_301 = tpu.vector_load_idx %arg7[%add3A_73, %add3A_300] : memref<128x128xf32, #tpu.memory_space<vmem>>[vector<16xi32>, vector<16xi32>], vector<16xf32>,
          %gt3A_302 = arith.cmpf ogt, %gather3A_301, %max3A_251 : vector<16xf32>
          %gt3A_303 = arith.cmpf ogt, %gather3A_301, %select_n3A_248 : vector<16xf32>
          %select_n3A_304 = arith.select %gt3A_303, %gather3A_301, %select_n3A_248 : vector<16xi1>, vector<16xf32>
          %select_n3A_305 = arith.select %gt3A_302, %max3A_251, %select_n3A_304 : vector<16xi1>, vector<16xf32>
          %select_n3A_306 = arith.select %gt3A_303, %add3A_300, %select_n3A_250 : vector<16xi1>, vector<16xi32>
          %select_n3A_307 = arith.select %gt3A_302, %select_n3A_252, %select_n3A_306 : vector<16xi1>, vector<16xi32>
          %max3A_308 = arith.maximumf %gather3A_301, %max3A_251 : vector<16xf32>
          %select_n3A_309 = arith.select %gt3A_302, %add3A_300, %select_n3A_252 : vector<16xi1>, vector<16xi32>
          %add3A_310 = arith.constant 32 : i32
          %add3A_311 = vector.broadcast %add3A_310 : i32 to vector<16xi32>
          %add3A_312 = arith.addi %and3A_297, %add3A_311 : vector<16xi32>
          %gather3A_313 = tpu.vector_load_idx %arg7[%add3A_73, %add3A_312] : memref<128x128xf32, #tpu.memory_space<vmem>>[vector<16xi32>, vector<16xi32>], vector<16xf32>,
          %gt3A_314 = arith.cmpf ogt, %gather3A_313, %max3A_263 : vector<16xf32>
          %gt3A_315 = arith.cmpf ogt, %gather3A_313, %select_n3A_260 : vector<16xf32>
          %select_n3A_316 = arith.select %gt3A_315, %gather3A_313, %select_n3A_260 : vector<16xi1>, vector<16xf32>
          %select_n3A_317 = arith.select %gt3A_314, %max3A_263, %select_n3A_316 : vector<16xi1>, vector<16xf32>
          %select_n3A_318 = arith.select %gt3A_315, %add3A_312, %select_n3A_262 : vector<16xi1>, vector<16xi32>
          %select_n3A_319 = arith.select %gt3A_314, %select_n3A_264, %select_n3A_318 : vector<16xi1>, vector<16xi32>
          %max3A_320 = arith.maximumf %gather3A_313, %max3A_263 : vector<16xf32>
          %select_n3A_321 = arith.select %gt3A_314, %add3A_312, %select_n3A_264 : vector<16xi1>, vector<16xi32>
          %add3A_322 = arith.constant 64 : i32
          %add3A_323 = vector.broadcast %add3A_322 : i32 to vector<16xi32>
          %add3A_324 = arith.addi %and3A_297, %add3A_323 : vector<16xi32>
          %gather3A_325 = tpu.vector_load_idx %arg7[%add3A_73, %add3A_324] : memref<128x128xf32, #tpu.memory_space<vmem>>[vector<16xi32>, vector<16xi32>], vector<16xf32>,
          %gt3A_326 = arith.cmpf ogt, %gather3A_325, %max3A_275 : vector<16xf32>
          %gt3A_327 = arith.cmpf ogt, %gather3A_325, %select_n3A_272 : vector<16xf32>
          %select_n3A_328 = arith.select %gt3A_327, %gather3A_325, %select_n3A_272 : vector<16xi1>, vector<16xf32>
          %select_n3A_329 = arith.select %gt3A_326, %max3A_275, %select_n3A_328 : vector<16xi1>, vector<16xf32>
          %select_n3A_330 = arith.select %gt3A_327, %add3A_324, %select_n3A_274 : vector<16xi1>, vector<16xi32>
          %select_n3A_331 = arith.select %gt3A_326, %select_n3A_276, %select_n3A_330 : vector<16xi1>, vector<16xi32>
          %max3A_332 = arith.maximumf %gather3A_325, %max3A_275 : vector<16xf32>
          %select_n3A_333 = arith.select %gt3A_326, %add3A_324, %select_n3A_276 : vector<16xi1>, vector<16xi32>
          %add3A_334 = arith.constant 96 : i32
          %add3A_335 = vector.broadcast %add3A_334 : i32 to vector<16xi32>
          %add3A_336 = arith.addi %and3A_297, %add3A_335 : vector<16xi32>
          %gather3A_337 = tpu.vector_load_idx %arg7[%add3A_73, %add3A_336] : memref<128x128xf32, #tpu.memory_space<vmem>>[vector<16xi32>, vector<16xi32>], vector<16xf32>,
          %gt3A_338 = arith.cmpf ogt, %gather3A_337, %max3A_287 : vector<16xf32>
          %gt3A_339 = arith.cmpf ogt, %gather3A_337, %select_n3A_284 : vector<16xf32>
          %select_n3A_340 = arith.select %gt3A_339, %gather3A_337, %select_n3A_284 : vector<16xi1>, vector<16xf32>
          %select_n3A_341 = arith.select %gt3A_338, %max3A_287, %select_n3A_340 : vector<16xi1>, vector<16xf32>
          %select_n3A_342 = arith.select %gt3A_339, %add3A_336, %select_n3A_286 : vector<16xi1>, vector<16xi32>
          %select_n3A_343 = arith.select %gt3A_338, %select_n3A_288, %select_n3A_342 : vector<16xi1>, vector<16xi32>
          %max3A_344 = arith.maximumf %gather3A_337, %max3A_287 : vector<16xf32>
          %select_n3A_345 = arith.select %gt3A_338, %add3A_336, %select_n3A_288 : vector<16xi1>, vector<16xi32>
          %mul3A_346 = arith.constant 4 : i32
          %mul3A_347 = arith.muli %scan3A_160, %mul3A_346 : i32
          %add3A_348 = arith.constant 3 : i32
          %add3A_349 = arith.addi %mul3A_347, %add3A_348 : i32
          %add3A_350 = vector.broadcast %add3A_349 : i32 to vector<16xi32>
          %add3A_351 = arith.addi %iota3A, %add3A_350 : vector<16xi32>
          %and3A_352 = arith.constant 31 : i32
          %and3A_353 = vector.broadcast %and3A_352 : i32 to vector<16xi32>
          %and3A_354 = arith.andi %add3A_351, %and3A_353 : vector<16xi32>
          %add3A_355 = arith.constant 0 : i32
          %add3A_356 = vector.broadcast %add3A_355 : i32 to vector<16xi32>
          %add3A_357 = arith.addi %and3A_354, %add3A_356 : vector<16xi32>
          %gather3A_358 = tpu.vector_load_idx %arg7[%add3A_73, %add3A_357] : memref<128x128xf32, #tpu.memory_space<vmem>>[vector<16xi32>, vector<16xi32>], vector<16xf32>,
          %gt3A_359 = arith.cmpf ogt, %gather3A_358, %max3A_308 : vector<16xf32>
          %gt3A_360 = arith.cmpf ogt, %gather3A_358, %select_n3A_305 : vector<16xf32>
          %select_n3A_361 = arith.select %gt3A_360, %gather3A_358, %select_n3A_305 : vector<16xi1>, vector<16xf32>
          %select_n3A_362 = arith.select %gt3A_359, %max3A_308, %select_n3A_361 : vector<16xi1>, vector<16xf32>
          %select_n3A_363 = arith.select %gt3A_360, %add3A_357, %select_n3A_307 : vector<16xi1>, vector<16xi32>
          %select_n3A_364 = arith.select %gt3A_359, %select_n3A_309, %select_n3A_363 : vector<16xi1>, vector<16xi32>
          %max3A_365 = arith.maximumf %gather3A_358, %max3A_308 : vector<16xf32>
          %select_n3A_366 = arith.select %gt3A_359, %add3A_357, %select_n3A_309 : vector<16xi1>, vector<16xi32>
          %add3A_367 = arith.constant 32 : i32
          %add3A_368 = vector.broadcast %add3A_367 : i32 to vector<16xi32>
          %add3A_369 = arith.addi %and3A_354, %add3A_368 : vector<16xi32>
          %gather3A_370 = tpu.vector_load_idx %arg7[%add3A_73, %add3A_369] : memref<128x128xf32, #tpu.memory_space<vmem>>[vector<16xi32>, vector<16xi32>], vector<16xf32>,
          %gt3A_371 = arith.cmpf ogt, %gather3A_370, %max3A_320 : vector<16xf32>
          %gt3A_372 = arith.cmpf ogt, %gather3A_370, %select_n3A_317 : vector<16xf32>
          %select_n3A_373 = arith.select %gt3A_372, %gather3A_370, %select_n3A_317 : vector<16xi1>, vector<16xf32>
          %select_n3A_374 = arith.select %gt3A_371, %max3A_320, %select_n3A_373 : vector<16xi1>, vector<16xf32>
          %select_n3A_375 = arith.select %gt3A_372, %add3A_369, %select_n3A_319 : vector<16xi1>, vector<16xi32>
          %select_n3A_376 = arith.select %gt3A_371, %select_n3A_321, %select_n3A_375 : vector<16xi1>, vector<16xi32>
          %max3A_377 = arith.maximumf %gather3A_370, %max3A_320 : vector<16xf32>
          %select_n3A_378 = arith.select %gt3A_371, %add3A_369, %select_n3A_321 : vector<16xi1>, vector<16xi32>
          %add3A_379 = arith.constant 64 : i32
          %add3A_380 = vector.broadcast %add3A_379 : i32 to vector<16xi32>
          %add3A_381 = arith.addi %and3A_354, %add3A_380 : vector<16xi32>
          %gather3A_382 = tpu.vector_load_idx %arg7[%add3A_73, %add3A_381] : memref<128x128xf32, #tpu.memory_space<vmem>>[vector<16xi32>, vector<16xi32>], vector<16xf32>,
          %gt3A_383 = arith.cmpf ogt, %gather3A_382, %max3A_332 : vector<16xf32>
          %gt3A_384 = arith.cmpf ogt, %gather3A_382, %select_n3A_329 : vector<16xf32>
          %select_n3A_385 = arith.select %gt3A_384, %gather3A_382, %select_n3A_329 : vector<16xi1>, vector<16xf32>
          %select_n3A_386 = arith.select %gt3A_383, %max3A_332, %select_n3A_385 : vector<16xi1>, vector<16xf32>
          %select_n3A_387 = arith.select %gt3A_384, %add3A_381, %select_n3A_331 : vector<16xi1>, vector<16xi32>
          %select_n3A_388 = arith.select %gt3A_383, %select_n3A_333, %select_n3A_387 : vector<16xi1>, vector<16xi32>
          %max3A_389 = arith.maximumf %gather3A_382, %max3A_332 : vector<16xf32>
          %select_n3A_390 = arith.select %gt3A_383, %add3A_381, %select_n3A_333 : vector<16xi1>, vector<16xi32>
          %add3A_391 = arith.constant 96 : i32
          %add3A_392 = vector.broadcast %add3A_391 : i32 to vector<16xi32>
          %add3A_393 = arith.addi %and3A_354, %add3A_392 : vector<16xi32>
          %gather3A_394 = tpu.vector_load_idx %arg7[%add3A_73, %add3A_393] : memref<128x128xf32, #tpu.memory_space<vmem>>[vector<16xi32>, vector<16xi32>], vector<16xf32>,
          %gt3A_395 = arith.cmpf ogt, %gather3A_394, %max3A_344 : vector<16xf32>
          %gt3A_396 = arith.cmpf ogt, %gather3A_394, %select_n3A_341 : vector<16xf32>
          %select_n3A_397 = arith.select %gt3A_396, %gather3A_394, %select_n3A_341 : vector<16xi1>, vector<16xf32>
          %select_n3A_398 = arith.select %gt3A_395, %max3A_344, %select_n3A_397 : vector<16xi1>, vector<16xf32>
          %select_n3A_399 = arith.select %gt3A_396, %add3A_393, %select_n3A_343 : vector<16xi1>, vector<16xi32>
          %select_n3A_400 = arith.select %gt3A_395, %select_n3A_345, %select_n3A_399 : vector<16xi1>, vector<16xi32>
          %max3A_401 = arith.maximumf %gather3A_394, %max3A_344 : vector<16xf32>
          %select_n3A_402 = arith.select %gt3A_395, %add3A_393, %select_n3A_345 : vector<16xi1>, vector<16xi32>
          scf.yield %max3A_365, %select_n3A_366, %select_n3A_362, %select_n3A_364, %max3A_377, %select_n3A_378, %select_n3A_374, %select_n3A_376, %max3A_389, %select_n3A_390, %select_n3A_386, %select_n3A_388, %max3A_401, %select_n3A_402, %select_n3A_398, %select_n3A_400 : vector<16xf32>, vector<16xi32>, vector<16xf32>, vector<16xi32>, vector<16xf32>, vector<16xi32>, vector<16xf32>, vector<16xi32>, vector<16xf32>, vector<16xi32>, vector<16xf32>, vector<16xi32>, vector<16xf32>, vector<16xi32>, vector<16xf32>, vector<16xi32>
        }
        %scan3A_79 = arith.constant 8 : i32
        %gt3A = arith.cmpf ogt, %scan3A_78#4, %scan3A_78#0 : vector<16xf32>
        %select_n3A = arith.select %gt3A, %scan3A_78#4, %scan3A_78#0 : vector<16xi1>, vector<16xf32>
        %select_n3A_80 = arith.select %gt3A, %scan3A_78#5, %scan3A_78#1 : vector<16xi1>, vector<16xi32>
        %select_n3A_81 = arith.select %gt3A, %scan3A_78#0, %scan3A_78#4 : vector<16xi1>, vector<16xf32>
        %select_n3A_82 = arith.select %gt3A, %scan3A_78#1, %scan3A_78#5 : vector<16xi1>, vector<16xi32>
        %select_n3A_83 = arith.select %gt3A, %scan3A_78#6, %scan3A_78#2 : vector<16xi1>, vector<16xf32>
        %select_n3A_84 = arith.select %gt3A, %scan3A_78#7, %scan3A_78#3 : vector<16xi1>, vector<16xi32>
        %gt3A_85 = arith.cmpf ogt, %select_n3A_83, %select_n3A_81 : vector<16xf32>
        %select_n3A_86 = arith.select %gt3A_85, %select_n3A_83, %select_n3A_81 : vector<16xi1>, vector<16xf32>
        %select_n3A_87 = arith.select %gt3A_85, %select_n3A_84, %select_n3A_82 : vector<16xi1>, vector<16xi32>
        %gt3A_88 = arith.cmpf ogt, %scan3A_78#12, %scan3A_78#8 : vector<16xf32>
        %select_n3A_89 = arith.select %gt3A_88, %scan3A_78#12, %scan3A_78#8 : vector<16xi1>, vector<16xf32>
        %select_n3A_90 = arith.select %gt3A_88, %scan3A_78#13, %scan3A_78#9 : vector<16xi1>, vector<16xi32>
        %select_n3A_91 = arith.select %gt3A_88, %scan3A_78#8, %scan3A_78#12 : vector<16xi1>, vector<16xf32>
        %select_n3A_92 = arith.select %gt3A_88, %scan3A_78#9, %scan3A_78#13 : vector<16xi1>, vector<16xi32>
        %select_n3A_93 = arith.select %gt3A_88, %scan3A_78#14, %scan3A_78#10 : vector<16xi1>, vector<16xf32>
        %select_n3A_94 = arith.select %gt3A_88, %scan3A_78#15, %scan3A_78#11 : vector<16xi1>, vector<16xi32>
        %gt3A_95 = arith.cmpf ogt, %select_n3A_93, %select_n3A_91 : vector<16xf32>
        %select_n3A_96 = arith.select %gt3A_95, %select_n3A_93, %select_n3A_91 : vector<16xi1>, vector<16xf32>
        %select_n3A_97 = arith.select %gt3A_95, %select_n3A_94, %select_n3A_92 : vector<16xi1>, vector<16xi32>
        %gt3A_98 = arith.cmpf ogt, %select_n3A_89, %select_n3A : vector<16xf32>
        %select_n3A_99 = arith.select %gt3A_98, %select_n3A_89, %select_n3A : vector<16xi1>, vector<16xf32>
        %select_n3A_100 = arith.select %gt3A_98, %select_n3A_90, %select_n3A_80 : vector<16xi1>, vector<16xi32>
        %select_n3A_101 = arith.select %gt3A_98, %select_n3A, %select_n3A_89 : vector<16xi1>, vector<16xf32>
        %select_n3A_102 = arith.select %gt3A_98, %select_n3A_80, %select_n3A_90 : vector<16xi1>, vector<16xi32>
        %select_n3A_103 = arith.select %gt3A_98, %select_n3A_96, %select_n3A_86 : vector<16xi1>, vector<16xf32>
        %select_n3A_104 = arith.select %gt3A_98, %select_n3A_97, %select_n3A_87 : vector<16xi1>, vector<16xi32>
        %gt3A_105 = arith.cmpf ogt, %select_n3A_103, %select_n3A_101 : vector<16xf32>
        %select_n3A_106 = arith.select %gt3A_105, %select_n3A_103, %select_n3A_101 : vector<16xi1>, vector<16xf32>
        %select_n3A_107 = arith.select %gt3A_105, %select_n3A_104, %select_n3A_102 : vector<16xi1>, vector<16xi32>
        %scan3A_108 = arith.constant 0 : i32
        %scan3A_109 = arith.constant 8 : i32
        %scan3A_110 = arith.addi %scan3A_108, %scan3A_109 : i32
        %scan3A_111 = arith.constant 1 : i32
        %scan3A_112:4 = scf.for %scan3A_160 = %scan3A_108 to %scan3A_110 step %scan3A_111 iter_args(%scan3A_161 = %broadcast_in_dim3A_7, %scan3A_162 = %broadcast_in_dim3A_7, %scan3A_163 = %broadcast_in_dim3A_7, %scan3A_164 = %broadcast_in_dim3A_7) -> (vector<16xf32>, vector<16xf32>, vector<16xf32>, vector<16xf32>)  : i32 {
          %mul3A_165 = arith.constant 4 : i32
          %mul3A_166 = arith.muli %scan3A_160, %mul3A_165 : i32
          %add3A_167 = arith.constant 0 : i32
          %add3A_168 = arith.addi %mul3A_166, %add3A_167 : i32
          %add3A_169 = vector.broadcast %add3A_168 : i32 to vector<16xi32>
          %add3A_170 = arith.addi %iota3A, %add3A_169 : vector<16xi32>
          %and3A_171 = arith.constant 31 : i32
          %and3A_172 = vector.broadcast %and3A_171 : i32 to vector<16xi32>
          %and3A_173 = arith.andi %add3A_170, %and3A_172 : vector<16xi32>
          %add3A_174 = arith.constant 0 : i32
          %add3A_175 = vector.broadcast %add3A_174 : i32 to vector<16xi32>
          %add3A_176 = arith.addi %and3A_173, %add3A_175 : vector<16xi32>
          %gather3A = tpu.vector_load_idx %arg7[%add3A_73, %add3A_176] : memref<128x128xf32, #tpu.memory_space<vmem>>[vector<16xi32>, vector<16xi32>], vector<16xf32>,
          %sub3A_177 = arith.subf %gather3A, %select_n3A_99 : vector<16xf32>
          %exp3A_178 = math.exp %sub3A_177 : vector<16xf32>
          %add3A_179 = arith.addf %scan3A_161, %exp3A_178 : vector<16xf32>
          %add3A_180 = arith.constant 32 : i32
          %add3A_181 = vector.broadcast %add3A_180 : i32 to vector<16xi32>
          %add3A_182 = arith.addi %and3A_173, %add3A_181 : vector<16xi32>
          %gather3A_183 = tpu.vector_load_idx %arg7[%add3A_73, %add3A_182] : memref<128x128xf32, #tpu.memory_space<vmem>>[vector<16xi32>, vector<16xi32>], vector<16xf32>,
          %sub3A_184 = arith.subf %gather3A_183, %select_n3A_99 : vector<16xf32>
          %exp3A_185 = math.exp %sub3A_184 : vector<16xf32>
          %add3A_186 = arith.addf %scan3A_162, %exp3A_185 : vector<16xf32>
          %add3A_187 = arith.constant 64 : i32
          %add3A_188 = vector.broadcast %add3A_187 : i32 to vector<16xi32>
          %add3A_189 = arith.addi %and3A_173, %add3A_188 : vector<16xi32>
          %gather3A_190 = tpu.vector_load_idx %arg7[%add3A_73, %add3A_189] : memref<128x128xf32, #tpu.memory_space<vmem>>[vector<16xi32>, vector<16xi32>], vector<16xf32>,
          %sub3A_191 = arith.subf %gather3A_190, %select_n3A_99 : vector<16xf32>
          %exp3A_192 = math.exp %sub3A_191 : vector<16xf32>
          %add3A_193 = arith.addf %scan3A_163, %exp3A_192 : vector<16xf32>
          %add3A_194 = arith.constant 96 : i32
          %add3A_195 = vector.broadcast %add3A_194 : i32 to vector<16xi32>
          %add3A_196 = arith.addi %and3A_173, %add3A_195 : vector<16xi32>
          %gather3A_197 = tpu.vector_load_idx %arg7[%add3A_73, %add3A_196] : memref<128x128xf32, #tpu.memory_space<vmem>>[vector<16xi32>, vector<16xi32>], vector<16xf32>,
          %sub3A_198 = arith.subf %gather3A_197, %select_n3A_99 : vector<16xf32>
          %exp3A_199 = math.exp %sub3A_198 : vector<16xf32>
          %add3A_200 = arith.addf %scan3A_164, %exp3A_199 : vector<16xf32>
          %mul3A_201 = arith.constant 4 : i32
          %mul3A_202 = arith.muli %scan3A_160, %mul3A_201 : i32
          %add3A_203 = arith.constant 1 : i32
          %add3A_204 = arith.addi %mul3A_202, %add3A_203 : i32
          %add3A_205 = vector.broadcast %add3A_204 : i32 to vector<16xi32>
          %add3A_206 = arith.addi %iota3A, %add3A_205 : vector<16xi32>
          %and3A_207 = arith.constant 31 : i32
          %and3A_208 = vector.broadcast %and3A_207 : i32 to vector<16xi32>
          %and3A_209 = arith.andi %add3A_206, %and3A_208 : vector<16xi32>
          %add3A_210 = arith.constant 0 : i32
          %add3A_211 = vector.broadcast %add3A_210 : i32 to vector<16xi32>
          %add3A_212 = arith.addi %and3A_209, %add3A_211 : vector<16xi32>
          %gather3A_213 = tpu.vector_load_idx %arg7[%add3A_73, %add3A_212] : memref<128x128xf32, #tpu.memory_space<vmem>>[vector<16xi32>, vector<16xi32>], vector<16xf32>,
          %sub3A_214 = arith.subf %gather3A_213, %select_n3A_99 : vector<16xf32>
          %exp3A_215 = math.exp %sub3A_214 : vector<16xf32>
          %add3A_216 = arith.addf %add3A_179, %exp3A_215 : vector<16xf32>
          %add3A_217 = arith.constant 32 : i32
          %add3A_218 = vector.broadcast %add3A_217 : i32 to vector<16xi32>
          %add3A_219 = arith.addi %and3A_209, %add3A_218 : vector<16xi32>
          %gather3A_220 = tpu.vector_load_idx %arg7[%add3A_73, %add3A_219] : memref<128x128xf32, #tpu.memory_space<vmem>>[vector<16xi32>, vector<16xi32>], vector<16xf32>,
          %sub3A_221 = arith.subf %gather3A_220, %select_n3A_99 : vector<16xf32>
          %exp3A_222 = math.exp %sub3A_221 : vector<16xf32>
          %add3A_223 = arith.addf %add3A_186, %exp3A_222 : vector<16xf32>
          %add3A_224 = arith.constant 64 : i32
          %add3A_225 = vector.broadcast %add3A_224 : i32 to vector<16xi32>
          %add3A_226 = arith.addi %and3A_209, %add3A_225 : vector<16xi32>
          %gather3A_227 = tpu.vector_load_idx %arg7[%add3A_73, %add3A_226] : memref<128x128xf32, #tpu.memory_space<vmem>>[vector<16xi32>, vector<16xi32>], vector<16xf32>,
          %sub3A_228 = arith.subf %gather3A_227, %select_n3A_99 : vector<16xf32>
          %exp3A_229 = math.exp %sub3A_228 : vector<16xf32>
          %add3A_230 = arith.addf %add3A_193, %exp3A_229 : vector<16xf32>
          %add3A_231 = arith.constant 96 : i32
          %add3A_232 = vector.broadcast %add3A_231 : i32 to vector<16xi32>
          %add3A_233 = arith.addi %and3A_209, %add3A_232 : vector<16xi32>
          %gather3A_234 = tpu.vector_load_idx %arg7[%add3A_73, %add3A_233] : memref<128x128xf32, #tpu.memory_space<vmem>>[vector<16xi32>, vector<16xi32>], vector<16xf32>,
          %sub3A_235 = arith.subf %gather3A_234, %select_n3A_99 : vector<16xf32>
          %exp3A_236 = math.exp %sub3A_235 : vector<16xf32>
          %add3A_237 = arith.addf %add3A_200, %exp3A_236 : vector<16xf32>
          %mul3A_238 = arith.constant 4 : i32
          %mul3A_239 = arith.muli %scan3A_160, %mul3A_238 : i32
          %add3A_240 = arith.constant 2 : i32
          %add3A_241 = arith.addi %mul3A_239, %add3A_240 : i32
          %add3A_242 = vector.broadcast %add3A_241 : i32 to vector<16xi32>
          %add3A_243 = arith.addi %iota3A, %add3A_242 : vector<16xi32>
          %and3A_244 = arith.constant 31 : i32
          %and3A_245 = vector.broadcast %and3A_244 : i32 to vector<16xi32>
          %and3A_246 = arith.andi %add3A_243, %and3A_245 : vector<16xi32>
          %add3A_247 = arith.constant 0 : i32
          %add3A_248 = vector.broadcast %add3A_247 : i32 to vector<16xi32>
          %add3A_249 = arith.addi %and3A_246, %add3A_248 : vector<16xi32>
          %gather3A_250 = tpu.vector_load_idx %arg7[%add3A_73, %add3A_249] : memref<128x128xf32, #tpu.memory_space<vmem>>[vector<16xi32>, vector<16xi32>], vector<16xf32>,
          %sub3A_251 = arith.subf %gather3A_250, %select_n3A_99 : vector<16xf32>
          %exp3A_252 = math.exp %sub3A_251 : vector<16xf32>
          %add3A_253 = arith.addf %add3A_216, %exp3A_252 : vector<16xf32>
          %add3A_254 = arith.constant 32 : i32
          %add3A_255 = vector.broadcast %add3A_254 : i32 to vector<16xi32>
          %add3A_256 = arith.addi %and3A_246, %add3A_255 : vector<16xi32>
          %gather3A_257 = tpu.vector_load_idx %arg7[%add3A_73, %add3A_256] : memref<128x128xf32, #tpu.memory_space<vmem>>[vector<16xi32>, vector<16xi32>], vector<16xf32>,
          %sub3A_258 = arith.subf %gather3A_257, %select_n3A_99 : vector<16xf32>
          %exp3A_259 = math.exp %sub3A_258 : vector<16xf32>
          %add3A_260 = arith.addf %add3A_223, %exp3A_259 : vector<16xf32>
          %add3A_261 = arith.constant 64 : i32
          %add3A_262 = vector.broadcast %add3A_261 : i32 to vector<16xi32>
          %add3A_263 = arith.addi %and3A_246, %add3A_262 : vector<16xi32>
          %gather3A_264 = tpu.vector_load_idx %arg7[%add3A_73, %add3A_263] : memref<128x128xf32, #tpu.memory_space<vmem>>[vector<16xi32>, vector<16xi32>], vector<16xf32>,
          %sub3A_265 = arith.subf %gather3A_264, %select_n3A_99 : vector<16xf32>
          %exp3A_266 = math.exp %sub3A_265 : vector<16xf32>
          %add3A_267 = arith.addf %add3A_230, %exp3A_266 : vector<16xf32>
          %add3A_268 = arith.constant 96 : i32
          %add3A_269 = vector.broadcast %add3A_268 : i32 to vector<16xi32>
          %add3A_270 = arith.addi %and3A_246, %add3A_269 : vector<16xi32>
          %gather3A_271 = tpu.vector_load_idx %arg7[%add3A_73, %add3A_270] : memref<128x128xf32, #tpu.memory_space<vmem>>[vector<16xi32>, vector<16xi32>], vector<16xf32>,
          %sub3A_272 = arith.subf %gather3A_271, %select_n3A_99 : vector<16xf32>
          %exp3A_273 = math.exp %sub3A_272 : vector<16xf32>
          %add3A_274 = arith.addf %add3A_237, %exp3A_273 : vector<16xf32>
          %mul3A_275 = arith.constant 4 : i32
          %mul3A_276 = arith.muli %scan3A_160, %mul3A_275 : i32
          %add3A_277 = arith.constant 3 : i32
          %add3A_278 = arith.addi %mul3A_276, %add3A_277 : i32
          %add3A_279 = vector.broadcast %add3A_278 : i32 to vector<16xi32>
          %add3A_280 = arith.addi %iota3A, %add3A_279 : vector<16xi32>
          %and3A_281 = arith.constant 31 : i32
          %and3A_282 = vector.broadcast %and3A_281 : i32 to vector<16xi32>
          %and3A_283 = arith.andi %add3A_280, %and3A_282 : vector<16xi32>
          %add3A_284 = arith.constant 0 : i32
          %add3A_285 = vector.broadcast %add3A_284 : i32 to vector<16xi32>
          %add3A_286 = arith.addi %and3A_283, %add3A_285 : vector<16xi32>
          %gather3A_287 = tpu.vector_load_idx %arg7[%add3A_73, %add3A_286] : memref<128x128xf32, #tpu.memory_space<vmem>>[vector<16xi32>, vector<16xi32>], vector<16xf32>,
          %sub3A_288 = arith.subf %gather3A_287, %select_n3A_99 : vector<16xf32>
          %exp3A_289 = math.exp %sub3A_288 : vector<16xf32>
          %add3A_290 = arith.addf %add3A_253, %exp3A_289 : vector<16xf32>
          %add3A_291 = arith.constant 32 : i32
          %add3A_292 = vector.broadcast %add3A_291 : i32 to vector<16xi32>
          %add3A_293 = arith.addi %and3A_283, %add3A_292 : vector<16xi32>
          %gather3A_294 = tpu.vector_load_idx %arg7[%add3A_73, %add3A_293] : memref<128x128xf32, #tpu.memory_space<vmem>>[vector<16xi32>, vector<16xi32>], vector<16xf32>,
          %sub3A_295 = arith.subf %gather3A_294, %select_n3A_99 : vector<16xf32>
          %exp3A_296 = math.exp %sub3A_295 : vector<16xf32>
          %add3A_297 = arith.addf %add3A_260, %exp3A_296 : vector<16xf32>
          %add3A_298 = arith.constant 64 : i32
          %add3A_299 = vector.broadcast %add3A_298 : i32 to vector<16xi32>
          %add3A_300 = arith.addi %and3A_283, %add3A_299 : vector<16xi32>
          %gather3A_301 = tpu.vector_load_idx %arg7[%add3A_73, %add3A_300] : memref<128x128xf32, #tpu.memory_space<vmem>>[vector<16xi32>, vector<16xi32>], vector<16xf32>,
          %sub3A_302 = arith.subf %gather3A_301, %select_n3A_99 : vector<16xf32>
          %exp3A_303 = math.exp %sub3A_302 : vector<16xf32>
          %add3A_304 = arith.addf %add3A_267, %exp3A_303 : vector<16xf32>
          %add3A_305 = arith.constant 96 : i32
          %add3A_306 = vector.broadcast %add3A_305 : i32 to vector<16xi32>
          %add3A_307 = arith.addi %and3A_283, %add3A_306 : vector<16xi32>
          %gather3A_308 = tpu.vector_load_idx %arg7[%add3A_73, %add3A_307] : memref<128x128xf32, #tpu.memory_space<vmem>>[vector<16xi32>, vector<16xi32>], vector<16xf32>,
          %sub3A_309 = arith.subf %gather3A_308, %select_n3A_99 : vector<16xf32>
          %exp3A_310 = math.exp %sub3A_309 : vector<16xf32>
          %add3A_311 = arith.addf %add3A_274, %exp3A_310 : vector<16xf32>
          scf.yield %add3A_290, %add3A_297, %add3A_304, %add3A_311 : vector<16xf32>, vector<16xf32>, vector<16xf32>, vector<16xf32>
        }
        %scan3A_113 = arith.constant 8 : i32
        %add3A_114 = arith.addf %scan3A_112#0, %scan3A_112#1 : vector<16xf32>
        %add3A_115 = arith.addf %scan3A_112#2, %scan3A_112#3 : vector<16xf32>
        %add3A_116 = arith.addf %add3A_114, %add3A_115 : vector<16xf32>
        %mul3A_117 = arith.constant 128 : i32
        %mul3A_118 = arith.muli %mul3A_20, %mul3A_117 : i32
        %mul3A_119 = arith.constant 16 : i32
        %mul3A_120 = arith.muli %scan3A_69, %mul3A_119 : i32
        %add3A_121 = arith.addi %mul3A_118, %mul3A_120 : i32
        %div3A = arith.constant 1.000000e+00 : f32
        %div3A_122 = vector.broadcast %div3A : f32 to vector<16xf32>
        %div3A_123 = arith.divf %div3A_122, %add3A_116 : vector<16xf32>
        %sub3A = arith.subf %select_n3A_106, %select_n3A_99 : vector<16xf32>
        %exp3A = math.exp %sub3A : vector<16xf32>
        %div3A_124 = arith.divf %exp3A, %add3A_116 : vector<16xf32>
        %mul3A_125 = arith.constant 16 : i32
        %mul3A_126 = arith.muli %scan3A_69, %mul3A_125 : i32
        %add3A_127 = arith.addi %add3A_38, %mul3A_126 : i32
        %jit3A = arith.constant 192 : i32
        %div3A_128 = arith.divsi %add3A_127, %jit3A : i32
        %sign3A = arith.constant 0 : i32
        %sign3A_129 = arith.cmpi sgt, %add3A_127, %sign3A : i32
        %sign3A_130 = arith.extui %sign3A_129 : i1 to i32
        %sign3A_131 = arith.constant 0 : i32
        %sign3A_132 = arith.cmpi slt, %add3A_127, %sign3A_131 : i32
        %sign3A_133 = arith.extui %sign3A_132 : i1 to i32
        %sign3A_134 = arith.subi %sign3A_130, %sign3A_133 : i32
        %sign3A_135 = arith.constant 0 : i32
        %sign3A_136 = arith.cmpi sgt, %jit3A, %sign3A_135 : i32
        %sign3A_137 = arith.extui %sign3A_136 : i1 to i32
        %sign3A_138 = arith.constant 0 : i32
        %sign3A_139 = arith.cmpi slt, %jit3A, %sign3A_138 : i32
        %sign3A_140 = arith.extui %sign3A_139 : i1 to i32
        %sign3A_141 = arith.subi %sign3A_137, %sign3A_140 : i32
        %ne3A = arith.cmpi ne, %sign3A_134, %sign3A_141 : i32
        %rem3A = arith.remsi %add3A_127, %jit3A : i32
        %ne3A_142 = arith.constant 0 : i32
        %ne3A_143 = arith.cmpi ne, %rem3A, %ne3A_142 : i32
        %and3A = arith.andi %ne3A, %ne3A_143 : i1
        %sub3A_144 = arith.constant 1 : i32
        %sub3A_145 = arith.subi %div3A_128, %sub3A_144 : i32
        %select_n3A_146 = arith.select %and3A, %sub3A_145, %div3A_128 : i32
        %mul3A_147 = arith.constant 128 : i32
        %mul3A_148 = arith.muli %select_n3A_146, %mul3A_147 : i32
        %add3A_149 = vector.broadcast %mul3A_148 : i32 to vector<16xi32>
        %add3A_150 = arith.addi %select_n3A_100, %add3A_149 : vector<16xi32>
        %swap3A = arith.index_cast %add3A_121 : i32 to index
        %swap3A_151 = tpu.vector_load %arg9[%swap3A] {strides = array<i32>} : memref<768xi32, #tpu.memory_space<vmem>>, vector<16xi32>,
        tpu.vector_store %arg9[%swap3A], %add3A_150 {strides = array<i32>} : memref<768xi32, #tpu.memory_space<vmem>>, vector<16xi32>,
        %add3A_152 = vector.broadcast %mul3A_148 : i32 to vector<16xi32>
        %add3A_153 = arith.addi %select_n3A_107, %add3A_152 : vector<16xi32>
        %swap3A_154 = arith.index_cast %add3A_121 : i32 to index
        %swap3A_155 = tpu.vector_load %arg10[%swap3A_154] {strides = array<i32>} : memref<768xi32, #tpu.memory_space<vmem>>, vector<16xi32>,
        tpu.vector_store %arg10[%swap3A_154], %add3A_153 {strides = array<i32>} : memref<768xi32, #tpu.memory_space<vmem>>, vector<16xi32>,
        %swap3A_156 = arith.index_cast %add3A_121 : i32 to index
        %swap3A_157 = tpu.vector_load %arg11[%swap3A_156] {strides = array<i32>} : memref<768xf32, #tpu.memory_space<vmem>>, vector<16xf32>,
        tpu.vector_store %arg11[%swap3A_156], %div3A_123 {strides = array<i32>} : memref<768xf32, #tpu.memory_space<vmem>>, vector<16xf32>,
        %swap3A_158 = arith.index_cast %add3A_121 : i32 to index
        %swap3A_159 = tpu.vector_load %arg12[%swap3A_158] {strides = array<i32>} : memref<768xf32, #tpu.memory_space<vmem>>, vector<16xf32>,
        tpu.vector_store %arg12[%swap3A_158], %div3A_124 {strides = array<i32>} : memref<768xf32, #tpu.memory_space<vmem>>, vector<16xf32>,
      }
      %scan3A_44 = arith.constant 8 : i32
      %add3A_45 = arith.constant 1 : i32
      %add3A_46 = arith.addi %mul3A_20, %add3A_45 : i32
      %mul3A_47 = arith.constant 128 : i32
      %mul3A_48 = arith.muli %add3A_46, %mul3A_47 : i32
      %add3A_49 = arith.addi %mul3A_2, %mul3A_48 : i32
      %dma_wait3A_50 = arith.constant 0 : i32
      %dma_wait3A_51 = tpu.memref_slice %arg2[%add3A_49, %dma_wait3A_50] : memref<24576x128xf32, #tpu.memory_space<hbm>> -> memref<128x128xf32, #tpu.memory_space<hbm>>
      %dma_wait3A_52 = arith.constant 0 : i32
      %dma_wait3A_53 = tpu.memref_slice %arg2[%add3A_49, %dma_wait3A_52] : memref<24576x128xf32, #tpu.memory_space<hbm>> -> memref<128x128xf32, #tpu.memory_space<hbm>>
      tpu.wait_dma2 semaphore(%arg14 : memref<!tpu.dma_semaphore, #tpu.memory_space<semaphore_mem>>) src(%dma_wait3A_53 : memref<128x128xf32, #tpu.memory_space<hbm>>) dst(%arg8 : memref<128x128xf32, #tpu.memory_space<vmem>>)
      %add3A_54 = arith.constant 2 : i32
      %add3A_55 = arith.addi %mul3A_20, %add3A_54 : i32
      %lt3A = arith.constant 6 : i32
      %lt3A_56 = arith.cmpi slt, %add3A_55, %lt3A : i32
      %convert_element_type3A = arith.extui %lt3A_56 : i1 to i32
      %cond3A = arith.constant 0 : i32
      %cond3A_57 = arith.cmpi ne, %convert_element_type3A, %cond3A : i32
      scf.if %cond3A_57 {
        %add3A_69 = arith.constant 2 : i32
        %add3A_70 = arith.addi %mul3A_20, %add3A_69 : i32
        %mul3A_71 = arith.constant 128 : i32
        %mul3A_72 = arith.muli %add3A_70, %mul3A_71 : i32
        %add3A_73 = arith.addi %mul3A_2, %mul3A_72 : i32
        %dma_start3A_74 = arith.constant 0 : i32
        %dma_start3A_75 = tpu.memref_slice %arg2[%add3A_73, %dma_start3A_74] : memref<24576x128xf32, #tpu.memory_space<hbm>> -> memref<128x128xf32, #tpu.memory_space<hbm>>
        %dma_start3A_76 = arith.constant 0 : i32
        %dma_start3A_77 = tpu.memref_slice %arg2[%add3A_73, %dma_start3A_76] : memref<24576x128xf32, #tpu.memory_space<hbm>> -> memref<128x128xf32, #tpu.memory_space<hbm>>
        tpu.enqueue_dma source(%dma_start3A_77 : memref<128x128xf32, #tpu.memory_space<hbm>>) target(%arg7 : memref<128x128xf32, #tpu.memory_space<vmem>>) target_semaphore(%arg13 : memref<!tpu.dma_semaphore, #tpu.memory_space<semaphore_mem>>)
      } else {
      }
      %add3A_58 = arith.constant 1 : i32
      %add3A_59 = arith.addi %mul3A_20, %add3A_58 : i32
      %mul3A_60 = arith.constant 128 : i32
      %mul3A_61 = arith.muli %add3A_59, %mul3A_60 : i32
      %add3A_62 = arith.addi %mul3A_2, %mul3A_61 : i32
      %scan3A_63 = arith.constant 0 : i32
      %scan3A_64 = arith.constant 0 : i32
      %scan3A_65 = arith.constant 8 : i32
      %scan3A_66 = arith.addi %scan3A_64, %scan3A_65 : i32
      %scan3A_67 = arith.constant 1 : i32
      scf.for %scan3A_69 = %scan3A_64 to %scan3A_66 step %scan3A_67  : i32 {
        %mul3A_70 = arith.constant 16 : i32
        %mul3A_71 = arith.muli %scan3A_69, %mul3A_70 : i32
        %add3A_72 = vector.broadcast %mul3A_71 : i32 to vector<16xi32>
        %add3A_73 = arith.addi %add3A_72, %iota3A : vector<16xi32>
        %scan3A_74 = arith.constant 0 : i32
        %scan3A_75 = arith.constant 8 : i32
        %scan3A_76 = arith.addi %scan3A_74, %scan3A_75 : i32
        %scan3A_77 = arith.constant 1 : i32
        %scan3A_78:16 = scf.for %scan3A_160 = %scan3A_74 to %scan3A_76 step %scan3A_77 iter_args(%scan3A_161 = %broadcast_in_dim3A_3, %scan3A_162 = %broadcast_in_dim3A_5, %scan3A_163 = %broadcast_in_dim3A_3, %scan3A_164 = %broadcast_in_dim3A_5, %scan3A_165 = %broadcast_in_dim3A_3, %scan3A_166 = %broadcast_in_dim3A_5, %scan3A_167 = %broadcast_in_dim3A_3, %scan3A_168 = %broadcast_in_dim3A_5, %scan3A_169 = %broadcast_in_dim3A_3, %scan3A_170 = %broadcast_in_dim3A_5, %scan3A_171 = %broadcast_in_dim3A_3, %scan3A_172 = %broadcast_in_dim3A_5, %scan3A_173 = %broadcast_in_dim3A_3, %scan3A_174 = %broadcast_in_dim3A_5, %scan3A_175 = %broadcast_in_dim3A_3, %scan3A_176 = %broadcast_in_dim3A_5) -> (vector<16xf32>, vector<16xi32>, vector<16xf32>, vector<16xi32>, vector<16xf32>, vector<16xi32>, vector<16xf32>, vector<16xi32>, vector<16xf32>, vector<16xi32>, vector<16xf32>, vector<16xi32>, vector<16xf32>, vector<16xi32>, vector<16xf32>, vector<16xi32>)  : i32 {
          %mul3A_177 = arith.constant 4 : i32
          %mul3A_178 = arith.muli %scan3A_160, %mul3A_177 : i32
          %add3A_179 = arith.constant 0 : i32
          %add3A_180 = arith.addi %mul3A_178, %add3A_179 : i32
          %add3A_181 = vector.broadcast %add3A_180 : i32 to vector<16xi32>
          %add3A_182 = arith.addi %iota3A, %add3A_181 : vector<16xi32>
          %and3A_183 = arith.constant 31 : i32
          %and3A_184 = vector.broadcast %and3A_183 : i32 to vector<16xi32>
          %and3A_185 = arith.andi %add3A_182, %and3A_184 : vector<16xi32>
          %add3A_186 = arith.constant 0 : i32
          %add3A_187 = vector.broadcast %add3A_186 : i32 to vector<16xi32>
          %add3A_188 = arith.addi %and3A_185, %add3A_187 : vector<16xi32>
          %gather3A = tpu.vector_load_idx %arg8[%add3A_73, %add3A_188] : memref<128x128xf32, #tpu.memory_space<vmem>>[vector<16xi32>, vector<16xi32>], vector<16xf32>,
          %gt3A_189 = arith.cmpf ogt, %gather3A, %scan3A_161 : vector<16xf32>
          %gt3A_190 = arith.cmpf ogt, %gather3A, %scan3A_163 : vector<16xf32>
          %select_n3A_191 = arith.select %gt3A_190, %gather3A, %scan3A_163 : vector<16xi1>, vector<16xf32>
          %select_n3A_192 = arith.select %gt3A_189, %scan3A_161, %select_n3A_191 : vector<16xi1>, vector<16xf32>
          %select_n3A_193 = arith.select %gt3A_190, %add3A_188, %scan3A_164 : vector<16xi1>, vector<16xi32>
          %select_n3A_194 = arith.select %gt3A_189, %scan3A_162, %select_n3A_193 : vector<16xi1>, vector<16xi32>
          %max3A = arith.maximumf %gather3A, %scan3A_161 : vector<16xf32>
          %select_n3A_195 = arith.select %gt3A_189, %add3A_188, %scan3A_162 : vector<16xi1>, vector<16xi32>
          %add3A_196 = arith.constant 32 : i32
          %add3A_197 = vector.broadcast %add3A_196 : i32 to vector<16xi32>
          %add3A_198 = arith.addi %and3A_185, %add3A_197 : vector<16xi32>
          %gather3A_199 = tpu.vector_load_idx %arg8[%add3A_73, %add3A_198] : memref<128x128xf32, #tpu.memory_space<vmem>>[vector<16xi32>, vector<16xi32>], vector<16xf32>,
          %gt3A_200 = arith.cmpf ogt, %gather3A_199, %scan3A_165 : vector<16xf32>
          %gt3A_201 = arith.cmpf ogt, %gather3A_199, %scan3A_167 : vector<16xf32>
          %select_n3A_202 = arith.select %gt3A_201, %gather3A_199, %scan3A_167 : vector<16xi1>, vector<16xf32>
          %select_n3A_203 = arith.select %gt3A_200, %scan3A_165, %select_n3A_202 : vector<16xi1>, vector<16xf32>
          %select_n3A_204 = arith.select %gt3A_201, %add3A_198, %scan3A_168 : vector<16xi1>, vector<16xi32>
          %select_n3A_205 = arith.select %gt3A_200, %scan3A_166, %select_n3A_204 : vector<16xi1>, vector<16xi32>
          %max3A_206 = arith.maximumf %gather3A_199, %scan3A_165 : vector<16xf32>
          %select_n3A_207 = arith.select %gt3A_200, %add3A_198, %scan3A_166 : vector<16xi1>, vector<16xi32>
          %add3A_208 = arith.constant 64 : i32
          %add3A_209 = vector.broadcast %add3A_208 : i32 to vector<16xi32>
          %add3A_210 = arith.addi %and3A_185, %add3A_209 : vector<16xi32>
          %gather3A_211 = tpu.vector_load_idx %arg8[%add3A_73, %add3A_210] : memref<128x128xf32, #tpu.memory_space<vmem>>[vector<16xi32>, vector<16xi32>], vector<16xf32>,
          %gt3A_212 = arith.cmpf ogt, %gather3A_211, %scan3A_169 : vector<16xf32>
          %gt3A_213 = arith.cmpf ogt, %gather3A_211, %scan3A_171 : vector<16xf32>
          %select_n3A_214 = arith.select %gt3A_213, %gather3A_211, %scan3A_171 : vector<16xi1>, vector<16xf32>
          %select_n3A_215 = arith.select %gt3A_212, %scan3A_169, %select_n3A_214 : vector<16xi1>, vector<16xf32>
          %select_n3A_216 = arith.select %gt3A_213, %add3A_210, %scan3A_172 : vector<16xi1>, vector<16xi32>
          %select_n3A_217 = arith.select %gt3A_212, %scan3A_170, %select_n3A_216 : vector<16xi1>, vector<16xi32>
          %max3A_218 = arith.maximumf %gather3A_211, %scan3A_169 : vector<16xf32>
          %select_n3A_219 = arith.select %gt3A_212, %add3A_210, %scan3A_170 : vector<16xi1>, vector<16xi32>
          %add3A_220 = arith.constant 96 : i32
          %add3A_221 = vector.broadcast %add3A_220 : i32 to vector<16xi32>
          %add3A_222 = arith.addi %and3A_185, %add3A_221 : vector<16xi32>
          %gather3A_223 = tpu.vector_load_idx %arg8[%add3A_73, %add3A_222] : memref<128x128xf32, #tpu.memory_space<vmem>>[vector<16xi32>, vector<16xi32>], vector<16xf32>,
          %gt3A_224 = arith.cmpf ogt, %gather3A_223, %scan3A_173 : vector<16xf32>
          %gt3A_225 = arith.cmpf ogt, %gather3A_223, %scan3A_175 : vector<16xf32>
          %select_n3A_226 = arith.select %gt3A_225, %gather3A_223, %scan3A_175 : vector<16xi1>, vector<16xf32>
          %select_n3A_227 = arith.select %gt3A_224, %scan3A_173, %select_n3A_226 : vector<16xi1>, vector<16xf32>
          %select_n3A_228 = arith.select %gt3A_225, %add3A_222, %scan3A_176 : vector<16xi1>, vector<16xi32>
          %select_n3A_229 = arith.select %gt3A_224, %scan3A_174, %select_n3A_228 : vector<16xi1>, vector<16xi32>
          %max3A_230 = arith.maximumf %gather3A_223, %scan3A_173 : vector<16xf32>
          %select_n3A_231 = arith.select %gt3A_224, %add3A_222, %scan3A_174 : vector<16xi1>, vector<16xi32>
          %mul3A_232 = arith.constant 4 : i32
          %mul3A_233 = arith.muli %scan3A_160, %mul3A_232 : i32
          %add3A_234 = arith.constant 1 : i32
          %add3A_235 = arith.addi %mul3A_233, %add3A_234 : i32
          %add3A_236 = vector.broadcast %add3A_235 : i32 to vector<16xi32>
          %add3A_237 = arith.addi %iota3A, %add3A_236 : vector<16xi32>
          %and3A_238 = arith.constant 31 : i32
          %and3A_239 = vector.broadcast %and3A_238 : i32 to vector<16xi32>
          %and3A_240 = arith.andi %add3A_237, %and3A_239 : vector<16xi32>
          %add3A_241 = arith.constant 0 : i32
          %add3A_242 = vector.broadcast %add3A_241 : i32 to vector<16xi32>
          %add3A_243 = arith.addi %and3A_240, %add3A_242 : vector<16xi32>
          %gather3A_244 = tpu.vector_load_idx %arg8[%add3A_73, %add3A_243] : memref<128x128xf32, #tpu.memory_space<vmem>>[vector<16xi32>, vector<16xi32>], vector<16xf32>,
          %gt3A_245 = arith.cmpf ogt, %gather3A_244, %max3A : vector<16xf32>
          %gt3A_246 = arith.cmpf ogt, %gather3A_244, %select_n3A_192 : vector<16xf32>
          %select_n3A_247 = arith.select %gt3A_246, %gather3A_244, %select_n3A_192 : vector<16xi1>, vector<16xf32>
          %select_n3A_248 = arith.select %gt3A_245, %max3A, %select_n3A_247 : vector<16xi1>, vector<16xf32>
          %select_n3A_249 = arith.select %gt3A_246, %add3A_243, %select_n3A_194 : vector<16xi1>, vector<16xi32>
          %select_n3A_250 = arith.select %gt3A_245, %select_n3A_195, %select_n3A_249 : vector<16xi1>, vector<16xi32>
          %max3A_251 = arith.maximumf %gather3A_244, %max3A : vector<16xf32>
          %select_n3A_252 = arith.select %gt3A_245, %add3A_243, %select_n3A_195 : vector<16xi1>, vector<16xi32>
          %add3A_253 = arith.constant 32 : i32
          %add3A_254 = vector.broadcast %add3A_253 : i32 to vector<16xi32>
          %add3A_255 = arith.addi %and3A_240, %add3A_254 : vector<16xi32>
          %gather3A_256 = tpu.vector_load_idx %arg8[%add3A_73, %add3A_255] : memref<128x128xf32, #tpu.memory_space<vmem>>[vector<16xi32>, vector<16xi32>], vector<16xf32>,
          %gt3A_257 = arith.cmpf ogt, %gather3A_256, %max3A_206 : vector<16xf32>
          %gt3A_258 = arith.cmpf ogt, %gather3A_256, %select_n3A_203 : vector<16xf32>
          %select_n3A_259 = arith.select %gt3A_258, %gather3A_256, %select_n3A_203 : vector<16xi1>, vector<16xf32>
          %select_n3A_260 = arith.select %gt3A_257, %max3A_206, %select_n3A_259 : vector<16xi1>, vector<16xf32>
          %select_n3A_261 = arith.select %gt3A_258, %add3A_255, %select_n3A_205 : vector<16xi1>, vector<16xi32>
          %select_n3A_262 = arith.select %gt3A_257, %select_n3A_207, %select_n3A_261 : vector<16xi1>, vector<16xi32>
          %max3A_263 = arith.maximumf %gather3A_256, %max3A_206 : vector<16xf32>
          %select_n3A_264 = arith.select %gt3A_257, %add3A_255, %select_n3A_207 : vector<16xi1>, vector<16xi32>
          %add3A_265 = arith.constant 64 : i32
          %add3A_266 = vector.broadcast %add3A_265 : i32 to vector<16xi32>
          %add3A_267 = arith.addi %and3A_240, %add3A_266 : vector<16xi32>
          %gather3A_268 = tpu.vector_load_idx %arg8[%add3A_73, %add3A_267] : memref<128x128xf32, #tpu.memory_space<vmem>>[vector<16xi32>, vector<16xi32>], vector<16xf32>,
          %gt3A_269 = arith.cmpf ogt, %gather3A_268, %max3A_218 : vector<16xf32>
          %gt3A_270 = arith.cmpf ogt, %gather3A_268, %select_n3A_215 : vector<16xf32>
          %select_n3A_271 = arith.select %gt3A_270, %gather3A_268, %select_n3A_215 : vector<16xi1>, vector<16xf32>
          %select_n3A_272 = arith.select %gt3A_269, %max3A_218, %select_n3A_271 : vector<16xi1>, vector<16xf32>
          %select_n3A_273 = arith.select %gt3A_270, %add3A_267, %select_n3A_217 : vector<16xi1>, vector<16xi32>
          %select_n3A_274 = arith.select %gt3A_269, %select_n3A_219, %select_n3A_273 : vector<16xi1>, vector<16xi32>
          %max3A_275 = arith.maximumf %gather3A_268, %max3A_218 : vector<16xf32>
          %select_n3A_276 = arith.select %gt3A_269, %add3A_267, %select_n3A_219 : vector<16xi1>, vector<16xi32>
          %add3A_277 = arith.constant 96 : i32
          %add3A_278 = vector.broadcast %add3A_277 : i32 to vector<16xi32>
          %add3A_279 = arith.addi %and3A_240, %add3A_278 : vector<16xi32>
          %gather3A_280 = tpu.vector_load_idx %arg8[%add3A_73, %add3A_279] : memref<128x128xf32, #tpu.memory_space<vmem>>[vector<16xi32>, vector<16xi32>], vector<16xf32>,
          %gt3A_281 = arith.cmpf ogt, %gather3A_280, %max3A_230 : vector<16xf32>
          %gt3A_282 = arith.cmpf ogt, %gather3A_280, %select_n3A_227 : vector<16xf32>
          %select_n3A_283 = arith.select %gt3A_282, %gather3A_280, %select_n3A_227 : vector<16xi1>, vector<16xf32>
          %select_n3A_284 = arith.select %gt3A_281, %max3A_230, %select_n3A_283 : vector<16xi1>, vector<16xf32>
          %select_n3A_285 = arith.select %gt3A_282, %add3A_279, %select_n3A_229 : vector<16xi1>, vector<16xi32>
          %select_n3A_286 = arith.select %gt3A_281, %select_n3A_231, %select_n3A_285 : vector<16xi1>, vector<16xi32>
          %max3A_287 = arith.maximumf %gather3A_280, %max3A_230 : vector<16xf32>
          %select_n3A_288 = arith.select %gt3A_281, %add3A_279, %select_n3A_231 : vector<16xi1>, vector<16xi32>
          %mul3A_289 = arith.constant 4 : i32
          %mul3A_290 = arith.muli %scan3A_160, %mul3A_289 : i32
          %add3A_291 = arith.constant 2 : i32
          %add3A_292 = arith.addi %mul3A_290, %add3A_291 : i32
          %add3A_293 = vector.broadcast %add3A_292 : i32 to vector<16xi32>
          %add3A_294 = arith.addi %iota3A, %add3A_293 : vector<16xi32>
          %and3A_295 = arith.constant 31 : i32
          %and3A_296 = vector.broadcast %and3A_295 : i32 to vector<16xi32>
          %and3A_297 = arith.andi %add3A_294, %and3A_296 : vector<16xi32>
          %add3A_298 = arith.constant 0 : i32
          %add3A_299 = vector.broadcast %add3A_298 : i32 to vector<16xi32>
          %add3A_300 = arith.addi %and3A_297, %add3A_299 : vector<16xi32>
          %gather3A_301 = tpu.vector_load_idx %arg8[%add3A_73, %add3A_300] : memref<128x128xf32, #tpu.memory_space<vmem>>[vector<16xi32>, vector<16xi32>], vector<16xf32>,
          %gt3A_302 = arith.cmpf ogt, %gather3A_301, %max3A_251 : vector<16xf32>
          %gt3A_303 = arith.cmpf ogt, %gather3A_301, %select_n3A_248 : vector<16xf32>
          %select_n3A_304 = arith.select %gt3A_303, %gather3A_301, %select_n3A_248 : vector<16xi1>, vector<16xf32>
          %select_n3A_305 = arith.select %gt3A_302, %max3A_251, %select_n3A_304 : vector<16xi1>, vector<16xf32>
          %select_n3A_306 = arith.select %gt3A_303, %add3A_300, %select_n3A_250 : vector<16xi1>, vector<16xi32>
          %select_n3A_307 = arith.select %gt3A_302, %select_n3A_252, %select_n3A_306 : vector<16xi1>, vector<16xi32>
          %max3A_308 = arith.maximumf %gather3A_301, %max3A_251 : vector<16xf32>
          %select_n3A_309 = arith.select %gt3A_302, %add3A_300, %select_n3A_252 : vector<16xi1>, vector<16xi32>
          %add3A_310 = arith.constant 32 : i32
          %add3A_311 = vector.broadcast %add3A_310 : i32 to vector<16xi32>
          %add3A_312 = arith.addi %and3A_297, %add3A_311 : vector<16xi32>
          %gather3A_313 = tpu.vector_load_idx %arg8[%add3A_73, %add3A_312] : memref<128x128xf32, #tpu.memory_space<vmem>>[vector<16xi32>, vector<16xi32>], vector<16xf32>,
          %gt3A_314 = arith.cmpf ogt, %gather3A_313, %max3A_263 : vector<16xf32>
          %gt3A_315 = arith.cmpf ogt, %gather3A_313, %select_n3A_260 : vector<16xf32>
          %select_n3A_316 = arith.select %gt3A_315, %gather3A_313, %select_n3A_260 : vector<16xi1>, vector<16xf32>
          %select_n3A_317 = arith.select %gt3A_314, %max3A_263, %select_n3A_316 : vector<16xi1>, vector<16xf32>
          %select_n3A_318 = arith.select %gt3A_315, %add3A_312, %select_n3A_262 : vector<16xi1>, vector<16xi32>
          %select_n3A_319 = arith.select %gt3A_314, %select_n3A_264, %select_n3A_318 : vector<16xi1>, vector<16xi32>
          %max3A_320 = arith.maximumf %gather3A_313, %max3A_263 : vector<16xf32>
          %select_n3A_321 = arith.select %gt3A_314, %add3A_312, %select_n3A_264 : vector<16xi1>, vector<16xi32>
          %add3A_322 = arith.constant 64 : i32
          %add3A_323 = vector.broadcast %add3A_322 : i32 to vector<16xi32>
          %add3A_324 = arith.addi %and3A_297, %add3A_323 : vector<16xi32>
          %gather3A_325 = tpu.vector_load_idx %arg8[%add3A_73, %add3A_324] : memref<128x128xf32, #tpu.memory_space<vmem>>[vector<16xi32>, vector<16xi32>], vector<16xf32>,
          %gt3A_326 = arith.cmpf ogt, %gather3A_325, %max3A_275 : vector<16xf32>
          %gt3A_327 = arith.cmpf ogt, %gather3A_325, %select_n3A_272 : vector<16xf32>
          %select_n3A_328 = arith.select %gt3A_327, %gather3A_325, %select_n3A_272 : vector<16xi1>, vector<16xf32>
          %select_n3A_329 = arith.select %gt3A_326, %max3A_275, %select_n3A_328 : vector<16xi1>, vector<16xf32>
          %select_n3A_330 = arith.select %gt3A_327, %add3A_324, %select_n3A_274 : vector<16xi1>, vector<16xi32>
          %select_n3A_331 = arith.select %gt3A_326, %select_n3A_276, %select_n3A_330 : vector<16xi1>, vector<16xi32>
          %max3A_332 = arith.maximumf %gather3A_325, %max3A_275 : vector<16xf32>
          %select_n3A_333 = arith.select %gt3A_326, %add3A_324, %select_n3A_276 : vector<16xi1>, vector<16xi32>
          %add3A_334 = arith.constant 96 : i32
          %add3A_335 = vector.broadcast %add3A_334 : i32 to vector<16xi32>
          %add3A_336 = arith.addi %and3A_297, %add3A_335 : vector<16xi32>
          %gather3A_337 = tpu.vector_load_idx %arg8[%add3A_73, %add3A_336] : memref<128x128xf32, #tpu.memory_space<vmem>>[vector<16xi32>, vector<16xi32>], vector<16xf32>,
          %gt3A_338 = arith.cmpf ogt, %gather3A_337, %max3A_287 : vector<16xf32>
          %gt3A_339 = arith.cmpf ogt, %gather3A_337, %select_n3A_284 : vector<16xf32>
          %select_n3A_340 = arith.select %gt3A_339, %gather3A_337, %select_n3A_284 : vector<16xi1>, vector<16xf32>
          %select_n3A_341 = arith.select %gt3A_338, %max3A_287, %select_n3A_340 : vector<16xi1>, vector<16xf32>
          %select_n3A_342 = arith.select %gt3A_339, %add3A_336, %select_n3A_286 : vector<16xi1>, vector<16xi32>
          %select_n3A_343 = arith.select %gt3A_338, %select_n3A_288, %select_n3A_342 : vector<16xi1>, vector<16xi32>
          %max3A_344 = arith.maximumf %gather3A_337, %max3A_287 : vector<16xf32>
          %select_n3A_345 = arith.select %gt3A_338, %add3A_336, %select_n3A_288 : vector<16xi1>, vector<16xi32>
          %mul3A_346 = arith.constant 4 : i32
          %mul3A_347 = arith.muli %scan3A_160, %mul3A_346 : i32
          %add3A_348 = arith.constant 3 : i32
          %add3A_349 = arith.addi %mul3A_347, %add3A_348 : i32
          %add3A_350 = vector.broadcast %add3A_349 : i32 to vector<16xi32>
          %add3A_351 = arith.addi %iota3A, %add3A_350 : vector<16xi32>
          %and3A_352 = arith.constant 31 : i32
          %and3A_353 = vector.broadcast %and3A_352 : i32 to vector<16xi32>
          %and3A_354 = arith.andi %add3A_351, %and3A_353 : vector<16xi32>
          %add3A_355 = arith.constant 0 : i32
          %add3A_356 = vector.broadcast %add3A_355 : i32 to vector<16xi32>
          %add3A_357 = arith.addi %and3A_354, %add3A_356 : vector<16xi32>
          %gather3A_358 = tpu.vector_load_idx %arg8[%add3A_73, %add3A_357] : memref<128x128xf32, #tpu.memory_space<vmem>>[vector<16xi32>, vector<16xi32>], vector<16xf32>,
          %gt3A_359 = arith.cmpf ogt, %gather3A_358, %max3A_308 : vector<16xf32>
          %gt3A_360 = arith.cmpf ogt, %gather3A_358, %select_n3A_305 : vector<16xf32>
          %select_n3A_361 = arith.select %gt3A_360, %gather3A_358, %select_n3A_305 : vector<16xi1>, vector<16xf32>
          %select_n3A_362 = arith.select %gt3A_359, %max3A_308, %select_n3A_361 : vector<16xi1>, vector<16xf32>
          %select_n3A_363 = arith.select %gt3A_360, %add3A_357, %select_n3A_307 : vector<16xi1>, vector<16xi32>
          %select_n3A_364 = arith.select %gt3A_359, %select_n3A_309, %select_n3A_363 : vector<16xi1>, vector<16xi32>
          %max3A_365 = arith.maximumf %gather3A_358, %max3A_308 : vector<16xf32>
          %select_n3A_366 = arith.select %gt3A_359, %add3A_357, %select_n3A_309 : vector<16xi1>, vector<16xi32>
          %add3A_367 = arith.constant 32 : i32
          %add3A_368 = vector.broadcast %add3A_367 : i32 to vector<16xi32>
          %add3A_369 = arith.addi %and3A_354, %add3A_368 : vector<16xi32>
          %gather3A_370 = tpu.vector_load_idx %arg8[%add3A_73, %add3A_369] : memref<128x128xf32, #tpu.memory_space<vmem>>[vector<16xi32>, vector<16xi32>], vector<16xf32>,
          %gt3A_371 = arith.cmpf ogt, %gather3A_370, %max3A_320 : vector<16xf32>
          %gt3A_372 = arith.cmpf ogt, %gather3A_370, %select_n3A_317 : vector<16xf32>
          %select_n3A_373 = arith.select %gt3A_372, %gather3A_370, %select_n3A_317 : vector<16xi1>, vector<16xf32>
          %select_n3A_374 = arith.select %gt3A_371, %max3A_320, %select_n3A_373 : vector<16xi1>, vector<16xf32>
          %select_n3A_375 = arith.select %gt3A_372, %add3A_369, %select_n3A_319 : vector<16xi1>, vector<16xi32>
          %select_n3A_376 = arith.select %gt3A_371, %select_n3A_321, %select_n3A_375 : vector<16xi1>, vector<16xi32>
          %max3A_377 = arith.maximumf %gather3A_370, %max3A_320 : vector<16xf32>
          %select_n3A_378 = arith.select %gt3A_371, %add3A_369, %select_n3A_321 : vector<16xi1>, vector<16xi32>
          %add3A_379 = arith.constant 64 : i32
          %add3A_380 = vector.broadcast %add3A_379 : i32 to vector<16xi32>
          %add3A_381 = arith.addi %and3A_354, %add3A_380 : vector<16xi32>
          %gather3A_382 = tpu.vector_load_idx %arg8[%add3A_73, %add3A_381] : memref<128x128xf32, #tpu.memory_space<vmem>>[vector<16xi32>, vector<16xi32>], vector<16xf32>,
          %gt3A_383 = arith.cmpf ogt, %gather3A_382, %max3A_332 : vector<16xf32>
          %gt3A_384 = arith.cmpf ogt, %gather3A_382, %select_n3A_329 : vector<16xf32>
          %select_n3A_385 = arith.select %gt3A_384, %gather3A_382, %select_n3A_329 : vector<16xi1>, vector<16xf32>
          %select_n3A_386 = arith.select %gt3A_383, %max3A_332, %select_n3A_385 : vector<16xi1>, vector<16xf32>
          %select_n3A_387 = arith.select %gt3A_384, %add3A_381, %select_n3A_331 : vector<16xi1>, vector<16xi32>
          %select_n3A_388 = arith.select %gt3A_383, %select_n3A_333, %select_n3A_387 : vector<16xi1>, vector<16xi32>
          %max3A_389 = arith.maximumf %gather3A_382, %max3A_332 : vector<16xf32>
          %select_n3A_390 = arith.select %gt3A_383, %add3A_381, %select_n3A_333 : vector<16xi1>, vector<16xi32>
          %add3A_391 = arith.constant 96 : i32
          %add3A_392 = vector.broadcast %add3A_391 : i32 to vector<16xi32>
          %add3A_393 = arith.addi %and3A_354, %add3A_392 : vector<16xi32>
          %gather3A_394 = tpu.vector_load_idx %arg8[%add3A_73, %add3A_393] : memref<128x128xf32, #tpu.memory_space<vmem>>[vector<16xi32>, vector<16xi32>], vector<16xf32>,
          %gt3A_395 = arith.cmpf ogt, %gather3A_394, %max3A_344 : vector<16xf32>
          %gt3A_396 = arith.cmpf ogt, %gather3A_394, %select_n3A_341 : vector<16xf32>
          %select_n3A_397 = arith.select %gt3A_396, %gather3A_394, %select_n3A_341 : vector<16xi1>, vector<16xf32>
          %select_n3A_398 = arith.select %gt3A_395, %max3A_344, %select_n3A_397 : vector<16xi1>, vector<16xf32>
          %select_n3A_399 = arith.select %gt3A_396, %add3A_393, %select_n3A_343 : vector<16xi1>, vector<16xi32>
          %select_n3A_400 = arith.select %gt3A_395, %select_n3A_345, %select_n3A_399 : vector<16xi1>, vector<16xi32>
          %max3A_401 = arith.maximumf %gather3A_394, %max3A_344 : vector<16xf32>
          %select_n3A_402 = arith.select %gt3A_395, %add3A_393, %select_n3A_345 : vector<16xi1>, vector<16xi32>
          scf.yield %max3A_365, %select_n3A_366, %select_n3A_362, %select_n3A_364, %max3A_377, %select_n3A_378, %select_n3A_374, %select_n3A_376, %max3A_389, %select_n3A_390, %select_n3A_386, %select_n3A_388, %max3A_401, %select_n3A_402, %select_n3A_398, %select_n3A_400 : vector<16xf32>, vector<16xi32>, vector<16xf32>, vector<16xi32>, vector<16xf32>, vector<16xi32>, vector<16xf32>, vector<16xi32>, vector<16xf32>, vector<16xi32>, vector<16xf32>, vector<16xi32>, vector<16xf32>, vector<16xi32>, vector<16xf32>, vector<16xi32>
        }
        %scan3A_79 = arith.constant 8 : i32
        %gt3A = arith.cmpf ogt, %scan3A_78#4, %scan3A_78#0 : vector<16xf32>
        %select_n3A = arith.select %gt3A, %scan3A_78#4, %scan3A_78#0 : vector<16xi1>, vector<16xf32>
        %select_n3A_80 = arith.select %gt3A, %scan3A_78#5, %scan3A_78#1 : vector<16xi1>, vector<16xi32>
        %select_n3A_81 = arith.select %gt3A, %scan3A_78#0, %scan3A_78#4 : vector<16xi1>, vector<16xf32>
        %select_n3A_82 = arith.select %gt3A, %scan3A_78#1, %scan3A_78#5 : vector<16xi1>, vector<16xi32>
        %select_n3A_83 = arith.select %gt3A, %scan3A_78#6, %scan3A_78#2 : vector<16xi1>, vector<16xf32>
        %select_n3A_84 = arith.select %gt3A, %scan3A_78#7, %scan3A_78#3 : vector<16xi1>, vector<16xi32>
        %gt3A_85 = arith.cmpf ogt, %select_n3A_83, %select_n3A_81 : vector<16xf32>
        %select_n3A_86 = arith.select %gt3A_85, %select_n3A_83, %select_n3A_81 : vector<16xi1>, vector<16xf32>
        %select_n3A_87 = arith.select %gt3A_85, %select_n3A_84, %select_n3A_82 : vector<16xi1>, vector<16xi32>
        %gt3A_88 = arith.cmpf ogt, %scan3A_78#12, %scan3A_78#8 : vector<16xf32>
        %select_n3A_89 = arith.select %gt3A_88, %scan3A_78#12, %scan3A_78#8 : vector<16xi1>, vector<16xf32>
        %select_n3A_90 = arith.select %gt3A_88, %scan3A_78#13, %scan3A_78#9 : vector<16xi1>, vector<16xi32>
        %select_n3A_91 = arith.select %gt3A_88, %scan3A_78#8, %scan3A_78#12 : vector<16xi1>, vector<16xf32>
        %select_n3A_92 = arith.select %gt3A_88, %scan3A_78#9, %scan3A_78#13 : vector<16xi1>, vector<16xi32>
        %select_n3A_93 = arith.select %gt3A_88, %scan3A_78#14, %scan3A_78#10 : vector<16xi1>, vector<16xf32>
        %select_n3A_94 = arith.select %gt3A_88, %scan3A_78#15, %scan3A_78#11 : vector<16xi1>, vector<16xi32>
        %gt3A_95 = arith.cmpf ogt, %select_n3A_93, %select_n3A_91 : vector<16xf32>
        %select_n3A_96 = arith.select %gt3A_95, %select_n3A_93, %select_n3A_91 : vector<16xi1>, vector<16xf32>
        %select_n3A_97 = arith.select %gt3A_95, %select_n3A_94, %select_n3A_92 : vector<16xi1>, vector<16xi32>
        %gt3A_98 = arith.cmpf ogt, %select_n3A_89, %select_n3A : vector<16xf32>
        %select_n3A_99 = arith.select %gt3A_98, %select_n3A_89, %select_n3A : vector<16xi1>, vector<16xf32>
        %select_n3A_100 = arith.select %gt3A_98, %select_n3A_90, %select_n3A_80 : vector<16xi1>, vector<16xi32>
        %select_n3A_101 = arith.select %gt3A_98, %select_n3A, %select_n3A_89 : vector<16xi1>, vector<16xf32>
        %select_n3A_102 = arith.select %gt3A_98, %select_n3A_80, %select_n3A_90 : vector<16xi1>, vector<16xi32>
        %select_n3A_103 = arith.select %gt3A_98, %select_n3A_96, %select_n3A_86 : vector<16xi1>, vector<16xf32>
        %select_n3A_104 = arith.select %gt3A_98, %select_n3A_97, %select_n3A_87 : vector<16xi1>, vector<16xi32>
        %gt3A_105 = arith.cmpf ogt, %select_n3A_103, %select_n3A_101 : vector<16xf32>
        %select_n3A_106 = arith.select %gt3A_105, %select_n3A_103, %select_n3A_101 : vector<16xi1>, vector<16xf32>
        %select_n3A_107 = arith.select %gt3A_105, %select_n3A_104, %select_n3A_102 : vector<16xi1>, vector<16xi32>
        %scan3A_108 = arith.constant 0 : i32
        %scan3A_109 = arith.constant 8 : i32
        %scan3A_110 = arith.addi %scan3A_108, %scan3A_109 : i32
        %scan3A_111 = arith.constant 1 : i32
        %scan3A_112:4 = scf.for %scan3A_160 = %scan3A_108 to %scan3A_110 step %scan3A_111 iter_args(%scan3A_161 = %broadcast_in_dim3A_7, %scan3A_162 = %broadcast_in_dim3A_7, %scan3A_163 = %broadcast_in_dim3A_7, %scan3A_164 = %broadcast_in_dim3A_7) -> (vector<16xf32>, vector<16xf32>, vector<16xf32>, vector<16xf32>)  : i32 {
          %mul3A_165 = arith.constant 4 : i32
          %mul3A_166 = arith.muli %scan3A_160, %mul3A_165 : i32
          %add3A_167 = arith.constant 0 : i32
          %add3A_168 = arith.addi %mul3A_166, %add3A_167 : i32
          %add3A_169 = vector.broadcast %add3A_168 : i32 to vector<16xi32>
          %add3A_170 = arith.addi %iota3A, %add3A_169 : vector<16xi32>
          %and3A_171 = arith.constant 31 : i32
          %and3A_172 = vector.broadcast %and3A_171 : i32 to vector<16xi32>
          %and3A_173 = arith.andi %add3A_170, %and3A_172 : vector<16xi32>
          %add3A_174 = arith.constant 0 : i32
          %add3A_175 = vector.broadcast %add3A_174 : i32 to vector<16xi32>
          %add3A_176 = arith.addi %and3A_173, %add3A_175 : vector<16xi32>
          %gather3A = tpu.vector_load_idx %arg8[%add3A_73, %add3A_176] : memref<128x128xf32, #tpu.memory_space<vmem>>[vector<16xi32>, vector<16xi32>], vector<16xf32>,
          %sub3A_177 = arith.subf %gather3A, %select_n3A_99 : vector<16xf32>
          %exp3A_178 = math.exp %sub3A_177 : vector<16xf32>
          %add3A_179 = arith.addf %scan3A_161, %exp3A_178 : vector<16xf32>
          %add3A_180 = arith.constant 32 : i32
          %add3A_181 = vector.broadcast %add3A_180 : i32 to vector<16xi32>
          %add3A_182 = arith.addi %and3A_173, %add3A_181 : vector<16xi32>
          %gather3A_183 = tpu.vector_load_idx %arg8[%add3A_73, %add3A_182] : memref<128x128xf32, #tpu.memory_space<vmem>>[vector<16xi32>, vector<16xi32>], vector<16xf32>,
          %sub3A_184 = arith.subf %gather3A_183, %select_n3A_99 : vector<16xf32>
          %exp3A_185 = math.exp %sub3A_184 : vector<16xf32>
          %add3A_186 = arith.addf %scan3A_162, %exp3A_185 : vector<16xf32>
          %add3A_187 = arith.constant 64 : i32
          %add3A_188 = vector.broadcast %add3A_187 : i32 to vector<16xi32>
          %add3A_189 = arith.addi %and3A_173, %add3A_188 : vector<16xi32>
          %gather3A_190 = tpu.vector_load_idx %arg8[%add3A_73, %add3A_189] : memref<128x128xf32, #tpu.memory_space<vmem>>[vector<16xi32>, vector<16xi32>], vector<16xf32>,
          %sub3A_191 = arith.subf %gather3A_190, %select_n3A_99 : vector<16xf32>
          %exp3A_192 = math.exp %sub3A_191 : vector<16xf32>
          %add3A_193 = arith.addf %scan3A_163, %exp3A_192 : vector<16xf32>
          %add3A_194 = arith.constant 96 : i32
          %add3A_195 = vector.broadcast %add3A_194 : i32 to vector<16xi32>
          %add3A_196 = arith.addi %and3A_173, %add3A_195 : vector<16xi32>
          %gather3A_197 = tpu.vector_load_idx %arg8[%add3A_73, %add3A_196] : memref<128x128xf32, #tpu.memory_space<vmem>>[vector<16xi32>, vector<16xi32>], vector<16xf32>,
          %sub3A_198 = arith.subf %gather3A_197, %select_n3A_99 : vector<16xf32>
          %exp3A_199 = math.exp %sub3A_198 : vector<16xf32>
          %add3A_200 = arith.addf %scan3A_164, %exp3A_199 : vector<16xf32>
          %mul3A_201 = arith.constant 4 : i32
          %mul3A_202 = arith.muli %scan3A_160, %mul3A_201 : i32
          %add3A_203 = arith.constant 1 : i32
          %add3A_204 = arith.addi %mul3A_202, %add3A_203 : i32
          %add3A_205 = vector.broadcast %add3A_204 : i32 to vector<16xi32>
          %add3A_206 = arith.addi %iota3A, %add3A_205 : vector<16xi32>
          %and3A_207 = arith.constant 31 : i32
          %and3A_208 = vector.broadcast %and3A_207 : i32 to vector<16xi32>
          %and3A_209 = arith.andi %add3A_206, %and3A_208 : vector<16xi32>
          %add3A_210 = arith.constant 0 : i32
          %add3A_211 = vector.broadcast %add3A_210 : i32 to vector<16xi32>
          %add3A_212 = arith.addi %and3A_209, %add3A_211 : vector<16xi32>
          %gather3A_213 = tpu.vector_load_idx %arg8[%add3A_73, %add3A_212] : memref<128x128xf32, #tpu.memory_space<vmem>>[vector<16xi32>, vector<16xi32>], vector<16xf32>,
          %sub3A_214 = arith.subf %gather3A_213, %select_n3A_99 : vector<16xf32>
          %exp3A_215 = math.exp %sub3A_214 : vector<16xf32>
          %add3A_216 = arith.addf %add3A_179, %exp3A_215 : vector<16xf32>
          %add3A_217 = arith.constant 32 : i32
          %add3A_218 = vector.broadcast %add3A_217 : i32 to vector<16xi32>
          %add3A_219 = arith.addi %and3A_209, %add3A_218 : vector<16xi32>
          %gather3A_220 = tpu.vector_load_idx %arg8[%add3A_73, %add3A_219] : memref<128x128xf32, #tpu.memory_space<vmem>>[vector<16xi32>, vector<16xi32>], vector<16xf32>,
          %sub3A_221 = arith.subf %gather3A_220, %select_n3A_99 : vector<16xf32>
          %exp3A_222 = math.exp %sub3A_221 : vector<16xf32>
          %add3A_223 = arith.addf %add3A_186, %exp3A_222 : vector<16xf32>
          %add3A_224 = arith.constant 64 : i32
          %add3A_225 = vector.broadcast %add3A_224 : i32 to vector<16xi32>
          %add3A_226 = arith.addi %and3A_209, %add3A_225 : vector<16xi32>
          %gather3A_227 = tpu.vector_load_idx %arg8[%add3A_73, %add3A_226] : memref<128x128xf32, #tpu.memory_space<vmem>>[vector<16xi32>, vector<16xi32>], vector<16xf32>,
          %sub3A_228 = arith.subf %gather3A_227, %select_n3A_99 : vector<16xf32>
          %exp3A_229 = math.exp %sub3A_228 : vector<16xf32>
          %add3A_230 = arith.addf %add3A_193, %exp3A_229 : vector<16xf32>
          %add3A_231 = arith.constant 96 : i32
          %add3A_232 = vector.broadcast %add3A_231 : i32 to vector<16xi32>
          %add3A_233 = arith.addi %and3A_209, %add3A_232 : vector<16xi32>
          %gather3A_234 = tpu.vector_load_idx %arg8[%add3A_73, %add3A_233] : memref<128x128xf32, #tpu.memory_space<vmem>>[vector<16xi32>, vector<16xi32>], vector<16xf32>,
          %sub3A_235 = arith.subf %gather3A_234, %select_n3A_99 : vector<16xf32>
          %exp3A_236 = math.exp %sub3A_235 : vector<16xf32>
          %add3A_237 = arith.addf %add3A_200, %exp3A_236 : vector<16xf32>
          %mul3A_238 = arith.constant 4 : i32
          %mul3A_239 = arith.muli %scan3A_160, %mul3A_238 : i32
          %add3A_240 = arith.constant 2 : i32
          %add3A_241 = arith.addi %mul3A_239, %add3A_240 : i32
          %add3A_242 = vector.broadcast %add3A_241 : i32 to vector<16xi32>
          %add3A_243 = arith.addi %iota3A, %add3A_242 : vector<16xi32>
          %and3A_244 = arith.constant 31 : i32
          %and3A_245 = vector.broadcast %and3A_244 : i32 to vector<16xi32>
          %and3A_246 = arith.andi %add3A_243, %and3A_245 : vector<16xi32>
          %add3A_247 = arith.constant 0 : i32
          %add3A_248 = vector.broadcast %add3A_247 : i32 to vector<16xi32>
          %add3A_249 = arith.addi %and3A_246, %add3A_248 : vector<16xi32>
          %gather3A_250 = tpu.vector_load_idx %arg8[%add3A_73, %add3A_249] : memref<128x128xf32, #tpu.memory_space<vmem>>[vector<16xi32>, vector<16xi32>], vector<16xf32>,
          %sub3A_251 = arith.subf %gather3A_250, %select_n3A_99 : vector<16xf32>
          %exp3A_252 = math.exp %sub3A_251 : vector<16xf32>
          %add3A_253 = arith.addf %add3A_216, %exp3A_252 : vector<16xf32>
          %add3A_254 = arith.constant 32 : i32
          %add3A_255 = vector.broadcast %add3A_254 : i32 to vector<16xi32>
          %add3A_256 = arith.addi %and3A_246, %add3A_255 : vector<16xi32>
          %gather3A_257 = tpu.vector_load_idx %arg8[%add3A_73, %add3A_256] : memref<128x128xf32, #tpu.memory_space<vmem>>[vector<16xi32>, vector<16xi32>], vector<16xf32>,
          %sub3A_258 = arith.subf %gather3A_257, %select_n3A_99 : vector<16xf32>
          %exp3A_259 = math.exp %sub3A_258 : vector<16xf32>
          %add3A_260 = arith.addf %add3A_223, %exp3A_259 : vector<16xf32>
          %add3A_261 = arith.constant 64 : i32
          %add3A_262 = vector.broadcast %add3A_261 : i32 to vector<16xi32>
          %add3A_263 = arith.addi %and3A_246, %add3A_262 : vector<16xi32>
          %gather3A_264 = tpu.vector_load_idx %arg8[%add3A_73, %add3A_263] : memref<128x128xf32, #tpu.memory_space<vmem>>[vector<16xi32>, vector<16xi32>], vector<16xf32>,
          %sub3A_265 = arith.subf %gather3A_264, %select_n3A_99 : vector<16xf32>
          %exp3A_266 = math.exp %sub3A_265 : vector<16xf32>
          %add3A_267 = arith.addf %add3A_230, %exp3A_266 : vector<16xf32>
          %add3A_268 = arith.constant 96 : i32
          %add3A_269 = vector.broadcast %add3A_268 : i32 to vector<16xi32>
          %add3A_270 = arith.addi %and3A_246, %add3A_269 : vector<16xi32>
          %gather3A_271 = tpu.vector_load_idx %arg8[%add3A_73, %add3A_270] : memref<128x128xf32, #tpu.memory_space<vmem>>[vector<16xi32>, vector<16xi32>], vector<16xf32>,
          %sub3A_272 = arith.subf %gather3A_271, %select_n3A_99 : vector<16xf32>
          %exp3A_273 = math.exp %sub3A_272 : vector<16xf32>
          %add3A_274 = arith.addf %add3A_237, %exp3A_273 : vector<16xf32>
          %mul3A_275 = arith.constant 4 : i32
          %mul3A_276 = arith.muli %scan3A_160, %mul3A_275 : i32
          %add3A_277 = arith.constant 3 : i32
          %add3A_278 = arith.addi %mul3A_276, %add3A_277 : i32
          %add3A_279 = vector.broadcast %add3A_278 : i32 to vector<16xi32>
          %add3A_280 = arith.addi %iota3A, %add3A_279 : vector<16xi32>
          %and3A_281 = arith.constant 31 : i32
          %and3A_282 = vector.broadcast %and3A_281 : i32 to vector<16xi32>
          %and3A_283 = arith.andi %add3A_280, %and3A_282 : vector<16xi32>
          %add3A_284 = arith.constant 0 : i32
          %add3A_285 = vector.broadcast %add3A_284 : i32 to vector<16xi32>
          %add3A_286 = arith.addi %and3A_283, %add3A_285 : vector<16xi32>
          %gather3A_287 = tpu.vector_load_idx %arg8[%add3A_73, %add3A_286] : memref<128x128xf32, #tpu.memory_space<vmem>>[vector<16xi32>, vector<16xi32>], vector<16xf32>,
          %sub3A_288 = arith.subf %gather3A_287, %select_n3A_99 : vector<16xf32>
          %exp3A_289 = math.exp %sub3A_288 : vector<16xf32>
          %add3A_290 = arith.addf %add3A_253, %exp3A_289 : vector<16xf32>
          %add3A_291 = arith.constant 32 : i32
          %add3A_292 = vector.broadcast %add3A_291 : i32 to vector<16xi32>
          %add3A_293 = arith.addi %and3A_283, %add3A_292 : vector<16xi32>
          %gather3A_294 = tpu.vector_load_idx %arg8[%add3A_73, %add3A_293] : memref<128x128xf32, #tpu.memory_space<vmem>>[vector<16xi32>, vector<16xi32>], vector<16xf32>,
          %sub3A_295 = arith.subf %gather3A_294, %select_n3A_99 : vector<16xf32>
          %exp3A_296 = math.exp %sub3A_295 : vector<16xf32>
          %add3A_297 = arith.addf %add3A_260, %exp3A_296 : vector<16xf32>
          %add3A_298 = arith.constant 64 : i32
          %add3A_299 = vector.broadcast %add3A_298 : i32 to vector<16xi32>
          %add3A_300 = arith.addi %and3A_283, %add3A_299 : vector<16xi32>
          %gather3A_301 = tpu.vector_load_idx %arg8[%add3A_73, %add3A_300] : memref<128x128xf32, #tpu.memory_space<vmem>>[vector<16xi32>, vector<16xi32>], vector<16xf32>,
          %sub3A_302 = arith.subf %gather3A_301, %select_n3A_99 : vector<16xf32>
          %exp3A_303 = math.exp %sub3A_302 : vector<16xf32>
          %add3A_304 = arith.addf %add3A_267, %exp3A_303 : vector<16xf32>
          %add3A_305 = arith.constant 96 : i32
          %add3A_306 = vector.broadcast %add3A_305 : i32 to vector<16xi32>
          %add3A_307 = arith.addi %and3A_283, %add3A_306 : vector<16xi32>
          %gather3A_308 = tpu.vector_load_idx %arg8[%add3A_73, %add3A_307] : memref<128x128xf32, #tpu.memory_space<vmem>>[vector<16xi32>, vector<16xi32>], vector<16xf32>,
          %sub3A_309 = arith.subf %gather3A_308, %select_n3A_99 : vector<16xf32>
          %exp3A_310 = math.exp %sub3A_309 : vector<16xf32>
          %add3A_311 = arith.addf %add3A_274, %exp3A_310 : vector<16xf32>
          scf.yield %add3A_290, %add3A_297, %add3A_304, %add3A_311 : vector<16xf32>, vector<16xf32>, vector<16xf32>, vector<16xf32>
        }
        %scan3A_113 = arith.constant 8 : i32
        %add3A_114 = arith.addf %scan3A_112#0, %scan3A_112#1 : vector<16xf32>
        %add3A_115 = arith.addf %scan3A_112#2, %scan3A_112#3 : vector<16xf32>
        %add3A_116 = arith.addf %add3A_114, %add3A_115 : vector<16xf32>
        %mul3A_117 = arith.constant 128 : i32
        %mul3A_118 = arith.muli %add3A_59, %mul3A_117 : i32
        %mul3A_119 = arith.constant 16 : i32
        %mul3A_120 = arith.muli %scan3A_69, %mul3A_119 : i32
        %add3A_121 = arith.addi %mul3A_118, %mul3A_120 : i32
        %div3A = arith.constant 1.000000e+00 : f32
        %div3A_122 = vector.broadcast %div3A : f32 to vector<16xf32>
        %div3A_123 = arith.divf %div3A_122, %add3A_116 : vector<16xf32>
        %sub3A = arith.subf %select_n3A_106, %select_n3A_99 : vector<16xf32>
        %exp3A = math.exp %sub3A : vector<16xf32>
        %div3A_124 = arith.divf %exp3A, %add3A_116 : vector<16xf32>
        %mul3A_125 = arith.constant 16 : i32
        %mul3A_126 = arith.muli %scan3A_69, %mul3A_125 : i32
        %add3A_127 = arith.addi %add3A_62, %mul3A_126 : i32
        %jit3A = arith.constant 192 : i32
        %div3A_128 = arith.divsi %add3A_127, %jit3A : i32
        %sign3A = arith.constant 0 : i32
        %sign3A_129 = arith.cmpi sgt, %add3A_127, %sign3A : i32
        %sign3A_130 = arith.extui %sign3A_129 : i1 to i32
        %sign3A_131 = arith.constant 0 : i32
        %sign3A_132 = arith.cmpi slt, %add3A_127, %sign3A_131 : i32
        %sign3A_133 = arith.extui %sign3A_132 : i1 to i32
        %sign3A_134 = arith.subi %sign3A_130, %sign3A_133 : i32
        %sign3A_135 = arith.constant 0 : i32
        %sign3A_136 = arith.cmpi sgt, %jit3A, %sign3A_135 : i32
        %sign3A_137 = arith.extui %sign3A_136 : i1 to i32
        %sign3A_138 = arith.constant 0 : i32
        %sign3A_139 = arith.cmpi slt, %jit3A, %sign3A_138 : i32
        %sign3A_140 = arith.extui %sign3A_139 : i1 to i32
        %sign3A_141 = arith.subi %sign3A_137, %sign3A_140 : i32
        %ne3A = arith.cmpi ne, %sign3A_134, %sign3A_141 : i32
        %rem3A = arith.remsi %add3A_127, %jit3A : i32
        %ne3A_142 = arith.constant 0 : i32
        %ne3A_143 = arith.cmpi ne, %rem3A, %ne3A_142 : i32
        %and3A = arith.andi %ne3A, %ne3A_143 : i1
        %sub3A_144 = arith.constant 1 : i32
        %sub3A_145 = arith.subi %div3A_128, %sub3A_144 : i32
        %select_n3A_146 = arith.select %and3A, %sub3A_145, %div3A_128 : i32
        %mul3A_147 = arith.constant 128 : i32
        %mul3A_148 = arith.muli %select_n3A_146, %mul3A_147 : i32
        %add3A_149 = vector.broadcast %mul3A_148 : i32 to vector<16xi32>
        %add3A_150 = arith.addi %select_n3A_100, %add3A_149 : vector<16xi32>
        %swap3A = arith.index_cast %add3A_121 : i32 to index
        %swap3A_151 = tpu.vector_load %arg9[%swap3A] {strides = array<i32>} : memref<768xi32, #tpu.memory_space<vmem>>, vector<16xi32>,
        tpu.vector_store %arg9[%swap3A], %add3A_150 {strides = array<i32>} : memref<768xi32, #tpu.memory_space<vmem>>, vector<16xi32>,
        %add3A_152 = vector.broadcast %mul3A_148 : i32 to vector<16xi32>
        %add3A_153 = arith.addi %select_n3A_107, %add3A_152 : vector<16xi32>
        %swap3A_154 = arith.index_cast %add3A_121 : i32 to index
        %swap3A_155 = tpu.vector_load %arg10[%swap3A_154] {strides = array<i32>} : memref<768xi32, #tpu.memory_space<vmem>>, vector<16xi32>,
        tpu.vector_store %arg10[%swap3A_154], %add3A_153 {strides = array<i32>} : memref<768xi32, #tpu.memory_space<vmem>>, vector<16xi32>,
        %swap3A_156 = arith.index_cast %add3A_121 : i32 to index
        %swap3A_157 = tpu.vector_load %arg11[%swap3A_156] {strides = array<i32>} : memref<768xf32, #tpu.memory_space<vmem>>, vector<16xf32>,
        tpu.vector_store %arg11[%swap3A_156], %div3A_123 {strides = array<i32>} : memref<768xf32, #tpu.memory_space<vmem>>, vector<16xf32>,
        %swap3A_158 = arith.index_cast %add3A_121 : i32 to index
        %swap3A_159 = tpu.vector_load %arg12[%swap3A_158] {strides = array<i32>} : memref<768xf32, #tpu.memory_space<vmem>>, vector<16xf32>,
        tpu.vector_store %arg12[%swap3A_158], %div3A_124 {strides = array<i32>} : memref<768xf32, #tpu.memory_space<vmem>>, vector<16xf32>,
      }
      %scan3A_68 = arith.constant 8 : i32
    }
    %scan3A_17 = arith.constant 3 : i32
    "tpu.region"() ({
      %run_scoped3A = tpu.sem_alloc : memref<!tpu.dma_semaphore, #tpu.memory_space<semaphore_mem>>
      %dma_start3A_18 = tpu.memref_slice %arg3[%mul3A_2] : memref<24576xi32, #tpu.memory_space<hbm>> -> memref<768xi32, #tpu.memory_space<hbm>>
      %dma_start3A_19 = tpu.memref_slice %arg3[%mul3A_2] : memref<24576xi32, #tpu.memory_space<hbm>> -> memref<768xi32, #tpu.memory_space<hbm>>
      tpu.enqueue_dma source(%arg9 : memref<768xi32, #tpu.memory_space<vmem>>) target(%dma_start3A_19 : memref<768xi32, #tpu.memory_space<hbm>>) target_semaphore(%run_scoped3A : memref<!tpu.dma_semaphore, #tpu.memory_space<semaphore_mem>>)
      %dma_wait3A = tpu.memref_slice %arg3[%mul3A_2] : memref<24576xi32, #tpu.memory_space<hbm>> -> memref<768xi32, #tpu.memory_space<hbm>>
      %dma_wait3A_20 = tpu.memref_slice %arg3[%mul3A_2] : memref<24576xi32, #tpu.memory_space<hbm>> -> memref<768xi32, #tpu.memory_space<hbm>>
      tpu.wait_dma2 semaphore(%run_scoped3A : memref<!tpu.dma_semaphore, #tpu.memory_space<semaphore_mem>>) src(%arg9 : memref<768xi32, #tpu.memory_space<vmem>>) dst(%dma_wait3A_20 : memref<768xi32, #tpu.memory_space<hbm>>)
      tpu.yield
    }) : () -> ()
    "tpu.region"() ({
      %run_scoped3A = tpu.sem_alloc : memref<!tpu.dma_semaphore, #tpu.memory_space<semaphore_mem>>
      %dma_start3A_18 = tpu.memref_slice %arg4[%mul3A_2] : memref<24576xi32, #tpu.memory_space<hbm>> -> memref<768xi32, #tpu.memory_space<hbm>>
      %dma_start3A_19 = tpu.memref_slice %arg4[%mul3A_2] : memref<24576xi32, #tpu.memory_space<hbm>> -> memref<768xi32, #tpu.memory_space<hbm>>
      tpu.enqueue_dma source(%arg10 : memref<768xi32, #tpu.memory_space<vmem>>) target(%dma_start3A_19 : memref<768xi32, #tpu.memory_space<hbm>>) target_semaphore(%run_scoped3A : memref<!tpu.dma_semaphore, #tpu.memory_space<semaphore_mem>>)
      %dma_wait3A = tpu.memref_slice %arg4[%mul3A_2] : memref<24576xi32, #tpu.memory_space<hbm>> -> memref<768xi32, #tpu.memory_space<hbm>>
      %dma_wait3A_20 = tpu.memref_slice %arg4[%mul3A_2] : memref<24576xi32, #tpu.memory_space<hbm>> -> memref<768xi32, #tpu.memory_space<hbm>>
      tpu.wait_dma2 semaphore(%run_scoped3A : memref<!tpu.dma_semaphore, #tpu.memory_space<semaphore_mem>>) src(%arg10 : memref<768xi32, #tpu.memory_space<vmem>>) dst(%dma_wait3A_20 : memref<768xi32, #tpu.memory_space<hbm>>)
      tpu.yield
    }) : () -> ()
    "tpu.region"() ({
      %run_scoped3A = tpu.sem_alloc : memref<!tpu.dma_semaphore, #tpu.memory_space<semaphore_mem>>
      %dma_start3A_18 = tpu.memref_slice %arg5[%mul3A_2] : memref<24576xf32, #tpu.memory_space<hbm>> -> memref<768xf32, #tpu.memory_space<hbm>>
      %dma_start3A_19 = tpu.memref_slice %arg5[%mul3A_2] : memref<24576xf32, #tpu.memory_space<hbm>> -> memref<768xf32, #tpu.memory_space<hbm>>
      tpu.enqueue_dma source(%arg11 : memref<768xf32, #tpu.memory_space<vmem>>) target(%dma_start3A_19 : memref<768xf32, #tpu.memory_space<hbm>>) target_semaphore(%run_scoped3A : memref<!tpu.dma_semaphore, #tpu.memory_space<semaphore_mem>>)
      %dma_wait3A = tpu.memref_slice %arg5[%mul3A_2] : memref<24576xf32, #tpu.memory_space<hbm>> -> memref<768xf32, #tpu.memory_space<hbm>>
      %dma_wait3A_20 = tpu.memref_slice %arg5[%mul3A_2] : memref<24576xf32, #tpu.memory_space<hbm>> -> memref<768xf32, #tpu.memory_space<hbm>>
      tpu.wait_dma2 semaphore(%run_scoped3A : memref<!tpu.dma_semaphore, #tpu.memory_space<semaphore_mem>>) src(%arg11 : memref<768xf32, #tpu.memory_space<vmem>>) dst(%dma_wait3A_20 : memref<768xf32, #tpu.memory_space<hbm>>)
      tpu.yield
    }) : () -> ()
    "tpu.region"() ({
      %run_scoped3A = tpu.sem_alloc : memref<!tpu.dma_semaphore, #tpu.memory_space<semaphore_mem>>
      %dma_start3A_18 = tpu.memref_slice %arg6[%mul3A_2] : memref<24576xf32, #tpu.memory_space<hbm>> -> memref<768xf32, #tpu.memory_space<hbm>>
      %dma_start3A_19 = tpu.memref_slice %arg6[%mul3A_2] : memref<24576xf32, #tpu.memory_space<hbm>> -> memref<768xf32, #tpu.memory_space<hbm>>
      tpu.enqueue_dma source(%arg12 : memref<768xf32, #tpu.memory_space<vmem>>) target(%dma_start3A_19 : memref<768xf32, #tpu.memory_space<hbm>>) target_semaphore(%run_scoped3A : memref<!tpu.dma_semaphore, #tpu.memory_space<semaphore_mem>>)
      %dma_wait3A = tpu.memref_slice %arg6[%mul3A_2] : memref<24576xf32, #tpu.memory_space<hbm>> -> memref<768xf32, #tpu.memory_space<hbm>>
      %dma_wait3A_20 = tpu.memref_slice %arg6[%mul3A_2] : memref<24576xf32, #tpu.memory_space<hbm>> -> memref<768xf32, #tpu.memory_space<hbm>>
      tpu.wait_dma2 semaphore(%run_scoped3A : memref<!tpu.dma_semaphore, #tpu.memory_space<semaphore_mem>>) src(%arg12 : memref<768xf32, #tpu.memory_space<vmem>>) dst(%dma_wait3A_20 : memref<768xf32, #tpu.memory_space<hbm>>)
      tpu.yield
    }) : () -> ()
    return
  }
}

module attributes {stable_mosaic.version = 14 : i64} {
  func.func @_tc_second_body(%arg0: i32, %arg1: memref<128x1024xf32, #tpu.memory_space<vmem>>, %arg2: memref<1024x2048xf32, #tpu.memory_space<vmem>>, %arg3: memref<1x2048xf32, #tpu.memory_space<vmem>>, %arg4: memref<128x1024xf32, #tpu.memory_space<vmem>>, %arg5: memref<1024x1024xf32, #tpu.memory_space<vmem>>, %arg6: memref<1x1024xf32, #tpu.memory_space<vmem>>, %arg7: memref<128x2048xf32, #tpu.memory_space<vmem>>, %arg8: memref<128x1024xf32, #tpu.memory_space<vmem>>) attributes {dimension_semantics = [#tpu.dimension_semantics<arbitrary>], iteration_bounds = array<i64: 4>, scalar_prefetch = 0 : i64, scratch_operands = 0 : i64, tpu.core_type = #tpu.core_type<tc>, window_params = [{pipeline_mode = #tpu.pipeline_mode<synchronous>, transform_indices = @transform_0, window_bounds = array<i64: 128, 1024>}, {transform_indices = @transform_1, window_bounds = array<i64: 1024, 2048>}, {transform_indices = @transform_2, window_bounds = array<i64: 1, 2048>}, {pipeline_mode = #tpu.pipeline_mode<synchronous>, transform_indices = @transform_3, window_bounds = array<i64: 128, 1024>}, {transform_indices = @transform_4, window_bounds = array<i64: 1024, 1024>}, {transform_indices = @transform_5, window_bounds = array<i64: 1, 1024>}, {transform_indices = @transform_6, window_bounds = array<i64: 128, 2048>}, {transform_indices = @transform_7, window_bounds = array<i64: 128, 1024>}]} {
    %get3A = arith.constant 0 : index
    %get3A_0 = arith.constant 0 : index
    %get3A_1 = vector.load %arg1[%get3A, %get3A_0] : memref<128x1024xf32, #tpu.memory_space<vmem>>, vector<128x1024xf32>
    %get3A_2 = arith.constant 0 : index
    %get3A_3 = arith.constant 0 : index
    %get3A_4 = vector.load %arg2[%get3A_2, %get3A_3] : memref<1024x2048xf32, #tpu.memory_space<vmem>>, vector<1024x2048xf32>
    %dot_general3A = arith.constant dense<0.000000e+00> : vector<128x2048xf32>
    %dot_general3A_5 = tpu.matmul %get3A_1, %get3A_4, %dot_general3A {dimension_numbers = #tpu.dot_dimension_numbers<[1], [0], [0], [1], [0, 0, 1, 1], [], []>, transpose_lhs_hint = false} : vector<128x1024xf32>, vector<1024x2048xf32>, vector<128x2048xf32> -> vector<128x2048xf32>
    %get3A_6 = arith.constant 0 : index
    %get3A_7 = arith.constant 0 : index
    %get3A_8 = vector.load %arg3[%get3A_6, %get3A_7] : memref<1x2048xf32, #tpu.memory_space<vmem>>, vector<1x2048xf32>
    %add3A = vector.broadcast %get3A_8 : vector<1x2048xf32> to vector<128x2048xf32>
    %add3A_9 = arith.addf %dot_general3A_5, %add3A : vector<128x2048xf32>
    %swap3A = arith.constant 0 : index
    %swap3A_10 = arith.constant 0 : index
    %swap3A_11 = vector.load %arg7[%swap3A, %swap3A_10] : memref<128x2048xf32, #tpu.memory_space<vmem>>, vector<128x2048xf32>
    tpu.vector_store %arg7[%swap3A, %swap3A_10], %add3A_9 {strides = array<i32>} : memref<128x2048xf32, #tpu.memory_space<vmem>>, vector<128x2048xf32>,
    %get3A_12 = arith.constant 0 : index
    %get3A_13 = arith.constant 0 : index
    %get3A_14 = vector.load %arg4[%get3A_12, %get3A_13] : memref<128x1024xf32, #tpu.memory_space<vmem>>, vector<128x1024xf32>
    %get3A_15 = arith.constant 0 : index
    %get3A_16 = arith.constant 0 : index
    %get3A_17 = vector.load %arg5[%get3A_15, %get3A_16] : memref<1024x1024xf32, #tpu.memory_space<vmem>>, vector<1024x1024xf32>
    %dot_general3A_18 = arith.constant dense<0.000000e+00> : vector<128x1024xf32>
    %dot_general3A_19 = tpu.matmul %get3A_14, %get3A_17, %dot_general3A_18 {dimension_numbers = #tpu.dot_dimension_numbers<[1], [0], [0], [1], [0, 0, 1, 1], [], []>, transpose_lhs_hint = false} : vector<128x1024xf32>, vector<1024x1024xf32>, vector<128x1024xf32> -> vector<128x1024xf32>
    %get3A_20 = arith.constant 0 : index
    %get3A_21 = arith.constant 0 : index
    %get3A_22 = vector.load %arg6[%get3A_20, %get3A_21] : memref<1x1024xf32, #tpu.memory_space<vmem>>, vector<1x1024xf32>
    %add3A_23 = vector.broadcast %get3A_22 : vector<1x1024xf32> to vector<128x1024xf32>
    %add3A_24 = arith.addf %dot_general3A_19, %add3A_23 : vector<128x1024xf32>
    %swap3A_25 = arith.constant 0 : index
    %swap3A_26 = arith.constant 0 : index
    %swap3A_27 = vector.load %arg8[%swap3A_25, %swap3A_26] : memref<128x1024xf32, #tpu.memory_space<vmem>>, vector<128x1024xf32>
    tpu.vector_store %arg8[%swap3A_25, %swap3A_26], %add3A_24 {strides = array<i32>} : memref<128x1024xf32, #tpu.memory_space<vmem>>, vector<128x1024xf32>,
    return
  }
  func.func @transform_0(%arg0: i32) -> (i32, i32) {
    %c0_i32 = arith.constant 0 : i32
    %c0_i32_0 = arith.constant 0 : i32
    %c0_i32_1 = arith.constant 0 : i32
    return %c0_i32, %c0_i32_0 : i32, i32
  }
  func.func @transform_1(%arg0: i32) -> (i32, i32) {
    %add3A = arith.constant 12 : i32
    %add3A_0 = arith.addi %arg0, %add3A : i32
    %c0_i32 = arith.constant 0 : i32
    %c0_i32_1 = arith.constant 0 : i32
    return %c0_i32, %add3A_0 : i32, i32
  }
  func.func @transform_2(%arg0: i32) -> (i32, i32) {
    %add3A = arith.constant 12 : i32
    %add3A_0 = arith.addi %arg0, %add3A : i32
    %c0_i32 = arith.constant 0 : i32
    %c0_i32_1 = arith.constant 0 : i32
    return %c0_i32, %add3A_0 : i32, i32
  }
  func.func @transform_3(%arg0: i32) -> (i32, i32) {
    %c0_i32 = arith.constant 0 : i32
    %c0_i32_0 = arith.constant 0 : i32
    %c0_i32_1 = arith.constant 0 : i32
    return %c0_i32, %c0_i32_0 : i32, i32
  }
  func.func @transform_4(%arg0: i32) -> (i32, i32) {
    %c0_i32 = arith.constant 0 : i32
    %c0_i32_0 = arith.constant 0 : i32
    return %c0_i32, %arg0 : i32, i32
  }
  func.func @transform_5(%arg0: i32) -> (i32, i32) {
    %c0_i32 = arith.constant 0 : i32
    %c0_i32_0 = arith.constant 0 : i32
    return %c0_i32, %arg0 : i32, i32
  }
  func.func @transform_6(%arg0: i32) -> (i32, i32) {
    %c0_i32 = arith.constant 0 : i32
    %c0_i32_0 = arith.constant 0 : i32
    return %c0_i32, %arg0 : i32, i32
  }
  func.func @transform_7(%arg0: i32) -> (i32, i32) {
    %c0_i32 = arith.constant 0 : i32
    %c0_i32_0 = arith.constant 0 : i32
    return %c0_i32, %arg0 : i32, i32
  }
}

module attributes {stable_mosaic.version = 14 : i64} {
  func.func @_tc_first_body(%arg0: i32, %arg1: memref<128x512xf32, #tpu.memory_space<vmem>>, %arg2: memref<512x512xf32, #tpu.memory_space<vmem>>, %arg3: memref<1x512xf32, #tpu.memory_space<vmem>>, %arg4: memref<512x1024xf32, #tpu.memory_space<vmem>>, %arg5: memref<1x1024xf32, #tpu.memory_space<vmem>>, %arg6: memref<1024x2048xf32, #tpu.memory_space<vmem>>, %arg7: memref<1x2048xf32, #tpu.memory_space<vmem>>, %arg8: memref<512x512xf32, #tpu.memory_space<vmem>>, %arg9: memref<1x512xf32, #tpu.memory_space<vmem>>, %arg10: memref<512x1024xf32, #tpu.memory_space<vmem>>, %arg11: memref<1x1024xf32, #tpu.memory_space<vmem>>, %arg12: memref<128x2048xf32, #tpu.memory_space<vmem>>, %arg13: memref<128x1024xf32, #tpu.memory_space<vmem>>, %arg14: memref<128x1024xf32, #tpu.memory_space<vmem>>, %arg15: memref<128x1024xf32, #tpu.memory_space<vmem>>) attributes {dimension_semantics = [#tpu.dimension_semantics<arbitrary>], iteration_bounds = array<i64: 12>, scalar_prefetch = 0 : i64, scratch_operands = 1 : i64, tpu.core_type = #tpu.core_type<tc>, window_params = [{pipeline_mode = #tpu.pipeline_mode<synchronous>, transform_indices = @transform_0, window_bounds = array<i64: 128, 512>}, {pipeline_mode = #tpu.pipeline_mode<synchronous>, transform_indices = @transform_1, window_bounds = array<i64: 512, 512>}, {pipeline_mode = #tpu.pipeline_mode<synchronous>, transform_indices = @transform_2, window_bounds = array<i64: 1, 512>}, {pipeline_mode = #tpu.pipeline_mode<synchronous>, transform_indices = @transform_3, window_bounds = array<i64: 512, 1024>}, {pipeline_mode = #tpu.pipeline_mode<synchronous>, transform_indices = @transform_4, window_bounds = array<i64: 1, 1024>}, {transform_indices = @transform_5, window_bounds = array<i64: 1024, 2048>}, {transform_indices = @transform_6, window_bounds = array<i64: 1, 2048>}, {pipeline_mode = #tpu.pipeline_mode<synchronous>, transform_indices = @transform_7, window_bounds = array<i64: 512, 512>}, {pipeline_mode = #tpu.pipeline_mode<synchronous>, transform_indices = @transform_8, window_bounds = array<i64: 1, 512>}, {pipeline_mode = #tpu.pipeline_mode<synchronous>, transform_indices = @transform_9, window_bounds = array<i64: 512, 1024>}, {pipeline_mode = #tpu.pipeline_mode<synchronous>, transform_indices = @transform_10, window_bounds = array<i64: 1, 1024>}, {transform_indices = @transform_11, window_bounds = array<i64: 128, 2048>}, {pipeline_mode = #tpu.pipeline_mode<synchronous>, transform_indices = @transform_12, window_bounds = array<i64: 128, 1024>}, {pipeline_mode = #tpu.pipeline_mode<synchronous>, transform_indices = @transform_13, window_bounds = array<i64: 128, 1024>}]} {
    %eq3A = arith.constant 0 : i32
    %eq3A_0 = arith.cmpi eq, %arg0, %eq3A : i32
    %convert_element_type3A = arith.extui %eq3A_0 : i1 to i32
    %cond3A = arith.constant 0 : i32
    %cond3A_1 = arith.cmpi ne, %convert_element_type3A, %cond3A : i32
    scf.if %cond3A_1 {
      %get3A_14 = arith.constant 0 : index
      %get3A_15 = arith.constant 0 : index
      %get3A_16 = vector.load %arg1[%get3A_14, %get3A_15] : memref<128x512xf32, #tpu.memory_space<vmem>>, vector<128x512xf32>
      %get3A_17 = arith.constant 0 : index
      %get3A_18 = arith.constant 0 : index
      %get3A_19 = vector.load %arg2[%get3A_17, %get3A_18] : memref<512x512xf32, #tpu.memory_space<vmem>>, vector<512x512xf32>
      %dot_general3A_20 = arith.constant dense<0.000000e+00> : vector<128x512xf32>
      %dot_general3A_21 = tpu.matmul %get3A_16, %get3A_19, %dot_general3A_20 {dimension_numbers = #tpu.dot_dimension_numbers<[1], [0], [0], [1], [0, 0, 1, 1], [], []>, transpose_lhs_hint = false} : vector<128x512xf32>, vector<512x512xf32>, vector<128x512xf32> -> vector<128x512xf32>
      %get3A_22 = arith.constant 0 : index
      %get3A_23 = arith.constant 0 : index
      %get3A_24 = vector.load %arg3[%get3A_22, %get3A_23] : memref<1x512xf32, #tpu.memory_space<vmem>>, vector<1x512xf32>
      %add3A_25 = vector.broadcast %get3A_24 : vector<1x512xf32> to vector<128x512xf32>
      %add3A_26 = arith.addf %dot_general3A_21, %add3A_25 : vector<128x512xf32>
      %max3A = arith.constant 0.000000e+00 : f32
      %max3A_27 = vector.broadcast %max3A : f32 to vector<128x512xf32>
      %max3A_28 = arith.maximumf %add3A_26, %max3A_27 : vector<128x512xf32>
      %get3A_29 = arith.constant 0 : index
      %get3A_30 = arith.constant 0 : index
      %get3A_31 = vector.load %arg4[%get3A_29, %get3A_30] : memref<512x1024xf32, #tpu.memory_space<vmem>>, vector<512x1024xf32>
      %dot_general3A_32 = arith.constant dense<0.000000e+00> : vector<128x1024xf32>
      %dot_general3A_33 = tpu.matmul %max3A_28, %get3A_31, %dot_general3A_32 {dimension_numbers = #tpu.dot_dimension_numbers<[1], [0], [0], [1], [0, 0, 1, 1], [], []>, transpose_lhs_hint = false} : vector<128x512xf32>, vector<512x1024xf32>, vector<128x1024xf32> -> vector<128x1024xf32>
      %get3A_34 = arith.constant 0 : index
      %get3A_35 = arith.constant 0 : index
      %get3A_36 = vector.load %arg5[%get3A_34, %get3A_35] : memref<1x1024xf32, #tpu.memory_space<vmem>>, vector<1x1024xf32>
      %add3A_37 = vector.broadcast %get3A_36 : vector<1x1024xf32> to vector<128x1024xf32>
      %add3A_38 = arith.addf %dot_general3A_33, %add3A_37 : vector<128x1024xf32>
      %max3A_39 = arith.constant 0.000000e+00 : f32
      %max3A_40 = vector.broadcast %max3A_39 : f32 to vector<128x1024xf32>
      %max3A_41 = arith.maximumf %add3A_38, %max3A_40 : vector<128x1024xf32>
      %swap3A_42 = arith.constant 0 : index
      %swap3A_43 = arith.constant 0 : index
      %swap3A_44 = vector.load %arg15[%swap3A_42, %swap3A_43] : memref<128x1024xf32, #tpu.memory_space<vmem>>, vector<128x1024xf32>
      tpu.vector_store %arg15[%swap3A_42, %swap3A_43], %max3A_41 {strides = array<i32>} : memref<128x1024xf32, #tpu.memory_space<vmem>>, vector<128x1024xf32>,
      %swap3A_45 = arith.constant 0 : index
      %swap3A_46 = arith.constant 0 : index
      %swap3A_47 = vector.load %arg13[%swap3A_45, %swap3A_46] : memref<128x1024xf32, #tpu.memory_space<vmem>>, vector<128x1024xf32>
      tpu.vector_store %arg13[%swap3A_45, %swap3A_46], %max3A_41 {strides = array<i32>} : memref<128x1024xf32, #tpu.memory_space<vmem>>, vector<128x1024xf32>,
      %get3A_48 = arith.constant 0 : index
      %get3A_49 = arith.constant 0 : index
      %get3A_50 = vector.load %arg8[%get3A_48, %get3A_49] : memref<512x512xf32, #tpu.memory_space<vmem>>, vector<512x512xf32>
      %dot_general3A_51 = arith.constant dense<0.000000e+00> : vector<128x512xf32>
      %dot_general3A_52 = tpu.matmul %get3A_16, %get3A_50, %dot_general3A_51 {dimension_numbers = #tpu.dot_dimension_numbers<[1], [0], [0], [1], [0, 0, 1, 1], [], []>, transpose_lhs_hint = false} : vector<128x512xf32>, vector<512x512xf32>, vector<128x512xf32> -> vector<128x512xf32>
      %get3A_53 = arith.constant 0 : index
      %get3A_54 = arith.constant 0 : index
      %get3A_55 = vector.load %arg9[%get3A_53, %get3A_54] : memref<1x512xf32, #tpu.memory_space<vmem>>, vector<1x512xf32>
      %add3A_56 = vector.broadcast %get3A_55 : vector<1x512xf32> to vector<128x512xf32>
      %add3A_57 = arith.addf %dot_general3A_52, %add3A_56 : vector<128x512xf32>
      %max3A_58 = arith.constant 0.000000e+00 : f32
      %max3A_59 = vector.broadcast %max3A_58 : f32 to vector<128x512xf32>
      %max3A_60 = arith.maximumf %add3A_57, %max3A_59 : vector<128x512xf32>
      %get3A_61 = arith.constant 0 : index
      %get3A_62 = arith.constant 0 : index
      %get3A_63 = vector.load %arg10[%get3A_61, %get3A_62] : memref<512x1024xf32, #tpu.memory_space<vmem>>, vector<512x1024xf32>
      %dot_general3A_64 = arith.constant dense<0.000000e+00> : vector<128x1024xf32>
      %dot_general3A_65 = tpu.matmul %max3A_60, %get3A_63, %dot_general3A_64 {dimension_numbers = #tpu.dot_dimension_numbers<[1], [0], [0], [1], [0, 0, 1, 1], [], []>, transpose_lhs_hint = false} : vector<128x512xf32>, vector<512x1024xf32>, vector<128x1024xf32> -> vector<128x1024xf32>
      %get3A_66 = arith.constant 0 : index
      %get3A_67 = arith.constant 0 : index
      %get3A_68 = vector.load %arg11[%get3A_66, %get3A_67] : memref<1x1024xf32, #tpu.memory_space<vmem>>, vector<1x1024xf32>
      %add3A_69 = vector.broadcast %get3A_68 : vector<1x1024xf32> to vector<128x1024xf32>
      %add3A_70 = arith.addf %dot_general3A_65, %add3A_69 : vector<128x1024xf32>
      %max3A_71 = arith.constant 0.000000e+00 : f32
      %max3A_72 = vector.broadcast %max3A_71 : f32 to vector<128x1024xf32>
      %max3A_73 = arith.maximumf %add3A_70, %max3A_72 : vector<128x1024xf32>
      %swap3A_74 = arith.constant 0 : index
      %swap3A_75 = arith.constant 0 : index
      %swap3A_76 = vector.load %arg14[%swap3A_74, %swap3A_75] : memref<128x1024xf32, #tpu.memory_space<vmem>>, vector<128x1024xf32>
      tpu.vector_store %arg14[%swap3A_74, %swap3A_75], %max3A_73 {strides = array<i32>} : memref<128x1024xf32, #tpu.memory_space<vmem>>, vector<128x1024xf32>,
    } else {
    }
    %get3A = arith.constant 0 : index
    %get3A_2 = arith.constant 0 : index
    %get3A_3 = vector.load %arg15[%get3A, %get3A_2] : memref<128x1024xf32, #tpu.memory_space<vmem>>, vector<128x1024xf32>
    %get3A_4 = arith.constant 0 : index
    %get3A_5 = arith.constant 0 : index
    %get3A_6 = vector.load %arg6[%get3A_4, %get3A_5] : memref<1024x2048xf32, #tpu.memory_space<vmem>>, vector<1024x2048xf32>
    %dot_general3A = arith.constant dense<0.000000e+00> : vector<128x2048xf32>
    %dot_general3A_7 = tpu.matmul %get3A_3, %get3A_6, %dot_general3A {dimension_numbers = #tpu.dot_dimension_numbers<[1], [0], [0], [1], [0, 0, 1, 1], [], []>, transpose_lhs_hint = false} : vector<128x1024xf32>, vector<1024x2048xf32>, vector<128x2048xf32> -> vector<128x2048xf32>
    %get3A_8 = arith.constant 0 : index
    %get3A_9 = arith.constant 0 : index
    %get3A_10 = vector.load %arg7[%get3A_8, %get3A_9] : memref<1x2048xf32, #tpu.memory_space<vmem>>, vector<1x2048xf32>
    %add3A = vector.broadcast %get3A_10 : vector<1x2048xf32> to vector<128x2048xf32>
    %add3A_11 = arith.addf %dot_general3A_7, %add3A : vector<128x2048xf32>
    %swap3A = arith.constant 0 : index
    %swap3A_12 = arith.constant 0 : index
    %swap3A_13 = vector.load %arg12[%swap3A, %swap3A_12] : memref<128x2048xf32, #tpu.memory_space<vmem>>, vector<128x2048xf32>
    tpu.vector_store %arg12[%swap3A, %swap3A_12], %add3A_11 {strides = array<i32>} : memref<128x2048xf32, #tpu.memory_space<vmem>>, vector<128x2048xf32>,
    return
  }
  func.func @transform_0(%arg0: i32) -> (i32, i32) {
    %c0_i32 = arith.constant 0 : i32
    %c0_i32_0 = arith.constant 0 : i32
    %c0_i32_1 = arith.constant 0 : i32
    return %c0_i32, %c0_i32_0 : i32, i32
  }
  func.func @transform_1(%arg0: i32) -> (i32, i32) {
    %c0_i32 = arith.constant 0 : i32
    %c0_i32_0 = arith.constant 0 : i32
    %c0_i32_1 = arith.constant 0 : i32
    return %c0_i32, %c0_i32_0 : i32, i32
  }
  func.func @transform_2(%arg0: i32) -> (i32, i32) {
    %c0_i32 = arith.constant 0 : i32
    %c0_i32_0 = arith.constant 0 : i32
    %c0_i32_1 = arith.constant 0 : i32
    return %c0_i32, %c0_i32_0 : i32, i32
  }
  func.func @transform_3(%arg0: i32) -> (i32, i32) {
    %c0_i32 = arith.constant 0 : i32
    %c0_i32_0 = arith.constant 0 : i32
    %c0_i32_1 = arith.constant 0 : i32
    return %c0_i32, %c0_i32_0 : i32, i32
  }
  func.func @transform_4(%arg0: i32) -> (i32, i32) {
    %c0_i32 = arith.constant 0 : i32
    %c0_i32_0 = arith.constant 0 : i32
    %c0_i32_1 = arith.constant 0 : i32
    return %c0_i32, %c0_i32_0 : i32, i32
  }
  func.func @transform_5(%arg0: i32) -> (i32, i32) {
    %c0_i32 = arith.constant 0 : i32
    %c0_i32_0 = arith.constant 0 : i32
    return %c0_i32, %arg0 : i32, i32
  }
  func.func @transform_6(%arg0: i32) -> (i32, i32) {
    %c0_i32 = arith.constant 0 : i32
    %c0_i32_0 = arith.constant 0 : i32
    return %c0_i32, %arg0 : i32, i32
  }
  func.func @transform_7(%arg0: i32) -> (i32, i32) {
    %c0_i32 = arith.constant 0 : i32
    %c0_i32_0 = arith.constant 0 : i32
    %c0_i32_1 = arith.constant 0 : i32
    return %c0_i32, %c0_i32_0 : i32, i32
  }
  func.func @transform_8(%arg0: i32) -> (i32, i32) {
    %c0_i32 = arith.constant 0 : i32
    %c0_i32_0 = arith.constant 0 : i32
    %c0_i32_1 = arith.constant 0 : i32
    return %c0_i32, %c0_i32_0 : i32, i32
  }
  func.func @transform_9(%arg0: i32) -> (i32, i32) {
    %c0_i32 = arith.constant 0 : i32
    %c0_i32_0 = arith.constant 0 : i32
    %c0_i32_1 = arith.constant 0 : i32
    return %c0_i32, %c0_i32_0 : i32, i32
  }
  func.func @transform_10(%arg0: i32) -> (i32, i32) {
    %c0_i32 = arith.constant 0 : i32
    %c0_i32_0 = arith.constant 0 : i32
    %c0_i32_1 = arith.constant 0 : i32
    return %c0_i32, %c0_i32_0 : i32, i32
  }
  func.func @transform_11(%arg0: i32) -> (i32, i32) {
    %c0_i32 = arith.constant 0 : i32
    %c0_i32_0 = arith.constant 0 : i32
    return %c0_i32, %arg0 : i32, i32
  }
  func.func @transform_12(%arg0: i32) -> (i32, i32) {
    %c0_i32 = arith.constant 0 : i32
    %c0_i32_0 = arith.constant 0 : i32
    %c0_i32_1 = arith.constant 0 : i32
    return %c0_i32, %c0_i32_0 : i32, i32
  }
  func.func @transform_13(%arg0: i32) -> (i32, i32) {
    %c0_i32 = arith.constant 0 : i32
    %c0_i32_0 = arith.constant 0 : i32
    %c0_i32_1 = arith.constant 0 : i32
    return %c0_i32, %c0_i32_0 : i32, i32
  }
}

</mosaic_0001>

<sc_bundles>
// kernel: kernel.6.cloned.1.call-start
scs
__scs_entry_jumppad:
0x0: {  	(pc) =	sbr.rel $0x88, $3  }
0x1: {  	(tag) =	ssettag $0x0;
	lr =	simm.s32 $0x1  }
0x2: {  	[smem:$0x3F94] =	sst lr;
	_ =	strace $0xD0000000  }
0x3: {  	_ = 	snop  }
0x4: {  	_ = 	snop  }
0x5: {  	_ = 	snop  }
0x6: {  	_ = 	snop  }
0x7: {  	_ = 	snop  }
__scs_overlays_trampoline_lowered:
0x8: {  	[smem:$0x3FA3] =	sst s0  }
0x9: {  	[smem:$0x3FA4] =	sst s1  }
0xa: {  	[smem:$0x3FA5] =	sst s2  }
0xb: {  	[smem:$0x3FA6] =	sst s3  }
0xc: {  	[smem:$0x3FA7] =	sst s4  }
0xd: {  	[smem:$0x3FA8] =	sst s5  }
0xe: {  	[smem:$0x3FA9] =	sst s6  }
0xf: {  	[smem:$0x3FAA] =	sst s7  }
0x10: {  	[smem:$0x3FAB] =	sst s8  }
0x11: {  	[smem:$0x3FAC] =	sst s9;
	s0 =	simm.s32 @!p0 $0x0  }
0x12: {  	s1 =	sld [smem:$0x3F92];
	s0 =	simm.s32 @p0 $0x1  }
0x13: {  	[smem:$0x3FAD] =	sst s0;
	s0 =	simm.s32 @!p1 $0x0  }
0x14: {  	s2 =	sld [smem:$0x3F91];
	s0 =	simm.s32 @p1 $0x1  }
0x15: {  	[smem:$0x3FAE] =	sst s0;
	s0 =	simm.s32 @!p2 $0x0  }
0x16: {  	s3 =	sld [smem:$0x3FDB];
	s0 =	simm.s32 @p2 $0x1  }
0x17: {  	s4 =	simm.s32 $0x1BF5;
	[smem:$0x3FB0] =	sst s0  }
0x18: {  	s0 =	sld [smem:$0x3F93];
	_ =	swait.ge [sflag:s4], $0x0  }
0x19: {  	s7 =	sld [smem:$0x3F94]  }
0x1a: {  	s8 =	sadd.s32 $0xFFFFE003, lr  }
0x1b: {  	s9 =	sadd.s32 $0xFFFFFEF7, lr;
	s5 =	simm.s32 $0xFFFFFFFF;
	p2 =	slt.u32 s8, $0xFFFFF086  }
0x1c: {  	p1 =	slt.u32 s9, $0xF7A;
	s5 =	simm.s32 @!p2 $0x0  }
0x1d: {  	s5 =	simm.s32 @p1 $0x1;
	p0 =	seq.s32 s7, s2  }
0x1e: {  	s7 =	smul.u32 @!p0 $0xF7A, s2;
	p2 =	seq.s32 @!p0 s5, $0x0  }
0x1f: {  	s9 =	smul.u32 $0xF7A, s1;
	s8 =	simm.s32 @!p0 $0x1BF5;
	p2 =	por !p2, p0  }
0x20: {  	[sflag:s8] =	ssyncset.s32 @!p0 $0xFFFFF086;
	s6 =	sadd.s32 @!p0 s3, s7;
	s7 =	simm.s32 @!p0 $0x108  }
0x21: {  	s3 =	sadd.s32 s3, s9;
	s6 =	sadd.s32 @!p0 $0x88, s6;
	s7 =	simm.s32 @p2 $0x1082  }
0x22: {  	[simem:s7], [sflag:s8] =	dma.local @!p0 [hbm:s6], $0xF7A  }
0x23: {  	s9 =	sor.u32 $0xD0000000, s2;
	s6 =	simm.s32 $0x108;
	_ =	swait.ge @!p0 [sflag:s8], $0x0  }
0x24: {  	s3 =	sadd.s32 $0x88, s3;
	s6 =	simm.s32 @!p1 $0x1082;
	[sflag:s4] =	ssyncset.s32 $0xFFFFF086  }
0x25: {  	[simem:s6], [sflag:s4] =	dma.local [hbm:s3], $0xF7A  }
0x26: {  	[smem:$0x3F94] =	sst s1;
	(tag) =	ssettag s2;
	_ =	strace s9  }
0x27: {  	s1 =	sld [smem:$0x3FA4]  }
0x28: {  	s2 =	sld [smem:$0x3FA5]  }
0x29: {  	s4 =	sld [smem:$0x3FA7]  }
0x2a: {  	p0 =	seq.s32 s5, $0x0;
	s5 =	sld [smem:$0x3FA8]  }
0x2b: {  	s6 =	sld [smem:$0x3FA9]  }
0x2c: {  	s7 =	sld [smem:$0x3FAA]  }
0x2d: {  	s3 =	simm.s32 $0x108;
	s8 =	sld [smem:$0x3FAB]  }
0x2e: {  	s3 =	simm.s32 @!p0 $0x1082;
	s9 =	sld [smem:$0x3FAC]  }
0x2f: {  	lr =	sadd.s32 s0, s3;
	s0 =	sld [smem:$0x3FA3]  }
0x30: {  	s3 =	sld [smem:$0x3FA6]  }
0x31: {  	[smem:$0x3FAF] =	sst s10  }
0x32: {  	s10 =	sld [smem:$0x3FAD];
	_ =	sdelay $0x3  }
0x33: {  	p0 =	seq.s32 s10, $0x1;
	s10 =	sld [smem:$0x3FAF];
	_ =	sdelay $0x3  }
0x34: {  	[smem:$0x3FAF] =	sst s10  }
0x35: {  	s10 =	sld [smem:$0x3FAE];
	_ =	sdelay $0x3  }
0x36: {  	p1 =	seq.s32 s10, $0x1;
	s10 =	sld [smem:$0x3FAF];
	_ =	sdelay $0x3  }
0x37: {  	[smem:$0x3FAF] =	sst s10  }
0x38: {  	s10 =	sld [smem:$0x3FB0]  }
0x39: {  	_ = 	snop;
	(pc) =	sbr.ind lr, $3  }
0x3a: {  	_ = 	snop  }
0x3b: {  	_ = 	snop  }
0x3c: {  	p2 =	seq.s32 s10, $0x1;
	s10 =	sld [smem:$0x3FAF]  }
0x3d: {  	_ =	shalt  }
0x3e: {  	_ =	shalt  }
0x3f: {  	_ =	shalt  }
0x40: {  	_ =	shalt  }
0x41: {  	_ =	shalt  }
0x42: {  	_ =	shalt  }
0x43: {  	_ =	shalt  }
0x44: {  	_ =	shalt  }
0x45: {  	_ =	shalt  }
0x46: {  	_ =	shalt  }
0x47: {  	_ =	shalt  }
0x48: {  	_ =	shalt  }
0x49: {  	_ =	shalt  }
0x4a: {  	_ =	shalt  }
0x4b: {  	_ =	shalt  }
0x4c: {  	_ =	shalt  }
0x4d: {  	_ =	shalt  }
0x4e: {  	_ =	shalt  }
0x4f: {  	_ =	shalt  }
0x50: {  	_ =	shalt  }
0x51: {  	_ =	shalt  }
0x52: {  	_ =	shalt  }
0x53: {  	_ =	shalt  }
0x54: {  	_ =	shalt  }
0x55: {  	_ =	shalt  }
0x56: {  	_ =	shalt  }
0x57: {  	_ =	shalt  }
0x58: {  	_ =	shalt  }
0x59: {  	_ =	shalt  }
0x5a: {  	_ =	shalt  }
0x5b: {  	_ =	shalt  }
0x5c: {  	_ =	shalt  }
0x5d: {  	_ =	shalt  }
0x5e: {  	_ =	shalt  }
0x5f: {  	_ =	shalt  }
0x60: {  	_ =	shalt  }
0x61: {  	_ =	shalt  }
0x62: {  	_ =	shalt  }
0x63: {  	_ =	shalt  }
0x64: {  	_ =	shalt  }
0x65: {  	_ =	shalt  }
0x66: {  	_ =	shalt  }
0x67: {  	_ =	shalt  }
0x68: {  	_ =	shalt  }
0x69: {  	_ =	shalt  }
0x6a: {  	_ =	shalt  }
0x6b: {  	_ =	shalt  }
0x6c: {  	_ =	shalt  }
0x6d: {  	_ =	shalt  }
0x6e: {  	_ =	shalt  }
0x6f: {  	_ =	shalt  }
0x70: {  	_ =	shalt  }
0x71: {  	_ =	shalt  }
0x72: {  	_ =	shalt  }
0x73: {  	_ =	shalt  }
0x74: {  	_ =	shalt  }
0x75: {  	_ =	shalt  }
0x76: {  	_ =	shalt  }
0x77: {  	_ =	shalt  }
0x78: {  	_ =	shalt  }
0x79: {  	_ =	shalt  }
0x7a: {  	_ =	shalt  }
0x7b: {  	_ =	shalt  }
0x7c: {  	_ =	shalt  }
0x7d: {  	_ =	shalt  }
0x7e: {  	_ =	shalt  }
0x7f: {  	_ =	shalt  }
0x80: {  	_ =	shalt  }
0x81: {  	_ =	shalt  }
0x82: {  	_ =	shalt  }
0x83: {  	_ =	shalt  }
0x84: {  	_ =	shalt  }
0x85: {  	_ =	shalt  }
0x86: {  	_ =	shalt  }
0x87: {  	_ =	shalt  }
.Lfunc_end0:
.L_simem_size_0:
called_computation_lowered:
.L_overlay_start_0:
0x88: {  	s2 =	sld [smem:$0x3FD9]  }
0x89: {  	s3 =	sld [smem:$0x3FFE];
	_ =	sdelay $0x1  }
0x8a: {  	s1 =	srdreg.scid  }
0x8b: {  	s0 =	sand.u32 $0x1, s1  }
0x8c: {  	s14 =	sshll.u32 s0, $0xA;
	s2 =	sadd.s32 s3, s2  }
0x8d: {  	s2 =	sadd.s32 s2, s14  }
0x8e: {  	[smem:$0x3FBB] =	sst s2  }
0x8f: {  	_ = 	snop  }
0x90: {  	s2 =	sld [smem:$0x3FD0];
	_ =	sdelay $0x2  }
0x91: {  	s15 =	simm.s32 $0xB;
	s4 =	simm.s32 $0x10  }
0x92: {  	[smem:s4], [sflag:s15] =	dma.local [hbm:s2], $0x1  }
0x93: {  	_ =	swait.eq [sflag:s15], $0x1  }
0x94: {  	s16 =	sld [smem:$0x10];
	[sflag:s15] =	ssyncset.done $0x0  }
0x95: {  	s17 =	sld [smem:$0x11];
	[sflag:s15] =	ssyncadd.s32 $0xFFFFFFFF  }
0x96: {  	s18 =	sld [smem:$0x12];
	(tm) =	ssettm $0x1  }
0x97: {  	s5 =	sld [smem:$0x3FFB];
	_ =	sdelay $0x3  }
0x98: {  	_ =	strace s5  }
0x99: {  	s5 =	sld [smem:$0x3FFC];
	_ =	sdelay $0x3  }
0x9a: {  	_ =	strace s5  }
0x9b: {  	s5 =	sld [smem:$0x3FFD];
	_ =	sdelay $0x3  }
0x9c: {  	_ =	strace s5  }
0x9d: {  	_ =	strace $0x8FFFFFFF  }
0x9e: {  	s19 =	sld [smem:$0x3FDB];
	_ =	sdelay $0x1  }
0x9f: {  	s6 =	simm.s32 $_scs_section_size  }
0xa0: {  	s7 =	simm.s32 $_size__tile_overlayer_lowered;
	s8 =	simm.s32 $_tile_overlayer_lowered  }
0xa1: {  	s22 =	simm.s32 $0x1BFF;
	s21 =	sshll.u32 s8, $0x1;
	s5 =	sadd.s32 s6, s19  }
0xa2: {  	s9 =	simm.s32 $0x0;
	s20 =	sshll.u32 s7, $0x1;
	s7 =	sadd.s32 s21, s5  }
0xa3: {  	[timem:s9], [sflag:s22] =	dma.local [hbm:s7], s20  }
0xa4: {  	_ =	swait.ge [sflag:s22], s20  }
0xa5: {  	s6 =	ssub.s32 $0x0, s20;
	[sflag:s22] =	ssyncset.done $0x0  }
0xa6: {  	[sflag:s22] =	ssyncadd.s32 s6;
	_ =	sdelay $0x1  }
0xa7: {  	s23 =	simm.s32 $0x1B8B  }
0xa8: {  	_ =	swait.ge [sflag:s23], $0x1  }
0xa9: {  	[sflag:s23] =	ssyncset.done $0x0  }
0xaa: {  	s25 =	simm.s32 $0x1B8E;
	s24 =	sld [smem:$0x3FFE];
	[sflag:s23] =	ssyncadd.s32 $0xFFFFFFFF  }
0xab: {  	s26 =	simm.s32 $execute0_lowered;
	[smem:$0x3FD2] =	sst s25  }
0xac: {  	s7 =	sshll.u32 s26, $0x1;
	_ =	strace $0x80000046;
	[dreg:$0x1] =	wrdreg $0xFFFFFFFF  }
0xad: {  	s28 =	simm.s32 $_size_execute0_lowered;
	s5 =	sadd.s32 s5, s7;
	[dreg:$0x0] =	wrdreg $0x0  }
0xae: {  	s7 =	sshll.u32 s28, $0x1;
	[dreg:$0x2] =	wrdreg s5  }
0xaf: {  	[dreg:$0x3] =	wrdreg s7  }
0xb0: {  	[dreg:$0x4] =	wrdreg $0xC0  }
0xb1: {  	_ =	task [dreg:s9], $0x5FFFF  }
0xb2: {  	[dreg:$0x1] =	wrdreg $0xFFFFFFFF  }
0xb3: {  	[dreg:$0x0] =	wrdreg $0x60  }
0xb4: {  	[dreg:$0x2] =	wrdreg s24  }
0xb5: {  	[dreg:$0x3] =	wrdreg s17  }
0xb6: {  	[dreg:$0x4] =	wrdreg s16  }
0xb7: {  	[dreg:$0x5] =	wrdreg s18  }
0xb8: {  	[dreg:$0x6] =	wrdreg $0x9  }
0xb9: {  	_ =	task.clear_ibuf [dreg:s9], $0x7FFFF;
	_ =	strace $0x90000046  }
0xba: {  	s29 =	simm.s32 $0x9;
	_ =	strace $0x80000048  }
0xbb: {  	_ =	swait.ge [sflag:s29], $0x1  }
0xbc: {  	[sflag:s29] =	ssyncadd.s32 $0xFFFFFFFF  }
0xbd: {  	_ =	strace $0x90000048  }
0xbe: {  	_ =	sfence  }
0xbf: {  	s30 =	sld [smem:$0x0];
	_ =	sdelay $0x2  }
0xc0: {  	s31 =	sshll.u32 s1, $0xD;
	s1 =	sshrl.u32 s1, $0x2  }
0xc1: {  	s3 =	sand.u32 $0x4000, s31;
	s1 =	sadd.s32 s1, s30  }
0xc2: {  	s0 =	sor.u32 s3, s0;
	s1 =	sshll.u32 s1, $0x11  }
0xc3: {  	s0 =	sor.u32 s1, s0  }
0xc4: {  	s0 =	sadd.s32 $0x8F2B, s0  }
0xc5: {  	[sflag:s0] =	ssyncadd.remote.s32 $0x1  }
0xc6: {  	_ =	sfence.sel $0xFFFF  }
0xc7: {  	[dreg:$0x0] =	wrdreg $0xFFFFFFFF;
	(pc) =	sbr.abs _section_cstart, $3  }
0xc8: {  	[dreg:$0x1] =	wrdreg $0xFFFFFFFF  }
0xc9: {  	_ =	task.clear_ibuf [dreg:s9], $0x2FFFF;
	_ =	strace $0x9FFFFFFF  }
0xca: {  	(tm) =	ssettm $0x7FFFFFFF  }
0xcb: {  	_ =	shalt  }
tec
execute0_lowered:
.L_overlay_start_1:
0x0: {  	(tag) =	ssettag $0x1  }
0x1: {  	s5 =	rddreg [dreg:$0x0]  }
0x2: {  	s7 =	rddreg [dreg:$0x1]  }
0x3: {  	s8 =	rddreg [dreg:$0x2]  }
0x4: {  	s9 =	rddreg [dreg:$0x3]  }
0x5: {  	s3 =	srdreg.scid;
	s0 =	stileid.u32;
	s2 =	simm.s32 $0x0  }
0x6: {  	s15 =	simm.s32 $0x8000;
	s6 =	sand.u32 $0x1, s3;
	s31 =	sshll.u32 s0, $0x1  }
0x7: {  	s16 =	simm.s32 $0x3;
	s17 =	simm.s32 $0x8300;
	s10 =	sor.u32 s6, s31  }
0x8: {  	s18 =	simm.s32 $0x8600;
	s19 =	simm.s32 $0x8900;
	s3 =	smul.u32 $0x300, s10  }
0x9: {  	s20 =	simm.s32 $0x0;
	[smem:$0x7FF] =	sst s2;
	s11 =	smul.u32 $0x3000, s10  }
0xa: {  	s4 =	sadd.s32 $0x2E00, s5;
	s6 =	ssub.s32 $0x2, s6;
	s10 =	smul.u32 $0x18000, s10  }
0xb: {  	_ =	strace $0x80000047;
	s13 =	sshrl.u32 s6, $0x1;
	s12 =	sshrl.u32 s3, $0x3  }
0xc: {  	s13 =	ssub.s32 s6, s13;
	s6 =	sadd.s32 $0x8000, s10;
	s14 =	sadd.s32 s12, s5  }
0xd: {  	s5 =	sadd.s32 s4, s11;
	s7 =	sadd.s32 s7, s12;
	s8 =	sadd.s32 s8, s12  }
0xe: {  	v0 =	vlaneseq.u32;
	s9 =	sadd.s32 s9, s12;
	s11 =	smax.u32 s13, $0x1;
	s12 =	simm.s32 $0x1  }
0xf: {  	v1 =	vmul.u32 $0x80, v0;
	s13 =	simm.s32 $0x4000;
	s10 =	sadd.s32 $0x62E00, s14;
	s14 =	simm.s32 $0x2  }
.LBB2_1:
0x10: {  	[tilespmem:s2], [sflag:$0x1] =	stream.linear.gather [hbm4b:s5+s2], $0x4000, $0x38;
	[tilespmem:$0x8C00] =	vst v63  }
0x11: {  	s21 =	simm.s32 $0x0  }
.LBB2_2:
0x12: {  	s24 =	sshll.u32 s21, $0x8  }
0x13: {  	s22 =	sor.u32 $0x80, s24  }
0x14: {  	_ =	swait.ge [sflag:s12], $0x4000;
	s23 =	sadd.s32 s3, s22  }
0x15: {  	[sflag:s12] =	ssyncset.done $0x0;
	s25 =	sshll.u32 s23, $0x4  }
0x16: {  	[sflag:s12] =	ssyncadd.s32 $0xFFFFC000;
	s26 =	sadd.s32 s4, s25;
	s25 =	simm.s32 $0x0  }
0x17: {  	[tilespmem:s13], [sflag:$0x2] =	stream.linear.gather [hbm4b:s26+s25], $0x4000, $0x38;
	[tilespmem:$0x8C00] =	vst v63  }
0x18: {  	s28 =	simm.s32 $0x0;
	s26 =	sadd.s32 s3, s24  }
.LBB2_3:
0x19: {  	s29 =	sshll.u32 s28, $0x4  }
0x1a: {  	v2 =	vmov s29  }
0x1b: {  	v3 =	vadd.s32 s25, v0;
	v2 =	vshll.u32 v2, $0x7  }
0x1c: {  	v24 =	vand.u32 $0x1F, v3;
	v2 =	vor.u32 v1, v2  }
0x1d: {  	v5 =	vimm.f32 $-3.000000010e+38;
	v8 =	vor.u32 $0x20, v3;
	v4 =	vor.u32 v2, v24  }
0x1e: {  	v31 =	vimm.s32 $0x0;
	s30 =	simm.s32 $0x1;
	v28 =	vor.u32 $0x40, v24;
	v9 =	vor.u32 v2, v8  }
0x1f: {  	v7 =	vadd.s32 s30, v0;
	v6 =	vor.u32 $0x60, v3;
	v10 =	vor.u32 v2, v28  }
0x20: {  	s31 =	simm.s32 $0x2;
	v34 =	vimm.s32 $0x0;
	v20 =	vand.u32 $0x1F, v7;
	v15 =	vor.u32 v2, v6  }
0x21: {  	v44 =	vimm.s32 $0x0;
	s30 =	simm.s32 $0x3;
	v3 =	vadd.s32 s31, v0;
	v18 =	vor.u32 v2, v20  }
0x22: {  	v16 =	vadd.s32 s30, v0;
	v11 =	vor.u32 $0x60, v20;
	v27 =	vor.u32 $0x20, v20;
	v12 =	vld.idx.msk [tilespmem:v4+s2+$0x0], $0xffff  }
0x23: {  	v7 =	vor.u32 $0x40, v20;
	v19 =	vor.u32 v2, v27;
	v35 =	vor.u32 v2, v11;
	v37 =	vld.idx.msk [tilespmem:v9+s2+$0x0], $0xffff  }
0x24: {  	v32 =	vor.u32 v2, v7;
	v4 =	vand.u32 $0x1F, v3;
	v14 =	vld.idx.msk [tilespmem:v10+s2+$0x0], $0xffff;
	v9 =	vand.u32 $0x1F, v16  }
0x25: {  	v39 =	vld.idx.msk [tilespmem:v15+s2+$0x0], $0xffff;
	v3 =	vor.u32 v2, v4;
	v13 =	vor.u32 $0x60, v4;
	v42 =	vor.u32 v2, v9  }
0x26: {  	v47 =	vld.idx.msk [tilespmem:v18+s2+$0x0], $0xffff;
	v17 =	vor.u32 $0x40, v9;
	v16 =	vor.u32 $0x20, v4;
	v18 =	vor.u32 $0x20, v9  }
0x27: {  	v15 =	vor.u32 $0x60, v9;
	v21 =	vor.u32 v2, v13;
	v10 =	vor.u32 v2, v17  }
0x28: {  	v30 =	vor.u32 v2, v18;
	v46 =	vor.u32 v2, v16;
	v48 =	vor.u32 v2, v15  }
0x29: {  	vm1 =	vgt.f32 v12, v5;
	v40 =	vmax.f32 v12, v5;
	vm2 =	vgt.f32 v37, v5  }
0x2a: {  	v25 =	vld.idx.msk [tilespmem:v19+s2+$0x0], $0xffff;
	vm3 =	vgt.f32 v14, v5;
	v38 =	vmax.f32 v39, v5;
	v19 =	vsel vm2, v37, v5  }
0x2b: {  	v12 =	vsel vm1, v12, v5;
	v36 =	vld.idx.msk [tilespmem:v3+s2+$0x0], $0xffff;
	v50 =	vsel vm2, v5, v19;
	v19 =	vsel vm3, v28, v31  }
0x2c: {  	v45 =	vsel vm2, v8, v31;
	v23 =	vsel vm1, v24, v31;
	v22 =	vsel vm3, v31, v19;
	v19 =	vld.idx.msk [tilespmem:v32+s2+$0x0], $0xffff  }
0x2d: {  	v41 =	vsel vm2, v8, v31;
	v43 =	vmax.f32 v47, v40;
	v8 =	vimm.s32 $0x0;
	v32 =	vld.idx.msk [tilespmem:v42+s2+$0x0], $0xffff  }
0x2e: {  	v3 =	vsel vm1, v5, v12;
	v12 =	vsel vm3, v14, v5;
	v49 =	vsel vm1, v31, v23  }
0x2f: {  	v29 =	vld.idx.msk [tilespmem:v21+s2+$0x0], $0xffff;
	v23 =	vimm.f32 $-3.000000010e+38;
	v21 =	vimm.f32 $-3.000000010e+38;
	vm4 =	vgt.f32 v47, v3  }
0x30: {  	vm5 =	vgt.f32 v25, v50;
	v26 =	vsel vm3, v5, v12;
	v42 =	vimm.s32 $0x0  }
0x31: {  	s30 =	simm.s32 $0x4;
	v12 =	vimm.f32 $-3.000000010e+38;
	vm0 =	vgt.f32 v36, v43;
	v33 =	vmax.f32 v36, v43  }
.LBB2_4:
0x32: {  	p0 =	sne.s32 s30, $0x1C;
	v28 =	vsel vm3, v28, v31;
	v31 =	vsel vm4, v47, v3;
	v3 =	vmax.f32 v32, v33;
	s31 =	smov.u32 s30;
	s30 =	sadd.s32 $0x4, s30  }
0x33: {  	vm6 =	vgt.f32 v47, v40;
	v47 =	vsel vm5, v25, v50;
	vm3 =	vgt.f32 v32, v33;
	v35 =	vld.idx.msk [tilespmem:v35+s2+$0x0], $0xffff  }
0x34: {  	v5 =	vmax.f32 v37, v5;
	vm9 =	vgt.f32 v39, v23;
	vm7 =	vgt.f32 v39, v21  }
0x35: {  	v24 =	vsel vm1, v24, v34;
	v31 =	vsel vm6, v40, v31;
	vm10 =	vgt.f32 v25, v5  }
0x36: {  	v21 =	vsel vm7, v39, v21;
	v34 =	vsel vm10, v5, v47;
	v37 =	vsel vm10, v27, v41  }
0x37: {  	v39 =	vsel vm2, v44, v45;
	v40 =	vsel vm4, v20, v49;
	vm8 =	vgt.f32 v36, v31  }
0x38: {  	v20 =	vsel vm6, v20, v24;
	v21 =	vsel vm9, v23, v21;
	v23 =	vsel vm5, v27, v39  }
0x39: {  	v27 =	vsel vm7, v6, v42;
	vm1 =	vgt.f32 v35, v38;
	vm7 =	vgt.f32 v35, v21;
	v39 =	vld.idx.msk [tilespmem:v48+s2+$0x0], $0xffff  }
0x3a: {  	v27 =	vsel vm9, v8, v27;
	v31 =	vsel vm8, v36, v31;
	v21 =	vsel vm7, v35, v21;
	v36 =	vld.idx.msk [tilespmem:v46+s2+$0x0], $0xffff  }
0x3b: {  	v42 =	vsel vm9, v6, v8;
	v6 =	vsel vm6, v24, v40;
	v8 =	vsel vm1, v38, v21  }
0x3c: {  	v24 =	vsel vm0, v43, v31;
	v21 =	vmax.f32 v35, v38;
	vm5 =	vgt.f32 v29, v8  }
0x3d: {  	v23 =	vsel vm10, v41, v23;
	vm2 =	vgt.f32 v29, v21;
	v8 =	vsel vm5, v29, v8  }
0x3e: {  	v35 =	vsel vm1, v11, v42;
	v29 =	vmax.f32 v29, v21;
	v8 =	vsel vm2, v21, v8;
	v30 =	vld.idx.msk [tilespmem:v30+s2+$0x0], $0xffff  }
0x3f: {  	v31 =	vor.u32 $0x40, v4;
	vm4 =	vgt.f32 v39, v29;
	vm6 =	vgt.f32 v39, v8  }
0x40: {  	v38 =	vor.u32 v2, v31;
	vm11 =	vgt.f32 v36, v34;
	v8 =	vsel vm6, v39, v8  }
0x41: {  	v5 =	vmax.f32 v25, v5;
	vm9 =	vgt.f32 v32, v24;
	v21 =	vsel vm4, v29, v8  }
0x42: {  	vm10 =	vgt.f32 v36, v5;
	v8 =	vsel vm11, v36, v34;
	v23 =	vsel vm11, v16, v23  }
0x43: {  	v24 =	vsel vm9, v32, v24;
	v8 =	vsel vm10, v5, v8;
	v23 =	vsel vm10, v37, v23  }
0x44: {  	v32 =	vsel vm3, v33, v24;
	v25 =	vmax.f32 v36, v5;
	vm11 =	vgt.f32 v30, v8  }
0x45: {  	v6 =	vsel vm8, v4, v6;
	v33 =	vsel vm11, v30, v8;
	v36 =	vsel vm11, v18, v23;
	v24 =	vld.idx.msk [tilespmem:v38+s2+$0x0], $0xffff  }
0x46: {  	v4 =	vsel vm0, v4, v20;
	v5 =	vmax.f32 v30, v25;
	v38 =	vsel vm2, v13, v35;
	v10 =	vld.idx.msk [tilespmem:v10+s2+$0x0], $0xffff  }
0x47: {  	s0 =	sadd.s32 $0x3, s31;
	v6 =	vsel vm0, v20, v6;
	v23 =	vmax.f32 v39, v29;
	v8 =	vsel vm4, v15, v38  }
0x48: {  	v12 =	vmax.f32 v14, v12;
	vm0 =	vgt.f32 v19, v26;
	v39 =	vadd.s32 s0, v0  }
0x49: {  	v14 =	vsel vm0, v19, v26;
	v20 =	vsel vm0, v7, v22  }
0x4a: {  	vm0 =	vgt.f32 v30, v25;
	vm11 =	vgt.f32 v19, v12;
	v19 =	vmax.f32 v19, v12  }
0x4b: {  	v14 =	vsel vm11, v12, v14;
	v20 =	vsel vm11, v28, v20;
	v22 =	vmax.f32 v24, v19  }
0x4c: {  	vm12 =	vgt.f32 v24, v14;
	vm8 =	vgt.f32 v10, v22;
	v12 =	vmax.f32 v10, v22  }
0x4d: {  	v16 =	vsel vm10, v16, v37;
	v14 =	vsel vm12, v24, v14;
	v20 =	vsel vm12, v31, v20  }
0x4e: {  	v6 =	vsel vm9, v9, v6;
	v7 =	vsel vm11, v7, v28;
	vm10 =	vgt.f32 v24, v19  }
0x4f: {  	s1 =	sadd.s32 $0x2, s31;
	v26 =	vsel vm3, v4, v6;
	v34 =	vsel vm3, v9, v4;
	s0 =	sadd.s32 $0x1, s31;
	v14 =	vsel vm10, v19, v14  }
0x50: {  	v9 =	vadd.s32 s1, v0;
	v4 =	vadd.s32 s0, v0;
	v6 =	vsel vm10, v7, v20  }
0x51: {  	v19 =	vsel vm7, v11, v27;
	v7 =	vsel vm10, v31, v7;
	vm3 =	vgt.f32 v10, v14  }
0x52: {  	v11 =	vadd.s32 s31, v0;
	v20 =	vand.u32 $0x1F, v4;
	v4 =	vsel vm3, v10, v14  }
0x53: {  	v24 =	vand.u32 $0x1F, v11;
	v41 =	vor.u32 $0x20, v11;
	v10 =	vsel vm3, v17, v6  }
0x54: {  	v14 =	vor.u32 v2, v24;
	v28 =	vor.u32 $0x40, v24;
	v22 =	vsel vm8, v22, v4  }
0x55: {  	v6 =	vor.u32 $0x60, v11;
	v29 =	vor.u32 v2, v28;
	v43 =	vsel vm8, v7, v10  }
0x56: {  	v31 =	vsel vm8, v17, v7;
	v11 =	vor.u32 $0x60, v20;
	v4 =	vand.u32 $0x1F, v9  }
0x57: {  	v9 =	vsel vm1, v42, v19;
	v30 =	vor.u32 v2, v4;
	v7 =	vor.u32 $0x60, v4  }
0x58: {  	v10 =	vor.u32 v2, v41;
	v9 =	vsel vm5, v13, v9;
	v17 =	vor.u32 v2, v7;
	v13 =	vmovc v7  }
0x59: {  	v46 =	vsel vm0, v16, v36;
	v45 =	vor.u32 v2, v6;
	v7 =	vsel vm2, v35, v9;
	v19 =	vld.idx.msk [tilespmem:v14+s2+$0x0], $0xffff  }
0x5a: {  	v27 =	vor.u32 $0x20, v20;
	v35 =	vor.u32 v2, v11;
	v9 =	vsel vm6, v15, v7  }
0x5b: {  	v15 =	vor.u32 v2, v27;
	v7 =	vor.u32 $0x40, v20;
	v42 =	vsel vm4, v38, v9  }
0x5c: {  	v44 =	vsel vm0, v18, v16;
	v33 =	vsel vm0, v25, v33;
	v36 =	vor.u32 v2, v7;
	v14 =	vld.idx.msk [tilespmem:v29+s2+$0x0], $0xffff  }
0x5d: {  	v37 =	vld.idx.msk [tilespmem:v10+s2+$0x0], $0xffff;
	v10 =	vor.u32 v2, v20  }
0x5e: {  	v9 =	vand.u32 $0x1F, v39;
	v29 =	vld.idx.msk [tilespmem:v17+s2+$0x0], $0xffff  }
0x5f: {  	vm1 =	vgt.f32 v19, v3;
	vm0 =	vgt.f32 v19, v32;
	v40 =	vmax.f32 v19, v3;
	v39 =	vld.idx.msk [tilespmem:v45+s2+$0x0], $0xffff  }
0x60: {  	v48 =	vor.u32 v2, v9;
	v32 =	vsel vm0, v19, v32;
	v25 =	vld.idx.msk [tilespmem:v15+s2+$0x0], $0xffff  }
0x61: {  	v16 =	vor.u32 $0x20, v4;
	v17 =	vor.u32 $0x40, v9;
	v19 =	vld.idx.msk [tilespmem:v36+s2+$0x0], $0xffff  }
0x62: {  	v18 =	vor.u32 $0x20, v9;
	v15 =	vor.u32 $0x60, v9;
	v47 =	vld.idx.msk [tilespmem:v10+s2+$0x0], $0xffff;
	v10 =	vor.u32 v2, v17  }
0x63: {  	vm2 =	vgt.f32 v37, v5;
	vm3 =	vgt.f32 v37, v33;
	v36 =	vld.idx.msk [tilespmem:v30+s2+$0x0], $0xffff;
	v30 =	vor.u32 v2, v18  }
0x64: {  	vm4 =	vgt.f32 v14, v22;
	v33 =	vsel vm3, v37, v33;
	v45 =	vsel vm3, v41, v46  }
0x65: {  	v3 =	vsel vm1, v3, v32;
	v51 =	vsel vm4, v14, v22;
	v38 =	vmax.f32 v39, v23;
	v32 =	vld.idx.msk [tilespmem:v48+s2+$0x0], $0xffff  }
.Ltmp0:
0x66: {  	v22 =	vsel vm4, v28, v43;
	vm3 =	vgt.f32 v14, v12;
	v50 =	vsel vm2, v5, v33;
	(pc) =	sbr.rel @p0 .LBB2_4-.Ltmp0, $4  }
0x67: {  	v26 =	vsel vm0, v24, v26;
	v41 =	vsel vm2, v41, v44;
	v22 =	vsel vm3, v31, v22  }
0x68: {  	v46 =	vor.u32 v2, v16;
	vm4 =	vgt.f32 v47, v3;
	v43 =	vmax.f32 v47, v40  }
0x69: {  	v49 =	vsel vm1, v34, v26;
	vm5 =	vgt.f32 v25, v50;
	vm0 =	vgt.f32 v36, v43  }
0x6a: {  	v26 =	vsel vm3, v12, v51;
	v48 =	vor.u32 v2, v15;
	v33 =	vmax.f32 v36, v43  }
0x6b: {  	v28 =	vsel vm3, v28, v31;
	v31 =	vsel vm4, v47, v3  }
0x6c: {  	v3 =	vmax.f32 v32, v33;
	vm6 =	vgt.f32 v47, v40;
	v59 =	vsel vm5, v25, v50  }
0x6d: {  	vm3 =	vgt.f32 v32, v33;
	v5 =	vmax.f32 v37, v5;
	vm7 =	vgt.f32 v39, v23  }
0x6e: {  	vm9 =	vgt.f32 v39, v21;
	v24 =	vsel vm1, v24, v34;
	v62 =	vsel vm2, v44, v45  }
0x6f: {  	v35 =	vld.idx.msk [tilespmem:v35+s2+$0x0], $0xffff;
	v63 =	vsel vm4, v20, v49;
	v12 =	vmax.f32 v14, v12;
	v31 =	vsel vm6, v40, v31  }
0x70: {  	v45 =	vld.idx.msk [tilespmem:v48+s2+$0x0], $0xffff;
	vm10 =	vgt.f32 v25, v5;
	v21 =	vsel vm9, v39, v21;
	v20 =	vsel vm6, v20, v24  }
0x71: {  	v47 =	vld.idx.msk [tilespmem:v46+s2+$0x0], $0xffff;
	v48 =	vsel vm7, v6, v8;
	v25 =	vmax.f32 v25, v5;
	v61 =	vsel vm10, v27, v41  }
0x72: {  	v21 =	vsel vm7, v23, v21;
	v23 =	vsel vm5, v27, v62;
	v27 =	vsel vm9, v6, v42  }
0x73: {  	v60 =	vsel vm10, v5, v59;
	vm8 =	vgt.f32 v36, v31;
	v27 =	vsel vm7, v8, v27  }
0x74: {  	v31 =	vsel vm8, v36, v31;
	v8 =	vsel vm6, v24, v63;
	v23 =	vsel vm10, v41, v23  }
0x75: {  	v24 =	vsel vm0, v43, v31;
	vm1 =	vgt.f32 v35, v38;
	vm4 =	vgt.f32 v35, v21  }
0x76: {  	vm11 =	vgt.f32 v47, v60;
	vm9 =	vgt.f32 v32, v24;
	v21 =	vsel vm4, v35, v21  }
0x77: {  	vm10 =	vgt.f32 v47, v25;
	v31 =	vsel vm1, v11, v48;
	v6 =	vsel vm1, v38, v21  }
0x78: {  	v23 =	vsel vm11, v16, v23;
	v21 =	vmax.f32 v35, v38;
	vm5 =	vgt.f32 v29, v6  }
0x79: {  	v11 =	vsel vm4, v11, v27;
	vm6 =	vgt.f32 v29, v21;
	v6 =	vsel vm5, v29, v6  }
0x7a: {  	v6 =	vsel vm6, v21, v6;
	v21 =	vmax.f32 v29, v21;
	v29 =	vld.idx.msk [tilespmem:v30+s2+$0x0], $0xffff;
	v30 =	vor.u32 $0x40, v4  }
0x7b: {  	v23 =	vsel vm10, v61, v23;
	vm7 =	vgt.f32 v45, v6;
	v49 =	vor.u32 v2, v30  }
0x7c: {  	v53 =	vsel vm6, v13, v31;
	vm2 =	vgt.f32 v45, v21;
	v6 =	vsel vm7, v45, v6  }
0x7d: {  	v54 =	vld.idx.msk [tilespmem:v10+s2+$0x0], $0xffff;
	v10 =	vmax.f32 v45, v21;
	v5 =	vsel vm2, v21, v6;
	v6 =	vsel vm11, v47, v60  }
0x7e: {  	v34 =	vsel vm10, v25, v6;
	v6 =	vsel vm9, v32, v24;
	v25 =	vmax.f32 v47, v25  }
0x7f: {  	v24 =	vsel vm8, v4, v8;
	v6 =	vsel vm3, v33, v6;
	vm14 =	vgt.f32 v29, v34  }
0x80: {  	v8 =	vmax.f32 v29, v25;
	vm8 =	vgt.f32 v29, v25;
	v50 =	vld.idx.msk [tilespmem:v49+s2+$0x0], $0xffff;
	v52 =	vsel vm14, v18, v23  }
0x81: {  	v23 =	vsel vm0, v4, v20;
	v20 =	vsel vm0, v20, v24;
	vm0 =	vgt.f32 v19, v26  }
0x82: {  	v51 =	vsel vm14, v29, v34;
	v4 =	vsel vm2, v15, v53;
	v14 =	vsel vm0, v19, v26  }
0x83: {  	v21 =	vsel vm0, v7, v22;
	vm0 =	vgt.f32 v19, v12;
	v19 =	vmax.f32 v19, v12  }
0x84: {  	v26 =	vsel vm10, v16, v61;
	v20 =	vsel vm9, v9, v20;
	v9 =	vsel vm3, v9, v23  }
0x85: {  	v12 =	vsel vm0, v12, v14;
	v21 =	vsel vm0, v28, v21;
	v22 =	vmax.f32 v50, v19  }
0x86: {  	vm11 =	vgt.f32 v50, v12;
	vm15 =	vgt.f32 v50, v19;
	vm12 =	vgt.f32 v54, v22  }
0x87: {  	v14 =	vmax.f32 v54, v22;
	v12 =	vsel vm11, v50, v12;
	v16 =	vsel vm11, v30, v21  }
0x88: {  	v21 =	vsel vm0, v7, v28;
	v7 =	vsel vm3, v23, v20;
	v23 =	vor.u32 $0x20, v2  }
0x89: {  	v12 =	vsel vm15, v19, v12;
	v16 =	vsel vm15, v21, v16;
	v19 =	vsel vm15, v30, v21  }
0x8a: {  	v21 =	vsel vm1, v48, v11;
	vm0 =	vgt.f32 v54, v12;
	v11 =	vsel vm12, v17, v19  }
0x8b: {  	s0 =	simm.s32 $0x0;
	v13 =	vsel vm5, v13, v21;
	v12 =	vsel vm0, v54, v12;
	v20 =	vsel vm0, v17, v16  }
0x8c: {  	v16 =	vsel vm12, v22, v12;
	v12 =	vsel vm12, v19, v20;
	v19 =	vadd.s32 s0, v0  }
0x8d: {  	v17 =	vsel vm6, v31, v13;
	v22 =	vor.u32 $0x60, v2;
	v20 =	vor.u32 v19, v23  }
0x8e: {  	s31 =	simm.s32 $0x3;
	v15 =	vsel vm7, v15, v17;
	v21 =	vor.u32 v19, v22;
	v17 =	vand.u32 $0x1F, v19  }
0x8f: {  	v24 =	vor.u32 $0x40, v2;
	v19 =	vadd.s32 s31, v0;
	v27 =	vor.u32 v2, v17  }
0x90: {  	s1 =	simm.s32 $0x2;
	v18 =	vsel vm8, v18, v26;
	v28 =	vand.u32 $0x1F, v19;
	v29 =	vor.u32 v17, v24  }
0x91: {  	vm1 =	vgt.f32 v10, v14;
	v19 =	vadd.s32 s1, v0;
	v30 =	vor.u32 v2, v28  }
0x92: {  	v13 =	vsel vm8, v26, v52;
	s31 =	simm.s32 $0x1;
	v31 =	vand.u32 $0x1F, v19;
	v56 =	vor.u32 v28, v23;
	v55 =	vld.idx.msk [tilespmem:v20+s2+$0x0], $0xffff  }
0x93: {  	vm0 =	vgt.f32 v8, v3;
	v60 =	vor.u32 v31, v23;
	v20 =	vadd.s32 s31, v0;
	v57 =	vld.idx.msk [tilespmem:v21+s2+$0x0], $0xffff  }
0x94: {  	v17 =	vsel vm0, v8, v3;
	v58 =	vor.u32 v2, v31;
	v59 =	vand.u32 $0x1F, v20;
	v27 =	vld.idx.msk [tilespmem:v27+s2+$0x0], $0xffff  }
0x95: {  	v19 =	vsel vm1, v10, v14;
	v21 =	vsel vm8, v25, v51;
	v25 =	vld.idx.msk [tilespmem:v29+s2+$0x0], $0xffff;
	v29 =	vor.u32 v2, v59  }
0x96: {  	v15 =	vsel vm2, v53, v15;
	vm2 =	vgt.f32 v19, v17;
	v26 =	vor.u32 v59, v23;
	v30 =	vld.idx.msk [tilespmem:v30+s2+$0x0], $0xffff  }
0x97: {  	v63 =	vor.u32 v28, v24;
	v20 =	vsel vm2, v19, v17;
	v61 =	vor.u32 v59, v24;
	v34 =	vld.idx.msk [tilespmem:v56+s2+$0x0], $0xffff  }
0x98: {  	v28 =	vor.u32 v28, v22;
	v37 =	vor.u32 v59, v22;
	v38 =	vld.idx.msk [tilespmem:v60+s2+$0x0], $0xffff;
	v32 =	vsub.f32 v55, v20  }
0x99: {  	v62 =	vor.u32 v31, v24;
	v36 =	vld.idx.msk [tilespmem:v58+s2+$0x0], $0xffff;
	v35 =	vsub.f32 v57, v20;
	v27 =	vsub.f32 v27, v20  }
0x9a: {  	v31 =	vor.u32 v31, v22;
	v25 =	vsub.f32 v25, v20;
	v32 =	vmul.f32 $1.442695020e+00, v32;
	v29 =	vld.idx.msk [tilespmem:v29+s2+$0x0], $0xffff  }
0x9b: {  	v35 =	vmul.f32 $1.442695020e+00, v35;
	v26 =	vld.idx.msk [tilespmem:v26+s2+$0x0], $0xffff;
	v30 =	vsub.f32 v30, v20;
	v27 =	vmul.f32 $1.442695020e+00, v27  }
0x9c: {  	v44 =	vld.idx.msk [tilespmem:v61+s2+$0x0], $0xffff;
	v45 =	vsub.f32 v34, v20;
	v25 =	vmul.f32 $1.442695020e+00, v25;
	(erf) = vpow2.f32 v32  }
0x9d: {  	v46 =	vld.idx.msk [tilespmem:v37+s2+$0x0], $0xffff;
	v48 =	vsub.f32 v38, v20;
	v30 =	vmul.f32 $1.442695020e+00, v30;
	(erf) = vpow2.f32 v35  }
0x9e: {  	v47 =	vsub.f32 v36, v20;
	v33 =	vmul.f32 $1.442695020e+00, v45;
	(erf) = vpow2.f32 v27  }
0x9f: {  	v49 =	vmul.f32 $1.442695020e+00, v48;
	(erf) = vpow2.f32 v25;
	v25 =	vld.idx.msk [tilespmem:v31+s2+$0x0], $0xffff  }
0xa0: {  	v27 =	vld.idx.msk [tilespmem:v62+s2+$0x0], $0xffff;
	v31 =	vmul.f32 $1.442695020e+00, v47;
	(erf) = vpow2.f32 v30  }
0xa1: {  	v29 =	vsub.f32 v29, v20;
	v26 =	vsub.f32 v26, v20;
	(erf) = vpow2.f32 v33  }
0xa2: {  	v32 =	vsub.f32 v44, v20;
	v30 =	vld.idx.msk [tilespmem:v63+s2+$0x0], $0xffff;
	(erf) = vpow2.f32 v31;
	v31 =	vsub.f32 v46, v20  }
0xa3: {  	v28 =	vld.idx.msk [tilespmem:v28+s2+$0x0], $0xffff;
	v29 =	vmul.f32 $1.442695020e+00, v29;
	v26 =	vmul.f32 $1.442695020e+00, v26  }
0xa4: {  	v32 =	vmul.f32 $1.442695020e+00, v32;
	(erf) = vpow2.f32 v49;
	v25 =	vsub.f32 v25, v20  }
0xa5: {  	v27 =	vsub.f32 v27, v20;
	(erf) = vpow2.f32 v29;
	v29 =	vmul.f32 $1.442695020e+00, v31  }
0xa6: {  	(erf) = vpow2.f32 v26;
	v31 =	vpop (erf);
	v25 =	vmul.f32 $1.442695020e+00, v25  }
0xa7: {  	v26 =	vmul.f32 $1.442695020e+00, v27;
	v27 =	vsub.f32 v30, v20;
	(erf) = vpow2.f32 v32;
	v30 =	vpop (erf)  }
0xa8: {  	s1 =	simm.s32 $0x4;
	v28 =	vsub.f32 v28, v20;
	v50 =	vpop (erf);
	(erf) = vpow2.f32 v29  }
0xa9: {  	v52 =	vadd.s32 s1, v0;
	s1 =	simm.s32 $0x7;
	v27 =	vmul.f32 $1.442695020e+00, v27;
	v51 =	vpop (erf);
	(erf) = vpow2.f32 v26  }
0xaa: {  	v54 =	vadd.s32 s1, v0;
	s31 =	simm.s32 $0x6;
	v28 =	vmul.f32 $1.442695020e+00, v28;
	(erf) = vpow2.f32 v25;
	v25 =	vpop (erf)  }
0xab: {  	v53 =	vadd.s32 s31, v0;
	v56 =	vor.u32 v52, v22;
	v26 =	vpop (erf);
	(erf) = vpow2.f32 v27  }
0xac: {  	v58 =	vand.u32 $0x1F, v52;
	v29 =	vimm.f32 $0.0e+00;
	v57 =	vpop (erf);
	(erf) = vpow2.f32 v28  }
0xad: {  	v60 =	vor.u32 v2, v58;
	v55 =	vor.u32 v52, v23;
	v32 =	vadd.f32 v50, v29;
	v59 =	vpop (erf)  }
0xae: {  	s31 =	simm.s32 $0x5;
	v39 =	vor.u32 v58, v24;
	v31 =	vadd.f32 v31, v29;
	v33 =	vadd.f32 v51, v29;
	v61 =	vpop (erf)  }
0xaf: {  	v29 =	vadd.f32 v30, v29;
	v27 =	vand.u32 $0x1F, v54;
	v28 =	vadd.s32 s31, v0;
	v62 =	vpop (erf)  }
0xb0: {  	v37 =	vor.u32 v2, v27;
	v41 =	vor.u32 v27, v23;
	v34 =	vand.u32 $0x1F, v28;
	v30 =	vpop (erf)  }
0xb1: {  	v38 =	vld.idx.msk [tilespmem:v56+s2+$0x0], $0xffff;
	v28 =	vand.u32 $0x1F, v53;
	v32 =	vadd.f32 v61, v32;
	v31 =	vadd.f32 v62, v31;
	v63 =	vpop (erf)  }
0xb2: {  	v36 =	vld.idx.msk [tilespmem:v55+s2+$0x0], $0xffff;
	v42 =	vor.u32 v2, v28;
	v30 =	vadd.f32 v30, v33;
	v29 =	vadd.f32 v63, v29;
	v33 =	vpop (erf)  }
0xb3: {  	s30 =	simm.s32 $0x8;
	v40 =	vld.idx.msk [tilespmem:v60+s2+$0x0], $0xffff;
	v43 =	vor.u32 v28, v23;
	v32 =	vadd.f32 v57, v32;
	v31 =	vadd.f32 v59, v31;
	v35 =	vpop (erf)  }
.LBB2_6:
0xb4: {  	p0 =	sne.s32 s30, $0x1C;
	v39 =	vld.idx.msk [tilespmem:v39+s2+$0x0], $0xffff;
	v44 =	vor.u32 v2, v34;
	v30 =	vadd.f32 v33, v30;
	v29 =	vadd.f32 v35, v29;
	v33 =	vpop (erf)  }
0xb5: {  	v35 =	vor.u32 v34, v23;
	v37 =	vld.idx.msk [tilespmem:v37+s2+$0x0], $0xffff;
	v32 =	vadd.f32 v25, v32;
	v31 =	vadd.f32 v26, v31;
	v25 =	vpop (erf)  }
0xb6: {  	v26 =	vor.u32 v34, v24;
	v41 =	vld.idx.msk [tilespmem:v41+s2+$0x0], $0xffff;
	v30 =	vadd.f32 v33, v30;
	v29 =	vadd.f32 v25, v29  }
0xb7: {  	v25 =	vsub.f32 v36, v20;
	v33 =	vor.u32 v34, v22;
	v34 =	vld.idx.msk [tilespmem:v42+s2+$0x0], $0xffff  }
0xb8: {  	v36 =	vsub.f32 v38, v20;
	v42 =	vor.u32 v28, v24;
	v38 =	vld.idx.msk [tilespmem:v43+s2+$0x0], $0xffff;
	v43 =	vor.u32 v27, v24  }
0xb9: {  	v28 =	vor.u32 v28, v22;
	v40 =	vsub.f32 v40, v20;
	v25 =	vmul.f32 $1.442695020e+00, v25;
	v44 =	vld.idx.msk [tilespmem:v44+s2+$0x0], $0xffff  }
0xba: {  	v27 =	vor.u32 v27, v22;
	v39 =	vsub.f32 v39, v20;
	v36 =	vmul.f32 $1.442695020e+00, v36;
	v35 =	vld.idx.msk [tilespmem:v35+s2+$0x0], $0xffff  }
0xbb: {  	v40 =	vmul.f32 $1.442695020e+00, v40;
	v37 =	vsub.f32 v37, v20;
	v26 =	vld.idx.msk [tilespmem:v26+s2+$0x0], $0xffff;
	(erf) = vpow2.f32 v25  }
0xbc: {  	v25 =	vmul.f32 $1.442695020e+00, v39;
	v39 =	vsub.f32 v41, v20;
	v33 =	vld.idx.msk [tilespmem:v33+s2+$0x0], $0xffff;
	(erf) = vpow2.f32 v36  }
0xbd: {  	v34 =	vsub.f32 v34, v20;
	v37 =	vmul.f32 $1.442695020e+00, v37;
	v36 =	vld.idx.msk [tilespmem:v42+s2+$0x0], $0xffff;
	(erf) = vpow2.f32 v40  }
0xbe: {  	v38 =	vsub.f32 v38, v20;
	v39 =	vmul.f32 $1.442695020e+00, v39;
	v28 =	vld.idx.msk [tilespmem:v28+s2+$0x0], $0xffff;
	(erf) = vpow2.f32 v25  }
0xbf: {  	v25 =	vsub.f32 v44, v20;
	v34 =	vmul.f32 $1.442695020e+00, v34;
	v40 =	vld.idx.msk [tilespmem:v43+s2+$0x0], $0xffff;
	(erf) = vpow2.f32 v37  }
0xc0: {  	v35 =	vsub.f32 v35, v20;
	v37 =	vmul.f32 $1.442695020e+00, v38;
	v27 =	vld.idx.msk [tilespmem:v27+s2+$0x0], $0xffff;
	(erf) = vpow2.f32 v39  }
0xc1: {  	v25 =	vmul.f32 $1.442695020e+00, v25;
	v26 =	vsub.f32 v26, v20;
	(erf) = vpow2.f32 v34  }
0xc2: {  	v34 =	vmul.f32 $1.442695020e+00, v35;
	v38 =	vsub.f32 v33, v20;
	(erf) = vpow2.f32 v37  }
0xc3: {  	v26 =	vmul.f32 $1.442695020e+00, v26;
	v35 =	vsub.f32 v36, v20;
	(erf) = vpow2.f32 v25  }
0xc4: {  	v25 =	vmul.f32 $1.442695020e+00, v38;
	v28 =	vsub.f32 v28, v20;
	v33 =	vpop (erf);
	(erf) = vpow2.f32 v34  }
0xc5: {  	v34 =	vmul.f32 $1.442695020e+00, v35;
	v38 =	vsub.f32 v40, v20;
	v36 =	vpop (erf);
	(erf) = vpow2.f32 v26  }
0xc6: {  	v40 =	vmul.f32 $1.442695020e+00, v28;
	v27 =	vsub.f32 v27, v20;
	v37 =	vpop (erf);
	(erf) = vpow2.f32 v25  }
0xc7: {  	v28 =	vmul.f32 $1.442695020e+00, v38;
	v35 =	vpop (erf);
	(erf) = vpow2.f32 v34  }
0xc8: {  	s0 =	sadd.s32 $0x2, s30;
	s1 =	sadd.s32 $0x3, s30;
	v34 =	vadd.s32 s30, v0;
	v27 =	vmul.f32 $1.442695020e+00, v27;
	(erf) = vpow2.f32 v40;
	v25 =	vpop (erf)  }
0xc9: {  	v39 =	vadd.s32 s1, v0;
	v38 =	vadd.s32 s0, v0;
	v26 =	vpop (erf);
	(erf) = vpow2.f32 v28  }
0xca: {  	s0 =	sadd.s32 $0x1, s30;
	v40 =	vor.u32 v34, v23;
	v42 =	vor.u32 v34, v22;
	v44 =	vpop (erf);
	(erf) = vpow2.f32 v27  }
0xcb: {  	v41 =	vand.u32 $0x1F, v34;
	v28 =	vadd.s32 s0, v0;
	v27 =	vand.u32 $0x1F, v39;
	v45 =	vpop (erf)  }
0xcc: {  	v43 =	vor.u32 v2, v41;
	v34 =	vand.u32 $0x1F, v28;
	v28 =	vand.u32 $0x1F, v38;
	v38 =	vpop (erf)  }
.Ltmp1:
0xcd: {  	v31 =	vadd.f32 v33, v31;
	v32 =	vadd.f32 v37, v32;
	v39 =	vor.u32 v41, v24;
	v33 =	vpop (erf);
	(pc) =	sbr.rel @p0 .LBB2_6-.Ltmp1, $4  }
0xce: {  	v29 =	vadd.f32 v36, v29;
	v30 =	vadd.f32 v35, v30;
	v37 =	vor.u32 v2, v27;
	v35 =	vpop (erf)  }
0xcf: {  	v41 =	vor.u32 v27, v23;
	v32 =	vadd.f32 v38, v32;
	v31 =	vadd.f32 v33, v31;
	v36 =	vld.idx.msk [tilespmem:v40+s2+$0x0], $0xffff;
	v33 =	vpop (erf)  }
0xd0: {  	v30 =	vadd.f32 v35, v30;
	v38 =	vld.idx.msk [tilespmem:v42+s2+$0x0], $0xffff;
	v42 =	vor.u32 v2, v28;
	v29 =	vadd.f32 v33, v29;
	v33 =	vpop (erf)  }
0xd1: {  	s30 =	sadd.s32 $0x4, s30;
	v32 =	vadd.f32 v44, v32;
	v31 =	vadd.f32 v45, v31;
	v40 =	vld.idx.msk [tilespmem:v43+s2+$0x0], $0xffff;
	v43 =	vor.u32 v28, v23;
	v35 =	vpop (erf)  }
0xd2: {  	_ =	sdelay $0x3  }
0xd3: {  	v39 =	vld.idx.msk [tilespmem:v39+s2+$0x0], $0xffff;
	v2 =	vor.u32 v2, v34  }
0xd4: {  	v23 =	vor.u32 v34, v23;
	v37 =	vld.idx.msk [tilespmem:v37+s2+$0x0], $0xffff  }
0xd5: {  	v44 =	vor.u32 v34, v24;
	v41 =	vld.idx.msk [tilespmem:v41+s2+$0x0], $0xffff;
	v58 =	vor.u32 v34, v22;
	v36 =	vsub.f32 v36, v20  }
0xd6: {  	v42 =	vld.idx.msk [tilespmem:v42+s2+$0x0], $0xffff;
	v45 =	vor.u32 v28, v24;
	v59 =	vor.u32 v27, v24;
	v38 =	vsub.f32 v38, v20  }
0xd7: {  	v43 =	vld.idx.msk [tilespmem:v43+s2+$0x0], $0xffff;
	v60 =	vor.u32 v28, v22;
	v40 =	vsub.f32 v40, v20;
	v36 =	vmul.f32 $1.442695020e+00, v36  }
0xd8: {  	v61 =	vor.u32 v27, v22;
	v2 =	vld.idx.msk [tilespmem:v2+s2+$0x0], $0xffff;
	v62 =	vsub.f32 v39, v20;
	v38 =	vmul.f32 $1.442695020e+00, v38  }
0xd9: {  	v23 =	vld.idx.msk [tilespmem:v23+s2+$0x0], $0xffff;
	v37 =	vsub.f32 v37, v20;
	(erf) = vpow2.f32 v36;
	v63 =	vmul.f32 $1.442695020e+00, v40  }
0xda: {  	v44 =	vld.idx.msk [tilespmem:v44+s2+$0x0], $0xffff;
	v46 =	vsub.f32 v41, v20;
	v27 =	vmul.f32 $1.442695020e+00, v62;
	(erf) = vpow2.f32 v38  }
0xdb: {  	v34 =	vld.idx.msk [tilespmem:v58+s2+$0x0], $0xffff;
	v47 =	vsub.f32 v42, v20;
	v37 =	vmul.f32 $1.442695020e+00, v37;
	(erf) = vpow2.f32 v63  }
0xdc: {  	v49 =	vsub.f32 v43, v20;
	v40 =	vmul.f32 $1.442695020e+00, v46;
	(erf) = vpow2.f32 v27  }
0xdd: {  	v48 =	vld.idx.msk [tilespmem:v45+s2+$0x0], $0xffff;
	v51 =	vmul.f32 $1.442695020e+00, v47;
	v2 =	vsub.f32 v2, v20;
	(erf) = vpow2.f32 v37  }
0xde: {  	v50 =	vld.idx.msk [tilespmem:v60+s2+$0x0], $0xffff;
	v52 =	vmul.f32 $1.442695020e+00, v49;
	v23 =	vsub.f32 v23, v20;
	(erf) = vpow2.f32 v40  }
0xdf: {  	v24 =	vld.idx.msk [tilespmem:v59+s2+$0x0], $0xffff;
	v53 =	vsub.f32 v44, v20;
	v2 =	vmul.f32 $1.442695020e+00, v2;
	(erf) = vpow2.f32 v51  }
0xe0: {  	v54 =	vpop (erf);
	v34 =	vsub.f32 v34, v20;
	v23 =	vmul.f32 $1.442695020e+00, v23;
	(erf) = vpow2.f32 v52  }
0xe1: {  	v55 =	vpop (erf);
	v22 =	vld.idx.msk [tilespmem:v61+s2+$0x0], $0xffff;
	v38 =	vmul.f32 $1.442695020e+00, v53;
	(erf) = vpow2.f32 v2  }
0xe2: {  	v2 =	vmul.f32 $1.442695020e+00, v34;
	v56 =	vpop (erf);
	(erf) = vpow2.f32 v23  }
0xe3: {  	v36 =	vsub.f32 v48, v20;
	v58 =	vpop (erf);
	(erf) = vpow2.f32 v38  }
0xe4: {  	v27 =	vsub.f32 v50, v20;
	v59 =	vpop (erf);
	(erf) = vpow2.f32 v2;
	v2 =	vsub.f32 v24, v20  }
0xe5: {  	v57 =	vmul.f32 $1.442695020e+00, v36  }
0xe6: {  	v22 =	vsub.f32 v22, v20;
	v27 =	vmul.f32 $1.442695020e+00, v27;
	v60 =	vpop (erf);
	v2 =	vmul.f32 $1.442695020e+00, v2  }
0xe7: {  	(erf) = vpow2.f32 v57;
	v61 =	vpop (erf)  }
0xe8: {  	v22 =	vmul.f32 $1.442695020e+00, v22;
	(erf) = vpow2.f32 v27;
	v63 =	vpop (erf)  }
0xe9: {  	v39 =	vpop (erf);
	(erf) = vpow2.f32 v2  }
0xea: {  	v29 =	vadd.f32 v35, v29;
	v62 =	vadd.f32 v33, v30;
	v2 =	vpop (erf);
	(erf) = vpow2.f32 v22  }
0xeb: {  	v3 =	vsel vm0, v3, v8;
	v25 =	vadd.f32 v25, v32;
	v26 =	vadd.f32 v26, v31  }
0xec: {  	v6 =	vsel vm0, v21, v6;
	v40 =	vadd.f32 v55, v29;
	v27 =	vadd.f32 v54, v62;
	v41 =	vpop (erf)  }
0xed: {  	v5 =	vsel vm1, v5, v16;
	v26 =	vadd.f32 v56, v26;
	v25 =	vadd.f32 v59, v25;
	v42 =	vpop (erf)  }
0xee: {  	vm3 =	vgt.f32 v6, v3;
	v43 =	vadd.f32 v58, v40;
	v24 =	vadd.f32 v60, v27;
	v44 =	vpop (erf)  }
0xef: {  	v3 =	vsel vm3, v6, v3;
	v22 =	vadd.f32 v41, v25;
	v45 =	vadd.f32 v42, v26;
	v46 =	vpop (erf)  }
0xf0: {  	v49 =	vsel vm1, v14, v10;
	v24 =	vadd.f32 v44, v24;
	v26 =	vadd.f32 v46, v43;
	v47 =	vpop (erf)  }
0xf1: {  	vm4 =	vgt.f32 v5, v49;
	v22 =	vadd.f32 v39, v22;
	v2 =	vadd.f32 v2, v45;
	v48 =	vpop (erf)  }
0xf2: {  	v5 =	vsel vm4, v5, v49;
	v24 =	vadd.f32 v47, v24;
	v25 =	vadd.f32 v48, v26;
	v50 =	vpop (erf)  }
0xf3: {  	v3 =	vsel vm2, v5, v3;
	v22 =	vadd.f32 v61, v22;
	v2 =	vadd.f32 v63, v2;
	v51 =	vpop (erf)  }
0xf4: {  	v53 =	vsel vm2, v17, v19;
	v10 =	vadd.f32 v50, v24;
	v52 =	vadd.f32 v51, v25  }
0xf5: {  	vm5 =	vgt.f32 v3, v53  }
0xf6: {  	v3 =	vsel vm5, v3, v53;
	v2 =	vadd.f32 v2, v22;
	v54 =	vadd.f32 v52, v10  }
0xf7: {  	v3 =	vsub.f32 v3, v20  }
0xf8: {  	v2 =	vadd.f32 v54, v2  }
0xf9: {  	v3 =	vmul.f32 $1.442695020e+00, v3  }
0xfa: {  	(erf) = vrcp.f32 v2  }
0xfb: {  	(erf) = vpow2.f32 v3;
	_ =	sdelay $0x1  }
0xfc: {  	v55 =	vsel vm0, v13, v7  }
0xfd: {  	s0 =	sadd.s32 s26, s29;
	v56 =	vsel vm1, v11, v4;
	v57 =	vsel vm1, v15, v12;
	v3 =	vsel vm0, v9, v18  }
0xfe: {  	s0 =	smulhi.u32 $0x2AAAAAAB, s0;
	v59 =	vsel vm4, v57, v56;
	v3 =	vsel vm3, v55, v3  }
0xff: {  	v3 =	vsel vm2, v59, v3  }
0x100: {  	s28 =	sadd.s32 $0x1, s28;
	s0 =	sshll.u32 s0, $0x2;
	v58 =	vsel vm1, v4, v11;
	v2 =	vsel vm0, v18, v9  }
0x101: {  	p0 =	sne.s32 s28, $0x8;
	s0 =	sand.u32 $0x7FFFFF80, s0;
	v60 =	vsel vm2, v58, v2;
	v2 =	vsel vm2, v2, v58  }
.Ltmp2:
0x102: {  	s1 =	sor.u32 s24, s29;
	v61 =	vadd.s32 s0, v60;
	v2 =	vsel vm5, v3, v2;
	v3 =	vpop (erf);
	(pc) =	sbr.rel @p0 .LBB2_3-.Ltmp2, $4  }
0x103: {  	[tilespmem:s1+$0x8000] =	vst v61;
	v2 =	vadd.s32 s0, v2;
	v62 =	vpop (erf)  }
0x104: {  	[tilespmem:s1+$0x8300] =	vst v2;
	v63 =	vmul.f32 v3, v62  }
0x105: {  	[tilespmem:s1+$0x8600] =	vst v3  }
0x106: {  	[tilespmem:s1+$0x8900] =	vst v63  }
0x107: {  	p0 =	seq.s32 s21, $0x2  }
0x108: {  	s0 =	sshll.u32 @!p0 s21, $0xF  }
0x109: {  	_ =	swait.ge [sflag:s14], $0x4000;
	s24 =	simm.s32 $0x0;
	s0 =	sadd.s32 @!p0 s0, s6  }
0x10a: {  	s25 =	simm.s32 $0x0;
	[sflag:s14] =	ssyncset.done $0x0;
	s0 =	sshrl.u32 @!p0 s0, $0x3  }
0x10b: {  	s1 =	simm.s32 @!p0 $0x0;
	[sflag:s14] =	ssyncadd.s32 $0xFFFFC000;
	s0 =	sadd.s32 @!p0 s4, s0  }
0x10c: {  	[tilespmem:s1], [sflag:$0x1] =	stream.linear.gather @!p0 [hbm4b:s0+s1], $0x4000, $0x38;
	[tilespmem:$0x8C00] =	vst v63  }
.LBB2_9:
0x10d: {  	s26 =	sshll.u32 s25, $0x4  }
0x10e: {  	v2 =	vmov s26  }
0x10f: {  	v3 =	vadd.s32 s24, v0;
	v2 =	vshll.u32 v2, $0x7  }
0x110: {  	v24 =	vand.u32 $0x1F, v3;
	v2 =	vor.u32 v1, v2  }
0x111: {  	v5 =	vimm.f32 $-3.000000010e+38;
	v8 =	vor.u32 $0x20, v3;
	v4 =	vor.u32 v2, v24  }
0x112: {  	v31 =	vimm.s32 $0x0;
	s0 =	simm.s32 $0x1;
	v28 =	vor.u32 $0x40, v24;
	v9 =	vor.u32 v2, v8  }
0x113: {  	v7 =	vadd.s32 s0, v0;
	v6 =	vor.u32 $0x60, v3;
	v10 =	vor.u32 v2, v28  }
0x114: {  	s1 =	simm.s32 $0x2;
	v34 =	vimm.s32 $0x0;
	v20 =	vand.u32 $0x1F, v7;
	v15 =	vor.u32 v2, v6  }
0x115: {  	s31 =	simm.s32 $0x3;
	v44 =	vimm.s32 $0x0;
	v3 =	vadd.s32 s1, v0;
	v18 =	vor.u32 v2, v20  }
0x116: {  	v16 =	vadd.s32 s31, v0;
	v11 =	vor.u32 $0x60, v20;
	v27 =	vor.u32 $0x20, v20;
	v12 =	vld.idx.msk [tilespmem:v4+s13+$0x0], $0xffff  }
0x117: {  	v7 =	vor.u32 $0x40, v20;
	v19 =	vor.u32 v2, v27;
	v35 =	vor.u32 v2, v11;
	v37 =	vld.idx.msk [tilespmem:v9+s13+$0x0], $0xffff  }
0x118: {  	v32 =	vor.u32 v2, v7;
	v4 =	vand.u32 $0x1F, v3;
	v14 =	vld.idx.msk [tilespmem:v10+s13+$0x0], $0xffff;
	v9 =	vand.u32 $0x1F, v16  }
0x119: {  	v39 =	vld.idx.msk [tilespmem:v15+s13+$0x0], $0xffff;
	v3 =	vor.u32 v2, v4;
	v13 =	vor.u32 $0x60, v4;
	v42 =	vor.u32 v2, v9  }
0x11a: {  	v47 =	vld.idx.msk [tilespmem:v18+s13+$0x0], $0xffff;
	v17 =	vor.u32 $0x40, v9;
	v16 =	vor.u32 $0x20, v4;
	v18 =	vor.u32 $0x20, v9  }
0x11b: {  	v15 =	vor.u32 $0x60, v9;
	v21 =	vor.u32 v2, v13;
	v10 =	vor.u32 v2, v17  }
0x11c: {  	v30 =	vor.u32 v2, v18;
	v46 =	vor.u32 v2, v16;
	v48 =	vor.u32 v2, v15  }
0x11d: {  	vm1 =	vgt.f32 v12, v5;
	v40 =	vmax.f32 v12, v5;
	vm2 =	vgt.f32 v37, v5  }
0x11e: {  	v25 =	vld.idx.msk [tilespmem:v19+s13+$0x0], $0xffff;
	vm3 =	vgt.f32 v14, v5;
	v38 =	vmax.f32 v39, v5;
	v19 =	vsel vm2, v37, v5  }
0x11f: {  	v12 =	vsel vm1, v12, v5;
	v36 =	vld.idx.msk [tilespmem:v3+s13+$0x0], $0xffff;
	v50 =	vsel vm2, v5, v19;
	v19 =	vsel vm3, v28, v31  }
0x120: {  	v45 =	vsel vm2, v8, v31;
	v23 =	vsel vm1, v24, v31;
	v22 =	vsel vm3, v31, v19;
	v19 =	vld.idx.msk [tilespmem:v32+s13+$0x0], $0xffff  }
0x121: {  	v41 =	vsel vm2, v8, v31;
	v43 =	vmax.f32 v47, v40;
	v8 =	vimm.s32 $0x0;
	v32 =	vld.idx.msk [tilespmem:v42+s13+$0x0], $0xffff  }
0x122: {  	v3 =	vsel vm1, v5, v12;
	v12 =	vsel vm3, v14, v5;
	v49 =	vsel vm1, v31, v23  }
0x123: {  	v29 =	vld.idx.msk [tilespmem:v21+s13+$0x0], $0xffff;
	v23 =	vimm.f32 $-3.000000010e+38;
	v21 =	vimm.f32 $-3.000000010e+38;
	vm4 =	vgt.f32 v47, v3  }
0x124: {  	vm5 =	vgt.f32 v25, v50;
	v26 =	vsel vm3, v5, v12;
	v42 =	vimm.s32 $0x0  }
0x125: {  	s28 =	simm.s32 $0x4;
	v12 =	vimm.f32 $-3.000000010e+38;
	vm0 =	vgt.f32 v36, v43;
	v33 =	vmax.f32 v36, v43  }
.LBB2_10:
0x126: {  	p0 =	sne.s32 s28, $0x1C;
	v28 =	vsel vm3, v28, v31;
	v31 =	vsel vm4, v47, v3;
	v3 =	vmax.f32 v32, v33;
	s29 =	smov.u32 s28;
	s28 =	sadd.s32 $0x4, s28  }
0x127: {  	vm6 =	vgt.f32 v47, v40;
	v47 =	vsel vm5, v25, v50;
	vm3 =	vgt.f32 v32, v33;
	v35 =	vld.idx.msk [tilespmem:v35+s13+$0x0], $0xffff  }
0x128: {  	v5 =	vmax.f32 v37, v5;
	vm9 =	vgt.f32 v39, v23;
	vm7 =	vgt.f32 v39, v21  }
0x129: {  	v24 =	vsel vm1, v24, v34;
	v31 =	vsel vm6, v40, v31;
	vm10 =	vgt.f32 v25, v5  }
0x12a: {  	v21 =	vsel vm7, v39, v21;
	v34 =	vsel vm10, v5, v47;
	v37 =	vsel vm10, v27, v41  }
0x12b: {  	v39 =	vsel vm2, v44, v45;
	v40 =	vsel vm4, v20, v49;
	vm8 =	vgt.f32 v36, v31  }
0x12c: {  	v20 =	vsel vm6, v20, v24;
	v21 =	vsel vm9, v23, v21;
	v23 =	vsel vm5, v27, v39  }
0x12d: {  	v27 =	vsel vm7, v6, v42;
	vm1 =	vgt.f32 v35, v38;
	vm7 =	vgt.f32 v35, v21;
	v39 =	vld.idx.msk [tilespmem:v48+s13+$0x0], $0xffff  }
0x12e: {  	v27 =	vsel vm9, v8, v27;
	v31 =	vsel vm8, v36, v31;
	v21 =	vsel vm7, v35, v21;
	v36 =	vld.idx.msk [tilespmem:v46+s13+$0x0], $0xffff  }
0x12f: {  	v42 =	vsel vm9, v6, v8;
	v6 =	vsel vm6, v24, v40;
	v8 =	vsel vm1, v38, v21  }
0x130: {  	v24 =	vsel vm0, v43, v31;
	v21 =	vmax.f32 v35, v38;
	vm5 =	vgt.f32 v29, v8  }
0x131: {  	v23 =	vsel vm10, v41, v23;
	vm2 =	vgt.f32 v29, v21;
	v8 =	vsel vm5, v29, v8  }
0x132: {  	v35 =	vsel vm1, v11, v42;
	v29 =	vmax.f32 v29, v21;
	v8 =	vsel vm2, v21, v8;
	v30 =	vld.idx.msk [tilespmem:v30+s13+$0x0], $0xffff  }
0x133: {  	v31 =	vor.u32 $0x40, v4;
	vm4 =	vgt.f32 v39, v29;
	vm6 =	vgt.f32 v39, v8  }
0x134: {  	v38 =	vor.u32 v2, v31;
	vm11 =	vgt.f32 v36, v34;
	v8 =	vsel vm6, v39, v8  }
0x135: {  	v5 =	vmax.f32 v25, v5;
	vm9 =	vgt.f32 v32, v24;
	v21 =	vsel vm4, v29, v8  }
0x136: {  	vm10 =	vgt.f32 v36, v5;
	v8 =	vsel vm11, v36, v34;
	v23 =	vsel vm11, v16, v23  }
0x137: {  	v24 =	vsel vm9, v32, v24;
	v8 =	vsel vm10, v5, v8;
	v23 =	vsel vm10, v37, v23  }
0x138: {  	v32 =	vsel vm3, v33, v24;
	v25 =	vmax.f32 v36, v5;
	vm11 =	vgt.f32 v30, v8  }
0x139: {  	v6 =	vsel vm8, v4, v6;
	v33 =	vsel vm11, v30, v8;
	v36 =	vsel vm11, v18, v23;
	v24 =	vld.idx.msk [tilespmem:v38+s13+$0x0], $0xffff  }
0x13a: {  	v4 =	vsel vm0, v4, v20;
	v5 =	vmax.f32 v30, v25;
	v38 =	vsel vm2, v13, v35;
	v10 =	vld.idx.msk [tilespmem:v10+s13+$0x0], $0xffff  }
0x13b: {  	s0 =	sadd.s32 $0x3, s29;
	v6 =	vsel vm0, v20, v6;
	v23 =	vmax.f32 v39, v29;
	v8 =	vsel vm4, v15, v38  }
0x13c: {  	v12 =	vmax.f32 v14, v12;
	vm0 =	vgt.f32 v19, v26;
	v39 =	vadd.s32 s0, v0  }
0x13d: {  	v14 =	vsel vm0, v19, v26;
	v20 =	vsel vm0, v7, v22  }
0x13e: {  	vm0 =	vgt.f32 v30, v25;
	vm11 =	vgt.f32 v19, v12;
	v19 =	vmax.f32 v19, v12  }
0x13f: {  	v14 =	vsel vm11, v12, v14;
	v20 =	vsel vm11, v28, v20;
	v22 =	vmax.f32 v24, v19  }
0x140: {  	vm12 =	vgt.f32 v24, v14;
	vm8 =	vgt.f32 v10, v22;
	v12 =	vmax.f32 v10, v22  }
0x141: {  	v16 =	vsel vm10, v16, v37;
	v14 =	vsel vm12, v24, v14;
	v20 =	vsel vm12, v31, v20  }
0x142: {  	v6 =	vsel vm9, v9, v6;
	v7 =	vsel vm11, v7, v28;
	vm10 =	vgt.f32 v24, v19  }
0x143: {  	s1 =	sadd.s32 $0x2, s29;
	v26 =	vsel vm3, v4, v6;
	v34 =	vsel vm3, v9, v4;
	s0 =	sadd.s32 $0x1, s29;
	v14 =	vsel vm10, v19, v14  }
0x144: {  	v9 =	vadd.s32 s1, v0;
	v4 =	vadd.s32 s0, v0;
	v6 =	vsel vm10, v7, v20  }
0x145: {  	v19 =	vsel vm7, v11, v27;
	v7 =	vsel vm10, v31, v7;
	vm3 =	vgt.f32 v10, v14  }
0x146: {  	v11 =	vadd.s32 s29, v0;
	v20 =	vand.u32 $0x1F, v4;
	v4 =	vsel vm3, v10, v14  }
0x147: {  	v24 =	vand.u32 $0x1F, v11;
	v41 =	vor.u32 $0x20, v11;
	v10 =	vsel vm3, v17, v6  }
0x148: {  	v14 =	vor.u32 v2, v24;
	v28 =	vor.u32 $0x40, v24;
	v22 =	vsel vm8, v22, v4  }
0x149: {  	v6 =	vor.u32 $0x60, v11;
	v29 =	vor.u32 v2, v28;
	v43 =	vsel vm8, v7, v10  }
0x14a: {  	v31 =	vsel vm8, v17, v7;
	v11 =	vor.u32 $0x60, v20;
	v4 =	vand.u32 $0x1F, v9  }
0x14b: {  	v9 =	vsel vm1, v42, v19;
	v30 =	vor.u32 v2, v4;
	v7 =	vor.u32 $0x60, v4  }
0x14c: {  	v10 =	vor.u32 v2, v41;
	v9 =	vsel vm5, v13, v9;
	v17 =	vor.u32 v2, v7;
	v13 =	vmovc v7  }
0x14d: {  	v46 =	vsel vm0, v16, v36;
	v45 =	vor.u32 v2, v6;
	v7 =	vsel vm2, v35, v9;
	v19 =	vld.idx.msk [tilespmem:v14+s13+$0x0], $0xffff  }
0x14e: {  	v27 =	vor.u32 $0x20, v20;
	v35 =	vor.u32 v2, v11;
	v9 =	vsel vm6, v15, v7  }
0x14f: {  	v15 =	vor.u32 v2, v27;
	v7 =	vor.u32 $0x40, v20;
	v42 =	vsel vm4, v38, v9  }
0x150: {  	v44 =	vsel vm0, v18, v16;
	v33 =	vsel vm0, v25, v33;
	v36 =	vor.u32 v2, v7;
	v14 =	vld.idx.msk [tilespmem:v29+s13+$0x0], $0xffff  }
0x151: {  	v37 =	vld.idx.msk [tilespmem:v10+s13+$0x0], $0xffff;
	v10 =	vor.u32 v2, v20  }
0x152: {  	v9 =	vand.u32 $0x1F, v39;
	v29 =	vld.idx.msk [tilespmem:v17+s13+$0x0], $0xffff  }
0x153: {  	vm1 =	vgt.f32 v19, v3;
	vm0 =	vgt.f32 v19, v32;
	v40 =	vmax.f32 v19, v3;
	v39 =	vld.idx.msk [tilespmem:v45+s13+$0x0], $0xffff  }
0x154: {  	v48 =	vor.u32 v2, v9;
	v32 =	vsel vm0, v19, v32;
	v25 =	vld.idx.msk [tilespmem:v15+s13+$0x0], $0xffff  }
0x155: {  	v16 =	vor.u32 $0x20, v4;
	v17 =	vor.u32 $0x40, v9;
	v19 =	vld.idx.msk [tilespmem:v36+s13+$0x0], $0xffff  }
0x156: {  	v18 =	vor.u32 $0x20, v9;
	v15 =	vor.u32 $0x60, v9;
	v47 =	vld.idx.msk [tilespmem:v10+s13+$0x0], $0xffff;
	v10 =	vor.u32 v2, v17  }
0x157: {  	vm2 =	vgt.f32 v37, v5;
	vm3 =	vgt.f32 v37, v33;
	v36 =	vld.idx.msk [tilespmem:v30+s13+$0x0], $0xffff;
	v30 =	vor.u32 v2, v18  }
0x158: {  	vm4 =	vgt.f32 v14, v22;
	v33 =	vsel vm3, v37, v33;
	v45 =	vsel vm3, v41, v46  }
0x159: {  	v3 =	vsel vm1, v3, v32;
	v51 =	vsel vm4, v14, v22;
	v38 =	vmax.f32 v39, v23;
	v32 =	vld.idx.msk [tilespmem:v48+s13+$0x0], $0xffff  }
.Ltmp3:
0x15a: {  	v22 =	vsel vm4, v28, v43;
	vm3 =	vgt.f32 v14, v12;
	v50 =	vsel vm2, v5, v33;
	(pc) =	sbr.rel @p0 .LBB2_10-.Ltmp3, $4  }
0x15b: {  	v26 =	vsel vm0, v24, v26;
	v41 =	vsel vm2, v41, v44;
	v22 =	vsel vm3, v31, v22  }
0x15c: {  	v46 =	vor.u32 v2, v16;
	vm4 =	vgt.f32 v47, v3;
	v43 =	vmax.f32 v47, v40  }
0x15d: {  	v49 =	vsel vm1, v34, v26;
	vm5 =	vgt.f32 v25, v50;
	vm0 =	vgt.f32 v36, v43  }
0x15e: {  	v26 =	vsel vm3, v12, v51;
	v48 =	vor.u32 v2, v15;
	v33 =	vmax.f32 v36, v43  }
0x15f: {  	v28 =	vsel vm3, v28, v31;
	v31 =	vsel vm4, v47, v3  }
0x160: {  	v3 =	vmax.f32 v32, v33;
	vm6 =	vgt.f32 v47, v40;
	v59 =	vsel vm5, v25, v50  }
0x161: {  	vm3 =	vgt.f32 v32, v33;
	v5 =	vmax.f32 v37, v5;
	vm7 =	vgt.f32 v39, v23  }
0x162: {  	vm9 =	vgt.f32 v39, v21;
	v24 =	vsel vm1, v24, v34;
	v62 =	vsel vm2, v44, v45  }
0x163: {  	v35 =	vld.idx.msk [tilespmem:v35+s13+$0x0], $0xffff;
	v63 =	vsel vm4, v20, v49;
	v12 =	vmax.f32 v14, v12;
	v31 =	vsel vm6, v40, v31  }
0x164: {  	v45 =	vld.idx.msk [tilespmem:v48+s13+$0x0], $0xffff;
	vm10 =	vgt.f32 v25, v5;
	v21 =	vsel vm9, v39, v21;
	v20 =	vsel vm6, v20, v24  }
0x165: {  	v47 =	vld.idx.msk [tilespmem:v46+s13+$0x0], $0xffff;
	v48 =	vsel vm7, v6, v8;
	v25 =	vmax.f32 v25, v5;
	v61 =	vsel vm10, v27, v41  }
0x166: {  	v21 =	vsel vm7, v23, v21;
	v23 =	vsel vm5, v27, v62;
	v27 =	vsel vm9, v6, v42  }
0x167: {  	v60 =	vsel vm10, v5, v59;
	vm8 =	vgt.f32 v36, v31;
	v27 =	vsel vm7, v8, v27  }
0x168: {  	v31 =	vsel vm8, v36, v31;
	v8 =	vsel vm6, v24, v63;
	v23 =	vsel vm10, v41, v23  }
0x169: {  	v24 =	vsel vm0, v43, v31;
	vm1 =	vgt.f32 v35, v38;
	vm4 =	vgt.f32 v35, v21  }
0x16a: {  	vm11 =	vgt.f32 v47, v60;
	vm9 =	vgt.f32 v32, v24;
	v21 =	vsel vm4, v35, v21  }
0x16b: {  	vm10 =	vgt.f32 v47, v25;
	v31 =	vsel vm1, v11, v48;
	v6 =	vsel vm1, v38, v21  }
0x16c: {  	v23 =	vsel vm11, v16, v23;
	v21 =	vmax.f32 v35, v38;
	vm5 =	vgt.f32 v29, v6  }
0x16d: {  	v11 =	vsel vm4, v11, v27;
	vm6 =	vgt.f32 v29, v21;
	v6 =	vsel vm5, v29, v6  }
0x16e: {  	v6 =	vsel vm6, v21, v6;
	v21 =	vmax.f32 v29, v21;
	v29 =	vld.idx.msk [tilespmem:v30+s13+$0x0], $0xffff;
	v30 =	vor.u32 $0x40, v4  }
0x16f: {  	v23 =	vsel vm10, v61, v23;
	vm7 =	vgt.f32 v45, v6;
	v49 =	vor.u32 v2, v30  }
0x170: {  	v53 =	vsel vm6, v13, v31;
	vm2 =	vgt.f32 v45, v21;
	v6 =	vsel vm7, v45, v6  }
0x171: {  	v54 =	vld.idx.msk [tilespmem:v10+s13+$0x0], $0xffff;
	v10 =	vmax.f32 v45, v21;
	v5 =	vsel vm2, v21, v6;
	v6 =	vsel vm11, v47, v60  }
0x172: {  	v34 =	vsel vm10, v25, v6;
	v6 =	vsel vm9, v32, v24;
	v25 =	vmax.f32 v47, v25  }
0x173: {  	v24 =	vsel vm8, v4, v8;
	v6 =	vsel vm3, v33, v6;
	vm14 =	vgt.f32 v29, v34  }
0x174: {  	v8 =	vmax.f32 v29, v25;
	vm8 =	vgt.f32 v29, v25;
	v50 =	vld.idx.msk [tilespmem:v49+s13+$0x0], $0xffff;
	v52 =	vsel vm14, v18, v23  }
0x175: {  	v23 =	vsel vm0, v4, v20;
	v20 =	vsel vm0, v20, v24;
	vm0 =	vgt.f32 v19, v26  }
0x176: {  	v51 =	vsel vm14, v29, v34;
	v4 =	vsel vm2, v15, v53;
	v14 =	vsel vm0, v19, v26  }
0x177: {  	v21 =	vsel vm0, v7, v22;
	vm0 =	vgt.f32 v19, v12;
	v19 =	vmax.f32 v19, v12  }
0x178: {  	v26 =	vsel vm10, v16, v61;
	v20 =	vsel vm9, v9, v20;
	v9 =	vsel vm3, v9, v23  }
0x179: {  	v12 =	vsel vm0, v12, v14;
	v21 =	vsel vm0, v28, v21;
	v22 =	vmax.f32 v50, v19  }
0x17a: {  	vm11 =	vgt.f32 v50, v12;
	vm15 =	vgt.f32 v50, v19;
	vm12 =	vgt.f32 v54, v22  }
0x17b: {  	v14 =	vmax.f32 v54, v22;
	v12 =	vsel vm11, v50, v12;
	v16 =	vsel vm11, v30, v21  }
0x17c: {  	v21 =	vsel vm0, v7, v28;
	v7 =	vsel vm3, v23, v20;
	v23 =	vor.u32 $0x20, v2  }
0x17d: {  	v12 =	vsel vm15, v19, v12;
	v16 =	vsel vm15, v21, v16;
	v19 =	vsel vm15, v30, v21  }
0x17e: {  	v21 =	vsel vm1, v48, v11;
	vm0 =	vgt.f32 v54, v12;
	v11 =	vsel vm12, v17, v19  }
0x17f: {  	s0 =	simm.s32 $0x0;
	v13 =	vsel vm5, v13, v21;
	v12 =	vsel vm0, v54, v12;
	v20 =	vsel vm0, v17, v16  }
0x180: {  	v16 =	vsel vm12, v22, v12;
	v12 =	vsel vm12, v19, v20;
	v19 =	vadd.s32 s0, v0  }
0x181: {  	v17 =	vsel vm6, v31, v13;
	v22 =	vor.u32 $0x60, v2;
	v20 =	vor.u32 v19, v23  }
0x182: {  	s30 =	simm.s32 $0x3;
	v15 =	vsel vm7, v15, v17;
	v21 =	vor.u32 v19, v22;
	v17 =	vand.u32 $0x1F, v19  }
0x183: {  	v24 =	vor.u32 $0x40, v2;
	v19 =	vadd.s32 s30, v0;
	v27 =	vor.u32 v2, v17  }
0x184: {  	s31 =	simm.s32 $0x2;
	v18 =	vsel vm8, v18, v26;
	v28 =	vand.u32 $0x1F, v19;
	v29 =	vor.u32 v17, v24  }
0x185: {  	vm1 =	vgt.f32 v10, v14;
	v19 =	vadd.s32 s31, v0;
	v30 =	vor.u32 v2, v28  }
0x186: {  	s1 =	simm.s32 $0x1;
	v13 =	vsel vm8, v26, v52;
	v31 =	vand.u32 $0x1F, v19;
	v56 =	vor.u32 v28, v23;
	v55 =	vld.idx.msk [tilespmem:v20+s13+$0x0], $0xffff  }
0x187: {  	vm0 =	vgt.f32 v8, v3;
	v60 =	vor.u32 v31, v23;
	v20 =	vadd.s32 s1, v0;
	v57 =	vld.idx.msk [tilespmem:v21+s13+$0x0], $0xffff  }
0x188: {  	v17 =	vsel vm0, v8, v3;
	v58 =	vor.u32 v2, v31;
	v59 =	vand.u32 $0x1F, v20;
	v27 =	vld.idx.msk [tilespmem:v27+s13+$0x0], $0xffff  }
0x189: {  	v19 =	vsel vm1, v10, v14;
	v21 =	vsel vm8, v25, v51;
	v25 =	vld.idx.msk [tilespmem:v29+s13+$0x0], $0xffff;
	v29 =	vor.u32 v2, v59  }
0x18a: {  	v15 =	vsel vm2, v53, v15;
	vm2 =	vgt.f32 v19, v17;
	v26 =	vor.u32 v59, v23;
	v30 =	vld.idx.msk [tilespmem:v30+s13+$0x0], $0xffff  }
0x18b: {  	v63 =	vor.u32 v28, v24;
	v20 =	vsel vm2, v19, v17;
	v61 =	vor.u32 v59, v24;
	v34 =	vld.idx.msk [tilespmem:v56+s13+$0x0], $0xffff  }
0x18c: {  	v28 =	vor.u32 v28, v22;
	v37 =	vor.u32 v59, v22;
	v38 =	vld.idx.msk [tilespmem:v60+s13+$0x0], $0xffff;
	v32 =	vsub.f32 v55, v20  }
0x18d: {  	v62 =	vor.u32 v31, v24;
	v36 =	vld.idx.msk [tilespmem:v58+s13+$0x0], $0xffff;
	v35 =	vsub.f32 v57, v20;
	v27 =	vsub.f32 v27, v20  }
0x18e: {  	v31 =	vor.u32 v31, v22;
	v25 =	vsub.f32 v25, v20;
	v32 =	vmul.f32 $1.442695020e+00, v32;
	v29 =	vld.idx.msk [tilespmem:v29+s13+$0x0], $0xffff  }
0x18f: {  	v35 =	vmul.f32 $1.442695020e+00, v35;
	v26 =	vld.idx.msk [tilespmem:v26+s13+$0x0], $0xffff;
	v30 =	vsub.f32 v30, v20;
	v27 =	vmul.f32 $1.442695020e+00, v27  }
0x190: {  	v44 =	vld.idx.msk [tilespmem:v61+s13+$0x0], $0xffff;
	v45 =	vsub.f32 v34, v20;
	v25 =	vmul.f32 $1.442695020e+00, v25;
	(erf) = vpow2.f32 v32  }
0x191: {  	v46 =	vld.idx.msk [tilespmem:v37+s13+$0x0], $0xffff;
	v48 =	vsub.f32 v38, v20;
	v30 =	vmul.f32 $1.442695020e+00, v30;
	(erf) = vpow2.f32 v35  }
0x192: {  	v47 =	vsub.f32 v36, v20;
	v33 =	vmul.f32 $1.442695020e+00, v45;
	(erf) = vpow2.f32 v27  }
0x193: {  	v49 =	vmul.f32 $1.442695020e+00, v48;
	(erf) = vpow2.f32 v25;
	v25 =	vld.idx.msk [tilespmem:v31+s13+$0x0], $0xffff  }
0x194: {  	v27 =	vld.idx.msk [tilespmem:v62+s13+$0x0], $0xffff;
	v31 =	vmul.f32 $1.442695020e+00, v47;
	(erf) = vpow2.f32 v30  }
0x195: {  	v29 =	vsub.f32 v29, v20;
	v26 =	vsub.f32 v26, v20;
	(erf) = vpow2.f32 v33  }
0x196: {  	v32 =	vsub.f32 v44, v20;
	v30 =	vld.idx.msk [tilespmem:v63+s13+$0x0], $0xffff;
	(erf) = vpow2.f32 v31;
	v31 =	vsub.f32 v46, v20  }
0x197: {  	v28 =	vld.idx.msk [tilespmem:v28+s13+$0x0], $0xffff;
	v29 =	vmul.f32 $1.442695020e+00, v29;
	v26 =	vmul.f32 $1.442695020e+00, v26  }
0x198: {  	v32 =	vmul.f32 $1.442695020e+00, v32;
	(erf) = vpow2.f32 v49;
	v25 =	vsub.f32 v25, v20  }
0x199: {  	v27 =	vsub.f32 v27, v20;
	(erf) = vpow2.f32 v29;
	v29 =	vmul.f32 $1.442695020e+00, v31  }
0x19a: {  	(erf) = vpow2.f32 v26;
	v31 =	vpop (erf);
	v25 =	vmul.f32 $1.442695020e+00, v25  }
0x19b: {  	v26 =	vmul.f32 $1.442695020e+00, v27;
	v27 =	vsub.f32 v30, v20;
	(erf) = vpow2.f32 v32;
	v30 =	vpop (erf)  }
0x19c: {  	s29 =	simm.s32 $0x4;
	v28 =	vsub.f32 v28, v20;
	v50 =	vpop (erf);
	(erf) = vpow2.f32 v29  }
0x19d: {  	v52 =	vadd.s32 s29, v0;
	s30 =	simm.s32 $0x6;
	v27 =	vmul.f32 $1.442695020e+00, v27;
	v51 =	vpop (erf);
	(erf) = vpow2.f32 v26  }
0x19e: {  	v53 =	vadd.s32 s30, v0;
	s1 =	simm.s32 $0x7;
	v28 =	vmul.f32 $1.442695020e+00, v28;
	(erf) = vpow2.f32 v25;
	v25 =	vpop (erf)  }
0x19f: {  	v54 =	vadd.s32 s1, v0;
	v56 =	vor.u32 v52, v22;
	v26 =	vpop (erf);
	(erf) = vpow2.f32 v27  }
0x1a0: {  	v58 =	vand.u32 $0x1F, v52;
	v29 =	vimm.f32 $0.0e+00;
	v57 =	vpop (erf);
	(erf) = vpow2.f32 v28  }
0x1a1: {  	v60 =	vor.u32 v2, v58;
	v55 =	vor.u32 v52, v23;
	v32 =	vadd.f32 v50, v29;
	v59 =	vpop (erf)  }
0x1a2: {  	s31 =	simm.s32 $0x5;
	v39 =	vor.u32 v58, v24;
	v31 =	vadd.f32 v31, v29;
	v33 =	vadd.f32 v51, v29;
	v61 =	vpop (erf)  }
0x1a3: {  	v29 =	vadd.f32 v30, v29;
	v27 =	vand.u32 $0x1F, v54;
	v28 =	vadd.s32 s31, v0;
	v62 =	vpop (erf)  }
0x1a4: {  	v37 =	vor.u32 v2, v27;
	v41 =	vor.u32 v27, v23;
	v34 =	vand.u32 $0x1F, v28;
	v30 =	vpop (erf)  }
0x1a5: {  	v38 =	vld.idx.msk [tilespmem:v56+s13+$0x0], $0xffff;
	v28 =	vand.u32 $0x1F, v53;
	v32 =	vadd.f32 v61, v32;
	v31 =	vadd.f32 v62, v31;
	v63 =	vpop (erf)  }
0x1a6: {  	v36 =	vld.idx.msk [tilespmem:v55+s13+$0x0], $0xffff;
	v42 =	vor.u32 v2, v28;
	v30 =	vadd.f32 v30, v33;
	v29 =	vadd.f32 v63, v29;
	v33 =	vpop (erf)  }
0x1a7: {  	s28 =	simm.s32 $0x8;
	v40 =	vld.idx.msk [tilespmem:v60+s13+$0x0], $0xffff;
	v43 =	vor.u32 v28, v23;
	v32 =	vadd.f32 v57, v32;
	v31 =	vadd.f32 v59, v31;
	v35 =	vpop (erf)  }
.LBB2_12:
0x1a8: {  	p0 =	sne.s32 s28, $0x1C;
	v39 =	vld.idx.msk [tilespmem:v39+s13+$0x0], $0xffff;
	v44 =	vor.u32 v2, v34;
	v30 =	vadd.f32 v33, v30;
	v29 =	vadd.f32 v35, v29;
	v33 =	vpop (erf)  }
0x1a9: {  	v35 =	vor.u32 v34, v23;
	v37 =	vld.idx.msk [tilespmem:v37+s13+$0x0], $0xffff;
	v32 =	vadd.f32 v25, v32;
	v31 =	vadd.f32 v26, v31;
	v25 =	vpop (erf)  }
0x1aa: {  	v26 =	vor.u32 v34, v24;
	v41 =	vld.idx.msk [tilespmem:v41+s13+$0x0], $0xffff;
	v30 =	vadd.f32 v33, v30;
	v29 =	vadd.f32 v25, v29  }
0x1ab: {  	v25 =	vsub.f32 v36, v20;
	v33 =	vor.u32 v34, v22;
	v34 =	vld.idx.msk [tilespmem:v42+s13+$0x0], $0xffff  }
0x1ac: {  	v36 =	vsub.f32 v38, v20;
	v42 =	vor.u32 v28, v24;
	v38 =	vld.idx.msk [tilespmem:v43+s13+$0x0], $0xffff;
	v43 =	vor.u32 v27, v24  }
0x1ad: {  	v28 =	vor.u32 v28, v22;
	v40 =	vsub.f32 v40, v20;
	v25 =	vmul.f32 $1.442695020e+00, v25;
	v44 =	vld.idx.msk [tilespmem:v44+s13+$0x0], $0xffff  }
0x1ae: {  	v27 =	vor.u32 v27, v22;
	v39 =	vsub.f32 v39, v20;
	v36 =	vmul.f32 $1.442695020e+00, v36;
	v35 =	vld.idx.msk [tilespmem:v35+s13+$0x0], $0xffff  }
0x1af: {  	v40 =	vmul.f32 $1.442695020e+00, v40;
	v37 =	vsub.f32 v37, v20;
	v26 =	vld.idx.msk [tilespmem:v26+s13+$0x0], $0xffff;
	(erf) = vpow2.f32 v25  }
0x1b0: {  	v25 =	vmul.f32 $1.442695020e+00, v39;
	v39 =	vsub.f32 v41, v20;
	v33 =	vld.idx.msk [tilespmem:v33+s13+$0x0], $0xffff;
	(erf) = vpow2.f32 v36  }
0x1b1: {  	v34 =	vsub.f32 v34, v20;
	v37 =	vmul.f32 $1.442695020e+00, v37;
	v36 =	vld.idx.msk [tilespmem:v42+s13+$0x0], $0xffff;
	(erf) = vpow2.f32 v40  }
0x1b2: {  	v38 =	vsub.f32 v38, v20;
	v39 =	vmul.f32 $1.442695020e+00, v39;
	v28 =	vld.idx.msk [tilespmem:v28+s13+$0x0], $0xffff;
	(erf) = vpow2.f32 v25  }
0x1b3: {  	v25 =	vsub.f32 v44, v20;
	v34 =	vmul.f32 $1.442695020e+00, v34;
	v40 =	vld.idx.msk [tilespmem:v43+s13+$0x0], $0xffff;
	(erf) = vpow2.f32 v37  }
0x1b4: {  	v35 =	vsub.f32 v35, v20;
	v37 =	vmul.f32 $1.442695020e+00, v38;
	v27 =	vld.idx.msk [tilespmem:v27+s13+$0x0], $0xffff;
	(erf) = vpow2.f32 v39  }
0x1b5: {  	v25 =	vmul.f32 $1.442695020e+00, v25;
	v26 =	vsub.f32 v26, v20;
	(erf) = vpow2.f32 v34  }
0x1b6: {  	v34 =	vmul.f32 $1.442695020e+00, v35;
	v38 =	vsub.f32 v33, v20;
	(erf) = vpow2.f32 v37  }
0x1b7: {  	v26 =	vmul.f32 $1.442695020e+00, v26;
	v35 =	vsub.f32 v36, v20;
	(erf) = vpow2.f32 v25  }
0x1b8: {  	v25 =	vmul.f32 $1.442695020e+00, v38;
	v28 =	vsub.f32 v28, v20;
	v33 =	vpop (erf);
	(erf) = vpow2.f32 v34  }
0x1b9: {  	v34 =	vmul.f32 $1.442695020e+00, v35;
	v38 =	vsub.f32 v40, v20;
	v36 =	vpop (erf);
	(erf) = vpow2.f32 v26  }
0x1ba: {  	v40 =	vmul.f32 $1.442695020e+00, v28;
	v27 =	vsub.f32 v27, v20;
	v37 =	vpop (erf);
	(erf) = vpow2.f32 v25  }
0x1bb: {  	v28 =	vmul.f32 $1.442695020e+00, v38;
	v35 =	vpop (erf);
	(erf) = vpow2.f32 v34  }
0x1bc: {  	s0 =	sadd.s32 $0x2, s28;
	s1 =	sadd.s32 $0x3, s28;
	v34 =	vadd.s32 s28, v0;
	v27 =	vmul.f32 $1.442695020e+00, v27;
	(erf) = vpow2.f32 v40;
	v25 =	vpop (erf)  }
0x1bd: {  	v39 =	vadd.s32 s1, v0;
	v38 =	vadd.s32 s0, v0;
	v26 =	vpop (erf);
	(erf) = vpow2.f32 v28  }
0x1be: {  	s0 =	sadd.s32 $0x1, s28;
	v40 =	vor.u32 v34, v23;
	v42 =	vor.u32 v34, v22;
	v44 =	vpop (erf);
	(erf) = vpow2.f32 v27  }
0x1bf: {  	v41 =	vand.u32 $0x1F, v34;
	v28 =	vadd.s32 s0, v0;
	v27 =	vand.u32 $0x1F, v39;
	v45 =	vpop (erf)  }
0x1c0: {  	v43 =	vor.u32 v2, v41;
	v34 =	vand.u32 $0x1F, v28;
	v28 =	vand.u32 $0x1F, v38;
	v38 =	vpop (erf)  }
.Ltmp4:
0x1c1: {  	v31 =	vadd.f32 v33, v31;
	v32 =	vadd.f32 v37, v32;
	v39 =	vor.u32 v41, v24;
	v33 =	vpop (erf);
	(pc) =	sbr.rel @p0 .LBB2_12-.Ltmp4, $4  }
0x1c2: {  	v29 =	vadd.f32 v36, v29;
	v30 =	vadd.f32 v35, v30;
	v37 =	vor.u32 v2, v27;
	v35 =	vpop (erf)  }
0x1c3: {  	v41 =	vor.u32 v27, v23;
	v32 =	vadd.f32 v38, v32;
	v31 =	vadd.f32 v33, v31;
	v36 =	vld.idx.msk [tilespmem:v40+s13+$0x0], $0xffff;
	v33 =	vpop (erf)  }
0x1c4: {  	v30 =	vadd.f32 v35, v30;
	v38 =	vld.idx.msk [tilespmem:v42+s13+$0x0], $0xffff;
	v42 =	vor.u32 v2, v28;
	v29 =	vadd.f32 v33, v29;
	v33 =	vpop (erf)  }
0x1c5: {  	s28 =	sadd.s32 $0x4, s28;
	v32 =	vadd.f32 v44, v32;
	v31 =	vadd.f32 v45, v31;
	v40 =	vld.idx.msk [tilespmem:v43+s13+$0x0], $0xffff;
	v43 =	vor.u32 v28, v23;
	v35 =	vpop (erf)  }
0x1c6: {  	_ =	sdelay $0x3  }
0x1c7: {  	v39 =	vld.idx.msk [tilespmem:v39+s13+$0x0], $0xffff;
	v2 =	vor.u32 v2, v34  }
0x1c8: {  	v23 =	vor.u32 v34, v23;
	v37 =	vld.idx.msk [tilespmem:v37+s13+$0x0], $0xffff  }
0x1c9: {  	v44 =	vor.u32 v34, v24;
	v41 =	vld.idx.msk [tilespmem:v41+s13+$0x0], $0xffff;
	v58 =	vor.u32 v34, v22;
	v36 =	vsub.f32 v36, v20  }
0x1ca: {  	v42 =	vld.idx.msk [tilespmem:v42+s13+$0x0], $0xffff;
	v45 =	vor.u32 v28, v24;
	v59 =	vor.u32 v27, v24;
	v38 =	vsub.f32 v38, v20  }
0x1cb: {  	v43 =	vld.idx.msk [tilespmem:v43+s13+$0x0], $0xffff;
	v60 =	vor.u32 v28, v22;
	v40 =	vsub.f32 v40, v20;
	v36 =	vmul.f32 $1.442695020e+00, v36  }
0x1cc: {  	v61 =	vor.u32 v27, v22;
	v2 =	vld.idx.msk [tilespmem:v2+s13+$0x0], $0xffff;
	v62 =	vsub.f32 v39, v20;
	v38 =	vmul.f32 $1.442695020e+00, v38  }
0x1cd: {  	v23 =	vld.idx.msk [tilespmem:v23+s13+$0x0], $0xffff;
	v37 =	vsub.f32 v37, v20;
	(erf) = vpow2.f32 v36;
	v63 =	vmul.f32 $1.442695020e+00, v40  }
0x1ce: {  	v44 =	vld.idx.msk [tilespmem:v44+s13+$0x0], $0xffff;
	v46 =	vsub.f32 v41, v20;
	v27 =	vmul.f32 $1.442695020e+00, v62;
	(erf) = vpow2.f32 v38  }
0x1cf: {  	v34 =	vld.idx.msk [tilespmem:v58+s13+$0x0], $0xffff;
	v47 =	vsub.f32 v42, v20;
	v37 =	vmul.f32 $1.442695020e+00, v37;
	(erf) = vpow2.f32 v63  }
0x1d0: {  	v49 =	vsub.f32 v43, v20;
	v40 =	vmul.f32 $1.442695020e+00, v46;
	(erf) = vpow2.f32 v27  }
0x1d1: {  	v48 =	vld.idx.msk [tilespmem:v45+s13+$0x0], $0xffff;
	v51 =	vmul.f32 $1.442695020e+00, v47;
	v2 =	vsub.f32 v2, v20;
	(erf) = vpow2.f32 v37  }
0x1d2: {  	v50 =	vld.idx.msk [tilespmem:v60+s13+$0x0], $0xffff;
	v52 =	vmul.f32 $1.442695020e+00, v49;
	v23 =	vsub.f32 v23, v20;
	(erf) = vpow2.f32 v40  }
0x1d3: {  	v24 =	vld.idx.msk [tilespmem:v59+s13+$0x0], $0xffff;
	v53 =	vsub.f32 v44, v20;
	v2 =	vmul.f32 $1.442695020e+00, v2;
	(erf) = vpow2.f32 v51  }
0x1d4: {  	v54 =	vpop (erf);
	v34 =	vsub.f32 v34, v20;
	v23 =	vmul.f32 $1.442695020e+00, v23;
	(erf) = vpow2.f32 v52  }
0x1d5: {  	v55 =	vpop (erf);
	v22 =	vld.idx.msk [tilespmem:v61+s13+$0x0], $0xffff;
	v38 =	vmul.f32 $1.442695020e+00, v53;
	(erf) = vpow2.f32 v2  }
0x1d6: {  	v2 =	vmul.f32 $1.442695020e+00, v34;
	v56 =	vpop (erf);
	(erf) = vpow2.f32 v23  }
0x1d7: {  	v36 =	vsub.f32 v48, v20;
	v58 =	vpop (erf);
	(erf) = vpow2.f32 v38  }
0x1d8: {  	v27 =	vsub.f32 v50, v20;
	v59 =	vpop (erf);
	(erf) = vpow2.f32 v2;
	v2 =	vsub.f32 v24, v20  }
0x1d9: {  	v57 =	vmul.f32 $1.442695020e+00, v36  }
0x1da: {  	v22 =	vsub.f32 v22, v20;
	v27 =	vmul.f32 $1.442695020e+00, v27;
	v60 =	vpop (erf);
	v2 =	vmul.f32 $1.442695020e+00, v2  }
0x1db: {  	(erf) = vpow2.f32 v57;
	v61 =	vpop (erf)  }
0x1dc: {  	v22 =	vmul.f32 $1.442695020e+00, v22;
	(erf) = vpow2.f32 v27;
	v63 =	vpop (erf)  }
0x1dd: {  	v39 =	vpop (erf);
	(erf) = vpow2.f32 v2  }
0x1de: {  	v29 =	vadd.f32 v35, v29;
	v62 =	vadd.f32 v33, v30;
	v2 =	vpop (erf);
	(erf) = vpow2.f32 v22  }
0x1df: {  	v3 =	vsel vm0, v3, v8;
	v25 =	vadd.f32 v25, v32;
	v26 =	vadd.f32 v26, v31  }
0x1e0: {  	v6 =	vsel vm0, v21, v6;
	v40 =	vadd.f32 v55, v29;
	v27 =	vadd.f32 v54, v62;
	v41 =	vpop (erf)  }
0x1e1: {  	v5 =	vsel vm1, v5, v16;
	v26 =	vadd.f32 v56, v26;
	v25 =	vadd.f32 v59, v25;
	v42 =	vpop (erf)  }
0x1e2: {  	vm3 =	vgt.f32 v6, v3;
	v43 =	vadd.f32 v58, v40;
	v24 =	vadd.f32 v60, v27;
	v44 =	vpop (erf)  }
0x1e3: {  	v3 =	vsel vm3, v6, v3;
	v22 =	vadd.f32 v41, v25;
	v45 =	vadd.f32 v42, v26;
	v46 =	vpop (erf)  }
0x1e4: {  	v49 =	vsel vm1, v14, v10;
	v24 =	vadd.f32 v44, v24;
	v26 =	vadd.f32 v46, v43;
	v47 =	vpop (erf)  }
0x1e5: {  	vm4 =	vgt.f32 v5, v49;
	v22 =	vadd.f32 v39, v22;
	v2 =	vadd.f32 v2, v45;
	v48 =	vpop (erf)  }
0x1e6: {  	v5 =	vsel vm4, v5, v49;
	v24 =	vadd.f32 v47, v24;
	v25 =	vadd.f32 v48, v26;
	v50 =	vpop (erf)  }
0x1e7: {  	v3 =	vsel vm2, v5, v3;
	v22 =	vadd.f32 v61, v22;
	v2 =	vadd.f32 v63, v2;
	v51 =	vpop (erf)  }
0x1e8: {  	v53 =	vsel vm2, v17, v19;
	v10 =	vadd.f32 v50, v24;
	v52 =	vadd.f32 v51, v25  }
0x1e9: {  	vm5 =	vgt.f32 v3, v53  }
0x1ea: {  	v3 =	vsel vm5, v3, v53;
	v2 =	vadd.f32 v2, v22;
	v54 =	vadd.f32 v52, v10  }
0x1eb: {  	v3 =	vsub.f32 v3, v20  }
0x1ec: {  	v2 =	vadd.f32 v54, v2  }
0x1ed: {  	v3 =	vmul.f32 $1.442695020e+00, v3  }
0x1ee: {  	(erf) = vrcp.f32 v2  }
0x1ef: {  	(erf) = vpow2.f32 v3;
	_ =	sdelay $0x1  }
0x1f0: {  	v55 =	vsel vm0, v13, v7  }
0x1f1: {  	s0 =	sor.u32 s23, s26;
	v56 =	vsel vm1, v11, v4;
	v57 =	vsel vm1, v15, v12;
	v3 =	vsel vm0, v9, v18  }
0x1f2: {  	s0 =	smulhi.u32 $0x2AAAAAAB, s0;
	v59 =	vsel vm4, v57, v56;
	v3 =	vsel vm3, v55, v3  }
0x1f3: {  	v3 =	vsel vm2, v59, v3  }
0x1f4: {  	s25 =	sadd.s32 $0x1, s25;
	s0 =	sshll.u32 s0, $0x2;
	v58 =	vsel vm1, v4, v11;
	v2 =	vsel vm0, v18, v9  }
0x1f5: {  	p0 =	sne.s32 s25, $0x8;
	s0 =	sand.u32 $0x7FFFFF80, s0;
	v60 =	vsel vm2, v58, v2;
	v2 =	vsel vm2, v2, v58  }
.Ltmp5:
0x1f6: {  	s1 =	sor.u32 s22, s26;
	v61 =	vadd.s32 s0, v60;
	v2 =	vsel vm5, v3, v2;
	v3 =	vpop (erf);
	(pc) =	sbr.rel @p0 .LBB2_9-.Ltmp5, $4  }
0x1f7: {  	[tilespmem:s1+$0x8000] =	vst v61;
	v2 =	vadd.s32 s0, v2;
	v62 =	vpop (erf)  }
0x1f8: {  	[tilespmem:s1+$0x8300] =	vst v2;
	v63 =	vmul.f32 v3, v62  }
0x1f9: {  	[tilespmem:s1+$0x8600] =	vst v3  }
0x1fa: {  	[tilespmem:s1+$0x8900] =	vst v63  }
0x1fb: {  	s21 =	sadd.s32 $0x1, s21  }
0x1fc: {  	p0 =	sne.s32 s21, $0x3  }
.Ltmp6:
0x1fd: {  	_ = 	snop;
	(pc) =	sbr.rel @p0 .LBB2_2-.Ltmp6, $1  }
0x1fe: {  	_ =	sdelay $0x3  }
0x1ff: {  	[hbm4b:s7+s2] =	stream.linear.scatter [tilespmem:s15], [sflag:$0x3], $0x300, $0x38;
	[tilespmem:$0x8C00] =	vst v63  }
0x200: {  	_ =	swait.ge [sflag:s16], $0x300  }
0x201: {  	[sflag:s16] =	ssyncset.done $0x0  }
0x202: {  	[sflag:s16] =	ssyncadd.s32 $0xFFFFFD00  }
0x203: {  	[hbm4b:s8+s2] =	stream.linear.scatter [tilespmem:s17], [sflag:$0x3], $0x300, $0x38;
	[tilespmem:$0x8C00] =	vst v63  }
0x204: {  	_ =	swait.ge [sflag:s16], $0x300  }
0x205: {  	[sflag:s16] =	ssyncset.done $0x0  }
0x206: {  	[sflag:s16] =	ssyncadd.s32 $0xFFFFFD00  }
0x207: {  	[hbm4b:s9+s2] =	stream.linear.scatter [tilespmem:s18], [sflag:$0x3], $0x300, $0x38;
	[tilespmem:$0x8C00] =	vst v63  }
0x208: {  	s20 =	sadd.s32 $0x1, s20;
	_ =	swait.ge [sflag:s16], $0x300  }
0x209: {  	p0 =	sne.s32 s20, s11;
	[sflag:s16] =	ssyncset.done $0x0  }
.Ltmp7:
0x20a: {  	[sflag:s16] =	ssyncadd.s32 $0xFFFFFD00;
	(pc) =	sbr.rel @p0 .LBB2_1-.Ltmp7, $4  }
0x20b: {  	[hbm4b:s10+s2] =	stream.linear.scatter [tilespmem:s19], [sflag:$0x3], $0x300, $0x38;
	[tilespmem:$0x8C00] =	vst v63  }
0x20c: {  	_ =	swait.ge [sflag:s16], $0x300  }
0x20d: {  	[sflag:s16] =	ssyncset.done $0x0  }
0x20e: {  	[sflag:s16] =	ssyncadd.s32 $0xFFFFFD00  }
0x20f: {  	_ =	sfence.sel $0x180000  }
0x210: {  	[bflag:$0x0] =	sbarrier.arrive $0xFFFF  }
0x211: {  	_ =	strace $0x90000047  }
0x212: {  	s0 =	stileid.u32;
	[bflag:$0x2] =	sbarrier.arrive $0xFFFF  }
0x213: {  	p0 =	sne.s32 s0, $0x0;
	s0 =	rddreg [dreg:$0x4]  }
0x214: {  	s0 =	sadd.s32 @!p0 $0x100000, s0  }
0x215: {  	[sflag:s0] =	ssyncadd.tile.s32 @!p0 $0x1;
	_ =	shalt  }
.Lfunc_end2:
_tile_overlayer_lowered:
.L_overlay_start_2:
0x216: {  	(tag) =	ssettag $0x2  }
0x217: {  	s0 =	rddreg [dreg:$0x0];
	s2 =	stileid.u32  }
0x218: {  	s1 =	rddreg [dreg:$0x1];
	p0 =	sne.s32 s2, $0x0  }
0x219: {  	s3 =	rddreg [dreg:$0x2];
	[bflag:$0x3] =	sbarrier.arrive $0xFFFF;
	s2 =	simm.s32 @!p0 $0x1C03  }
0x21a: {  	[timem:s3], [sflag:s2] =	dma.local @!p0 [hbm:s0], s1  }
0x21b: {  	s0 =	simm.s32 @!p0 $0x3  }
0x21c: {  	_ =	swait.ge @!p0 [sflag:s0], s1  }
0x21d: {  	s1 =	ssub.s32 @!p0 $0x0, s1;
	[sflag:s0] =	ssyncset.done @!p0 $0x0  }
0x21e: {  	[sflag:s0] =	ssyncadd.s32 @!p0 s1  }
0x21f: {  	[bflag:$0x3] =	sbarrier.arrive $0xFFFF  }
0x220: {  	_ =	shalt  }

// kernel: kernel.9.cloned.1.call-start
scs
__scs_entry_jumppad:
0x0: {  	(pc) =	sbr.rel $0x88, $3  }
0x1: {  	(tag) =	ssettag $0x0;
	lr =	simm.s32 $0x1  }
0x2: {  	[smem:$0x3F94] =	sst lr;
	_ =	strace $0xD0000000  }
0x3: {  	_ = 	snop  }
0x4: {  	_ = 	snop  }
0x5: {  	_ = 	snop  }
0x6: {  	_ = 	snop  }
0x7: {  	_ = 	snop  }
__scs_overlays_trampoline_lowered:
0x8: {  	[smem:$0x3FA3] =	sst s0  }
0x9: {  	[smem:$0x3FA4] =	sst s1  }
0xa: {  	[smem:$0x3FA5] =	sst s2  }
0xb: {  	[smem:$0x3FA6] =	sst s3  }
0xc: {  	[smem:$0x3FA7] =	sst s4  }
0xd: {  	[smem:$0x3FA8] =	sst s5  }
0xe: {  	[smem:$0x3FA9] =	sst s6  }
0xf: {  	[smem:$0x3FAA] =	sst s7  }
0x10: {  	[smem:$0x3FAB] =	sst s8  }
0x11: {  	[smem:$0x3FAC] =	sst s9;
	s0 =	simm.s32 @!p0 $0x0  }
0x12: {  	s1 =	sld [smem:$0x3F92];
	s0 =	simm.s32 @p0 $0x1  }
0x13: {  	[smem:$0x3FAD] =	sst s0;
	s0 =	simm.s32 @!p1 $0x0  }
0x14: {  	s2 =	sld [smem:$0x3F91];
	s0 =	simm.s32 @p1 $0x1  }
0x15: {  	[smem:$0x3FAE] =	sst s0;
	s0 =	simm.s32 @!p2 $0x0  }
0x16: {  	s3 =	sld [smem:$0x3FDB];
	s0 =	simm.s32 @p2 $0x1  }
0x17: {  	s4 =	simm.s32 $0x1BF5;
	[smem:$0x3FB0] =	sst s0  }
0x18: {  	s0 =	sld [smem:$0x3F93];
	_ =	swait.ge [sflag:s4], $0x0  }
0x19: {  	s7 =	sld [smem:$0x3F94]  }
0x1a: {  	s8 =	sadd.s32 $0xFFFFE003, lr  }
0x1b: {  	s9 =	sadd.s32 $0xFFFFFEF7, lr;
	s5 =	simm.s32 $0xFFFFFFFF;
	p2 =	slt.u32 s8, $0xFFFFF086  }
0x1c: {  	p1 =	slt.u32 s9, $0xF7A;
	s5 =	simm.s32 @!p2 $0x0  }
0x1d: {  	s5 =	simm.s32 @p1 $0x1;
	p0 =	seq.s32 s7, s2  }
0x1e: {  	s7 =	smul.u32 @!p0 $0xF7A, s2;
	p2 =	seq.s32 @!p0 s5, $0x0  }
0x1f: {  	s9 =	smul.u32 $0xF7A, s1;
	s8 =	simm.s32 @!p0 $0x1BF5;
	p2 =	por !p2, p0  }
0x20: {  	[sflag:s8] =	ssyncset.s32 @!p0 $0xFFFFF086;
	s6 =	sadd.s32 @!p0 s3, s7;
	s7 =	simm.s32 @!p0 $0x108  }
0x21: {  	s3 =	sadd.s32 s3, s9;
	s6 =	sadd.s32 @!p0 $0x88, s6;
	s7 =	simm.s32 @p2 $0x1082  }
0x22: {  	[simem:s7], [sflag:s8] =	dma.local @!p0 [hbm:s6], $0xF7A  }
0x23: {  	s9 =	sor.u32 $0xD0000000, s2;
	s6 =	simm.s32 $0x108;
	_ =	swait.ge @!p0 [sflag:s8], $0x0  }
0x24: {  	s3 =	sadd.s32 $0x88, s3;
	s6 =	simm.s32 @!p1 $0x1082;
	[sflag:s4] =	ssyncset.s32 $0xFFFFF086  }
0x25: {  	[simem:s6], [sflag:s4] =	dma.local [hbm:s3], $0xF7A  }
0x26: {  	[smem:$0x3F94] =	sst s1;
	(tag) =	ssettag s2;
	_ =	strace s9  }
0x27: {  	s1 =	sld [smem:$0x3FA4]  }
0x28: {  	s2 =	sld [smem:$0x3FA5]  }
0x29: {  	s4 =	sld [smem:$0x3FA7]  }
0x2a: {  	p0 =	seq.s32 s5, $0x0;
	s5 =	sld [smem:$0x3FA8]  }
0x2b: {  	s6 =	sld [smem:$0x3FA9]  }
0x2c: {  	s7 =	sld [smem:$0x3FAA]  }
0x2d: {  	s3 =	simm.s32 $0x108;
	s8 =	sld [smem:$0x3FAB]  }
0x2e: {  	s3 =	simm.s32 @!p0 $0x1082;
	s9 =	sld [smem:$0x3FAC]  }
0x2f: {  	lr =	sadd.s32 s0, s3;
	s0 =	sld [smem:$0x3FA3]  }
0x30: {  	s3 =	sld [smem:$0x3FA6]  }
0x31: {  	[smem:$0x3FAF] =	sst s10  }
0x32: {  	s10 =	sld [smem:$0x3FAD];
	_ =	sdelay $0x3  }
0x33: {  	p0 =	seq.s32 s10, $0x1;
	s10 =	sld [smem:$0x3FAF];
	_ =	sdelay $0x3  }
0x34: {  	[smem:$0x3FAF] =	sst s10  }
0x35: {  	s10 =	sld [smem:$0x3FAE];
	_ =	sdelay $0x3  }
0x36: {  	p1 =	seq.s32 s10, $0x1;
	s10 =	sld [smem:$0x3FAF];
	_ =	sdelay $0x3  }
0x37: {  	[smem:$0x3FAF] =	sst s10  }
0x38: {  	s10 =	sld [smem:$0x3FB0]  }
0x39: {  	_ = 	snop;
	(pc) =	sbr.ind lr, $3  }
0x3a: {  	_ = 	snop  }
0x3b: {  	_ = 	snop  }
0x3c: {  	p2 =	seq.s32 s10, $0x1;
	s10 =	sld [smem:$0x3FAF]  }
0x3d: {  	_ =	shalt  }
0x3e: {  	_ =	shalt  }
0x3f: {  	_ =	shalt  }
0x40: {  	_ =	shalt  }
0x41: {  	_ =	shalt  }
0x42: {  	_ =	shalt  }
0x43: {  	_ =	shalt  }
0x44: {  	_ =	shalt  }
0x45: {  	_ =	shalt  }
0x46: {  	_ =	shalt  }
0x47: {  	_ =	shalt  }
0x48: {  	_ =	shalt  }
0x49: {  	_ =	shalt  }
0x4a: {  	_ =	shalt  }
0x4b: {  	_ =	shalt  }
0x4c: {  	_ =	shalt  }
0x4d: {  	_ =	shalt  }
0x4e: {  	_ =	shalt  }
0x4f: {  	_ =	shalt  }
0x50: {  	_ =	shalt  }
0x51: {  	_ =	shalt  }
0x52: {  	_ =	shalt  }
0x53: {  	_ =	shalt  }
0x54: {  	_ =	shalt  }
0x55: {  	_ =	shalt  }
0x56: {  	_ =	shalt  }
0x57: {  	_ =	shalt  }
0x58: {  	_ =	shalt  }
0x59: {  	_ =	shalt  }
0x5a: {  	_ =	shalt  }
0x5b: {  	_ =	shalt  }
0x5c: {  	_ =	shalt  }
0x5d: {  	_ =	shalt  }
0x5e: {  	_ =	shalt  }
0x5f: {  	_ =	shalt  }
0x60: {  	_ =	shalt  }
0x61: {  	_ =	shalt  }
0x62: {  	_ =	shalt  }
0x63: {  	_ =	shalt  }
0x64: {  	_ =	shalt  }
0x65: {  	_ =	shalt  }
0x66: {  	_ =	shalt  }
0x67: {  	_ =	shalt  }
0x68: {  	_ =	shalt  }
0x69: {  	_ =	shalt  }
0x6a: {  	_ =	shalt  }
0x6b: {  	_ =	shalt  }
0x6c: {  	_ =	shalt  }
0x6d: {  	_ =	shalt  }
0x6e: {  	_ =	shalt  }
0x6f: {  	_ =	shalt  }
0x70: {  	_ =	shalt  }
0x71: {  	_ =	shalt  }
0x72: {  	_ =	shalt  }
0x73: {  	_ =	shalt  }
0x74: {  	_ =	shalt  }
0x75: {  	_ =	shalt  }
0x76: {  	_ =	shalt  }
0x77: {  	_ =	shalt  }
0x78: {  	_ =	shalt  }
0x79: {  	_ =	shalt  }
0x7a: {  	_ =	shalt  }
0x7b: {  	_ =	shalt  }
0x7c: {  	_ =	shalt  }
0x7d: {  	_ =	shalt  }
0x7e: {  	_ =	shalt  }
0x7f: {  	_ =	shalt  }
0x80: {  	_ =	shalt  }
0x81: {  	_ =	shalt  }
0x82: {  	_ =	shalt  }
0x83: {  	_ =	shalt  }
0x84: {  	_ =	shalt  }
0x85: {  	_ =	shalt  }
0x86: {  	_ =	shalt  }
0x87: {  	_ =	shalt  }
.Lfunc_end0:
.L_simem_size_0:
called_computation.1_lowered:
.L_overlay_start_0:
0x88: {  	s2 =	sld [smem:$0x3FD9]  }
0x89: {  	s3 =	sld [smem:$0x3FFE];
	_ =	sdelay $0x1  }
0x8a: {  	s1 =	srdreg.scid  }
0x8b: {  	s0 =	sand.u32 $0x1, s1  }
0x8c: {  	s17 =	sshll.u32 s0, $0xA;
	s2 =	sadd.s32 s3, s2  }
0x8d: {  	s2 =	sadd.s32 s2, s17  }
0x8e: {  	[smem:$0x3FBB] =	sst s2  }
0x8f: {  	_ = 	snop  }
0x90: {  	(tm) =	ssettm $0x1  }
0x91: {  	s18 =	sld [smem:$0x3FFB];
	_ =	sdelay $0x3  }
0x92: {  	_ =	strace s18  }
0x93: {  	s2 =	sld [smem:$0x3FFC];
	_ =	sdelay $0x3  }
0x94: {  	_ =	strace s2  }
0x95: {  	s2 =	sld [smem:$0x3FFD];
	_ =	sdelay $0x3  }
0x96: {  	_ =	strace s2  }
0x97: {  	_ =	strace $0x8FFFFFFF  }
0x98: {  	s19 =	sld [smem:$0x3FDB];
	_ =	sdelay $0x1  }
0x99: {  	s20 =	simm.s32 $_scs_section_size  }
0x9a: {  	s4 =	simm.s32 $_size__tile_overlayer_lowered;
	s5 =	simm.s32 $_tile_overlayer_lowered  }
0x9b: {  	s6 =	simm.s32 $0x1BFF;
	s21 =	sshll.u32 s5, $0x1;
	s3 =	sadd.s32 s20, s19  }
0x9c: {  	s22 =	simm.s32 $0x0;
	s4 =	sshll.u32 s4, $0x1;
	s5 =	sadd.s32 s21, s3  }
0x9d: {  	[timem:s22], [sflag:s6] =	dma.local [hbm:s5], s4  }
0x9e: {  	_ =	swait.ge [sflag:s6], s4  }
0x9f: {  	s4 =	ssub.s32 $0x0, s4;
	[sflag:s6] =	ssyncset.done $0x0  }
0xa0: {  	[sflag:s6] =	ssyncadd.s32 s4;
	_ =	sdelay $0x1  }
0xa1: {  	s23 =	simm.s32 $0x1B8B  }
0xa2: {  	_ =	swait.ge [sflag:s23], $0x1  }
0xa3: {  	[sflag:s23] =	ssyncset.done $0x0  }
0xa4: {  	[sflag:s23] =	ssyncadd.s32 $0xFFFFFFFF  }
0xa5: {  	s4 =	sld [smem:$0x0]  }
0xa6: {  	s5 =	sand.u32 $0xFFFFFFFE, s1  }
0xa7: {  	p0 =	sne.s32 s1, s5  }
0xa8: {  	s5 =	sshll.u32 @p0 s5, $0xE  }
0xa9: {  	s5 =	sadd.s32 @p0 $0x11B8D, s5;
	s6 =	sshll.u32 @p0 s4, $0x11  }
0xaa: {  	s5 =	sor.u32 @p0 s6, s5  }
0xab: {  	[sflag:s5] =	ssyncadd.remote.s32 @p0 $0x1;
	_ =	sdelay $0x1  }
0xac: {  	s5 =	simm.s32 @p0 $0x1B8D  }
0xad: {  	_ =	swait.eq @p0 [sflag:s5], $0x1  }
0xae: {  	[sflag:s5] =	ssyncadd.s32 @p0 $0xFFFFFFFF  }
0xaf: {  	s6 =	sshll.u32 @!p0 s1, $0xE  }
0xb0: {  	s6 =	sor.u32 @!p0 $0x4000, s6;
	s5 =	simm.s32 @!p0 $0x1B8D  }
0xb1: {  	s4 =	sshll.u32 @!p0 s4, $0x11;
	s6 =	sadd.s32 @!p0 $0x11B8D, s6;
	_ =	swait.eq @!p0 [sflag:s5], $0x1  }
0xb2: {  	s4 =	sor.u32 @!p0 s4, s6;
	[sflag:s5] =	ssyncadd.s32 @!p0 $0xFFFFFFFF  }
0xb3: {  	s25 =	simm.s32 $0x1B8E;
	s24 =	sld [smem:$0x3FFE];
	[sflag:s4] =	ssyncadd.remote.s32 @!p0 $0x1  }
0xb4: {  	s26 =	simm.s32 $execute0_lowered;
	[smem:$0x3FD2] =	sst s25  }
0xb5: {  	s5 =	sshll.u32 s26, $0x1;
	_ =	strace $0x80000049;
	[dreg:$0x1] =	wrdreg $0xFFFFFFFF  }
0xb6: {  	s28 =	simm.s32 $_size_execute0_lowered;
	s3 =	sadd.s32 s3, s5;
	[dreg:$0x0] =	wrdreg $0x0  }
0xb7: {  	s5 =	sshll.u32 s28, $0x1;
	[dreg:$0x2] =	wrdreg s3  }
0xb8: {  	[dreg:$0x3] =	wrdreg s5  }
0xb9: {  	[dreg:$0x4] =	wrdreg $0xC0  }
0xba: {  	_ =	task [dreg:s22], $0x5FFFF  }
0xbb: {  	[dreg:$0x1] =	wrdreg $0xFFFFFFFF  }
0xbc: {  	[dreg:$0x0] =	wrdreg $0x60  }
0xbd: {  	[dreg:$0x2] =	wrdreg s24  }
0xbe: {  	[dreg:$0x3] =	wrdreg $0xA  }
0xbf: {  	_ =	task.clear_ibuf [dreg:s22], $0x4FFFF;
	_ =	strace $0x90000049  }
0xc0: {  	s29 =	simm.s32 $0xA;
	_ =	strace $0x8000004B  }
0xc1: {  	_ =	swait.ge [sflag:s29], $0x1  }
0xc2: {  	[sflag:s29] =	ssyncadd.s32 $0xFFFFFFFF  }
0xc3: {  	_ =	strace $0x9000004B  }
0xc4: {  	_ =	sfence  }
0xc5: {  	s30 =	sld [smem:$0x0];
	_ =	sdelay $0x2  }
0xc6: {  	s31 =	sshll.u32 s1, $0xD;
	s1 =	sshrl.u32 s1, $0x2  }
0xc7: {  	s4 =	sand.u32 $0x4000, s31;
	s1 =	sadd.s32 s1, s30  }
0xc8: {  	s0 =	sor.u32 s4, s0;
	s1 =	sshll.u32 s1, $0x11  }
0xc9: {  	s0 =	sor.u32 s1, s0  }
0xca: {  	s0 =	sadd.s32 $0x8F2B, s0  }
0xcb: {  	[sflag:s0] =	ssyncadd.remote.s32 $0x1  }
0xcc: {  	_ =	sfence.sel $0xFFFF  }
0xcd: {  	[dreg:$0x0] =	wrdreg $0xFFFFFFFF;
	(pc) =	sbr.abs _section_cstart, $3  }
0xce: {  	[dreg:$0x1] =	wrdreg $0xFFFFFFFF  }
0xcf: {  	_ =	task.clear_ibuf [dreg:s22], $0x2FFFF;
	_ =	strace $0x9FFFFFFF  }
0xd0: {  	(tm) =	ssettm $0x7FFFFFFF  }
0xd1: {  	_ =	shalt  }
tec
execute0_lowered:
.L_overlay_start_1:
0x0: {  	(tag) =	ssettag $0x1  }
0x1: {  	s4 =	rddreg [dreg:$0x0]  }
0x2: {  	s2 =	srdreg.scid;
	s0 =	rddreg [dreg:$0x1]  }
0x3: {  	s1 =	stileid.u32;
	s12 =	simm.s32 $0x1;
	s13 =	simm.s32 $0x4000  }
0x4: {  	s14 =	simm.s32 $0x2;
	s15 =	simm.s32 $0x8000;
	s16 =	simm.s32 $0x3  }
0x5: {  	s17 =	simm.s32 $0x8100;
	s18 =	simm.s32 $0x8200;
	s19 =	simm.s32 $0x8300  }
0x6: {  	s20 =	simm.s32 $0x0;
	s5 =	sand.u32 $0x1, s2;
	s2 =	simm.s32 $0x0  }
0x7: {  	s3 =	sshll.u32 s1, $0x9;
	s7 =	sadd.s32 $0x63A00, s4;
	s6 =	sshll.u32 s5, $0x8  }
0x8: {  	[smem:$0x7FF] =	sst s2;
	s5 =	ssub.s32 $0x2, s5;
	s3 =	sor.u32 s6, s3  }
0x9: {  	_ =	strace $0x8000004A;
	s30 =	sshrl.u32 s5, $0x1;
	s6 =	sshrl.u32 s3, $0x3  }
0xa: {  	s8 =	sshll.u32 s3, $0x4;
	s11 =	ssub.s32 s5, s30;
	s10 =	sadd.s32 s6, s4  }
0xb: {  	s4 =	sor.u32 $0x80, s3;
	s5 =	sadd.s32 s7, s8;
	s11 =	smax.u32 s11, $0x1  }
0xc: {  	v0 =	vlaneseq.u32;
	s31 =	sshll.u32 s4, $0x4;
	s8 =	sadd.s32 $0x83E00, s10;
	s9 =	sadd.s32 $0x84200, s10  }
0xd: {  	v1 =	vmul.u32 $0x80, v0;
	s6 =	sadd.s32 s7, s31;
	s7 =	sadd.s32 $0x83A00, s10;
	s10 =	sadd.s32 $0x84600, s10  }
.LBB2_1:
0xe: {  	[tilespmem:s2], [sflag:$0x1] =	stream.linear.gather [hbm4b:s5+s2], $0x4000, $0x38;
	[tilespmem:$0x8400] =	vst v63  }
0xf: {  	_ =	swait.ge [sflag:s12], $0x4000  }
0x10: {  	[sflag:s12] =	ssyncset.done $0x0  }
0x11: {  	s21 =	simm.s32 $0x0;
	[sflag:s12] =	ssyncadd.s32 $0xFFFFC000  }
0x12: {  	[tilespmem:s13], [sflag:$0x2] =	stream.linear.gather [hbm4b:s6+s2], $0x4000, $0x38;
	[tilespmem:$0x8400] =	vst v63  }
.LBB2_2:
0x13: {  	s22 =	sshll.u32 s21, $0x4  }
0x14: {  	s23 =	simm.s32 $0x0;
	v2 =	vmov s22  }
0x15: {  	v3 =	vadd.s32 s23, v0;
	v2 =	vshll.u32 v2, $0x7  }
0x16: {  	v24 =	vand.u32 $0x1F, v3;
	v2 =	vor.u32 v1, v2  }
0x17: {  	v5 =	vimm.f32 $-3.000000010e+38;
	v10 =	vor.u32 $0x20, v3;
	v4 =	vor.u32 v2, v24  }
0x18: {  	v31 =	vimm.s32 $0x0;
	v28 =	vor.u32 $0x40, v24;
	v8 =	vor.u32 v2, v10  }
0x19: {  	s30 =	simm.s32 $0x1;
	v34 =	vimm.s32 $0x0;
	v6 =	vor.u32 $0x60, v3;
	v11 =	vor.u32 v2, v28  }
0x1a: {  	s31 =	simm.s32 $0x3;
	v44 =	vimm.s32 $0x0;
	v7 =	vadd.s32 s30, v0;
	v15 =	vor.u32 v2, v6  }
0x1b: {  	s24 =	simm.s32 $0x2;
	v42 =	vimm.s32 $0x0;
	v16 =	vadd.s32 s31, v0;
	v20 =	vand.u32 $0x1F, v7  }
0x1c: {  	v3 =	vadd.s32 s24, v0;
	v27 =	vor.u32 $0x20, v20;
	v18 =	vor.u32 v2, v20;
	v12 =	vld.idx.msk [tilespmem:v4+s2+$0x0], $0xffff  }
0x1d: {  	v9 =	vor.u32 $0x60, v20;
	v7 =	vor.u32 $0x40, v20;
	v19 =	vor.u32 v2, v27;
	v37 =	vld.idx.msk [tilespmem:v8+s2+$0x0], $0xffff  }
0x1e: {  	v35 =	vor.u32 v2, v9;
	v4 =	vand.u32 $0x1F, v3;
	v14 =	vld.idx.msk [tilespmem:v11+s2+$0x0], $0xffff;
	v11 =	vor.u32 v2, v7  }
0x1f: {  	v8 =	vand.u32 $0x1F, v16;
	v39 =	vld.idx.msk [tilespmem:v15+s2+$0x0], $0xffff;
	v3 =	vor.u32 v2, v4;
	v13 =	vor.u32 $0x60, v4  }
0x20: {  	v32 =	vor.u32 v2, v8;
	v17 =	vor.u32 $0x40, v8;
	v16 =	vor.u32 $0x20, v4  }
0x21: {  	v47 =	vld.idx.msk [tilespmem:v18+s2+$0x0], $0xffff;
	v18 =	vor.u32 $0x20, v8;
	v15 =	vor.u32 $0x60, v8;
	v21 =	vor.u32 v2, v13  }
0x22: {  	v30 =	vor.u32 v2, v18;
	v46 =	vor.u32 v2, v16;
	v48 =	vor.u32 v2, v15  }
0x23: {  	vm1 =	vgt.f32 v12, v5;
	v40 =	vmax.f32 v12, v5;
	vm2 =	vgt.f32 v37, v5  }
0x24: {  	vm3 =	vgt.f32 v14, v5;
	v38 =	vmax.f32 v39, v5;
	v22 =	vsel vm1, v12, v5  }
0x25: {  	v25 =	vld.idx.msk [tilespmem:v19+s2+$0x0], $0xffff;
	v12 =	vor.u32 v2, v17;
	v19 =	vsel vm2, v37, v5;
	v45 =	vsel vm2, v10, v31  }
0x26: {  	v36 =	vld.idx.msk [tilespmem:v3+s2+$0x0], $0xffff;
	v23 =	vsel vm3, v14, v5;
	v26 =	vsel vm1, v24, v31;
	v41 =	vsel vm2, v10, v31  }
0x27: {  	v43 =	vmax.f32 v47, v40;
	v32 =	vld.idx.msk [tilespmem:v32+s2+$0x0], $0xffff;
	v10 =	vimm.s32 $0x0;
	v3 =	vsel vm1, v5, v22  }
0x28: {  	v50 =	vsel vm2, v5, v19;
	v19 =	vsel vm3, v28, v31;
	v49 =	vsel vm1, v31, v26  }
0x29: {  	v26 =	vsel vm3, v5, v23;
	v29 =	vld.idx.msk [tilespmem:v21+s2+$0x0], $0xffff;
	v23 =	vimm.f32 $-3.000000010e+38;
	v21 =	vimm.f32 $-3.000000010e+38  }
0x2a: {  	v22 =	vsel vm3, v31, v19;
	vm4 =	vgt.f32 v47, v3;
	vm5 =	vgt.f32 v25, v50  }
0x2b: {  	s23 =	simm.s32 $0x4;
	v19 =	vld.idx.msk [tilespmem:v11+s2+$0x0], $0xffff;
	v11 =	vimm.f32 $-3.000000010e+38;
	vm0 =	vgt.f32 v36, v43;
	v33 =	vmax.f32 v36, v43  }
.LBB2_3:
0x2c: {  	p0 =	sne.s32 s23, $0x1C;
	v28 =	vsel vm3, v28, v31;
	v31 =	vsel vm4, v47, v3;
	v3 =	vmax.f32 v32, v33;
	s24 =	smov.u32 s23;
	s23 =	sadd.s32 $0x4, s23  }
0x2d: {  	vm6 =	vgt.f32 v47, v40;
	v47 =	vsel vm5, v25, v50;
	vm3 =	vgt.f32 v32, v33;
	v35 =	vld.idx.msk [tilespmem:v35+s2+$0x0], $0xffff  }
0x2e: {  	v5 =	vmax.f32 v37, v5;
	vm9 =	vgt.f32 v39, v23;
	vm7 =	vgt.f32 v39, v21  }
0x2f: {  	v24 =	vsel vm1, v24, v34;
	v31 =	vsel vm6, v40, v31;
	vm10 =	vgt.f32 v25, v5  }
0x30: {  	v21 =	vsel vm7, v39, v21;
	v34 =	vsel vm10, v5, v47;
	v37 =	vsel vm10, v27, v41  }
0x31: {  	v39 =	vsel vm2, v44, v45;
	v40 =	vsel vm4, v20, v49;
	vm8 =	vgt.f32 v36, v31  }
0x32: {  	v20 =	vsel vm6, v20, v24;
	v21 =	vsel vm9, v23, v21;
	v23 =	vsel vm5, v27, v39  }
0x33: {  	v27 =	vsel vm7, v6, v42;
	vm1 =	vgt.f32 v35, v38;
	vm7 =	vgt.f32 v35, v21;
	v39 =	vld.idx.msk [tilespmem:v48+s2+$0x0], $0xffff  }
0x34: {  	v27 =	vsel vm9, v10, v27;
	v31 =	vsel vm8, v36, v31;
	v21 =	vsel vm7, v35, v21;
	v36 =	vld.idx.msk [tilespmem:v46+s2+$0x0], $0xffff  }
0x35: {  	v42 =	vsel vm9, v6, v10;
	v6 =	vsel vm6, v24, v40;
	v10 =	vsel vm1, v38, v21  }
0x36: {  	v24 =	vsel vm0, v43, v31;
	v21 =	vmax.f32 v35, v38;
	vm5 =	vgt.f32 v29, v10  }
0x37: {  	v23 =	vsel vm10, v41, v23;
	vm2 =	vgt.f32 v29, v21;
	v10 =	vsel vm5, v29, v10  }
0x38: {  	v35 =	vsel vm1, v9, v42;
	v29 =	vmax.f32 v29, v21;
	v10 =	vsel vm2, v21, v10;
	v30 =	vld.idx.msk [tilespmem:v30+s2+$0x0], $0xffff  }
0x39: {  	v31 =	vor.u32 $0x40, v4;
	vm4 =	vgt.f32 v39, v29;
	vm6 =	vgt.f32 v39, v10  }
0x3a: {  	v38 =	vor.u32 v2, v31;
	vm11 =	vgt.f32 v36, v34;
	v10 =	vsel vm6, v39, v10  }
0x3b: {  	v5 =	vmax.f32 v25, v5;
	vm9 =	vgt.f32 v32, v24;
	v21 =	vsel vm4, v29, v10  }
0x3c: {  	vm10 =	vgt.f32 v36, v5;
	v10 =	vsel vm11, v36, v34;
	v23 =	vsel vm11, v16, v23  }
0x3d: {  	v24 =	vsel vm9, v32, v24;
	v10 =	vsel vm10, v5, v10;
	v23 =	vsel vm10, v37, v23  }
0x3e: {  	v32 =	vsel vm3, v33, v24;
	v25 =	vmax.f32 v36, v5;
	vm11 =	vgt.f32 v30, v10  }
0x3f: {  	v6 =	vsel vm8, v4, v6;
	v33 =	vsel vm11, v30, v10;
	v36 =	vsel vm11, v18, v23;
	v24 =	vld.idx.msk [tilespmem:v38+s2+$0x0], $0xffff  }
0x40: {  	v4 =	vsel vm0, v4, v20;
	v5 =	vmax.f32 v30, v25;
	v38 =	vsel vm2, v13, v35;
	v12 =	vld.idx.msk [tilespmem:v12+s2+$0x0], $0xffff  }
0x41: {  	s25 =	sadd.s32 $0x3, s24;
	v6 =	vsel vm0, v20, v6;
	v23 =	vmax.f32 v39, v29;
	v10 =	vsel vm4, v15, v38  }
0x42: {  	v11 =	vmax.f32 v14, v11;
	vm0 =	vgt.f32 v19, v26;
	v39 =	vadd.s32 s25, v0  }
0x43: {  	v14 =	vsel vm0, v19, v26;
	v20 =	vsel vm0, v7, v22  }
0x44: {  	vm0 =	vgt.f32 v30, v25;
	vm11 =	vgt.f32 v19, v11;
	v19 =	vmax.f32 v19, v11  }
0x45: {  	v14 =	vsel vm11, v11, v14;
	v20 =	vsel vm11, v28, v20;
	v22 =	vmax.f32 v24, v19  }
0x46: {  	vm12 =	vgt.f32 v24, v14;
	vm8 =	vgt.f32 v12, v22;
	v11 =	vmax.f32 v12, v22  }
0x47: {  	v16 =	vsel vm10, v16, v37;
	v14 =	vsel vm12, v24, v14;
	v20 =	vsel vm12, v31, v20  }
0x48: {  	v6 =	vsel vm9, v8, v6;
	v7 =	vsel vm11, v7, v28;
	vm10 =	vgt.f32 v24, v19  }
0x49: {  	s26 =	sadd.s32 $0x2, s24;
	v26 =	vsel vm3, v4, v6;
	v34 =	vsel vm3, v8, v4;
	s25 =	sadd.s32 $0x1, s24;
	v14 =	vsel vm10, v19, v14  }
0x4a: {  	v8 =	vadd.s32 s26, v0;
	v4 =	vadd.s32 s25, v0;
	v6 =	vsel vm10, v7, v20  }
0x4b: {  	v19 =	vsel vm7, v9, v27;
	v7 =	vsel vm10, v31, v7;
	vm3 =	vgt.f32 v12, v14  }
0x4c: {  	v9 =	vadd.s32 s24, v0;
	v20 =	vand.u32 $0x1F, v4;
	v4 =	vsel vm3, v12, v14  }
0x4d: {  	v24 =	vand.u32 $0x1F, v9;
	v41 =	vor.u32 $0x20, v9;
	v12 =	vsel vm3, v17, v6  }
0x4e: {  	v14 =	vor.u32 v2, v24;
	v28 =	vor.u32 $0x40, v24;
	v22 =	vsel vm8, v22, v4  }
0x4f: {  	v6 =	vor.u32 $0x60, v9;
	v29 =	vor.u32 v2, v28;
	v43 =	vsel vm8, v7, v12  }
0x50: {  	v31 =	vsel vm8, v17, v7;
	v9 =	vor.u32 $0x60, v20;
	v4 =	vand.u32 $0x1F, v8  }
0x51: {  	v8 =	vsel vm1, v42, v19;
	v30 =	vor.u32 v2, v4;
	v7 =	vor.u32 $0x60, v4  }
0x52: {  	v12 =	vor.u32 v2, v41;
	v8 =	vsel vm5, v13, v8;
	v17 =	vor.u32 v2, v7;
	v13 =	vmovc v7  }
0x53: {  	v46 =	vsel vm0, v16, v36;
	v45 =	vor.u32 v2, v6;
	v7 =	vsel vm2, v35, v8;
	v19 =	vld.idx.msk [tilespmem:v14+s2+$0x0], $0xffff  }
0x54: {  	v27 =	vor.u32 $0x20, v20;
	v35 =	vor.u32 v2, v9;
	v8 =	vsel vm6, v15, v7  }
0x55: {  	v15 =	vor.u32 v2, v27;
	v7 =	vor.u32 $0x40, v20;
	v42 =	vsel vm4, v38, v8  }
0x56: {  	v44 =	vsel vm0, v18, v16;
	v33 =	vsel vm0, v25, v33;
	v36 =	vor.u32 v2, v7;
	v14 =	vld.idx.msk [tilespmem:v29+s2+$0x0], $0xffff  }
0x57: {  	v37 =	vld.idx.msk [tilespmem:v12+s2+$0x0], $0xffff;
	v12 =	vor.u32 v2, v20  }
0x58: {  	v8 =	vand.u32 $0x1F, v39;
	v29 =	vld.idx.msk [tilespmem:v17+s2+$0x0], $0xffff  }
0x59: {  	vm1 =	vgt.f32 v19, v3;
	vm0 =	vgt.f32 v19, v32;
	v40 =	vmax.f32 v19, v3;
	v39 =	vld.idx.msk [tilespmem:v45+s2+$0x0], $0xffff  }
0x5a: {  	v48 =	vor.u32 v2, v8;
	v32 =	vsel vm0, v19, v32;
	v25 =	vld.idx.msk [tilespmem:v15+s2+$0x0], $0xffff  }
0x5b: {  	v16 =	vor.u32 $0x20, v4;
	v17 =	vor.u32 $0x40, v8;
	v19 =	vld.idx.msk [tilespmem:v36+s2+$0x0], $0xffff  }
0x5c: {  	v18 =	vor.u32 $0x20, v8;
	v15 =	vor.u32 $0x60, v8;
	v47 =	vld.idx.msk [tilespmem:v12+s2+$0x0], $0xffff;
	v12 =	vor.u32 v2, v17  }
0x5d: {  	vm2 =	vgt.f32 v37, v5;
	vm3 =	vgt.f32 v37, v33;
	v36 =	vld.idx.msk [tilespmem:v30+s2+$0x0], $0xffff;
	v30 =	vor.u32 v2, v18  }
0x5e: {  	vm4 =	vgt.f32 v14, v22;
	v33 =	vsel vm3, v37, v33;
	v45 =	vsel vm3, v41, v46  }
0x5f: {  	v3 =	vsel vm1, v3, v32;
	v51 =	vsel vm4, v14, v22;
	v38 =	vmax.f32 v39, v23;
	v32 =	vld.idx.msk [tilespmem:v48+s2+$0x0], $0xffff  }
.Ltmp0:
0x60: {  	v22 =	vsel vm4, v28, v43;
	vm3 =	vgt.f32 v14, v11;
	v50 =	vsel vm2, v5, v33;
	(pc) =	sbr.rel @p0 .LBB2_3-.Ltmp0, $4  }
0x61: {  	v26 =	vsel vm0, v24, v26;
	v41 =	vsel vm2, v41, v44;
	v22 =	vsel vm3, v31, v22  }
0x62: {  	v46 =	vor.u32 v2, v16;
	vm4 =	vgt.f32 v47, v3;
	v43 =	vmax.f32 v47, v40  }
0x63: {  	v49 =	vsel vm1, v34, v26;
	vm5 =	vgt.f32 v25, v50;
	vm0 =	vgt.f32 v36, v43  }
0x64: {  	v26 =	vsel vm3, v11, v51;
	v48 =	vor.u32 v2, v15;
	v33 =	vmax.f32 v36, v43  }
0x65: {  	v28 =	vsel vm3, v28, v31;
	v31 =	vsel vm4, v47, v3  }
0x66: {  	v3 =	vmax.f32 v32, v33;
	vm6 =	vgt.f32 v47, v40;
	v59 =	vsel vm5, v25, v50  }
0x67: {  	vm3 =	vgt.f32 v32, v33;
	v5 =	vmax.f32 v37, v5;
	vm7 =	vgt.f32 v39, v23  }
0x68: {  	vm9 =	vgt.f32 v39, v21;
	v24 =	vsel vm1, v24, v34;
	v62 =	vsel vm2, v44, v45  }
0x69: {  	v35 =	vld.idx.msk [tilespmem:v35+s2+$0x0], $0xffff;
	v63 =	vsel vm4, v20, v49;
	v11 =	vmax.f32 v14, v11;
	v31 =	vsel vm6, v40, v31  }
0x6a: {  	v45 =	vld.idx.msk [tilespmem:v48+s2+$0x0], $0xffff;
	vm10 =	vgt.f32 v25, v5;
	v21 =	vsel vm9, v39, v21;
	v20 =	vsel vm6, v20, v24  }
0x6b: {  	v47 =	vld.idx.msk [tilespmem:v46+s2+$0x0], $0xffff;
	v48 =	vsel vm7, v6, v10;
	v25 =	vmax.f32 v25, v5;
	v61 =	vsel vm10, v27, v41  }
0x6c: {  	v21 =	vsel vm7, v23, v21;
	v23 =	vsel vm5, v27, v62;
	v27 =	vsel vm9, v6, v42  }
0x6d: {  	v60 =	vsel vm10, v5, v59;
	vm8 =	vgt.f32 v36, v31;
	v27 =	vsel vm7, v10, v27  }
0x6e: {  	v31 =	vsel vm8, v36, v31;
	v10 =	vsel vm6, v24, v63;
	v23 =	vsel vm10, v41, v23  }
0x6f: {  	v24 =	vsel vm0, v43, v31;
	vm1 =	vgt.f32 v35, v38;
	vm4 =	vgt.f32 v35, v21  }
0x70: {  	vm11 =	vgt.f32 v47, v60;
	vm9 =	vgt.f32 v32, v24;
	v21 =	vsel vm4, v35, v21  }
0x71: {  	vm10 =	vgt.f32 v47, v25;
	v31 =	vsel vm1, v9, v48;
	v6 =	vsel vm1, v38, v21  }
0x72: {  	v23 =	vsel vm11, v16, v23;
	v21 =	vmax.f32 v35, v38;
	vm5 =	vgt.f32 v29, v6  }
0x73: {  	v9 =	vsel vm4, v9, v27;
	vm6 =	vgt.f32 v29, v21;
	v6 =	vsel vm5, v29, v6  }
0x74: {  	v6 =	vsel vm6, v21, v6;
	v21 =	vmax.f32 v29, v21;
	v29 =	vld.idx.msk [tilespmem:v30+s2+$0x0], $0xffff;
	v30 =	vor.u32 $0x40, v4  }
0x75: {  	v23 =	vsel vm10, v61, v23;
	vm7 =	vgt.f32 v45, v6;
	v49 =	vor.u32 v2, v30  }
0x76: {  	v53 =	vsel vm6, v13, v31;
	vm2 =	vgt.f32 v45, v21;
	v6 =	vsel vm7, v45, v6  }
0x77: {  	v54 =	vld.idx.msk [tilespmem:v12+s2+$0x0], $0xffff;
	v12 =	vmax.f32 v45, v21;
	v5 =	vsel vm2, v21, v6;
	v6 =	vsel vm11, v47, v60  }
0x78: {  	v34 =	vsel vm10, v25, v6;
	v6 =	vsel vm9, v32, v24;
	v25 =	vmax.f32 v47, v25  }
0x79: {  	v24 =	vsel vm8, v4, v10;
	v6 =	vsel vm3, v33, v6;
	vm14 =	vgt.f32 v29, v34  }
0x7a: {  	v10 =	vmax.f32 v29, v25;
	vm8 =	vgt.f32 v29, v25;
	v50 =	vld.idx.msk [tilespmem:v49+s2+$0x0], $0xffff;
	v52 =	vsel vm14, v18, v23  }
0x7b: {  	v23 =	vsel vm0, v4, v20;
	v20 =	vsel vm0, v20, v24;
	vm0 =	vgt.f32 v19, v26  }
0x7c: {  	v51 =	vsel vm14, v29, v34;
	v4 =	vsel vm2, v15, v53;
	v14 =	vsel vm0, v19, v26  }
0x7d: {  	v21 =	vsel vm0, v7, v22;
	vm0 =	vgt.f32 v19, v11;
	v19 =	vmax.f32 v19, v11  }
0x7e: {  	v26 =	vsel vm10, v16, v61;
	v20 =	vsel vm9, v8, v20;
	v8 =	vsel vm3, v8, v23  }
0x7f: {  	v11 =	vsel vm0, v11, v14;
	v21 =	vsel vm0, v28, v21;
	v22 =	vmax.f32 v50, v19  }
0x80: {  	vm11 =	vgt.f32 v50, v11;
	vm15 =	vgt.f32 v50, v19;
	vm12 =	vgt.f32 v54, v22  }
0x81: {  	v14 =	vmax.f32 v54, v22;
	v11 =	vsel vm11, v50, v11;
	v16 =	vsel vm11, v30, v21  }
0x82: {  	v21 =	vsel vm0, v7, v28;
	v7 =	vsel vm3, v23, v20;
	v23 =	vor.u32 $0x20, v2  }
0x83: {  	v11 =	vsel vm15, v19, v11;
	v16 =	vsel vm15, v21, v16;
	v19 =	vsel vm15, v30, v21  }
0x84: {  	v21 =	vsel vm1, v48, v9;
	vm0 =	vgt.f32 v54, v11;
	v9 =	vsel vm12, v17, v19  }
0x85: {  	s23 =	simm.s32 $0x0;
	v13 =	vsel vm5, v13, v21;
	v11 =	vsel vm0, v54, v11;
	v20 =	vsel vm0, v17, v16  }
0x86: {  	v16 =	vsel vm12, v22, v11;
	v11 =	vsel vm12, v19, v20;
	v19 =	vadd.s32 s23, v0  }
0x87: {  	v17 =	vsel vm6, v31, v13;
	v22 =	vor.u32 $0x60, v2;
	v20 =	vor.u32 v19, v23  }
0x88: {  	s25 =	simm.s32 $0x3;
	v15 =	vsel vm7, v15, v17;
	v21 =	vor.u32 v19, v22;
	v17 =	vand.u32 $0x1F, v19  }
0x89: {  	v24 =	vor.u32 $0x40, v2;
	v19 =	vadd.s32 s25, v0;
	v27 =	vor.u32 v2, v17  }
0x8a: {  	s26 =	simm.s32 $0x2;
	v18 =	vsel vm8, v18, v26;
	v28 =	vand.u32 $0x1F, v19;
	v29 =	vor.u32 v17, v24  }
0x8b: {  	vm1 =	vgt.f32 v12, v14;
	v19 =	vadd.s32 s26, v0;
	v30 =	vor.u32 v2, v28  }
0x8c: {  	s28 =	simm.s32 $0x1;
	v13 =	vsel vm8, v26, v52;
	v31 =	vand.u32 $0x1F, v19;
	v56 =	vor.u32 v28, v23;
	v55 =	vld.idx.msk [tilespmem:v20+s2+$0x0], $0xffff  }
0x8d: {  	vm0 =	vgt.f32 v10, v3;
	v60 =	vor.u32 v31, v23;
	v20 =	vadd.s32 s28, v0;
	v57 =	vld.idx.msk [tilespmem:v21+s2+$0x0], $0xffff  }
0x8e: {  	v17 =	vsel vm0, v10, v3;
	v58 =	vor.u32 v2, v31;
	v59 =	vand.u32 $0x1F, v20;
	v27 =	vld.idx.msk [tilespmem:v27+s2+$0x0], $0xffff  }
0x8f: {  	v19 =	vsel vm1, v12, v14;
	v21 =	vsel vm8, v25, v51;
	v25 =	vld.idx.msk [tilespmem:v29+s2+$0x0], $0xffff;
	v29 =	vor.u32 v2, v59  }
0x90: {  	v15 =	vsel vm2, v53, v15;
	vm2 =	vgt.f32 v19, v17;
	v26 =	vor.u32 v59, v23;
	v30 =	vld.idx.msk [tilespmem:v30+s2+$0x0], $0xffff  }
0x91: {  	v63 =	vor.u32 v28, v24;
	v20 =	vsel vm2, v19, v17;
	v61 =	vor.u32 v59, v24;
	v34 =	vld.idx.msk [tilespmem:v56+s2+$0x0], $0xffff  }
0x92: {  	v28 =	vor.u32 v28, v22;
	v37 =	vor.u32 v59, v22;
	v38 =	vld.idx.msk [tilespmem:v60+s2+$0x0], $0xffff;
	v32 =	vsub.f32 v55, v20  }
0x93: {  	v62 =	vor.u32 v31, v24;
	v36 =	vld.idx.msk [tilespmem:v58+s2+$0x0], $0xffff;
	v35 =	vsub.f32 v57, v20;
	v27 =	vsub.f32 v27, v20  }
0x94: {  	v31 =	vor.u32 v31, v22;
	v25 =	vsub.f32 v25, v20;
	v32 =	vmul.f32 $1.442695020e+00, v32;
	v29 =	vld.idx.msk [tilespmem:v29+s2+$0x0], $0xffff  }
0x95: {  	v35 =	vmul.f32 $1.442695020e+00, v35;
	v26 =	vld.idx.msk [tilespmem:v26+s2+$0x0], $0xffff;
	v30 =	vsub.f32 v30, v20;
	v27 =	vmul.f32 $1.442695020e+00, v27  }
0x96: {  	v44 =	vld.idx.msk [tilespmem:v61+s2+$0x0], $0xffff;
	v45 =	vsub.f32 v34, v20;
	v25 =	vmul.f32 $1.442695020e+00, v25;
	(erf) = vpow2.f32 v32  }
0x97: {  	v46 =	vld.idx.msk [tilespmem:v37+s2+$0x0], $0xffff;
	v48 =	vsub.f32 v38, v20;
	v30 =	vmul.f32 $1.442695020e+00, v30;
	(erf) = vpow2.f32 v35  }
0x98: {  	v47 =	vsub.f32 v36, v20;
	v33 =	vmul.f32 $1.442695020e+00, v45;
	(erf) = vpow2.f32 v27  }
0x99: {  	v49 =	vmul.f32 $1.442695020e+00, v48;
	(erf) = vpow2.f32 v25;
	v25 =	vld.idx.msk [tilespmem:v31+s2+$0x0], $0xffff  }
0x9a: {  	v27 =	vld.idx.msk [tilespmem:v62+s2+$0x0], $0xffff;
	v31 =	vmul.f32 $1.442695020e+00, v47;
	(erf) = vpow2.f32 v30  }
0x9b: {  	v29 =	vsub.f32 v29, v20;
	v26 =	vsub.f32 v26, v20;
	(erf) = vpow2.f32 v33  }
0x9c: {  	v32 =	vsub.f32 v44, v20;
	v30 =	vld.idx.msk [tilespmem:v63+s2+$0x0], $0xffff;
	(erf) = vpow2.f32 v31;
	v31 =	vsub.f32 v46, v20  }
0x9d: {  	v28 =	vld.idx.msk [tilespmem:v28+s2+$0x0], $0xffff;
	v29 =	vmul.f32 $1.442695020e+00, v29;
	v26 =	vmul.f32 $1.442695020e+00, v26  }
0x9e: {  	v32 =	vmul.f32 $1.442695020e+00, v32;
	(erf) = vpow2.f32 v49;
	v25 =	vsub.f32 v25, v20  }
0x9f: {  	v27 =	vsub.f32 v27, v20;
	(erf) = vpow2.f32 v29;
	v29 =	vmul.f32 $1.442695020e+00, v31  }
0xa0: {  	(erf) = vpow2.f32 v26;
	v31 =	vpop (erf);
	v25 =	vmul.f32 $1.442695020e+00, v25  }
0xa1: {  	v26 =	vmul.f32 $1.442695020e+00, v27;
	v27 =	vsub.f32 v30, v20;
	(erf) = vpow2.f32 v32;
	v30 =	vpop (erf)  }
0xa2: {  	s29 =	simm.s32 $0x4;
	v28 =	vsub.f32 v28, v20;
	v50 =	vpop (erf);
	(erf) = vpow2.f32 v29  }
0xa3: {  	s24 =	simm.s32 $0x7;
	v52 =	vadd.s32 s29, v0;
	v27 =	vmul.f32 $1.442695020e+00, v27;
	v51 =	vpop (erf);
	(erf) = vpow2.f32 v26  }
0xa4: {  	s30 =	simm.s32 $0x6;
	v54 =	vadd.s32 s24, v0;
	v28 =	vmul.f32 $1.442695020e+00, v28;
	(erf) = vpow2.f32 v25;
	v25 =	vpop (erf)  }
0xa5: {  	v53 =	vadd.s32 s30, v0;
	v56 =	vor.u32 v52, v22;
	v26 =	vpop (erf);
	(erf) = vpow2.f32 v27  }
0xa6: {  	v58 =	vand.u32 $0x1F, v52;
	v29 =	vimm.f32 $0.0e+00;
	v57 =	vpop (erf);
	(erf) = vpow2.f32 v28  }
0xa7: {  	v60 =	vor.u32 v2, v58;
	v55 =	vor.u32 v52, v23;
	v32 =	vadd.f32 v50, v29;
	v59 =	vpop (erf)  }
0xa8: {  	s31 =	simm.s32 $0x5;
	v39 =	vor.u32 v58, v24;
	v31 =	vadd.f32 v31, v29;
	v33 =	vadd.f32 v51, v29;
	v61 =	vpop (erf)  }
0xa9: {  	v29 =	vadd.f32 v30, v29;
	v27 =	vand.u32 $0x1F, v54;
	v28 =	vadd.s32 s31, v0;
	v62 =	vpop (erf)  }
0xaa: {  	v37 =	vor.u32 v2, v27;
	v41 =	vor.u32 v27, v23;
	v34 =	vand.u32 $0x1F, v28;
	v30 =	vpop (erf)  }
0xab: {  	v38 =	vld.idx.msk [tilespmem:v56+s2+$0x0], $0xffff;
	v28 =	vand.u32 $0x1F, v53;
	v32 =	vadd.f32 v61, v32;
	v31 =	vadd.f32 v62, v31;
	v63 =	vpop (erf)  }
0xac: {  	v36 =	vld.idx.msk [tilespmem:v55+s2+$0x0], $0xffff;
	v42 =	vor.u32 v2, v28;
	v30 =	vadd.f32 v30, v33;
	v29 =	vadd.f32 v63, v29;
	v33 =	vpop (erf)  }
0xad: {  	s23 =	simm.s32 $0x8;
	v40 =	vld.idx.msk [tilespmem:v60+s2+$0x0], $0xffff;
	v43 =	vor.u32 v28, v23;
	v32 =	vadd.f32 v57, v32;
	v31 =	vadd.f32 v59, v31;
	v35 =	vpop (erf)  }
.LBB2_5:
0xae: {  	p0 =	sne.s32 s23, $0x1C;
	v39 =	vld.idx.msk [tilespmem:v39+s2+$0x0], $0xffff;
	v44 =	vor.u32 v2, v34;
	v30 =	vadd.f32 v33, v30;
	v29 =	vadd.f32 v35, v29;
	v33 =	vpop (erf)  }
0xaf: {  	v35 =	vor.u32 v34, v23;
	v37 =	vld.idx.msk [tilespmem:v37+s2+$0x0], $0xffff;
	v32 =	vadd.f32 v25, v32;
	v31 =	vadd.f32 v26, v31;
	v25 =	vpop (erf)  }
0xb0: {  	v26 =	vor.u32 v34, v24;
	v41 =	vld.idx.msk [tilespmem:v41+s2+$0x0], $0xffff;
	v30 =	vadd.f32 v33, v30;
	v29 =	vadd.f32 v25, v29  }
0xb1: {  	v25 =	vsub.f32 v36, v20;
	v33 =	vor.u32 v34, v22;
	v34 =	vld.idx.msk [tilespmem:v42+s2+$0x0], $0xffff  }
0xb2: {  	v36 =	vsub.f32 v38, v20;
	v42 =	vor.u32 v28, v24;
	v38 =	vld.idx.msk [tilespmem:v43+s2+$0x0], $0xffff;
	v43 =	vor.u32 v27, v24  }
0xb3: {  	v28 =	vor.u32 v28, v22;
	v40 =	vsub.f32 v40, v20;
	v25 =	vmul.f32 $1.442695020e+00, v25;
	v44 =	vld.idx.msk [tilespmem:v44+s2+$0x0], $0xffff  }
0xb4: {  	v27 =	vor.u32 v27, v22;
	v39 =	vsub.f32 v39, v20;
	v36 =	vmul.f32 $1.442695020e+00, v36;
	v35 =	vld.idx.msk [tilespmem:v35+s2+$0x0], $0xffff  }
0xb5: {  	v40 =	vmul.f32 $1.442695020e+00, v40;
	v37 =	vsub.f32 v37, v20;
	v26 =	vld.idx.msk [tilespmem:v26+s2+$0x0], $0xffff;
	(erf) = vpow2.f32 v25  }
0xb6: {  	v25 =	vmul.f32 $1.442695020e+00, v39;
	v39 =	vsub.f32 v41, v20;
	v33 =	vld.idx.msk [tilespmem:v33+s2+$0x0], $0xffff;
	(erf) = vpow2.f32 v36  }
0xb7: {  	v34 =	vsub.f32 v34, v20;
	v37 =	vmul.f32 $1.442695020e+00, v37;
	v36 =	vld.idx.msk [tilespmem:v42+s2+$0x0], $0xffff;
	(erf) = vpow2.f32 v40  }
0xb8: {  	v38 =	vsub.f32 v38, v20;
	v39 =	vmul.f32 $1.442695020e+00, v39;
	v28 =	vld.idx.msk [tilespmem:v28+s2+$0x0], $0xffff;
	(erf) = vpow2.f32 v25  }
0xb9: {  	v25 =	vsub.f32 v44, v20;
	v34 =	vmul.f32 $1.442695020e+00, v34;
	v40 =	vld.idx.msk [tilespmem:v43+s2+$0x0], $0xffff;
	(erf) = vpow2.f32 v37  }
0xba: {  	v35 =	vsub.f32 v35, v20;
	v37 =	vmul.f32 $1.442695020e+00, v38;
	v27 =	vld.idx.msk [tilespmem:v27+s2+$0x0], $0xffff;
	(erf) = vpow2.f32 v39  }
0xbb: {  	v25 =	vmul.f32 $1.442695020e+00, v25;
	v26 =	vsub.f32 v26, v20;
	(erf) = vpow2.f32 v34  }
0xbc: {  	v34 =	vmul.f32 $1.442695020e+00, v35;
	v38 =	vsub.f32 v33, v20;
	(erf) = vpow2.f32 v37  }
0xbd: {  	v26 =	vmul.f32 $1.442695020e+00, v26;
	v35 =	vsub.f32 v36, v20;
	(erf) = vpow2.f32 v25  }
0xbe: {  	v25 =	vmul.f32 $1.442695020e+00, v38;
	v28 =	vsub.f32 v28, v20;
	v33 =	vpop (erf);
	(erf) = vpow2.f32 v34  }
0xbf: {  	v34 =	vmul.f32 $1.442695020e+00, v35;
	v38 =	vsub.f32 v40, v20;
	v36 =	vpop (erf);
	(erf) = vpow2.f32 v26  }
0xc0: {  	v40 =	vmul.f32 $1.442695020e+00, v28;
	v27 =	vsub.f32 v27, v20;
	v37 =	vpop (erf);
	(erf) = vpow2.f32 v25  }
0xc1: {  	v28 =	vmul.f32 $1.442695020e+00, v38;
	v35 =	vpop (erf);
	(erf) = vpow2.f32 v34  }
0xc2: {  	s24 =	sadd.s32 $0x2, s23;
	s25 =	sadd.s32 $0x3, s23;
	v34 =	vadd.s32 s23, v0;
	v27 =	vmul.f32 $1.442695020e+00, v27;
	(erf) = vpow2.f32 v40;
	v25 =	vpop (erf)  }
0xc3: {  	v39 =	vadd.s32 s25, v0;
	v38 =	vadd.s32 s24, v0;
	v26 =	vpop (erf);
	(erf) = vpow2.f32 v28  }
0xc4: {  	s24 =	sadd.s32 $0x1, s23;
	v40 =	vor.u32 v34, v23;
	v42 =	vor.u32 v34, v22;
	v44 =	vpop (erf);
	(erf) = vpow2.f32 v27  }
0xc5: {  	v41 =	vand.u32 $0x1F, v34;
	v28 =	vadd.s32 s24, v0;
	v27 =	vand.u32 $0x1F, v39;
	v45 =	vpop (erf)  }
0xc6: {  	v43 =	vor.u32 v2, v41;
	v34 =	vand.u32 $0x1F, v28;
	v28 =	vand.u32 $0x1F, v38;
	v38 =	vpop (erf)  }
.Ltmp1:
0xc7: {  	v31 =	vadd.f32 v33, v31;
	v32 =	vadd.f32 v37, v32;
	v39 =	vor.u32 v41, v24;
	v33 =	vpop (erf);
	(pc) =	sbr.rel @p0 .LBB2_5-.Ltmp1, $4  }
0xc8: {  	v29 =	vadd.f32 v36, v29;
	v30 =	vadd.f32 v35, v30;
	v37 =	vor.u32 v2, v27;
	v35 =	vpop (erf)  }
0xc9: {  	v41 =	vor.u32 v27, v23;
	v32 =	vadd.f32 v38, v32;
	v31 =	vadd.f32 v33, v31;
	v36 =	vld.idx.msk [tilespmem:v40+s2+$0x0], $0xffff;
	v33 =	vpop (erf)  }
0xca: {  	v30 =	vadd.f32 v35, v30;
	v38 =	vld.idx.msk [tilespmem:v42+s2+$0x0], $0xffff;
	v42 =	vor.u32 v2, v28;
	v29 =	vadd.f32 v33, v29;
	v33 =	vpop (erf)  }
0xcb: {  	s23 =	sadd.s32 $0x4, s23;
	v32 =	vadd.f32 v44, v32;
	v31 =	vadd.f32 v45, v31;
	v40 =	vld.idx.msk [tilespmem:v43+s2+$0x0], $0xffff;
	v43 =	vor.u32 v28, v23;
	v35 =	vpop (erf)  }
0xcc: {  	_ =	sdelay $0x3  }
0xcd: {  	v39 =	vld.idx.msk [tilespmem:v39+s2+$0x0], $0xffff;
	v2 =	vor.u32 v2, v34  }
0xce: {  	v23 =	vor.u32 v34, v23;
	v37 =	vld.idx.msk [tilespmem:v37+s2+$0x0], $0xffff  }
0xcf: {  	v44 =	vor.u32 v34, v24;
	v41 =	vld.idx.msk [tilespmem:v41+s2+$0x0], $0xffff;
	v58 =	vor.u32 v34, v22;
	v36 =	vsub.f32 v36, v20  }
0xd0: {  	v42 =	vld.idx.msk [tilespmem:v42+s2+$0x0], $0xffff;
	v45 =	vor.u32 v28, v24;
	v59 =	vor.u32 v27, v24;
	v38 =	vsub.f32 v38, v20  }
0xd1: {  	v43 =	vld.idx.msk [tilespmem:v43+s2+$0x0], $0xffff;
	v60 =	vor.u32 v28, v22;
	v40 =	vsub.f32 v40, v20;
	v36 =	vmul.f32 $1.442695020e+00, v36  }
0xd2: {  	v61 =	vor.u32 v27, v22;
	v2 =	vld.idx.msk [tilespmem:v2+s2+$0x0], $0xffff;
	v62 =	vsub.f32 v39, v20;
	v38 =	vmul.f32 $1.442695020e+00, v38  }
0xd3: {  	v23 =	vld.idx.msk [tilespmem:v23+s2+$0x0], $0xffff;
	v37 =	vsub.f32 v37, v20;
	(erf) = vpow2.f32 v36;
	v63 =	vmul.f32 $1.442695020e+00, v40  }
0xd4: {  	v44 =	vld.idx.msk [tilespmem:v44+s2+$0x0], $0xffff;
	v46 =	vsub.f32 v41, v20;
	v27 =	vmul.f32 $1.442695020e+00, v62;
	(erf) = vpow2.f32 v38  }
0xd5: {  	v34 =	vld.idx.msk [tilespmem:v58+s2+$0x0], $0xffff;
	v47 =	vsub.f32 v42, v20;
	v37 =	vmul.f32 $1.442695020e+00, v37;
	(erf) = vpow2.f32 v63  }
0xd6: {  	v49 =	vsub.f32 v43, v20;
	v40 =	vmul.f32 $1.442695020e+00, v46;
	(erf) = vpow2.f32 v27  }
0xd7: {  	v48 =	vld.idx.msk [tilespmem:v45+s2+$0x0], $0xffff;
	v51 =	vmul.f32 $1.442695020e+00, v47;
	v2 =	vsub.f32 v2, v20;
	(erf) = vpow2.f32 v37  }
0xd8: {  	v50 =	vld.idx.msk [tilespmem:v60+s2+$0x0], $0xffff;
	v52 =	vmul.f32 $1.442695020e+00, v49;
	v23 =	vsub.f32 v23, v20;
	(erf) = vpow2.f32 v40  }
0xd9: {  	v24 =	vld.idx.msk [tilespmem:v59+s2+$0x0], $0xffff;
	v53 =	vsub.f32 v44, v20;
	v2 =	vmul.f32 $1.442695020e+00, v2;
	(erf) = vpow2.f32 v51  }
0xda: {  	v54 =	vpop (erf);
	v34 =	vsub.f32 v34, v20;
	v23 =	vmul.f32 $1.442695020e+00, v23;
	(erf) = vpow2.f32 v52  }
0xdb: {  	v55 =	vpop (erf);
	v22 =	vld.idx.msk [tilespmem:v61+s2+$0x0], $0xffff;
	v38 =	vmul.f32 $1.442695020e+00, v53;
	(erf) = vpow2.f32 v2  }
0xdc: {  	v2 =	vmul.f32 $1.442695020e+00, v34;
	v56 =	vpop (erf);
	(erf) = vpow2.f32 v23  }
0xdd: {  	v36 =	vsub.f32 v48, v20;
	v58 =	vpop (erf);
	(erf) = vpow2.f32 v38  }
0xde: {  	v27 =	vsub.f32 v50, v20;
	v59 =	vpop (erf);
	(erf) = vpow2.f32 v2;
	v2 =	vsub.f32 v24, v20  }
0xdf: {  	v57 =	vmul.f32 $1.442695020e+00, v36  }
0xe0: {  	v22 =	vsub.f32 v22, v20;
	v27 =	vmul.f32 $1.442695020e+00, v27;
	v60 =	vpop (erf);
	v2 =	vmul.f32 $1.442695020e+00, v2  }
0xe1: {  	(erf) = vpow2.f32 v57;
	v61 =	vpop (erf)  }
0xe2: {  	v22 =	vmul.f32 $1.442695020e+00, v22;
	(erf) = vpow2.f32 v27;
	v63 =	vpop (erf)  }
0xe3: {  	v39 =	vpop (erf);
	(erf) = vpow2.f32 v2  }
0xe4: {  	v29 =	vadd.f32 v35, v29;
	v62 =	vadd.f32 v33, v30;
	v2 =	vpop (erf);
	(erf) = vpow2.f32 v22  }
0xe5: {  	v3 =	vsel vm0, v3, v10;
	v25 =	vadd.f32 v25, v32;
	v26 =	vadd.f32 v26, v31  }
0xe6: {  	v6 =	vsel vm0, v21, v6;
	v40 =	vadd.f32 v55, v29;
	v27 =	vadd.f32 v54, v62;
	v41 =	vpop (erf)  }
0xe7: {  	v5 =	vsel vm1, v5, v16;
	v26 =	vadd.f32 v56, v26;
	v25 =	vadd.f32 v59, v25;
	v42 =	vpop (erf)  }
0xe8: {  	vm4 =	vgt.f32 v6, v3;
	v43 =	vadd.f32 v58, v40;
	v24 =	vadd.f32 v60, v27;
	v44 =	vpop (erf)  }
0xe9: {  	v3 =	vsel vm4, v6, v3;
	v22 =	vadd.f32 v41, v25;
	v45 =	vadd.f32 v42, v26;
	v46 =	vpop (erf)  }
0xea: {  	v49 =	vsel vm1, v14, v12;
	v24 =	vadd.f32 v44, v24;
	v26 =	vadd.f32 v46, v43;
	v47 =	vpop (erf)  }
0xeb: {  	vm3 =	vgt.f32 v5, v49;
	v22 =	vadd.f32 v39, v22;
	v2 =	vadd.f32 v2, v45;
	v48 =	vpop (erf)  }
0xec: {  	v5 =	vsel vm3, v5, v49;
	v24 =	vadd.f32 v47, v24;
	v25 =	vadd.f32 v48, v26;
	v50 =	vpop (erf)  }
0xed: {  	v3 =	vsel vm2, v5, v3;
	v22 =	vadd.f32 v61, v22;
	v2 =	vadd.f32 v63, v2;
	v51 =	vpop (erf)  }
0xee: {  	v53 =	vsel vm2, v17, v19;
	v12 =	vadd.f32 v50, v24;
	v52 =	vadd.f32 v51, v25  }
0xef: {  	vm5 =	vgt.f32 v3, v53  }
0xf0: {  	v3 =	vsel vm5, v3, v53;
	v2 =	vadd.f32 v2, v22;
	v54 =	vadd.f32 v52, v12  }
0xf1: {  	v3 =	vsub.f32 v3, v20  }
0xf2: {  	v2 =	vadd.f32 v54, v2  }
0xf3: {  	v3 =	vmul.f32 $1.442695020e+00, v3  }
0xf4: {  	(erf) = vrcp.f32 v2  }
0xf5: {  	(erf) = vpow2.f32 v3  }
0xf6: {  	s23 =	sor.u32 s3, s22;
	s24 =	sand.u32 $0x3, s21  }
0xf7: {  	p0 =	seq.s32 s23, $0x0;
	p1 =	sne.s32 s24, $0x0;
	v55 =	vsel vm0, v13, v7  }
0xf8: {  	p0 =	por !p1, !p0;
	v56 =	vsel vm1, v9, v4;
	v57 =	vsel vm1, v15, v11;
	v3 =	vsel vm0, v8, v18  }
0xf9: {  	s24 =	simm.s32 $0x1;
	p0 =	por !p0, !p0;
	v59 =	vsel vm3, v57, v56;
	v3 =	vsel vm4, v55, v3  }
0xfa: {  	s23 =	sshrl.u32 s23, $0x6;
	s24 =	simm.s32 @!p0 $0x0;
	v3 =	vsel vm2, v59, v3  }
0xfb: {  	s21 =	sadd.s32 $0x1, s21;
	s23 =	ssub.s32 s23, s24;
	v58 =	vsel vm1, v4, v9;
	v2 =	vsel vm0, v18, v8  }
0xfc: {  	p0 =	sne.s32 s21, $0x8;
	s23 =	sshll.u32 s23, $0x7;
	v60 =	vsel vm2, v58, v2;
	v2 =	vsel vm2, v2, v58  }
.Ltmp2:
0xfd: {  	v61 =	vadd.s32 s23, v60;
	v2 =	vsel vm5, v3, v2;
	v3 =	vpop (erf);
	(pc) =	sbr.rel @p0 .LBB2_2-.Ltmp2, $4  }
0xfe: {  	[tilespmem:s22+$0x8000] =	vst v61;
	v2 =	vadd.s32 s23, v2;
	v62 =	vpop (erf)  }
0xff: {  	[tilespmem:s22+$0x8100] =	vst v2;
	v63 =	vmul.f32 v3, v62  }
0x100: {  	[tilespmem:s22+$0x8200] =	vst v3  }
0x101: {  	[tilespmem:s22+$0x8300] =	vst v63  }
0x102: {  	_ =	swait.ge [sflag:s14], $0x4000  }
0x103: {  	[sflag:s14] =	ssyncset.done $0x0  }
0x104: {  	s21 =	simm.s32 $0x0;
	s22 =	simm.s32 $0x0;
	[sflag:s14] =	ssyncadd.s32 $0xFFFFC000  }
.LBB2_8:
0x105: {  	s23 =	sshll.u32 s22, $0x4  }
0x106: {  	v2 =	vmov s23  }
0x107: {  	v3 =	vadd.s32 s21, v0;
	v2 =	vshll.u32 v2, $0x7  }
0x108: {  	v24 =	vand.u32 $0x1F, v3;
	v2 =	vor.u32 v1, v2  }
0x109: {  	v5 =	vimm.f32 $-3.000000010e+38;
	v8 =	vor.u32 $0x20, v3;
	v4 =	vor.u32 v2, v24  }
0x10a: {  	v31 =	vimm.s32 $0x0;
	s24 =	simm.s32 $0x1;
	v28 =	vor.u32 $0x40, v24;
	v9 =	vor.u32 v2, v8  }
0x10b: {  	v7 =	vadd.s32 s24, v0;
	v6 =	vor.u32 $0x60, v3;
	v10 =	vor.u32 v2, v28  }
0x10c: {  	s25 =	simm.s32 $0x2;
	v34 =	vimm.s32 $0x0;
	v20 =	vand.u32 $0x1F, v7;
	v15 =	vor.u32 v2, v6  }
0x10d: {  	s31 =	simm.s32 $0x3;
	v44 =	vimm.s32 $0x0;
	v3 =	vadd.s32 s25, v0;
	v18 =	vor.u32 v2, v20  }
0x10e: {  	v16 =	vadd.s32 s31, v0;
	v11 =	vor.u32 $0x60, v20;
	v27 =	vor.u32 $0x20, v20;
	v12 =	vld.idx.msk [tilespmem:v4+s13+$0x0], $0xffff  }
0x10f: {  	v7 =	vor.u32 $0x40, v20;
	v19 =	vor.u32 v2, v27;
	v35 =	vor.u32 v2, v11;
	v37 =	vld.idx.msk [tilespmem:v9+s13+$0x0], $0xffff  }
0x110: {  	v32 =	vor.u32 v2, v7;
	v4 =	vand.u32 $0x1F, v3;
	v13 =	vld.idx.msk [tilespmem:v10+s13+$0x0], $0xffff;
	v10 =	vand.u32 $0x1F, v16  }
0x111: {  	v39 =	vld.idx.msk [tilespmem:v15+s13+$0x0], $0xffff;
	v3 =	vor.u32 v2, v4;
	v14 =	vor.u32 $0x60, v4;
	v42 =	vor.u32 v2, v10  }
0x112: {  	v47 =	vld.idx.msk [tilespmem:v18+s13+$0x0], $0xffff;
	v17 =	vor.u32 $0x40, v10;
	v16 =	vor.u32 $0x20, v4;
	v18 =	vor.u32 $0x20, v10  }
0x113: {  	v15 =	vor.u32 $0x60, v10;
	v21 =	vor.u32 v2, v14;
	v9 =	vor.u32 v2, v17  }
0x114: {  	v30 =	vor.u32 v2, v18;
	v46 =	vor.u32 v2, v16;
	v48 =	vor.u32 v2, v15  }
0x115: {  	vm1 =	vgt.f32 v12, v5;
	v40 =	vmax.f32 v12, v5;
	vm2 =	vgt.f32 v37, v5  }
0x116: {  	v25 =	vld.idx.msk [tilespmem:v19+s13+$0x0], $0xffff;
	vm3 =	vgt.f32 v13, v5;
	v38 =	vmax.f32 v39, v5;
	v19 =	vsel vm2, v37, v5  }
0x117: {  	v12 =	vsel vm1, v12, v5;
	v36 =	vld.idx.msk [tilespmem:v3+s13+$0x0], $0xffff;
	v50 =	vsel vm2, v5, v19;
	v19 =	vsel vm3, v28, v31  }
0x118: {  	v45 =	vsel vm2, v8, v31;
	v23 =	vsel vm1, v24, v31;
	v22 =	vsel vm3, v31, v19;
	v19 =	vld.idx.msk [tilespmem:v32+s13+$0x0], $0xffff  }
0x119: {  	v41 =	vsel vm2, v8, v31;
	v43 =	vmax.f32 v47, v40;
	v8 =	vimm.s32 $0x0;
	v32 =	vld.idx.msk [tilespmem:v42+s13+$0x0], $0xffff  }
0x11a: {  	v3 =	vsel vm1, v5, v12;
	v12 =	vsel vm3, v13, v5;
	v49 =	vsel vm1, v31, v23  }
0x11b: {  	v29 =	vld.idx.msk [tilespmem:v21+s13+$0x0], $0xffff;
	v23 =	vimm.f32 $-3.000000010e+38;
	v21 =	vimm.f32 $-3.000000010e+38;
	vm4 =	vgt.f32 v47, v3  }
0x11c: {  	vm5 =	vgt.f32 v25, v50;
	v26 =	vsel vm3, v5, v12;
	v42 =	vimm.s32 $0x0  }
0x11d: {  	s24 =	simm.s32 $0x4;
	v12 =	vimm.f32 $-3.000000010e+38;
	vm0 =	vgt.f32 v36, v43;
	v33 =	vmax.f32 v36, v43  }
.LBB2_9:
0x11e: {  	p0 =	sne.s32 s24, $0x1C;
	v28 =	vsel vm3, v28, v31;
	v31 =	vsel vm4, v47, v3;
	v3 =	vmax.f32 v32, v33;
	s25 =	smov.u32 s24;
	s24 =	sadd.s32 $0x4, s24  }
0x11f: {  	vm6 =	vgt.f32 v47, v40;
	v47 =	vsel vm5, v25, v50;
	vm3 =	vgt.f32 v32, v33;
	v35 =	vld.idx.msk [tilespmem:v35+s13+$0x0], $0xffff  }
0x120: {  	v5 =	vmax.f32 v37, v5;
	vm9 =	vgt.f32 v39, v23;
	vm7 =	vgt.f32 v39, v21  }
0x121: {  	v24 =	vsel vm1, v24, v34;
	v31 =	vsel vm6, v40, v31;
	vm10 =	vgt.f32 v25, v5  }
0x122: {  	v21 =	vsel vm7, v39, v21;
	v34 =	vsel vm10, v5, v47;
	v37 =	vsel vm10, v27, v41  }
0x123: {  	v39 =	vsel vm2, v44, v45;
	v40 =	vsel vm4, v20, v49;
	vm8 =	vgt.f32 v36, v31  }
0x124: {  	v20 =	vsel vm6, v20, v24;
	v21 =	vsel vm9, v23, v21;
	v23 =	vsel vm5, v27, v39  }
0x125: {  	v27 =	vsel vm7, v6, v42;
	vm1 =	vgt.f32 v35, v38;
	vm7 =	vgt.f32 v35, v21;
	v39 =	vld.idx.msk [tilespmem:v48+s13+$0x0], $0xffff  }
0x126: {  	v27 =	vsel vm9, v8, v27;
	v31 =	vsel vm8, v36, v31;
	v21 =	vsel vm7, v35, v21;
	v36 =	vld.idx.msk [tilespmem:v46+s13+$0x0], $0xffff  }
0x127: {  	v42 =	vsel vm9, v6, v8;
	v6 =	vsel vm6, v24, v40;
	v8 =	vsel vm1, v38, v21  }
0x128: {  	v24 =	vsel vm0, v43, v31;
	v21 =	vmax.f32 v35, v38;
	vm5 =	vgt.f32 v29, v8  }
0x129: {  	v23 =	vsel vm10, v41, v23;
	vm2 =	vgt.f32 v29, v21;
	v8 =	vsel vm5, v29, v8  }
0x12a: {  	v35 =	vsel vm1, v11, v42;
	v29 =	vmax.f32 v29, v21;
	v8 =	vsel vm2, v21, v8;
	v30 =	vld.idx.msk [tilespmem:v30+s13+$0x0], $0xffff  }
0x12b: {  	v31 =	vor.u32 $0x40, v4;
	vm4 =	vgt.f32 v39, v29;
	vm6 =	vgt.f32 v39, v8  }
0x12c: {  	v38 =	vor.u32 v2, v31;
	vm11 =	vgt.f32 v36, v34;
	v8 =	vsel vm6, v39, v8  }
0x12d: {  	v5 =	vmax.f32 v25, v5;
	vm9 =	vgt.f32 v32, v24;
	v21 =	vsel vm4, v29, v8  }
0x12e: {  	vm10 =	vgt.f32 v36, v5;
	v8 =	vsel vm11, v36, v34;
	v23 =	vsel vm11, v16, v23  }
0x12f: {  	v24 =	vsel vm9, v32, v24;
	v8 =	vsel vm10, v5, v8;
	v23 =	vsel vm10, v37, v23  }
0x130: {  	v32 =	vsel vm3, v33, v24;
	v25 =	vmax.f32 v36, v5;
	vm11 =	vgt.f32 v30, v8  }
0x131: {  	v6 =	vsel vm8, v4, v6;
	v33 =	vsel vm11, v30, v8;
	v36 =	vsel vm11, v18, v23;
	v24 =	vld.idx.msk [tilespmem:v38+s13+$0x0], $0xffff  }
0x132: {  	v4 =	vsel vm0, v4, v20;
	v5 =	vmax.f32 v30, v25;
	v38 =	vsel vm2, v14, v35;
	v9 =	vld.idx.msk [tilespmem:v9+s13+$0x0], $0xffff  }
0x133: {  	s26 =	sadd.s32 $0x3, s25;
	v6 =	vsel vm0, v20, v6;
	v23 =	vmax.f32 v39, v29;
	v8 =	vsel vm4, v15, v38  }
0x134: {  	v12 =	vmax.f32 v13, v12;
	vm0 =	vgt.f32 v19, v26;
	v39 =	vadd.s32 s26, v0  }
0x135: {  	v13 =	vsel vm0, v19, v26;
	v20 =	vsel vm0, v7, v22  }
0x136: {  	vm0 =	vgt.f32 v30, v25;
	vm11 =	vgt.f32 v19, v12;
	v19 =	vmax.f32 v19, v12  }
0x137: {  	v13 =	vsel vm11, v12, v13;
	v20 =	vsel vm11, v28, v20;
	v22 =	vmax.f32 v24, v19  }
0x138: {  	vm12 =	vgt.f32 v24, v13;
	vm8 =	vgt.f32 v9, v22;
	v12 =	vmax.f32 v9, v22  }
0x139: {  	v16 =	vsel vm10, v16, v37;
	v13 =	vsel vm12, v24, v13;
	v20 =	vsel vm12, v31, v20  }
0x13a: {  	v6 =	vsel vm9, v10, v6;
	v7 =	vsel vm11, v7, v28;
	vm10 =	vgt.f32 v24, v19  }
0x13b: {  	s28 =	sadd.s32 $0x2, s25;
	v26 =	vsel vm3, v4, v6;
	v34 =	vsel vm3, v10, v4;
	s26 =	sadd.s32 $0x1, s25;
	v13 =	vsel vm10, v19, v13  }
0x13c: {  	v10 =	vadd.s32 s28, v0;
	v4 =	vadd.s32 s26, v0;
	v6 =	vsel vm10, v7, v20  }
0x13d: {  	v19 =	vsel vm7, v11, v27;
	v7 =	vsel vm10, v31, v7;
	vm3 =	vgt.f32 v9, v13  }
0x13e: {  	v11 =	vadd.s32 s25, v0;
	v20 =	vand.u32 $0x1F, v4;
	v4 =	vsel vm3, v9, v13  }
0x13f: {  	v24 =	vand.u32 $0x1F, v11;
	v41 =	vor.u32 $0x20, v11;
	v9 =	vsel vm3, v17, v6  }
0x140: {  	v13 =	vor.u32 v2, v24;
	v28 =	vor.u32 $0x40, v24;
	v22 =	vsel vm8, v22, v4  }
0x141: {  	v6 =	vor.u32 $0x60, v11;
	v29 =	vor.u32 v2, v28;
	v43 =	vsel vm8, v7, v9  }
0x142: {  	v31 =	vsel vm8, v17, v7;
	v11 =	vor.u32 $0x60, v20;
	v4 =	vand.u32 $0x1F, v10  }
0x143: {  	v9 =	vsel vm1, v42, v19;
	v30 =	vor.u32 v2, v4;
	v7 =	vor.u32 $0x60, v4  }
0x144: {  	v10 =	vor.u32 v2, v41;
	v9 =	vsel vm5, v14, v9;
	v17 =	vor.u32 v2, v7;
	v14 =	vmovc v7  }
0x145: {  	v46 =	vsel vm0, v16, v36;
	v45 =	vor.u32 v2, v6;
	v7 =	vsel vm2, v35, v9;
	v19 =	vld.idx.msk [tilespmem:v13+s13+$0x0], $0xffff  }
0x146: {  	v27 =	vor.u32 $0x20, v20;
	v35 =	vor.u32 v2, v11;
	v9 =	vsel vm6, v15, v7  }
0x147: {  	v15 =	vor.u32 v2, v27;
	v7 =	vor.u32 $0x40, v20;
	v42 =	vsel vm4, v38, v9  }
0x148: {  	v44 =	vsel vm0, v18, v16;
	v33 =	vsel vm0, v25, v33;
	v9 =	vor.u32 v2, v7;
	v13 =	vld.idx.msk [tilespmem:v29+s13+$0x0], $0xffff  }
0x149: {  	v18 =	vor.u32 v2, v20;
	v37 =	vld.idx.msk [tilespmem:v10+s13+$0x0], $0xffff  }
0x14a: {  	v10 =	vand.u32 $0x1F, v39;
	v29 =	vld.idx.msk [tilespmem:v17+s13+$0x0], $0xffff  }
0x14b: {  	vm1 =	vgt.f32 v19, v3;
	vm0 =	vgt.f32 v19, v32;
	v40 =	vmax.f32 v19, v3;
	v39 =	vld.idx.msk [tilespmem:v45+s13+$0x0], $0xffff  }
0x14c: {  	v48 =	vor.u32 v2, v10;
	v32 =	vsel vm0, v19, v32;
	v25 =	vld.idx.msk [tilespmem:v15+s13+$0x0], $0xffff  }
0x14d: {  	v16 =	vor.u32 $0x20, v4;
	v17 =	vor.u32 $0x40, v10;
	v19 =	vld.idx.msk [tilespmem:v9+s13+$0x0], $0xffff  }
0x14e: {  	v15 =	vor.u32 $0x60, v10;
	v9 =	vor.u32 v2, v17;
	v47 =	vld.idx.msk [tilespmem:v18+s13+$0x0], $0xffff;
	v18 =	vor.u32 $0x20, v10  }
0x14f: {  	vm2 =	vgt.f32 v37, v5;
	vm3 =	vgt.f32 v37, v33;
	v36 =	vld.idx.msk [tilespmem:v30+s13+$0x0], $0xffff;
	v30 =	vor.u32 v2, v18  }
0x150: {  	vm4 =	vgt.f32 v13, v22;
	v33 =	vsel vm3, v37, v33;
	v45 =	vsel vm3, v41, v46  }
0x151: {  	v3 =	vsel vm1, v3, v32;
	v51 =	vsel vm4, v13, v22;
	v38 =	vmax.f32 v39, v23;
	v32 =	vld.idx.msk [tilespmem:v48+s13+$0x0], $0xffff  }
.Ltmp3:
0x152: {  	v22 =	vsel vm4, v28, v43;
	vm3 =	vgt.f32 v13, v12;
	v50 =	vsel vm2, v5, v33;
	(pc) =	sbr.rel @p0 .LBB2_9-.Ltmp3, $4  }
0x153: {  	v26 =	vsel vm0, v24, v26;
	v41 =	vsel vm2, v41, v44;
	v22 =	vsel vm3, v31, v22  }
0x154: {  	v46 =	vor.u32 v2, v16;
	vm4 =	vgt.f32 v47, v3;
	v43 =	vmax.f32 v47, v40  }
0x155: {  	v49 =	vsel vm1, v34, v26;
	vm5 =	vgt.f32 v25, v50;
	vm0 =	vgt.f32 v36, v43  }
0x156: {  	v26 =	vsel vm3, v12, v51;
	v48 =	vor.u32 v2, v15;
	v33 =	vmax.f32 v36, v43  }
0x157: {  	v28 =	vsel vm3, v28, v31;
	v31 =	vsel vm4, v47, v3  }
0x158: {  	v3 =	vmax.f32 v32, v33;
	vm6 =	vgt.f32 v47, v40;
	v59 =	vsel vm5, v25, v50  }
0x159: {  	vm3 =	vgt.f32 v32, v33;
	v5 =	vmax.f32 v37, v5;
	vm7 =	vgt.f32 v39, v23  }
0x15a: {  	vm9 =	vgt.f32 v39, v21;
	v24 =	vsel vm1, v24, v34;
	v62 =	vsel vm2, v44, v45  }
0x15b: {  	v35 =	vld.idx.msk [tilespmem:v35+s13+$0x0], $0xffff;
	v63 =	vsel vm4, v20, v49;
	v12 =	vmax.f32 v13, v12;
	v31 =	vsel vm6, v40, v31  }
0x15c: {  	v45 =	vld.idx.msk [tilespmem:v48+s13+$0x0], $0xffff;
	vm10 =	vgt.f32 v25, v5;
	v21 =	vsel vm9, v39, v21;
	v20 =	vsel vm6, v20, v24  }
0x15d: {  	v47 =	vld.idx.msk [tilespmem:v46+s13+$0x0], $0xffff;
	v48 =	vsel vm7, v6, v8;
	v25 =	vmax.f32 v25, v5;
	v61 =	vsel vm10, v27, v41  }
0x15e: {  	v21 =	vsel vm7, v23, v21;
	v23 =	vsel vm5, v27, v62;
	v27 =	vsel vm9, v6, v42  }
0x15f: {  	v60 =	vsel vm10, v5, v59;
	vm8 =	vgt.f32 v36, v31;
	v27 =	vsel vm7, v8, v27  }
0x160: {  	v31 =	vsel vm8, v36, v31;
	v8 =	vsel vm6, v24, v63;
	v23 =	vsel vm10, v41, v23  }
0x161: {  	v24 =	vsel vm0, v43, v31;
	vm1 =	vgt.f32 v35, v38;
	vm4 =	vgt.f32 v35, v21  }
0x162: {  	vm11 =	vgt.f32 v47, v60;
	vm9 =	vgt.f32 v32, v24;
	v21 =	vsel vm4, v35, v21  }
0x163: {  	vm10 =	vgt.f32 v47, v25;
	v31 =	vsel vm1, v11, v48;
	v6 =	vsel vm1, v38, v21  }
0x164: {  	v23 =	vsel vm11, v16, v23;
	v21 =	vmax.f32 v35, v38;
	vm5 =	vgt.f32 v29, v6  }
0x165: {  	v11 =	vsel vm4, v11, v27;
	vm6 =	vgt.f32 v29, v21;
	v6 =	vsel vm5, v29, v6  }
0x166: {  	v6 =	vsel vm6, v21, v6;
	v21 =	vmax.f32 v29, v21;
	v29 =	vld.idx.msk [tilespmem:v30+s13+$0x0], $0xffff;
	v30 =	vor.u32 $0x40, v4  }
0x167: {  	v23 =	vsel vm10, v61, v23;
	vm7 =	vgt.f32 v45, v6;
	v49 =	vor.u32 v2, v30  }
0x168: {  	v53 =	vsel vm6, v14, v31;
	vm2 =	vgt.f32 v45, v21;
	v6 =	vsel vm7, v45, v6  }
0x169: {  	v54 =	vld.idx.msk [tilespmem:v9+s13+$0x0], $0xffff;
	v9 =	vmax.f32 v45, v21;
	v5 =	vsel vm2, v21, v6;
	v6 =	vsel vm11, v47, v60  }
0x16a: {  	v34 =	vsel vm10, v25, v6;
	v6 =	vsel vm9, v32, v24;
	v25 =	vmax.f32 v47, v25  }
0x16b: {  	v24 =	vsel vm8, v4, v8;
	v6 =	vsel vm3, v33, v6;
	vm14 =	vgt.f32 v29, v34  }
0x16c: {  	v8 =	vmax.f32 v29, v25;
	vm8 =	vgt.f32 v29, v25;
	v50 =	vld.idx.msk [tilespmem:v49+s13+$0x0], $0xffff;
	v52 =	vsel vm14, v18, v23  }
0x16d: {  	v23 =	vsel vm0, v4, v20;
	v20 =	vsel vm0, v20, v24;
	vm0 =	vgt.f32 v19, v26  }
0x16e: {  	v51 =	vsel vm14, v29, v34;
	v4 =	vsel vm2, v15, v53;
	v13 =	vsel vm0, v19, v26  }
0x16f: {  	v21 =	vsel vm0, v7, v22;
	vm0 =	vgt.f32 v19, v12;
	v19 =	vmax.f32 v19, v12  }
0x170: {  	v26 =	vsel vm10, v16, v61;
	v20 =	vsel vm9, v10, v20;
	v10 =	vsel vm3, v10, v23  }
0x171: {  	v12 =	vsel vm0, v12, v13;
	v21 =	vsel vm0, v28, v21;
	v22 =	vmax.f32 v50, v19  }
0x172: {  	vm11 =	vgt.f32 v50, v12;
	vm15 =	vgt.f32 v50, v19;
	vm12 =	vgt.f32 v54, v22  }
0x173: {  	v13 =	vmax.f32 v54, v22;
	v12 =	vsel vm11, v50, v12;
	v16 =	vsel vm11, v30, v21  }
0x174: {  	v21 =	vsel vm0, v7, v28;
	v7 =	vsel vm3, v23, v20;
	v23 =	vor.u32 $0x20, v2  }
0x175: {  	v12 =	vsel vm15, v19, v12;
	v16 =	vsel vm15, v21, v16;
	v19 =	vsel vm15, v30, v21  }
0x176: {  	v21 =	vsel vm1, v48, v11;
	vm0 =	vgt.f32 v54, v12;
	v11 =	vsel vm12, v17, v19  }
0x177: {  	s24 =	simm.s32 $0x0;
	v14 =	vsel vm5, v14, v21;
	v12 =	vsel vm0, v54, v12;
	v20 =	vsel vm0, v17, v16  }
0x178: {  	v16 =	vsel vm12, v22, v12;
	v12 =	vsel vm12, v19, v20;
	v19 =	vadd.s32 s24, v0  }
0x179: {  	v17 =	vsel vm6, v31, v14;
	v22 =	vor.u32 $0x60, v2;
	v20 =	vor.u32 v19, v23  }
0x17a: {  	s25 =	simm.s32 $0x3;
	v15 =	vsel vm7, v15, v17;
	v21 =	vor.u32 v19, v22;
	v17 =	vand.u32 $0x1F, v19  }
0x17b: {  	v24 =	vor.u32 $0x40, v2;
	v19 =	vadd.s32 s25, v0;
	v27 =	vor.u32 v2, v17  }
0x17c: {  	s26 =	simm.s32 $0x2;
	v18 =	vsel vm8, v18, v26;
	v28 =	vand.u32 $0x1F, v19;
	v29 =	vor.u32 v17, v24  }
0x17d: {  	vm1 =	vgt.f32 v9, v13;
	v19 =	vadd.s32 s26, v0;
	v30 =	vor.u32 v2, v28  }
0x17e: {  	s28 =	simm.s32 $0x1;
	v14 =	vsel vm8, v26, v52;
	v31 =	vand.u32 $0x1F, v19;
	v56 =	vor.u32 v28, v23;
	v55 =	vld.idx.msk [tilespmem:v20+s13+$0x0], $0xffff  }
0x17f: {  	vm0 =	vgt.f32 v8, v3;
	v60 =	vor.u32 v31, v23;
	v20 =	vadd.s32 s28, v0;
	v57 =	vld.idx.msk [tilespmem:v21+s13+$0x0], $0xffff  }
0x180: {  	v17 =	vsel vm0, v8, v3;
	v58 =	vor.u32 v2, v31;
	v59 =	vand.u32 $0x1F, v20;
	v27 =	vld.idx.msk [tilespmem:v27+s13+$0x0], $0xffff  }
0x181: {  	v19 =	vsel vm1, v9, v13;
	v21 =	vsel vm8, v25, v51;
	v25 =	vld.idx.msk [tilespmem:v29+s13+$0x0], $0xffff;
	v29 =	vor.u32 v2, v59  }
0x182: {  	v15 =	vsel vm2, v53, v15;
	vm2 =	vgt.f32 v19, v17;
	v26 =	vor.u32 v59, v23;
	v30 =	vld.idx.msk [tilespmem:v30+s13+$0x0], $0xffff  }
0x183: {  	v63 =	vor.u32 v28, v24;
	v20 =	vsel vm2, v19, v17;
	v61 =	vor.u32 v59, v24;
	v34 =	vld.idx.msk [tilespmem:v56+s13+$0x0], $0xffff  }
0x184: {  	v28 =	vor.u32 v28, v22;
	v37 =	vor.u32 v59, v22;
	v38 =	vld.idx.msk [tilespmem:v60+s13+$0x0], $0xffff;
	v32 =	vsub.f32 v55, v20  }
0x185: {  	v62 =	vor.u32 v31, v24;
	v36 =	vld.idx.msk [tilespmem:v58+s13+$0x0], $0xffff;
	v35 =	vsub.f32 v57, v20;
	v27 =	vsub.f32 v27, v20  }
0x186: {  	v31 =	vor.u32 v31, v22;
	v25 =	vsub.f32 v25, v20;
	v32 =	vmul.f32 $1.442695020e+00, v32;
	v29 =	vld.idx.msk [tilespmem:v29+s13+$0x0], $0xffff  }
0x187: {  	v35 =	vmul.f32 $1.442695020e+00, v35;
	v26 =	vld.idx.msk [tilespmem:v26+s13+$0x0], $0xffff;
	v30 =	vsub.f32 v30, v20;
	v27 =	vmul.f32 $1.442695020e+00, v27  }
0x188: {  	v44 =	vld.idx.msk [tilespmem:v61+s13+$0x0], $0xffff;
	v45 =	vsub.f32 v34, v20;
	v25 =	vmul.f32 $1.442695020e+00, v25;
	(erf) = vpow2.f32 v32  }
0x189: {  	v46 =	vld.idx.msk [tilespmem:v37+s13+$0x0], $0xffff;
	v48 =	vsub.f32 v38, v20;
	v30 =	vmul.f32 $1.442695020e+00, v30;
	(erf) = vpow2.f32 v35  }
0x18a: {  	v47 =	vsub.f32 v36, v20;
	v33 =	vmul.f32 $1.442695020e+00, v45;
	(erf) = vpow2.f32 v27  }
0x18b: {  	v49 =	vmul.f32 $1.442695020e+00, v48;
	(erf) = vpow2.f32 v25;
	v25 =	vld.idx.msk [tilespmem:v31+s13+$0x0], $0xffff  }
0x18c: {  	v27 =	vld.idx.msk [tilespmem:v62+s13+$0x0], $0xffff;
	v31 =	vmul.f32 $1.442695020e+00, v47;
	(erf) = vpow2.f32 v30  }
0x18d: {  	v29 =	vsub.f32 v29, v20;
	v26 =	vsub.f32 v26, v20;
	(erf) = vpow2.f32 v33  }
0x18e: {  	v32 =	vsub.f32 v44, v20;
	v30 =	vld.idx.msk [tilespmem:v63+s13+$0x0], $0xffff;
	(erf) = vpow2.f32 v31;
	v31 =	vsub.f32 v46, v20  }
0x18f: {  	v28 =	vld.idx.msk [tilespmem:v28+s13+$0x0], $0xffff;
	v29 =	vmul.f32 $1.442695020e+00, v29;
	v26 =	vmul.f32 $1.442695020e+00, v26  }
0x190: {  	v32 =	vmul.f32 $1.442695020e+00, v32;
	(erf) = vpow2.f32 v49;
	v25 =	vsub.f32 v25, v20  }
0x191: {  	v27 =	vsub.f32 v27, v20;
	(erf) = vpow2.f32 v29;
	v29 =	vmul.f32 $1.442695020e+00, v31  }
0x192: {  	(erf) = vpow2.f32 v26;
	v31 =	vpop (erf);
	v25 =	vmul.f32 $1.442695020e+00, v25  }
0x193: {  	v26 =	vmul.f32 $1.442695020e+00, v27;
	v27 =	vsub.f32 v30, v20;
	(erf) = vpow2.f32 v32;
	v30 =	vpop (erf)  }
0x194: {  	s29 =	simm.s32 $0x4;
	v28 =	vsub.f32 v28, v20;
	v50 =	vpop (erf);
	(erf) = vpow2.f32 v29  }
0x195: {  	s30 =	simm.s32 $0x6;
	v52 =	vadd.s32 s29, v0;
	v27 =	vmul.f32 $1.442695020e+00, v27;
	v51 =	vpop (erf);
	(erf) = vpow2.f32 v26  }
0x196: {  	s25 =	simm.s32 $0x7;
	v53 =	vadd.s32 s30, v0;
	v28 =	vmul.f32 $1.442695020e+00, v28;
	(erf) = vpow2.f32 v25;
	v25 =	vpop (erf)  }
0x197: {  	v54 =	vadd.s32 s25, v0;
	v56 =	vor.u32 v52, v22;
	v26 =	vpop (erf);
	(erf) = vpow2.f32 v27  }
0x198: {  	v58 =	vand.u32 $0x1F, v52;
	v29 =	vimm.f32 $0.0e+00;
	v57 =	vpop (erf);
	(erf) = vpow2.f32 v28  }
0x199: {  	v60 =	vor.u32 v2, v58;
	v55 =	vor.u32 v52, v23;
	v32 =	vadd.f32 v50, v29;
	v59 =	vpop (erf)  }
0x19a: {  	s31 =	simm.s32 $0x5;
	v39 =	vor.u32 v58, v24;
	v31 =	vadd.f32 v31, v29;
	v33 =	vadd.f32 v51, v29;
	v61 =	vpop (erf)  }
0x19b: {  	v29 =	vadd.f32 v30, v29;
	v27 =	vand.u32 $0x1F, v54;
	v28 =	vadd.s32 s31, v0;
	v62 =	vpop (erf)  }
0x19c: {  	v37 =	vor.u32 v2, v27;
	v41 =	vor.u32 v27, v23;
	v34 =	vand.u32 $0x1F, v28;
	v30 =	vpop (erf)  }
0x19d: {  	v38 =	vld.idx.msk [tilespmem:v56+s13+$0x0], $0xffff;
	v28 =	vand.u32 $0x1F, v53;
	v32 =	vadd.f32 v61, v32;
	v31 =	vadd.f32 v62, v31;
	v63 =	vpop (erf)  }
0x19e: {  	v36 =	vld.idx.msk [tilespmem:v55+s13+$0x0], $0xffff;
	v42 =	vor.u32 v2, v28;
	v30 =	vadd.f32 v30, v33;
	v29 =	vadd.f32 v63, v29;
	v33 =	vpop (erf)  }
0x19f: {  	s24 =	simm.s32 $0x8;
	v40 =	vld.idx.msk [tilespmem:v60+s13+$0x0], $0xffff;
	v43 =	vor.u32 v28, v23;
	v32 =	vadd.f32 v57, v32;
	v31 =	vadd.f32 v59, v31;
	v35 =	vpop (erf)  }
.LBB2_11:
0x1a0: {  	p0 =	sne.s32 s24, $0x1C;
	v39 =	vld.idx.msk [tilespmem:v39+s13+$0x0], $0xffff;
	v44 =	vor.u32 v2, v34;
	v30 =	vadd.f32 v33, v30;
	v29 =	vadd.f32 v35, v29;
	v33 =	vpop (erf)  }
0x1a1: {  	v35 =	vor.u32 v34, v23;
	v37 =	vld.idx.msk [tilespmem:v37+s13+$0x0], $0xffff;
	v32 =	vadd.f32 v25, v32;
	v31 =	vadd.f32 v26, v31;
	v25 =	vpop (erf)  }
0x1a2: {  	v26 =	vor.u32 v34, v24;
	v41 =	vld.idx.msk [tilespmem:v41+s13+$0x0], $0xffff;
	v30 =	vadd.f32 v33, v30;
	v29 =	vadd.f32 v25, v29  }
0x1a3: {  	v25 =	vsub.f32 v36, v20;
	v33 =	vor.u32 v34, v22;
	v34 =	vld.idx.msk [tilespmem:v42+s13+$0x0], $0xffff  }
0x1a4: {  	v36 =	vsub.f32 v38, v20;
	v42 =	vor.u32 v28, v24;
	v38 =	vld.idx.msk [tilespmem:v43+s13+$0x0], $0xffff;
	v43 =	vor.u32 v27, v24  }
0x1a5: {  	v28 =	vor.u32 v28, v22;
	v40 =	vsub.f32 v40, v20;
	v25 =	vmul.f32 $1.442695020e+00, v25;
	v44 =	vld.idx.msk [tilespmem:v44+s13+$0x0], $0xffff  }
0x1a6: {  	v27 =	vor.u32 v27, v22;
	v39 =	vsub.f32 v39, v20;
	v36 =	vmul.f32 $1.442695020e+00, v36;
	v35 =	vld.idx.msk [tilespmem:v35+s13+$0x0], $0xffff  }
0x1a7: {  	v40 =	vmul.f32 $1.442695020e+00, v40;
	v37 =	vsub.f32 v37, v20;
	v26 =	vld.idx.msk [tilespmem:v26+s13+$0x0], $0xffff;
	(erf) = vpow2.f32 v25  }
0x1a8: {  	v25 =	vmul.f32 $1.442695020e+00, v39;
	v39 =	vsub.f32 v41, v20;
	v33 =	vld.idx.msk [tilespmem:v33+s13+$0x0], $0xffff;
	(erf) = vpow2.f32 v36  }
0x1a9: {  	v34 =	vsub.f32 v34, v20;
	v37 =	vmul.f32 $1.442695020e+00, v37;
	v36 =	vld.idx.msk [tilespmem:v42+s13+$0x0], $0xffff;
	(erf) = vpow2.f32 v40  }
0x1aa: {  	v38 =	vsub.f32 v38, v20;
	v39 =	vmul.f32 $1.442695020e+00, v39;
	v28 =	vld.idx.msk [tilespmem:v28+s13+$0x0], $0xffff;
	(erf) = vpow2.f32 v25  }
0x1ab: {  	v25 =	vsub.f32 v44, v20;
	v34 =	vmul.f32 $1.442695020e+00, v34;
	v40 =	vld.idx.msk [tilespmem:v43+s13+$0x0], $0xffff;
	(erf) = vpow2.f32 v37  }
0x1ac: {  	v35 =	vsub.f32 v35, v20;
	v37 =	vmul.f32 $1.442695020e+00, v38;
	v27 =	vld.idx.msk [tilespmem:v27+s13+$0x0], $0xffff;
	(erf) = vpow2.f32 v39  }
0x1ad: {  	v25 =	vmul.f32 $1.442695020e+00, v25;
	v26 =	vsub.f32 v26, v20;
	(erf) = vpow2.f32 v34  }
0x1ae: {  	v34 =	vmul.f32 $1.442695020e+00, v35;
	v38 =	vsub.f32 v33, v20;
	(erf) = vpow2.f32 v37  }
0x1af: {  	v26 =	vmul.f32 $1.442695020e+00, v26;
	v35 =	vsub.f32 v36, v20;
	(erf) = vpow2.f32 v25  }
0x1b0: {  	v25 =	vmul.f32 $1.442695020e+00, v38;
	v28 =	vsub.f32 v28, v20;
	v33 =	vpop (erf);
	(erf) = vpow2.f32 v34  }
0x1b1: {  	v34 =	vmul.f32 $1.442695020e+00, v35;
	v38 =	vsub.f32 v40, v20;
	v36 =	vpop (erf);
	(erf) = vpow2.f32 v26  }
0x1b2: {  	v40 =	vmul.f32 $1.442695020e+00, v28;
	v27 =	vsub.f32 v27, v20;
	v37 =	vpop (erf);
	(erf) = vpow2.f32 v25  }
0x1b3: {  	v28 =	vmul.f32 $1.442695020e+00, v38;
	v35 =	vpop (erf);
	(erf) = vpow2.f32 v34  }
0x1b4: {  	s25 =	sadd.s32 $0x2, s24;
	s26 =	sadd.s32 $0x3, s24;
	v34 =	vadd.s32 s24, v0;
	v27 =	vmul.f32 $1.442695020e+00, v27;
	(erf) = vpow2.f32 v40;
	v25 =	vpop (erf)  }
0x1b5: {  	v39 =	vadd.s32 s26, v0;
	v38 =	vadd.s32 s25, v0;
	v26 =	vpop (erf);
	(erf) = vpow2.f32 v28  }
0x1b6: {  	s25 =	sadd.s32 $0x1, s24;
	v40 =	vor.u32 v34, v23;
	v42 =	vor.u32 v34, v22;
	v44 =	vpop (erf);
	(erf) = vpow2.f32 v27  }
0x1b7: {  	v41 =	vand.u32 $0x1F, v34;
	v28 =	vadd.s32 s25, v0;
	v27 =	vand.u32 $0x1F, v39;
	v45 =	vpop (erf)  }
0x1b8: {  	v43 =	vor.u32 v2, v41;
	v34 =	vand.u32 $0x1F, v28;
	v28 =	vand.u32 $0x1F, v38;
	v38 =	vpop (erf)  }
.Ltmp4:
0x1b9: {  	v31 =	vadd.f32 v33, v31;
	v32 =	vadd.f32 v37, v32;
	v39 =	vor.u32 v41, v24;
	v33 =	vpop (erf);
	(pc) =	sbr.rel @p0 .LBB2_11-.Ltmp4, $4  }
0x1ba: {  	v29 =	vadd.f32 v36, v29;
	v30 =	vadd.f32 v35, v30;
	v37 =	vor.u32 v2, v27;
	v35 =	vpop (erf)  }
0x1bb: {  	v41 =	vor.u32 v27, v23;
	v32 =	vadd.f32 v38, v32;
	v31 =	vadd.f32 v33, v31;
	v36 =	vld.idx.msk [tilespmem:v40+s13+$0x0], $0xffff;
	v33 =	vpop (erf)  }
0x1bc: {  	v30 =	vadd.f32 v35, v30;
	v38 =	vld.idx.msk [tilespmem:v42+s13+$0x0], $0xffff;
	v42 =	vor.u32 v2, v28;
	v29 =	vadd.f32 v33, v29;
	v33 =	vpop (erf)  }
0x1bd: {  	s24 =	sadd.s32 $0x4, s24;
	v32 =	vadd.f32 v44, v32;
	v31 =	vadd.f32 v45, v31;
	v40 =	vld.idx.msk [tilespmem:v43+s13+$0x0], $0xffff;
	v43 =	vor.u32 v28, v23;
	v35 =	vpop (erf)  }
0x1be: {  	_ =	sdelay $0x3  }
0x1bf: {  	v39 =	vld.idx.msk [tilespmem:v39+s13+$0x0], $0xffff;
	v2 =	vor.u32 v2, v34  }
0x1c0: {  	v23 =	vor.u32 v34, v23;
	v37 =	vld.idx.msk [tilespmem:v37+s13+$0x0], $0xffff  }
0x1c1: {  	v44 =	vor.u32 v34, v24;
	v41 =	vld.idx.msk [tilespmem:v41+s13+$0x0], $0xffff;
	v58 =	vor.u32 v34, v22;
	v36 =	vsub.f32 v36, v20  }
0x1c2: {  	v42 =	vld.idx.msk [tilespmem:v42+s13+$0x0], $0xffff;
	v45 =	vor.u32 v28, v24;
	v59 =	vor.u32 v27, v24;
	v38 =	vsub.f32 v38, v20  }
0x1c3: {  	v43 =	vld.idx.msk [tilespmem:v43+s13+$0x0], $0xffff;
	v60 =	vor.u32 v28, v22;
	v40 =	vsub.f32 v40, v20;
	v36 =	vmul.f32 $1.442695020e+00, v36  }
0x1c4: {  	v61 =	vor.u32 v27, v22;
	v2 =	vld.idx.msk [tilespmem:v2+s13+$0x0], $0xffff;
	v62 =	vsub.f32 v39, v20;
	v38 =	vmul.f32 $1.442695020e+00, v38  }
0x1c5: {  	v23 =	vld.idx.msk [tilespmem:v23+s13+$0x0], $0xffff;
	v37 =	vsub.f32 v37, v20;
	(erf) = vpow2.f32 v36;
	v63 =	vmul.f32 $1.442695020e+00, v40  }
0x1c6: {  	v44 =	vld.idx.msk [tilespmem:v44+s13+$0x0], $0xffff;
	v46 =	vsub.f32 v41, v20;
	v27 =	vmul.f32 $1.442695020e+00, v62;
	(erf) = vpow2.f32 v38  }
0x1c7: {  	v34 =	vld.idx.msk [tilespmem:v58+s13+$0x0], $0xffff;
	v47 =	vsub.f32 v42, v20;
	v37 =	vmul.f32 $1.442695020e+00, v37;
	(erf) = vpow2.f32 v63  }
0x1c8: {  	v49 =	vsub.f32 v43, v20;
	v40 =	vmul.f32 $1.442695020e+00, v46;
	(erf) = vpow2.f32 v27  }
0x1c9: {  	v48 =	vld.idx.msk [tilespmem:v45+s13+$0x0], $0xffff;
	v51 =	vmul.f32 $1.442695020e+00, v47;
	v2 =	vsub.f32 v2, v20;
	(erf) = vpow2.f32 v37  }
0x1ca: {  	v50 =	vld.idx.msk [tilespmem:v60+s13+$0x0], $0xffff;
	v52 =	vmul.f32 $1.442695020e+00, v49;
	v23 =	vsub.f32 v23, v20;
	(erf) = vpow2.f32 v40  }
0x1cb: {  	v24 =	vld.idx.msk [tilespmem:v59+s13+$0x0], $0xffff;
	v53 =	vsub.f32 v44, v20;
	v2 =	vmul.f32 $1.442695020e+00, v2;
	(erf) = vpow2.f32 v51  }
0x1cc: {  	v54 =	vpop (erf);
	v34 =	vsub.f32 v34, v20;
	v23 =	vmul.f32 $1.442695020e+00, v23;
	(erf) = vpow2.f32 v52  }
0x1cd: {  	v55 =	vpop (erf);
	v22 =	vld.idx.msk [tilespmem:v61+s13+$0x0], $0xffff;
	v38 =	vmul.f32 $1.442695020e+00, v53;
	(erf) = vpow2.f32 v2  }
0x1ce: {  	v2 =	vmul.f32 $1.442695020e+00, v34;
	v56 =	vpop (erf);
	(erf) = vpow2.f32 v23  }
0x1cf: {  	v36 =	vsub.f32 v48, v20;
	v58 =	vpop (erf);
	(erf) = vpow2.f32 v38  }
0x1d0: {  	v27 =	vsub.f32 v50, v20;
	v59 =	vpop (erf);
	(erf) = vpow2.f32 v2;
	v2 =	vsub.f32 v24, v20  }
0x1d1: {  	v57 =	vmul.f32 $1.442695020e+00, v36  }
0x1d2: {  	v22 =	vsub.f32 v22, v20;
	v27 =	vmul.f32 $1.442695020e+00, v27;
	v60 =	vpop (erf);
	v2 =	vmul.f32 $1.442695020e+00, v2  }
0x1d3: {  	(erf) = vpow2.f32 v57;
	v61 =	vpop (erf)  }
0x1d4: {  	v22 =	vmul.f32 $1.442695020e+00, v22;
	(erf) = vpow2.f32 v27;
	v63 =	vpop (erf)  }
0x1d5: {  	v39 =	vpop (erf);
	(erf) = vpow2.f32 v2  }
0x1d6: {  	v29 =	vadd.f32 v35, v29;
	v62 =	vadd.f32 v33, v30;
	v2 =	vpop (erf);
	(erf) = vpow2.f32 v22  }
0x1d7: {  	v3 =	vsel vm0, v3, v8;
	v25 =	vadd.f32 v25, v32;
	v26 =	vadd.f32 v26, v31  }
0x1d8: {  	v6 =	vsel vm0, v21, v6;
	v40 =	vadd.f32 v55, v29;
	v27 =	vadd.f32 v54, v62;
	v41 =	vpop (erf)  }
0x1d9: {  	v5 =	vsel vm1, v5, v16;
	v26 =	vadd.f32 v56, v26;
	v25 =	vadd.f32 v59, v25;
	v42 =	vpop (erf)  }
0x1da: {  	vm3 =	vgt.f32 v6, v3;
	v43 =	vadd.f32 v58, v40;
	v24 =	vadd.f32 v60, v27;
	v44 =	vpop (erf)  }
0x1db: {  	v3 =	vsel vm3, v6, v3;
	v22 =	vadd.f32 v41, v25;
	v45 =	vadd.f32 v42, v26;
	v46 =	vpop (erf)  }
0x1dc: {  	v49 =	vsel vm1, v13, v9;
	v24 =	vadd.f32 v44, v24;
	v26 =	vadd.f32 v46, v43;
	v47 =	vpop (erf)  }
0x1dd: {  	vm4 =	vgt.f32 v5, v49;
	v22 =	vadd.f32 v39, v22;
	v2 =	vadd.f32 v2, v45;
	v48 =	vpop (erf)  }
0x1de: {  	v5 =	vsel vm4, v5, v49;
	v24 =	vadd.f32 v47, v24;
	v25 =	vadd.f32 v48, v26;
	v50 =	vpop (erf)  }
0x1df: {  	v3 =	vsel vm2, v5, v3;
	v22 =	vadd.f32 v61, v22;
	v2 =	vadd.f32 v63, v2;
	v51 =	vpop (erf)  }
0x1e0: {  	v53 =	vsel vm2, v17, v19;
	v9 =	vadd.f32 v50, v24;
	v52 =	vadd.f32 v51, v25  }
0x1e1: {  	vm5 =	vgt.f32 v3, v53  }
0x1e2: {  	v3 =	vsel vm5, v3, v53;
	v2 =	vadd.f32 v2, v22;
	v54 =	vadd.f32 v52, v9  }
0x1e3: {  	v3 =	vsub.f32 v3, v20  }
0x1e4: {  	v2 =	vadd.f32 v54, v2  }
0x1e5: {  	v3 =	vmul.f32 $1.442695020e+00, v3  }
0x1e6: {  	(erf) = vrcp.f32 v2  }
0x1e7: {  	(erf) = vpow2.f32 v3;
	_ =	sdelay $0x1  }
0x1e8: {  	v55 =	vsel vm0, v14, v7  }
0x1e9: {  	v56 =	vsel vm1, v11, v4;
	v57 =	vsel vm1, v15, v12;
	v3 =	vsel vm0, v10, v18  }
0x1ea: {  	v59 =	vsel vm4, v57, v56;
	v3 =	vsel vm3, v55, v3  }
0x1eb: {  	s24 =	sadd.s32 s4, s23;
	v3 =	vsel vm2, v59, v3  }
0x1ec: {  	s22 =	sadd.s32 $0x1, s22;
	s24 =	sshll.u32 s24, $0x1;
	v58 =	vsel vm1, v4, v11;
	v2 =	vsel vm0, v18, v10  }
0x1ed: {  	p0 =	sne.s32 s22, $0x8;
	s24 =	sand.u32 $0x7FFFFF80, s24;
	v60 =	vsel vm2, v58, v2;
	v2 =	vsel vm2, v2, v58  }
.Ltmp5:
0x1ee: {  	v61 =	vadd.s32 s24, v60;
	v2 =	vsel vm5, v3, v2;
	v3 =	vpop (erf);
	(pc) =	sbr.rel @p0 .LBB2_8-.Ltmp5, $4  }
0x1ef: {  	[tilespmem:s23+$0x8080] =	vst v61;
	v2 =	vadd.s32 s24, v2;
	v62 =	vpop (erf)  }
0x1f0: {  	[tilespmem:s23+$0x8180] =	vst v2;
	v63 =	vmul.f32 v3, v62  }
0x1f1: {  	[tilespmem:s23+$0x8280] =	vst v3  }
0x1f2: {  	[tilespmem:s23+$0x8380] =	vst v63  }
0x1f3: {  	[hbm4b:s7+s2] =	stream.linear.scatter [tilespmem:s15], [sflag:$0x3], $0x100, $0x38;
	[tilespmem:$0x8400] =	vst v63  }
0x1f4: {  	_ =	swait.ge [sflag:s16], $0x100  }
0x1f5: {  	[sflag:s16] =	ssyncset.done $0x0  }
0x1f6: {  	[sflag:s16] =	ssyncadd.s32 $0xFFFFFF00  }
0x1f7: {  	[hbm4b:s8+s2] =	stream.linear.scatter [tilespmem:s17], [sflag:$0x3], $0x100, $0x38;
	[tilespmem:$0x8400] =	vst v63  }
0x1f8: {  	_ =	swait.ge [sflag:s16], $0x100  }
0x1f9: {  	[sflag:s16] =	ssyncset.done $0x0  }
0x1fa: {  	[sflag:s16] =	ssyncadd.s32 $0xFFFFFF00  }
0x1fb: {  	[hbm4b:s9+s2] =	stream.linear.scatter [tilespmem:s18], [sflag:$0x3], $0x100, $0x38;
	[tilespmem:$0x8400] =	vst v63  }
0x1fc: {  	s20 =	sadd.s32 $0x1, s20;
	_ =	swait.ge [sflag:s16], $0x100  }
0x1fd: {  	p0 =	sne.s32 s20, s11;
	[sflag:s16] =	ssyncset.done $0x0  }
.Ltmp6:
0x1fe: {  	[sflag:s16] =	ssyncadd.s32 $0xFFFFFF00;
	(pc) =	sbr.rel @p0 .LBB2_1-.Ltmp6, $4  }
0x1ff: {  	[hbm4b:s10+s2] =	stream.linear.scatter [tilespmem:s19], [sflag:$0x3], $0x100, $0x38;
	[tilespmem:$0x8400] =	vst v63  }
0x200: {  	_ =	swait.ge [sflag:s16], $0x100  }
0x201: {  	[sflag:s16] =	ssyncset.done $0x0  }
0x202: {  	[sflag:s16] =	ssyncadd.s32 $0xFFFFFF00  }
0x203: {  	_ =	sfence.sel $0x180000  }
0x204: {  	[bflag:$0x0] =	sbarrier.arrive $0xFFFF  }
0x205: {  	p0 =	sne.s32 s1, $0x0;
	_ =	strace $0x9000004A  }
0x206: {  	s0 =	sadd.s32 @!p0 $0x100000, s0;
	[bflag:$0x2] =	sbarrier.arrive $0xFFFF  }
0x207: {  	[sflag:s0] =	ssyncadd.tile.s32 @!p0 $0x1;
	_ =	shalt  }
.Lfunc_end2:
_tile_overlayer_lowered:
.L_overlay_start_2:
0x208: {  	(tag) =	ssettag $0x2  }
0x209: {  	s0 =	rddreg [dreg:$0x0];
	s2 =	stileid.u32  }
0x20a: {  	s1 =	rddreg [dreg:$0x1];
	p0 =	sne.s32 s2, $0x0  }
0x20b: {  	s3 =	rddreg [dreg:$0x2];
	[bflag:$0x3] =	sbarrier.arrive $0xFFFF;
	s2 =	simm.s32 @!p0 $0x1C03  }
0x20c: {  	[timem:s3], [sflag:s2] =	dma.local @!p0 [hbm:s0], s1  }
0x20d: {  	s0 =	simm.s32 @!p0 $0x3  }
0x20e: {  	_ =	swait.ge @!p0 [sflag:s0], s1  }
0x20f: {  	s1 =	ssub.s32 @!p0 $0x0, s1;
	[sflag:s0] =	ssyncset.done @!p0 $0x0  }
0x210: {  	[sflag:s0] =	ssyncadd.s32 @!p0 s1  }
0x211: {  	[bflag:$0x3] =	sbarrier.arrive $0xFFFF  }
0x212: {  	_ =	shalt  }

</sc_bundles>
